<compile_context>
chip_gen: v7x
topology: tpu7x:2x2x1
jax: 0.10.2.dev20260603
libtpu: 0.0.44.dev20260713+nightly
codegen_flags: <defaults>
</compile_context>

<pallas_src>
import functools

import jax
import jax.numpy as jnp
from jax import lax
from jax.experimental import pallas as pl
from jax.experimental.pallas import tpu as pltpu
from jax.experimental.pallas import tpu_sc as plsc

_B = 4
_TRACK = 8192
_D = 1024
_LANES = 16
_NSL = _D // _LANES

_NC = 2
_NS = 16
_NW = _NC * _NS

_TPW = _TRACK // _NW
_C = 8
_NCHUNK = _TPW // _C
_NBUF = 3


def _sc_body(x_hbm, t_hbm, o_hbm, x_v, t_v, sem_x, sem_t, sem_o):
    wid = lax.axis_index("s") * _NC + lax.axis_index("c")
    trow0 = wid * _TPW

    def in_copies(g, slot):
        r = trow0 + g * _C
        pltpu.make_async_copy(
            t_hbm.at[pl.ds(r, _C), :], t_v.at[slot], sem_t).start()
        pltpu.make_async_copy(
            x_hbm.at[:, pl.ds(r, _C), :], x_v.at[slot], sem_x).start()

    def wait_in(g, slot):
        r = trow0 + g * _C
        pltpu.make_async_copy(
            t_hbm.at[pl.ds(r, _C), :], t_v.at[slot], sem_t).wait()
        pltpu.make_async_copy(
            x_hbm.at[:, pl.ds(r, _C), :], x_v.at[slot], sem_x).wait()

    def out_copies(g, slot, fn):
        r = trow0 + g * _C
        cp = pltpu.make_async_copy(
            x_v.at[slot], o_hbm.at[:, pl.ds(r, _C), :], sem_o)
        getattr(cp, fn)()

    for g in range(_NBUF - 1):
        in_copies(g, g)

    def chunk_step(g, _):
        slot = g % _NBUF
        wait_in(g, slot)

        @plsc.parallel_loop(0, _C, 1)
        def row_add(r):
            K = 8
            for j0 in range(0, _NSL, K):
                sls = [pl.ds((j0 + k) * _LANES, _LANES) for k in range(K)]
                t16s = [t_v[slot, r, sl] for sl in sls]
                for k in range(K):
                    for b in range(_B):
                        plsc.addupdate(x_v.at[slot, b, r, sls[k]], t16s[k])

        out_copies(g, slot, "start")

        @pl.when(g + _NBUF - 1 < _NCHUNK)
        def _():
            @pl.when(g >= 1)
            def _():
                out_copies(g - 1, (g - 1) % _NBUF, "wait")

            in_copies(g + _NBUF - 1, (g + _NBUF - 1) % _NBUF)

        return 0

    lax.fori_loop(0, _NCHUNK, chunk_step, 0)

    for g in range(_NCHUNK - _NBUF, _NCHUNK):
        out_copies(g, g % _NBUF, "wait")


@jax.jit
def _sc_add(inputs, table):
    mesh = plsc.VectorSubcoreMesh(core_axis_name="c", subcore_axis_name="s")
    fn = functools.partial(
        pl.kernel,
        out_type=jax.ShapeDtypeStruct((_B, _TRACK, _D), jnp.float32),
        mesh=mesh,
        scratch_types=[
            pltpu.VMEM((_NBUF, _B, _C, _D), jnp.float32),
            pltpu.VMEM((_NBUF, _C, _D), jnp.float32),
            pltpu.SemaphoreType.DMA,
            pltpu.SemaphoreType.DMA,
            pltpu.SemaphoreType.DMA,
        ],
    )(_sc_body)
    return fn(inputs, table)


def kernel(inputs, table):
    return _sc_add(inputs, table)

# --- scband reference (transcript-rebuilt; emitter-appended) ---
"""Pipeline reference for scband-positional-embedding-22419729285182 (READ-ONLY COPY).

The authoritative reference and input builder live on the scoring server;
editing this copy changes nothing except your own understanding.
"""

import jax, jax.numpy as jnp
import numpy as np

TRACK_LENGTH = 8192
EMBED_DIM = 1024

def setup_inputs(seed: int = 0) -> dict:
    key = jax.random.key(seed)
    k1, k2 = jax.random.split(key)
    inputs = jax.random.normal(k1, (4, 8192, 1024), dtype=jnp.float32)
    # Keras Embedding default init: uniform(-0.05, 0.05)
    table = jax.random.uniform(k2, (TRACK_LENGTH, EMBED_DIM), dtype=jnp.float32, minval=-0.05, maxval=0.05)
    return {"inputs": inputs, "table": table}

def reference(inputs, table):
    length = inputs.shape[-2]
    positions = jnp.arange(0, length, 1)
    embedded_positions = jnp.take(table, positions, axis=0)
    return inputs + embedded_positions

if __name__ == "__main__":
    import jax
    _d = setup_inputs()
    print(jax.jit(kernel)(*tuple(_d.values())))

</pallas_src>

<mosaic_0001>
#map = affine_map<(d0, d1) -> (0, 0, 0)>
#map1 = affine_map<(d0, d1) -> (0, 0)>
module attributes {stable_mosaic.version = 14 : i64} {
  func.func @_sc_body(%arg0: i32, %arg1: i32, %arg2: memref<4x8192x1024xf32, #tpu.memory_space<hbm>>, %arg3: memref<8192x1024xf32, #tpu.memory_space<hbm>>, %arg4: memref<4x8192x1024xf32, #tpu.memory_space<hbm>>, %arg5: memref<3x4x8x1024xf32, #tpu.memory_space<vmem>>, %arg6: memref<3x8x1024xf32, #tpu.memory_space<vmem>>, %arg7: memref<!tpu.dma_semaphore, #tpu.memory_space<semaphore_mem>>, %arg8: memref<!tpu.dma_semaphore, #tpu.memory_space<semaphore_mem>>, %arg9: memref<!tpu.dma_semaphore, #tpu.memory_space<semaphore_mem>>) attributes {dimension_semantics = [#tpu.dimension_semantics<core_parallel>, #tpu.dimension_semantics<subcore_parallel>], iteration_bounds = array<i64: 2, 16>, scalar_prefetch = 0 : i64, scratch_operands = 5 : i64, tpu.core_type = #tpu.core_type<sc_vector_subcore>, window_params = [{transform_indices = #map}, {transform_indices = #map1}, {transform_indices = #map}]} {
    %mul3A = arith.constant 2 : i32
    %mul3A_0 = arith.muli %arg1, %mul3A : i32
    %add3A = arith.addi %mul3A_0, %arg0 : i32
    %mul3A_1 = arith.constant 256 : i32
    %mul3A_2 = arith.muli %add3A, %mul3A_1 : i32
    %add3A_3 = arith.constant 0 : i32
    %add3A_4 = arith.addi %mul3A_2, %add3A_3 : i32
    %dma_start3A = arith.constant 0 : i32
    %dma_start3A_5 = arith.constant 0 : i32
    %dma_start3A_6 = arith.constant 0 : i32
    %dma_start3A_7 = tpu.memref_slice %arg6[%dma_start3A, %dma_start3A_5, %dma_start3A_6] : memref<3x8x1024xf32, #tpu.memory_space<vmem>> -> memref<1x8x1024xf32, #tpu.memory_space<vmem>>
    %dma_start3A_8 = tpu.memref_squeeze %dma_start3A_7 : memref<1x8x1024xf32, #tpu.memory_space<vmem>> -> memref<8x1024xf32, #tpu.memory_space<vmem>>
    %dma_start3A_9 = arith.constant 0 : i32
    %dma_start3A_10 = tpu.memref_slice %arg3[%add3A_4, %dma_start3A_9] : memref<8192x1024xf32, #tpu.memory_space<hbm>> -> memref<8x1024xf32, #tpu.memory_space<hbm>>
    %dma_start3A_11 = arith.constant 0 : i32
    %dma_start3A_12 = arith.constant 0 : i32
    %dma_start3A_13 = tpu.memref_slice %arg6[%dma_start3A, %dma_start3A_11, %dma_start3A_12] : memref<3x8x1024xf32, #tpu.memory_space<vmem>> -> memref<1x8x1024xf32, #tpu.memory_space<vmem>>
    %dma_start3A_14 = tpu.memref_squeeze %dma_start3A_13 : memref<1x8x1024xf32, #tpu.memory_space<vmem>> -> memref<8x1024xf32, #tpu.memory_space<vmem>>
    %dma_start3A_15 = arith.constant 0 : i32
    %dma_start3A_16 = tpu.memref_slice %arg3[%add3A_4, %dma_start3A_15] : memref<8192x1024xf32, #tpu.memory_space<hbm>> -> memref<8x1024xf32, #tpu.memory_space<hbm>>
    tpu.enqueue_dma source(%dma_start3A_16 : memref<8x1024xf32, #tpu.memory_space<hbm>>) target(%dma_start3A_14 : memref<8x1024xf32, #tpu.memory_space<vmem>>) target_semaphore(%arg8 : memref<!tpu.dma_semaphore, #tpu.memory_space<semaphore_mem>>)
    %dma_start3A_17 = arith.constant 0 : i32
    %dma_start3A_18 = arith.constant 0 : i32
    %dma_start3A_19 = arith.constant 0 : i32
    %dma_start3A_20 = arith.constant 0 : i32
    %dma_start3A_21 = tpu.memref_slice %arg5[%dma_start3A_17, %dma_start3A_18, %dma_start3A_19, %dma_start3A_20] : memref<3x4x8x1024xf32, #tpu.memory_space<vmem>> -> memref<1x4x8x1024xf32, #tpu.memory_space<vmem>>
    %dma_start3A_22 = tpu.memref_squeeze %dma_start3A_21 : memref<1x4x8x1024xf32, #tpu.memory_space<vmem>> -> memref<4x8x1024xf32, #tpu.memory_space<vmem>>
    %dma_start3A_23 = arith.constant 0 : i32
    %dma_start3A_24 = arith.constant 0 : i32
    %dma_start3A_25 = tpu.memref_slice %arg2[%dma_start3A_23, %add3A_4, %dma_start3A_24] : memref<4x8192x1024xf32, #tpu.memory_space<hbm>> -> memref<4x8x1024xf32, #tpu.memory_space<hbm>>
    %dma_start3A_26 = arith.constant 0 : i32
    %dma_start3A_27 = arith.constant 0 : i32
    %dma_start3A_28 = arith.constant 0 : i32
    %dma_start3A_29 = tpu.memref_slice %arg5[%dma_start3A_17, %dma_start3A_26, %dma_start3A_27, %dma_start3A_28] : memref<3x4x8x1024xf32, #tpu.memory_space<vmem>> -> memref<1x4x8x1024xf32, #tpu.memory_space<vmem>>
    %dma_start3A_30 = tpu.memref_squeeze %dma_start3A_29 : memref<1x4x8x1024xf32, #tpu.memory_space<vmem>> -> memref<4x8x1024xf32, #tpu.memory_space<vmem>>
    %dma_start3A_31 = arith.constant 0 : i32
    %dma_start3A_32 = arith.constant 0 : i32
    %dma_start3A_33 = tpu.memref_slice %arg2[%dma_start3A_31, %add3A_4, %dma_start3A_32] : memref<4x8192x1024xf32, #tpu.memory_space<hbm>> -> memref<4x8x1024xf32, #tpu.memory_space<hbm>>
    tpu.enqueue_dma source(%dma_start3A_33 : memref<4x8x1024xf32, #tpu.memory_space<hbm>>) target(%dma_start3A_30 : memref<4x8x1024xf32, #tpu.memory_space<vmem>>) target_semaphore(%arg7 : memref<!tpu.dma_semaphore, #tpu.memory_space<semaphore_mem>>)
    %add3A_34 = arith.constant 8 : i32
    %add3A_35 = arith.addi %mul3A_2, %add3A_34 : i32
    %dma_start3A_36 = arith.constant 1 : i32
    %dma_start3A_37 = arith.constant 0 : i32
    %dma_start3A_38 = arith.constant 0 : i32
    %dma_start3A_39 = tpu.memref_slice %arg6[%dma_start3A_36, %dma_start3A_37, %dma_start3A_38] : memref<3x8x1024xf32, #tpu.memory_space<vmem>> -> memref<1x8x1024xf32, #tpu.memory_space<vmem>>
    %dma_start3A_40 = tpu.memref_squeeze %dma_start3A_39 : memref<1x8x1024xf32, #tpu.memory_space<vmem>> -> memref<8x1024xf32, #tpu.memory_space<vmem>>
    %dma_start3A_41 = arith.constant 0 : i32
    %dma_start3A_42 = tpu.memref_slice %arg3[%add3A_35, %dma_start3A_41] : memref<8192x1024xf32, #tpu.memory_space<hbm>> -> memref<8x1024xf32, #tpu.memory_space<hbm>>
    %dma_start3A_43 = arith.constant 0 : i32
    %dma_start3A_44 = arith.constant 0 : i32
    %dma_start3A_45 = tpu.memref_slice %arg6[%dma_start3A_36, %dma_start3A_43, %dma_start3A_44] : memref<3x8x1024xf32, #tpu.memory_space<vmem>> -> memref<1x8x1024xf32, #tpu.memory_space<vmem>>
    %dma_start3A_46 = tpu.memref_squeeze %dma_start3A_45 : memref<1x8x1024xf32, #tpu.memory_space<vmem>> -> memref<8x1024xf32, #tpu.memory_space<vmem>>
    %dma_start3A_47 = arith.constant 0 : i32
    %dma_start3A_48 = tpu.memref_slice %arg3[%add3A_35, %dma_start3A_47] : memref<8192x1024xf32, #tpu.memory_space<hbm>> -> memref<8x1024xf32, #tpu.memory_space<hbm>>
    tpu.enqueue_dma source(%dma_start3A_48 : memref<8x1024xf32, #tpu.memory_space<hbm>>) target(%dma_start3A_46 : memref<8x1024xf32, #tpu.memory_space<vmem>>) target_semaphore(%arg8 : memref<!tpu.dma_semaphore, #tpu.memory_space<semaphore_mem>>)
    %dma_start3A_49 = arith.constant 1 : i32
    %dma_start3A_50 = arith.constant 0 : i32
    %dma_start3A_51 = arith.constant 0 : i32
    %dma_start3A_52 = arith.constant 0 : i32
    %dma_start3A_53 = tpu.memref_slice %arg5[%dma_start3A_49, %dma_start3A_50, %dma_start3A_51, %dma_start3A_52] : memref<3x4x8x1024xf32, #tpu.memory_space<vmem>> -> memref<1x4x8x1024xf32, #tpu.memory_space<vmem>>
    %dma_start3A_54 = tpu.memref_squeeze %dma_start3A_53 : memref<1x4x8x1024xf32, #tpu.memory_space<vmem>> -> memref<4x8x1024xf32, #tpu.memory_space<vmem>>
    %dma_start3A_55 = arith.constant 0 : i32
    %dma_start3A_56 = arith.constant 0 : i32
    %dma_start3A_57 = tpu.memref_slice %arg2[%dma_start3A_55, %add3A_35, %dma_start3A_56] : memref<4x8192x1024xf32, #tpu.memory_space<hbm>> -> memref<4x8x1024xf32, #tpu.memory_space<hbm>>
    %dma_start3A_58 = arith.constant 0 : i32
    %dma_start3A_59 = arith.constant 0 : i32
    %dma_start3A_60 = arith.constant 0 : i32
    %dma_start3A_61 = tpu.memref_slice %arg5[%dma_start3A_49, %dma_start3A_58, %dma_start3A_59, %dma_start3A_60] : memref<3x4x8x1024xf32, #tpu.memory_space<vmem>> -> memref<1x4x8x1024xf32, #tpu.memory_space<vmem>>
    %dma_start3A_62 = tpu.memref_squeeze %dma_start3A_61 : memref<1x4x8x1024xf32, #tpu.memory_space<vmem>> -> memref<4x8x1024xf32, #tpu.memory_space<vmem>>
    %dma_start3A_63 = arith.constant 0 : i32
    %dma_start3A_64 = arith.constant 0 : i32
    %dma_start3A_65 = tpu.memref_slice %arg2[%dma_start3A_63, %add3A_35, %dma_start3A_64] : memref<4x8192x1024xf32, #tpu.memory_space<hbm>> -> memref<4x8x1024xf32, #tpu.memory_space<hbm>>
    tpu.enqueue_dma source(%dma_start3A_65 : memref<4x8x1024xf32, #tpu.memory_space<hbm>>) target(%dma_start3A_62 : memref<4x8x1024xf32, #tpu.memory_space<vmem>>) target_semaphore(%arg7 : memref<!tpu.dma_semaphore, #tpu.memory_space<semaphore_mem>>)
    %scan3A = arith.constant 0 : i32
    %scan3A_66 = arith.constant 0 : i32
    %scan3A_67 = arith.constant 32 : i32
    %scan3A_68 = arith.addi %scan3A_66, %scan3A_67 : i32
    %scan3A_69 = arith.constant 1 : i32
    %scan3A_70 = scf.for %scan3A_128 = %scan3A_66 to %scan3A_68 step %scan3A_69 iter_args(%scan3A_129 = %scan3A) -> (i32)  : i32 {
      %jit3A = arith.constant 3 : i32
      %eq3A = arith.constant 0 : i32
      %eq3A_130 = arith.cmpi eq, %jit3A, %eq3A : i32
      %jit3A_131 = arith.constant 1 : i32
      %select_n3A = arith.select %eq3A_130, %jit3A_131, %jit3A : i32
      %rem3A = arith.remsi %scan3A_128, %select_n3A : i32
      %ne3A = arith.constant 0 : i32
      %ne3A_132 = arith.cmpi ne, %rem3A, %ne3A : i32
      %lt3A = arith.constant 0 : i32
      %lt3A_133 = arith.cmpi slt, %rem3A, %lt3A : i32
      %lt3A_134 = arith.constant 0 : i32
      %lt3A_135 = arith.cmpi slt, %select_n3A, %lt3A_134 : i32
      %ne3A_136 = arith.xori %lt3A_133, %lt3A_135 : i1
      %and3A = arith.andi %ne3A_136, %ne3A_132 : i1
      %add3A_137 = arith.addi %rem3A, %select_n3A : i32
      %select_n3A_138 = arith.select %and3A, %add3A_137, %rem3A : i32
      %mul3A_139 = arith.constant 8 : i32
      %mul3A_140 = arith.muli %scan3A_128, %mul3A_139 : i32
      %add3A_141 = arith.addi %mul3A_2, %mul3A_140 : i32
      %dma_wait3A_142 = arith.constant 0 : i32
      %dma_wait3A_143 = arith.constant 0 : i32
      %dma_wait3A_144 = tpu.memref_slice %arg6[%select_n3A_138, %dma_wait3A_142, %dma_wait3A_143] : memref<3x8x1024xf32, #tpu.memory_space<vmem>> -> memref<1x8x1024xf32, #tpu.memory_space<vmem>>
      %dma_wait3A_145 = tpu.memref_squeeze %dma_wait3A_144 : memref<1x8x1024xf32, #tpu.memory_space<vmem>> -> memref<8x1024xf32, #tpu.memory_space<vmem>>
      %dma_wait3A_146 = arith.constant 0 : i32
      %dma_wait3A_147 = tpu.memref_slice %arg3[%add3A_141, %dma_wait3A_146] : memref<8192x1024xf32, #tpu.memory_space<hbm>> -> memref<8x1024xf32, #tpu.memory_space<hbm>>
      %dma_wait3A_148 = arith.constant 0 : i32
      %dma_wait3A_149 = arith.constant 0 : i32
      %dma_wait3A_150 = tpu.memref_slice %arg6[%select_n3A_138, %dma_wait3A_148, %dma_wait3A_149] : memref<3x8x1024xf32, #tpu.memory_space<vmem>> -> memref<1x8x1024xf32, #tpu.memory_space<vmem>>
      %dma_wait3A_151 = tpu.memref_squeeze %dma_wait3A_150 : memref<1x8x1024xf32, #tpu.memory_space<vmem>> -> memref<8x1024xf32, #tpu.memory_space<vmem>>
      %dma_wait3A_152 = arith.constant 0 : i32
      %dma_wait3A_153 = tpu.memref_slice %arg3[%add3A_141, %dma_wait3A_152] : memref<8192x1024xf32, #tpu.memory_space<hbm>> -> memref<8x1024xf32, #tpu.memory_space<hbm>>
      tpu.wait_dma2 semaphore(%arg8 : memref<!tpu.dma_semaphore, #tpu.memory_space<semaphore_mem>>) src(%dma_wait3A_153 : memref<8x1024xf32, #tpu.memory_space<hbm>>) dst(%dma_wait3A_151 : memref<8x1024xf32, #tpu.memory_space<vmem>>)
      %dma_wait3A_154 = arith.constant 0 : i32
      %dma_wait3A_155 = arith.constant 0 : i32
      %dma_wait3A_156 = arith.constant 0 : i32
      %dma_wait3A_157 = tpu.memref_slice %arg5[%select_n3A_138, %dma_wait3A_154, %dma_wait3A_155, %dma_wait3A_156] : memref<3x4x8x1024xf32, #tpu.memory_space<vmem>> -> memref<1x4x8x1024xf32, #tpu.memory_space<vmem>>
      %dma_wait3A_158 = tpu.memref_squeeze %dma_wait3A_157 : memref<1x4x8x1024xf32, #tpu.memory_space<vmem>> -> memref<4x8x1024xf32, #tpu.memory_space<vmem>>
      %dma_wait3A_159 = arith.constant 0 : i32
      %dma_wait3A_160 = arith.constant 0 : i32
      %dma_wait3A_161 = tpu.memref_slice %arg2[%dma_wait3A_159, %add3A_141, %dma_wait3A_160] : memref<4x8192x1024xf32, #tpu.memory_space<hbm>> -> memref<4x8x1024xf32, #tpu.memory_space<hbm>>
      %dma_wait3A_162 = arith.constant 0 : i32
      %dma_wait3A_163 = arith.constant 0 : i32
      %dma_wait3A_164 = arith.constant 0 : i32
      %dma_wait3A_165 = tpu.memref_slice %arg5[%select_n3A_138, %dma_wait3A_162, %dma_wait3A_163, %dma_wait3A_164] : memref<3x4x8x1024xf32, #tpu.memory_space<vmem>> -> memref<1x4x8x1024xf32, #tpu.memory_space<vmem>>
      %dma_wait3A_166 = tpu.memref_squeeze %dma_wait3A_165 : memref<1x4x8x1024xf32, #tpu.memory_space<vmem>> -> memref<4x8x1024xf32, #tpu.memory_space<vmem>>
      %dma_wait3A_167 = arith.constant 0 : i32
      %dma_wait3A_168 = arith.constant 0 : i32
      %dma_wait3A_169 = tpu.memref_slice %arg2[%dma_wait3A_167, %add3A_141, %dma_wait3A_168] : memref<4x8192x1024xf32, #tpu.memory_space<hbm>> -> memref<4x8x1024xf32, #tpu.memory_space<hbm>>
      tpu.wait_dma2 semaphore(%arg7 : memref<!tpu.dma_semaphore, #tpu.memory_space<semaphore_mem>>) src(%dma_wait3A_169 : memref<4x8x1024xf32, #tpu.memory_space<hbm>>) dst(%dma_wait3A_166 : memref<4x8x1024xf32, #tpu.memory_space<vmem>>)
      %parallel_loop3A = arith.constant 0 : i32
      %parallel_loop3A_170 = arith.constant 8 : i32
      %parallel_loop3A_171 = arith.constant 1 : i32
      scf.for %parallel_loop3A_198 = %parallel_loop3A to %parallel_loop3A_170 step %parallel_loop3A_171  : i32 {
        %parallel_loop3A_199 = arith.index_cast %select_n3A_138 : i32 to index
        %parallel_loop3A_200 = arith.index_cast %parallel_loop3A_198 : i32 to index
        %parallel_loop3A_201 = arith.constant 0 : index
        %parallel_loop3A_202 = tpu.vector_load %arg6[%parallel_loop3A_199, %parallel_loop3A_200, %parallel_loop3A_201] {strides = array<i32>} : memref<3x8x1024xf32, #tpu.memory_space<vmem>>, vector<1x1x16xf32>,
        %parallel_loop3A_203 = vector.shape_cast %parallel_loop3A_202 : vector<1x1x16xf32> to vector<16xf32>
        %parallel_loop3A_204 = arith.index_cast %select_n3A_138 : i32 to index
        %parallel_loop3A_205 = arith.index_cast %parallel_loop3A_198 : i32 to index
        %parallel_loop3A_206 = arith.constant 16 : index
        %parallel_loop3A_207 = tpu.vector_load %arg6[%parallel_loop3A_204, %parallel_loop3A_205, %parallel_loop3A_206] {strides = array<i32>} : memref<3x8x1024xf32, #tpu.memory_space<vmem>>, vector<1x1x16xf32>,
        %parallel_loop3A_208 = vector.shape_cast %parallel_loop3A_207 : vector<1x1x16xf32> to vector<16xf32>
        %parallel_loop3A_209 = arith.index_cast %select_n3A_138 : i32 to index
        %parallel_loop3A_210 = arith.index_cast %parallel_loop3A_198 : i32 to index
        %parallel_loop3A_211 = arith.constant 32 : index
        %parallel_loop3A_212 = tpu.vector_load %arg6[%parallel_loop3A_209, %parallel_loop3A_210, %parallel_loop3A_211] {strides = array<i32>} : memref<3x8x1024xf32, #tpu.memory_space<vmem>>, vector<1x1x16xf32>,
        %parallel_loop3A_213 = vector.shape_cast %parallel_loop3A_212 : vector<1x1x16xf32> to vector<16xf32>
        %parallel_loop3A_214 = arith.index_cast %select_n3A_138 : i32 to index
        %parallel_loop3A_215 = arith.index_cast %parallel_loop3A_198 : i32 to index
        %parallel_loop3A_216 = arith.constant 48 : index
        %parallel_loop3A_217 = tpu.vector_load %arg6[%parallel_loop3A_214, %parallel_loop3A_215, %parallel_loop3A_216] {strides = array<i32>} : memref<3x8x1024xf32, #tpu.memory_space<vmem>>, vector<1x1x16xf32>,
        %parallel_loop3A_218 = vector.shape_cast %parallel_loop3A_217 : vector<1x1x16xf32> to vector<16xf32>
        %parallel_loop3A_219 = arith.index_cast %select_n3A_138 : i32 to index
        %parallel_loop3A_220 = arith.index_cast %parallel_loop3A_198 : i32 to index
        %parallel_loop3A_221 = arith.constant 64 : index
        %parallel_loop3A_222 = tpu.vector_load %arg6[%parallel_loop3A_219, %parallel_loop3A_220, %parallel_loop3A_221] {strides = array<i32>} : memref<3x8x1024xf32, #tpu.memory_space<vmem>>, vector<1x1x16xf32>,
        %parallel_loop3A_223 = vector.shape_cast %parallel_loop3A_222 : vector<1x1x16xf32> to vector<16xf32>
        %parallel_loop3A_224 = arith.index_cast %select_n3A_138 : i32 to index
        %parallel_loop3A_225 = arith.index_cast %parallel_loop3A_198 : i32 to index
        %parallel_loop3A_226 = arith.constant 80 : index
        %parallel_loop3A_227 = tpu.vector_load %arg6[%parallel_loop3A_224, %parallel_loop3A_225, %parallel_loop3A_226] {strides = array<i32>} : memref<3x8x1024xf32, #tpu.memory_space<vmem>>, vector<1x1x16xf32>,
        %parallel_loop3A_228 = vector.shape_cast %parallel_loop3A_227 : vector<1x1x16xf32> to vector<16xf32>
        %parallel_loop3A_229 = arith.index_cast %select_n3A_138 : i32 to index
        %parallel_loop3A_230 = arith.index_cast %parallel_loop3A_198 : i32 to index
        %parallel_loop3A_231 = arith.constant 96 : index
        %parallel_loop3A_232 = tpu.vector_load %arg6[%parallel_loop3A_229, %parallel_loop3A_230, %parallel_loop3A_231] {strides = array<i32>} : memref<3x8x1024xf32, #tpu.memory_space<vmem>>, vector<1x1x16xf32>,
        %parallel_loop3A_233 = vector.shape_cast %parallel_loop3A_232 : vector<1x1x16xf32> to vector<16xf32>
        %parallel_loop3A_234 = arith.index_cast %select_n3A_138 : i32 to index
        %parallel_loop3A_235 = arith.index_cast %parallel_loop3A_198 : i32 to index
        %parallel_loop3A_236 = arith.constant 112 : index
        %parallel_loop3A_237 = tpu.vector_load %arg6[%parallel_loop3A_234, %parallel_loop3A_235, %parallel_loop3A_236] {strides = array<i32>} : memref<3x8x1024xf32, #tpu.memory_space<vmem>>, vector<1x1x16xf32>,
        %parallel_loop3A_238 = vector.shape_cast %parallel_loop3A_237 : vector<1x1x16xf32> to vector<16xf32>
        %parallel_loop3A_239 = arith.constant 0 : i32
        %parallel_loop3A_240 = arith.index_cast %select_n3A_138 : i32 to index
        %parallel_loop3A_241 = arith.index_cast %parallel_loop3A_239 : i32 to index
        %parallel_loop3A_242 = arith.index_cast %parallel_loop3A_198 : i32 to index
        %parallel_loop3A_243 = arith.constant 0 : index
        %parallel_loop3A_244 = tpu.vector_load %arg5[%parallel_loop3A_240, %parallel_loop3A_241, %parallel_loop3A_242, %parallel_loop3A_243] {strides = array<i32>} : memref<3x4x8x1024xf32, #tpu.memory_space<vmem>>, vector<1x1x1x16xf32>,
        %parallel_loop3A_245 = vector.shape_cast %parallel_loop3A_244 : vector<1x1x1x16xf32> to vector<16xf32>
        %parallel_loop3A_246 = vector.shape_cast %parallel_loop3A_203 : vector<16xf32> to vector<1x1x1x16xf32>
        tpu.vector_store %arg5[%parallel_loop3A_240, %parallel_loop3A_241, %parallel_loop3A_242, %parallel_loop3A_243], %parallel_loop3A_246 {add = true, strides = array<i32>} : memref<3x4x8x1024xf32, #tpu.memory_space<vmem>>, vector<1x1x1x16xf32>,
        %parallel_loop3A_247 = arith.constant 1 : i32
        %parallel_loop3A_248 = arith.index_cast %select_n3A_138 : i32 to index
        %parallel_loop3A_249 = arith.index_cast %parallel_loop3A_247 : i32 to index
        %parallel_loop3A_250 = arith.index_cast %parallel_loop3A_198 : i32 to index
        %parallel_loop3A_251 = arith.constant 0 : index
        %parallel_loop3A_252 = tpu.vector_load %arg5[%parallel_loop3A_248, %parallel_loop3A_249, %parallel_loop3A_250, %parallel_loop3A_251] {strides = array<i32>} : memref<3x4x8x1024xf32, #tpu.memory_space<vmem>>, vector<1x1x1x16xf32>,
        %parallel_loop3A_253 = vector.shape_cast %parallel_loop3A_252 : vector<1x1x1x16xf32> to vector<16xf32>
        %parallel_loop3A_254 = vector.shape_cast %parallel_loop3A_203 : vector<16xf32> to vector<1x1x1x16xf32>
        tpu.vector_store %arg5[%parallel_loop3A_248, %parallel_loop3A_249, %parallel_loop3A_250, %parallel_loop3A_251], %parallel_loop3A_254 {add = true, strides = array<i32>} : memref<3x4x8x1024xf32, #tpu.memory_space<vmem>>, vector<1x1x1x16xf32>,
        %parallel_loop3A_255 = arith.constant 2 : i32
        %parallel_loop3A_256 = arith.index_cast %select_n3A_138 : i32 to index
        %parallel_loop3A_257 = arith.index_cast %parallel_loop3A_255 : i32 to index
        %parallel_loop3A_258 = arith.index_cast %parallel_loop3A_198 : i32 to index
        %parallel_loop3A_259 = arith.constant 0 : index
        %parallel_loop3A_260 = tpu.vector_load %arg5[%parallel_loop3A_256, %parallel_loop3A_257, %parallel_loop3A_258, %parallel_loop3A_259] {strides = array<i32>} : memref<3x4x8x1024xf32, #tpu.memory_space<vmem>>, vector<1x1x1x16xf32>,
        %parallel_loop3A_261 = vector.shape_cast %parallel_loop3A_260 : vector<1x1x1x16xf32> to vector<16xf32>
        %parallel_loop3A_262 = vector.shape_cast %parallel_loop3A_203 : vector<16xf32> to vector<1x1x1x16xf32>
        tpu.vector_store %arg5[%parallel_loop3A_256, %parallel_loop3A_257, %parallel_loop3A_258, %parallel_loop3A_259], %parallel_loop3A_262 {add = true, strides = array<i32>} : memref<3x4x8x1024xf32, #tpu.memory_space<vmem>>, vector<1x1x1x16xf32>,
        %parallel_loop3A_263 = arith.constant 3 : i32
        %parallel_loop3A_264 = arith.index_cast %select_n3A_138 : i32 to index
        %parallel_loop3A_265 = arith.index_cast %parallel_loop3A_263 : i32 to index
        %parallel_loop3A_266 = arith.index_cast %parallel_loop3A_198 : i32 to index
        %parallel_loop3A_267 = arith.constant 0 : index
        %parallel_loop3A_268 = tpu.vector_load %arg5[%parallel_loop3A_264, %parallel_loop3A_265, %parallel_loop3A_266, %parallel_loop3A_267] {strides = array<i32>} : memref<3x4x8x1024xf32, #tpu.memory_space<vmem>>, vector<1x1x1x16xf32>,
        %parallel_loop3A_269 = vector.shape_cast %parallel_loop3A_268 : vector<1x1x1x16xf32> to vector<16xf32>
        %parallel_loop3A_270 = vector.shape_cast %parallel_loop3A_203 : vector<16xf32> to vector<1x1x1x16xf32>
        tpu.vector_store %arg5[%parallel_loop3A_264, %parallel_loop3A_265, %parallel_loop3A_266, %parallel_loop3A_267], %parallel_loop3A_270 {add = true, strides = array<i32>} : memref<3x4x8x1024xf32, #tpu.memory_space<vmem>>, vector<1x1x1x16xf32>,
        %parallel_loop3A_271 = arith.constant 0 : i32
        %parallel_loop3A_272 = arith.index_cast %select_n3A_138 : i32 to index
        %parallel_loop3A_273 = arith.index_cast %parallel_loop3A_271 : i32 to index
        %parallel_loop3A_274 = arith.index_cast %parallel_loop3A_198 : i32 to index
        %parallel_loop3A_275 = arith.constant 16 : index
        %parallel_loop3A_276 = tpu.vector_load %arg5[%parallel_loop3A_272, %parallel_loop3A_273, %parallel_loop3A_274, %parallel_loop3A_275] {strides = array<i32>} : memref<3x4x8x1024xf32, #tpu.memory_space<vmem>>, vector<1x1x1x16xf32>,
        %parallel_loop3A_277 = vector.shape_cast %parallel_loop3A_276 : vector<1x1x1x16xf32> to vector<16xf32>
        %parallel_loop3A_278 = vector.shape_cast %parallel_loop3A_208 : vector<16xf32> to vector<1x1x1x16xf32>
        tpu.vector_store %arg5[%parallel_loop3A_272, %parallel_loop3A_273, %parallel_loop3A_274, %parallel_loop3A_275], %parallel_loop3A_278 {add = true, strides = array<i32>} : memref<3x4x8x1024xf32, #tpu.memory_space<vmem>>, vector<1x1x1x16xf32>,
        %parallel_loop3A_279 = arith.constant 1 : i32
        %parallel_loop3A_280 = arith.index_cast %select_n3A_138 : i32 to index
        %parallel_loop3A_281 = arith.index_cast %parallel_loop3A_279 : i32 to index
        %parallel_loop3A_282 = arith.index_cast %parallel_loop3A_198 : i32 to index
        %parallel_loop3A_283 = arith.constant 16 : index
        %parallel_loop3A_284 = tpu.vector_load %arg5[%parallel_loop3A_280, %parallel_loop3A_281, %parallel_loop3A_282, %parallel_loop3A_283] {strides = array<i32>} : memref<3x4x8x1024xf32, #tpu.memory_space<vmem>>, vector<1x1x1x16xf32>,
        %parallel_loop3A_285 = vector.shape_cast %parallel_loop3A_284 : vector<1x1x1x16xf32> to vector<16xf32>
        %parallel_loop3A_286 = vector.shape_cast %parallel_loop3A_208 : vector<16xf32> to vector<1x1x1x16xf32>
        tpu.vector_store %arg5[%parallel_loop3A_280, %parallel_loop3A_281, %parallel_loop3A_282, %parallel_loop3A_283], %parallel_loop3A_286 {add = true, strides = array<i32>} : memref<3x4x8x1024xf32, #tpu.memory_space<vmem>>, vector<1x1x1x16xf32>,
        %parallel_loop3A_287 = arith.constant 2 : i32
        %parallel_loop3A_288 = arith.index_cast %select_n3A_138 : i32 to index
        %parallel_loop3A_289 = arith.index_cast %parallel_loop3A_287 : i32 to index
        %parallel_loop3A_290 = arith.index_cast %parallel_loop3A_198 : i32 to index
        %parallel_loop3A_291 = arith.constant 16 : index
        %parallel_loop3A_292 = tpu.vector_load %arg5[%parallel_loop3A_288, %parallel_loop3A_289, %parallel_loop3A_290, %parallel_loop3A_291] {strides = array<i32>} : memref<3x4x8x1024xf32, #tpu.memory_space<vmem>>, vector<1x1x1x16xf32>,
        %parallel_loop3A_293 = vector.shape_cast %parallel_loop3A_292 : vector<1x1x1x16xf32> to vector<16xf32>
        %parallel_loop3A_294 = vector.shape_cast %parallel_loop3A_208 : vector<16xf32> to vector<1x1x1x16xf32>
        tpu.vector_store %arg5[%parallel_loop3A_288, %parallel_loop3A_289, %parallel_loop3A_290, %parallel_loop3A_291], %parallel_loop3A_294 {add = true, strides = array<i32>} : memref<3x4x8x1024xf32, #tpu.memory_space<vmem>>, vector<1x1x1x16xf32>,
        %parallel_loop3A_295 = arith.constant 3 : i32
        %parallel_loop3A_296 = arith.index_cast %select_n3A_138 : i32 to index
        %parallel_loop3A_297 = arith.index_cast %parallel_loop3A_295 : i32 to index
        %parallel_loop3A_298 = arith.index_cast %parallel_loop3A_198 : i32 to index
        %parallel_loop3A_299 = arith.constant 16 : index
        %parallel_loop3A_300 = tpu.vector_load %arg5[%parallel_loop3A_296, %parallel_loop3A_297, %parallel_loop3A_298, %parallel_loop3A_299] {strides = array<i32>} : memref<3x4x8x1024xf32, #tpu.memory_space<vmem>>, vector<1x1x1x16xf32>,
        %parallel_loop3A_301 = vector.shape_cast %parallel_loop3A_300 : vector<1x1x1x16xf32> to vector<16xf32>
        %parallel_loop3A_302 = vector.shape_cast %parallel_loop3A_208 : vector<16xf32> to vector<1x1x1x16xf32>
        tpu.vector_store %arg5[%parallel_loop3A_296, %parallel_loop3A_297, %parallel_loop3A_298, %parallel_loop3A_299], %parallel_loop3A_302 {add = true, strides = array<i32>} : memref<3x4x8x1024xf32, #tpu.memory_space<vmem>>, vector<1x1x1x16xf32>,
        %parallel_loop3A_303 = arith.constant 0 : i32
        %parallel_loop3A_304 = arith.index_cast %select_n3A_138 : i32 to index
        %parallel_loop3A_305 = arith.index_cast %parallel_loop3A_303 : i32 to index
        %parallel_loop3A_306 = arith.index_cast %parallel_loop3A_198 : i32 to index
        %parallel_loop3A_307 = arith.constant 32 : index
        %parallel_loop3A_308 = tpu.vector_load %arg5[%parallel_loop3A_304, %parallel_loop3A_305, %parallel_loop3A_306, %parallel_loop3A_307] {strides = array<i32>} : memref<3x4x8x1024xf32, #tpu.memory_space<vmem>>, vector<1x1x1x16xf32>,
        %parallel_loop3A_309 = vector.shape_cast %parallel_loop3A_308 : vector<1x1x1x16xf32> to vector<16xf32>
        %parallel_loop3A_310 = vector.shape_cast %parallel_loop3A_213 : vector<16xf32> to vector<1x1x1x16xf32>
        tpu.vector_store %arg5[%parallel_loop3A_304, %parallel_loop3A_305, %parallel_loop3A_306, %parallel_loop3A_307], %parallel_loop3A_310 {add = true, strides = array<i32>} : memref<3x4x8x1024xf32, #tpu.memory_space<vmem>>, vector<1x1x1x16xf32>,
        %parallel_loop3A_311 = arith.constant 1 : i32
        %parallel_loop3A_312 = arith.index_cast %select_n3A_138 : i32 to index
        %parallel_loop3A_313 = arith.index_cast %parallel_loop3A_311 : i32 to index
        %parallel_loop3A_314 = arith.index_cast %parallel_loop3A_198 : i32 to index
        %parallel_loop3A_315 = arith.constant 32 : index
        %parallel_loop3A_316 = tpu.vector_load %arg5[%parallel_loop3A_312, %parallel_loop3A_313, %parallel_loop3A_314, %parallel_loop3A_315] {strides = array<i32>} : memref<3x4x8x1024xf32, #tpu.memory_space<vmem>>, vector<1x1x1x16xf32>,
        %parallel_loop3A_317 = vector.shape_cast %parallel_loop3A_316 : vector<1x1x1x16xf32> to vector<16xf32>
        %parallel_loop3A_318 = vector.shape_cast %parallel_loop3A_213 : vector<16xf32> to vector<1x1x1x16xf32>
        tpu.vector_store %arg5[%parallel_loop3A_312, %parallel_loop3A_313, %parallel_loop3A_314, %parallel_loop3A_315], %parallel_loop3A_318 {add = true, strides = array<i32>} : memref<3x4x8x1024xf32, #tpu.memory_space<vmem>>, vector<1x1x1x16xf32>,
        %parallel_loop3A_319 = arith.constant 2 : i32
        %parallel_loop3A_320 = arith.index_cast %select_n3A_138 : i32 to index
        %parallel_loop3A_321 = arith.index_cast %parallel_loop3A_319 : i32 to index
        %parallel_loop3A_322 = arith.index_cast %parallel_loop3A_198 : i32 to index
        %parallel_loop3A_323 = arith.constant 32 : index
        %parallel_loop3A_324 = tpu.vector_load %arg5[%parallel_loop3A_320, %parallel_loop3A_321, %parallel_loop3A_322, %parallel_loop3A_323] {strides = array<i32>} : memref<3x4x8x1024xf32, #tpu.memory_space<vmem>>, vector<1x1x1x16xf32>,
        %parallel_loop3A_325 = vector.shape_cast %parallel_loop3A_324 : vector<1x1x1x16xf32> to vector<16xf32>
        %parallel_loop3A_326 = vector.shape_cast %parallel_loop3A_213 : vector<16xf32> to vector<1x1x1x16xf32>
        tpu.vector_store %arg5[%parallel_loop3A_320, %parallel_loop3A_321, %parallel_loop3A_322, %parallel_loop3A_323], %parallel_loop3A_326 {add = true, strides = array<i32>} : memref<3x4x8x1024xf32, #tpu.memory_space<vmem>>, vector<1x1x1x16xf32>,
        %parallel_loop3A_327 = arith.constant 3 : i32
        %parallel_loop3A_328 = arith.index_cast %select_n3A_138 : i32 to index
        %parallel_loop3A_329 = arith.index_cast %parallel_loop3A_327 : i32 to index
        %parallel_loop3A_330 = arith.index_cast %parallel_loop3A_198 : i32 to index
        %parallel_loop3A_331 = arith.constant 32 : index
        %parallel_loop3A_332 = tpu.vector_load %arg5[%parallel_loop3A_328, %parallel_loop3A_329, %parallel_loop3A_330, %parallel_loop3A_331] {strides = array<i32>} : memref<3x4x8x1024xf32, #tpu.memory_space<vmem>>, vector<1x1x1x16xf32>,
        %parallel_loop3A_333 = vector.shape_cast %parallel_loop3A_332 : vector<1x1x1x16xf32> to vector<16xf32>
        %parallel_loop3A_334 = vector.shape_cast %parallel_loop3A_213 : vector<16xf32> to vector<1x1x1x16xf32>
        tpu.vector_store %arg5[%parallel_loop3A_328, %parallel_loop3A_329, %parallel_loop3A_330, %parallel_loop3A_331], %parallel_loop3A_334 {add = true, strides = array<i32>} : memref<3x4x8x1024xf32, #tpu.memory_space<vmem>>, vector<1x1x1x16xf32>,
        %parallel_loop3A_335 = arith.constant 0 : i32
        %parallel_loop3A_336 = arith.index_cast %select_n3A_138 : i32 to index
        %parallel_loop3A_337 = arith.index_cast %parallel_loop3A_335 : i32 to index
        %parallel_loop3A_338 = arith.index_cast %parallel_loop3A_198 : i32 to index
        %parallel_loop3A_339 = arith.constant 48 : index
        %parallel_loop3A_340 = tpu.vector_load %arg5[%parallel_loop3A_336, %parallel_loop3A_337, %parallel_loop3A_338, %parallel_loop3A_339] {strides = array<i32>} : memref<3x4x8x1024xf32, #tpu.memory_space<vmem>>, vector<1x1x1x16xf32>,
        %parallel_loop3A_341 = vector.shape_cast %parallel_loop3A_340 : vector<1x1x1x16xf32> to vector<16xf32>
        %parallel_loop3A_342 = vector.shape_cast %parallel_loop3A_218 : vector<16xf32> to vector<1x1x1x16xf32>
        tpu.vector_store %arg5[%parallel_loop3A_336, %parallel_loop3A_337, %parallel_loop3A_338, %parallel_loop3A_339], %parallel_loop3A_342 {add = true, strides = array<i32>} : memref<3x4x8x1024xf32, #tpu.memory_space<vmem>>, vector<1x1x1x16xf32>,
        %parallel_loop3A_343 = arith.constant 1 : i32
        %parallel_loop3A_344 = arith.index_cast %select_n3A_138 : i32 to index
        %parallel_loop3A_345 = arith.index_cast %parallel_loop3A_343 : i32 to index
        %parallel_loop3A_346 = arith.index_cast %parallel_loop3A_198 : i32 to index
        %parallel_loop3A_347 = arith.constant 48 : index
        %parallel_loop3A_348 = tpu.vector_load %arg5[%parallel_loop3A_344, %parallel_loop3A_345, %parallel_loop3A_346, %parallel_loop3A_347] {strides = array<i32>} : memref<3x4x8x1024xf32, #tpu.memory_space<vmem>>, vector<1x1x1x16xf32>,
        %parallel_loop3A_349 = vector.shape_cast %parallel_loop3A_348 : vector<1x1x1x16xf32> to vector<16xf32>
        %parallel_loop3A_350 = vector.shape_cast %parallel_loop3A_218 : vector<16xf32> to vector<1x1x1x16xf32>
        tpu.vector_store %arg5[%parallel_loop3A_344, %parallel_loop3A_345, %parallel_loop3A_346, %parallel_loop3A_347], %parallel_loop3A_350 {add = true, strides = array<i32>} : memref<3x4x8x1024xf32, #tpu.memory_space<vmem>>, vector<1x1x1x16xf32>,
        %parallel_loop3A_351 = arith.constant 2 : i32
        %parallel_loop3A_352 = arith.index_cast %select_n3A_138 : i32 to index
        %parallel_loop3A_353 = arith.index_cast %parallel_loop3A_351 : i32 to index
        %parallel_loop3A_354 = arith.index_cast %parallel_loop3A_198 : i32 to index
        %parallel_loop3A_355 = arith.constant 48 : index
        %parallel_loop3A_356 = tpu.vector_load %arg5[%parallel_loop3A_352, %parallel_loop3A_353, %parallel_loop3A_354, %parallel_loop3A_355] {strides = array<i32>} : memref<3x4x8x1024xf32, #tpu.memory_space<vmem>>, vector<1x1x1x16xf32>,
        %parallel_loop3A_357 = vector.shape_cast %parallel_loop3A_356 : vector<1x1x1x16xf32> to vector<16xf32>
        %parallel_loop3A_358 = vector.shape_cast %parallel_loop3A_218 : vector<16xf32> to vector<1x1x1x16xf32>
        tpu.vector_store %arg5[%parallel_loop3A_352, %parallel_loop3A_353, %parallel_loop3A_354, %parallel_loop3A_355], %parallel_loop3A_358 {add = true, strides = array<i32>} : memref<3x4x8x1024xf32, #tpu.memory_space<vmem>>, vector<1x1x1x16xf32>,
        %parallel_loop3A_359 = arith.constant 3 : i32
        %parallel_loop3A_360 = arith.index_cast %select_n3A_138 : i32 to index
        %parallel_loop3A_361 = arith.index_cast %parallel_loop3A_359 : i32 to index
        %parallel_loop3A_362 = arith.index_cast %parallel_loop3A_198 : i32 to index
        %parallel_loop3A_363 = arith.constant 48 : index
        %parallel_loop3A_364 = tpu.vector_load %arg5[%parallel_loop3A_360, %parallel_loop3A_361, %parallel_loop3A_362, %parallel_loop3A_363] {strides = array<i32>} : memref<3x4x8x1024xf32, #tpu.memory_space<vmem>>, vector<1x1x1x16xf32>,
        %parallel_loop3A_365 = vector.shape_cast %parallel_loop3A_364 : vector<1x1x1x16xf32> to vector<16xf32>
        %parallel_loop3A_366 = vector.shape_cast %parallel_loop3A_218 : vector<16xf32> to vector<1x1x1x16xf32>
        tpu.vector_store %arg5[%parallel_loop3A_360, %parallel_loop3A_361, %parallel_loop3A_362, %parallel_loop3A_363], %parallel_loop3A_366 {add = true, strides = array<i32>} : memref<3x4x8x1024xf32, #tpu.memory_space<vmem>>, vector<1x1x1x16xf32>,
        %parallel_loop3A_367 = arith.constant 0 : i32
        %parallel_loop3A_368 = arith.index_cast %select_n3A_138 : i32 to index
        %parallel_loop3A_369 = arith.index_cast %parallel_loop3A_367 : i32 to index
        %parallel_loop3A_370 = arith.index_cast %parallel_loop3A_198 : i32 to index
        %parallel_loop3A_371 = arith.constant 64 : index
        %parallel_loop3A_372 = tpu.vector_load %arg5[%parallel_loop3A_368, %parallel_loop3A_369, %parallel_loop3A_370, %parallel_loop3A_371] {strides = array<i32>} : memref<3x4x8x1024xf32, #tpu.memory_space<vmem>>, vector<1x1x1x16xf32>,
        %parallel_loop3A_373 = vector.shape_cast %parallel_loop3A_372 : vector<1x1x1x16xf32> to vector<16xf32>
        %parallel_loop3A_374 = vector.shape_cast %parallel_loop3A_223 : vector<16xf32> to vector<1x1x1x16xf32>
        tpu.vector_store %arg5[%parallel_loop3A_368, %parallel_loop3A_369, %parallel_loop3A_370, %parallel_loop3A_371], %parallel_loop3A_374 {add = true, strides = array<i32>} : memref<3x4x8x1024xf32, #tpu.memory_space<vmem>>, vector<1x1x1x16xf32>,
        %parallel_loop3A_375 = arith.constant 1 : i32
        %parallel_loop3A_376 = arith.index_cast %select_n3A_138 : i32 to index
        %parallel_loop3A_377 = arith.index_cast %parallel_loop3A_375 : i32 to index
        %parallel_loop3A_378 = arith.index_cast %parallel_loop3A_198 : i32 to index
        %parallel_loop3A_379 = arith.constant 64 : index
        %parallel_loop3A_380 = tpu.vector_load %arg5[%parallel_loop3A_376, %parallel_loop3A_377, %parallel_loop3A_378, %parallel_loop3A_379] {strides = array<i32>} : memref<3x4x8x1024xf32, #tpu.memory_space<vmem>>, vector<1x1x1x16xf32>,
        %parallel_loop3A_381 = vector.shape_cast %parallel_loop3A_380 : vector<1x1x1x16xf32> to vector<16xf32>
        %parallel_loop3A_382 = vector.shape_cast %parallel_loop3A_223 : vector<16xf32> to vector<1x1x1x16xf32>
        tpu.vector_store %arg5[%parallel_loop3A_376, %parallel_loop3A_377, %parallel_loop3A_378, %parallel_loop3A_379], %parallel_loop3A_382 {add = true, strides = array<i32>} : memref<3x4x8x1024xf32, #tpu.memory_space<vmem>>, vector<1x1x1x16xf32>,
        %parallel_loop3A_383 = arith.constant 2 : i32
        %parallel_loop3A_384 = arith.index_cast %select_n3A_138 : i32 to index
        %parallel_loop3A_385 = arith.index_cast %parallel_loop3A_383 : i32 to index
        %parallel_loop3A_386 = arith.index_cast %parallel_loop3A_198 : i32 to index
        %parallel_loop3A_387 = arith.constant 64 : index
        %parallel_loop3A_388 = tpu.vector_load %arg5[%parallel_loop3A_384, %parallel_loop3A_385, %parallel_loop3A_386, %parallel_loop3A_387] {strides = array<i32>} : memref<3x4x8x1024xf32, #tpu.memory_space<vmem>>, vector<1x1x1x16xf32>,
        %parallel_loop3A_389 = vector.shape_cast %parallel_loop3A_388 : vector<1x1x1x16xf32> to vector<16xf32>
        %parallel_loop3A_390 = vector.shape_cast %parallel_loop3A_223 : vector<16xf32> to vector<1x1x1x16xf32>
        tpu.vector_store %arg5[%parallel_loop3A_384, %parallel_loop3A_385, %parallel_loop3A_386, %parallel_loop3A_387], %parallel_loop3A_390 {add = true, strides = array<i32>} : memref<3x4x8x1024xf32, #tpu.memory_space<vmem>>, vector<1x1x1x16xf32>,
        %parallel_loop3A_391 = arith.constant 3 : i32
        %parallel_loop3A_392 = arith.index_cast %select_n3A_138 : i32 to index
        %parallel_loop3A_393 = arith.index_cast %parallel_loop3A_391 : i32 to index
        %parallel_loop3A_394 = arith.index_cast %parallel_loop3A_198 : i32 to index
        %parallel_loop3A_395 = arith.constant 64 : index
        %parallel_loop3A_396 = tpu.vector_load %arg5[%parallel_loop3A_392, %parallel_loop3A_393, %parallel_loop3A_394, %parallel_loop3A_395] {strides = array<i32>} : memref<3x4x8x1024xf32, #tpu.memory_space<vmem>>, vector<1x1x1x16xf32>,
        %parallel_loop3A_397 = vector.shape_cast %parallel_loop3A_396 : vector<1x1x1x16xf32> to vector<16xf32>
        %parallel_loop3A_398 = vector.shape_cast %parallel_loop3A_223 : vector<16xf32> to vector<1x1x1x16xf32>
        tpu.vector_store %arg5[%parallel_loop3A_392, %parallel_loop3A_393, %parallel_loop3A_394, %parallel_loop3A_395], %parallel_loop3A_398 {add = true, strides = array<i32>} : memref<3x4x8x1024xf32, #tpu.memory_space<vmem>>, vector<1x1x1x16xf32>,
        %parallel_loop3A_399 = arith.constant 0 : i32
        %parallel_loop3A_400 = arith.index_cast %select_n3A_138 : i32 to index
        %parallel_loop3A_401 = arith.index_cast %parallel_loop3A_399 : i32 to index
        %parallel_loop3A_402 = arith.index_cast %parallel_loop3A_198 : i32 to index
        %parallel_loop3A_403 = arith.constant 80 : index
        %parallel_loop3A_404 = tpu.vector_load %arg5[%parallel_loop3A_400, %parallel_loop3A_401, %parallel_loop3A_402, %parallel_loop3A_403] {strides = array<i32>} : memref<3x4x8x1024xf32, #tpu.memory_space<vmem>>, vector<1x1x1x16xf32>,
        %parallel_loop3A_405 = vector.shape_cast %parallel_loop3A_404 : vector<1x1x1x16xf32> to vector<16xf32>
        %parallel_loop3A_406 = vector.shape_cast %parallel_loop3A_228 : vector<16xf32> to vector<1x1x1x16xf32>
        tpu.vector_store %arg5[%parallel_loop3A_400, %parallel_loop3A_401, %parallel_loop3A_402, %parallel_loop3A_403], %parallel_loop3A_406 {add = true, strides = array<i32>} : memref<3x4x8x1024xf32, #tpu.memory_space<vmem>>, vector<1x1x1x16xf32>,
        %parallel_loop3A_407 = arith.constant 1 : i32
        %parallel_loop3A_408 = arith.index_cast %select_n3A_138 : i32 to index
        %parallel_loop3A_409 = arith.index_cast %parallel_loop3A_407 : i32 to index
        %parallel_loop3A_410 = arith.index_cast %parallel_loop3A_198 : i32 to index
        %parallel_loop3A_411 = arith.constant 80 : index
        %parallel_loop3A_412 = tpu.vector_load %arg5[%parallel_loop3A_408, %parallel_loop3A_409, %parallel_loop3A_410, %parallel_loop3A_411] {strides = array<i32>} : memref<3x4x8x1024xf32, #tpu.memory_space<vmem>>, vector<1x1x1x16xf32>,
        %parallel_loop3A_413 = vector.shape_cast %parallel_loop3A_412 : vector<1x1x1x16xf32> to vector<16xf32>
        %parallel_loop3A_414 = vector.shape_cast %parallel_loop3A_228 : vector<16xf32> to vector<1x1x1x16xf32>
        tpu.vector_store %arg5[%parallel_loop3A_408, %parallel_loop3A_409, %parallel_loop3A_410, %parallel_loop3A_411], %parallel_loop3A_414 {add = true, strides = array<i32>} : memref<3x4x8x1024xf32, #tpu.memory_space<vmem>>, vector<1x1x1x16xf32>,
        %parallel_loop3A_415 = arith.constant 2 : i32
        %parallel_loop3A_416 = arith.index_cast %select_n3A_138 : i32 to index
        %parallel_loop3A_417 = arith.index_cast %parallel_loop3A_415 : i32 to index
        %parallel_loop3A_418 = arith.index_cast %parallel_loop3A_198 : i32 to index
        %parallel_loop3A_419 = arith.constant 80 : index
        %parallel_loop3A_420 = tpu.vector_load %arg5[%parallel_loop3A_416, %parallel_loop3A_417, %parallel_loop3A_418, %parallel_loop3A_419] {strides = array<i32>} : memref<3x4x8x1024xf32, #tpu.memory_space<vmem>>, vector<1x1x1x16xf32>,
        %parallel_loop3A_421 = vector.shape_cast %parallel_loop3A_420 : vector<1x1x1x16xf32> to vector<16xf32>
        %parallel_loop3A_422 = vector.shape_cast %parallel_loop3A_228 : vector<16xf32> to vector<1x1x1x16xf32>
        tpu.vector_store %arg5[%parallel_loop3A_416, %parallel_loop3A_417, %parallel_loop3A_418, %parallel_loop3A_419], %parallel_loop3A_422 {add = true, strides = array<i32>} : memref<3x4x8x1024xf32, #tpu.memory_space<vmem>>, vector<1x1x1x16xf32>,
        %parallel_loop3A_423 = arith.constant 3 : i32
        %parallel_loop3A_424 = arith.index_cast %select_n3A_138 : i32 to index
        %parallel_loop3A_425 = arith.index_cast %parallel_loop3A_423 : i32 to index
        %parallel_loop3A_426 = arith.index_cast %parallel_loop3A_198 : i32 to index
        %parallel_loop3A_427 = arith.constant 80 : index
        %parallel_loop3A_428 = tpu.vector_load %arg5[%parallel_loop3A_424, %parallel_loop3A_425, %parallel_loop3A_426, %parallel_loop3A_427] {strides = array<i32>} : memref<3x4x8x1024xf32, #tpu.memory_space<vmem>>, vector<1x1x1x16xf32>,
        %parallel_loop3A_429 = vector.shape_cast %parallel_loop3A_428 : vector<1x1x1x16xf32> to vector<16xf32>
        %parallel_loop3A_430 = vector.shape_cast %parallel_loop3A_228 : vector<16xf32> to vector<1x1x1x16xf32>
        tpu.vector_store %arg5[%parallel_loop3A_424, %parallel_loop3A_425, %parallel_loop3A_426, %parallel_loop3A_427], %parallel_loop3A_430 {add = true, strides = array<i32>} : memref<3x4x8x1024xf32, #tpu.memory_space<vmem>>, vector<1x1x1x16xf32>,
        %parallel_loop3A_431 = arith.constant 0 : i32
        %parallel_loop3A_432 = arith.index_cast %select_n3A_138 : i32 to index
        %parallel_loop3A_433 = arith.index_cast %parallel_loop3A_431 : i32 to index
        %parallel_loop3A_434 = arith.index_cast %parallel_loop3A_198 : i32 to index
        %parallel_loop3A_435 = arith.constant 96 : index
        %parallel_loop3A_436 = tpu.vector_load %arg5[%parallel_loop3A_432, %parallel_loop3A_433, %parallel_loop3A_434, %parallel_loop3A_435] {strides = array<i32>} : memref<3x4x8x1024xf32, #tpu.memory_space<vmem>>, vector<1x1x1x16xf32>,
        %parallel_loop3A_437 = vector.shape_cast %parallel_loop3A_436 : vector<1x1x1x16xf32> to vector<16xf32>
        %parallel_loop3A_438 = vector.shape_cast %parallel_loop3A_233 : vector<16xf32> to vector<1x1x1x16xf32>
        tpu.vector_store %arg5[%parallel_loop3A_432, %parallel_loop3A_433, %parallel_loop3A_434, %parallel_loop3A_435], %parallel_loop3A_438 {add = true, strides = array<i32>} : memref<3x4x8x1024xf32, #tpu.memory_space<vmem>>, vector<1x1x1x16xf32>,
        %parallel_loop3A_439 = arith.constant 1 : i32
        %parallel_loop3A_440 = arith.index_cast %select_n3A_138 : i32 to index
        %parallel_loop3A_441 = arith.index_cast %parallel_loop3A_439 : i32 to index
        %parallel_loop3A_442 = arith.index_cast %parallel_loop3A_198 : i32 to index
        %parallel_loop3A_443 = arith.constant 96 : index
        %parallel_loop3A_444 = tpu.vector_load %arg5[%parallel_loop3A_440, %parallel_loop3A_441, %parallel_loop3A_442, %parallel_loop3A_443] {strides = array<i32>} : memref<3x4x8x1024xf32, #tpu.memory_space<vmem>>, vector<1x1x1x16xf32>,
        %parallel_loop3A_445 = vector.shape_cast %parallel_loop3A_444 : vector<1x1x1x16xf32> to vector<16xf32>
        %parallel_loop3A_446 = vector.shape_cast %parallel_loop3A_233 : vector<16xf32> to vector<1x1x1x16xf32>
        tpu.vector_store %arg5[%parallel_loop3A_440, %parallel_loop3A_441, %parallel_loop3A_442, %parallel_loop3A_443], %parallel_loop3A_446 {add = true, strides = array<i32>} : memref<3x4x8x1024xf32, #tpu.memory_space<vmem>>, vector<1x1x1x16xf32>,
        %parallel_loop3A_447 = arith.constant 2 : i32
        %parallel_loop3A_448 = arith.index_cast %select_n3A_138 : i32 to index
        %parallel_loop3A_449 = arith.index_cast %parallel_loop3A_447 : i32 to index
        %parallel_loop3A_450 = arith.index_cast %parallel_loop3A_198 : i32 to index
        %parallel_loop3A_451 = arith.constant 96 : index
        %parallel_loop3A_452 = tpu.vector_load %arg5[%parallel_loop3A_448, %parallel_loop3A_449, %parallel_loop3A_450, %parallel_loop3A_451] {strides = array<i32>} : memref<3x4x8x1024xf32, #tpu.memory_space<vmem>>, vector<1x1x1x16xf32>,
        %parallel_loop3A_453 = vector.shape_cast %parallel_loop3A_452 : vector<1x1x1x16xf32> to vector<16xf32>
        %parallel_loop3A_454 = vector.shape_cast %parallel_loop3A_233 : vector<16xf32> to vector<1x1x1x16xf32>
        tpu.vector_store %arg5[%parallel_loop3A_448, %parallel_loop3A_449, %parallel_loop3A_450, %parallel_loop3A_451], %parallel_loop3A_454 {add = true, strides = array<i32>} : memref<3x4x8x1024xf32, #tpu.memory_space<vmem>>, vector<1x1x1x16xf32>,
        %parallel_loop3A_455 = arith.constant 3 : i32
        %parallel_loop3A_456 = arith.index_cast %select_n3A_138 : i32 to index
        %parallel_loop3A_457 = arith.index_cast %parallel_loop3A_455 : i32 to index
        %parallel_loop3A_458 = arith.index_cast %parallel_loop3A_198 : i32 to index
        %parallel_loop3A_459 = arith.constant 96 : index
        %parallel_loop3A_460 = tpu.vector_load %arg5[%parallel_loop3A_456, %parallel_loop3A_457, %parallel_loop3A_458, %parallel_loop3A_459] {strides = array<i32>} : memref<3x4x8x1024xf32, #tpu.memory_space<vmem>>, vector<1x1x1x16xf32>,
        %parallel_loop3A_461 = vector.shape_cast %parallel_loop3A_460 : vector<1x1x1x16xf32> to vector<16xf32>
        %parallel_loop3A_462 = vector.shape_cast %parallel_loop3A_233 : vector<16xf32> to vector<1x1x1x16xf32>
        tpu.vector_store %arg5[%parallel_loop3A_456, %parallel_loop3A_457, %parallel_loop3A_458, %parallel_loop3A_459], %parallel_loop3A_462 {add = true, strides = array<i32>} : memref<3x4x8x1024xf32, #tpu.memory_space<vmem>>, vector<1x1x1x16xf32>,
        %parallel_loop3A_463 = arith.constant 0 : i32
        %parallel_loop3A_464 = arith.index_cast %select_n3A_138 : i32 to index
        %parallel_loop3A_465 = arith.index_cast %parallel_loop3A_463 : i32 to index
        %parallel_loop3A_466 = arith.index_cast %parallel_loop3A_198 : i32 to index
        %parallel_loop3A_467 = arith.constant 112 : index
        %parallel_loop3A_468 = tpu.vector_load %arg5[%parallel_loop3A_464, %parallel_loop3A_465, %parallel_loop3A_466, %parallel_loop3A_467] {strides = array<i32>} : memref<3x4x8x1024xf32, #tpu.memory_space<vmem>>, vector<1x1x1x16xf32>,
        %parallel_loop3A_469 = vector.shape_cast %parallel_loop3A_468 : vector<1x1x1x16xf32> to vector<16xf32>
        %parallel_loop3A_470 = vector.shape_cast %parallel_loop3A_238 : vector<16xf32> to vector<1x1x1x16xf32>
        tpu.vector_store %arg5[%parallel_loop3A_464, %parallel_loop3A_465, %parallel_loop3A_466, %parallel_loop3A_467], %parallel_loop3A_470 {add = true, strides = array<i32>} : memref<3x4x8x1024xf32, #tpu.memory_space<vmem>>, vector<1x1x1x16xf32>,
        %parallel_loop3A_471 = arith.constant 1 : i32
        %parallel_loop3A_472 = arith.index_cast %select_n3A_138 : i32 to index
        %parallel_loop3A_473 = arith.index_cast %parallel_loop3A_471 : i32 to index
        %parallel_loop3A_474 = arith.index_cast %parallel_loop3A_198 : i32 to index
        %parallel_loop3A_475 = arith.constant 112 : index
        %parallel_loop3A_476 = tpu.vector_load %arg5[%parallel_loop3A_472, %parallel_loop3A_473, %parallel_loop3A_474, %parallel_loop3A_475] {strides = array<i32>} : memref<3x4x8x1024xf32, #tpu.memory_space<vmem>>, vector<1x1x1x16xf32>,
        %parallel_loop3A_477 = vector.shape_cast %parallel_loop3A_476 : vector<1x1x1x16xf32> to vector<16xf32>
        %parallel_loop3A_478 = vector.shape_cast %parallel_loop3A_238 : vector<16xf32> to vector<1x1x1x16xf32>
        tpu.vector_store %arg5[%parallel_loop3A_472, %parallel_loop3A_473, %parallel_loop3A_474, %parallel_loop3A_475], %parallel_loop3A_478 {add = true, strides = array<i32>} : memref<3x4x8x1024xf32, #tpu.memory_space<vmem>>, vector<1x1x1x16xf32>,
        %parallel_loop3A_479 = arith.constant 2 : i32
        %parallel_loop3A_480 = arith.index_cast %select_n3A_138 : i32 to index
        %parallel_loop3A_481 = arith.index_cast %parallel_loop3A_479 : i32 to index
        %parallel_loop3A_482 = arith.index_cast %parallel_loop3A_198 : i32 to index
        %parallel_loop3A_483 = arith.constant 112 : index
        %parallel_loop3A_484 = tpu.vector_load %arg5[%parallel_loop3A_480, %parallel_loop3A_481, %parallel_loop3A_482, %parallel_loop3A_483] {strides = array<i32>} : memref<3x4x8x1024xf32, #tpu.memory_space<vmem>>, vector<1x1x1x16xf32>,
        %parallel_loop3A_485 = vector.shape_cast %parallel_loop3A_484 : vector<1x1x1x16xf32> to vector<16xf32>
        %parallel_loop3A_486 = vector.shape_cast %parallel_loop3A_238 : vector<16xf32> to vector<1x1x1x16xf32>
        tpu.vector_store %arg5[%parallel_loop3A_480, %parallel_loop3A_481, %parallel_loop3A_482, %parallel_loop3A_483], %parallel_loop3A_486 {add = true, strides = array<i32>} : memref<3x4x8x1024xf32, #tpu.memory_space<vmem>>, vector<1x1x1x16xf32>,
        %parallel_loop3A_487 = arith.constant 3 : i32
        %parallel_loop3A_488 = arith.index_cast %select_n3A_138 : i32 to index
        %parallel_loop3A_489 = arith.index_cast %parallel_loop3A_487 : i32 to index
        %parallel_loop3A_490 = arith.index_cast %parallel_loop3A_198 : i32 to index
        %parallel_loop3A_491 = arith.constant 112 : index
        %parallel_loop3A_492 = tpu.vector_load %arg5[%parallel_loop3A_488, %parallel_loop3A_489, %parallel_loop3A_490, %parallel_loop3A_491] {strides = array<i32>} : memref<3x4x8x1024xf32, #tpu.memory_space<vmem>>, vector<1x1x1x16xf32>,
        %parallel_loop3A_493 = vector.shape_cast %parallel_loop3A_492 : vector<1x1x1x16xf32> to vector<16xf32>
        %parallel_loop3A_494 = vector.shape_cast %parallel_loop3A_238 : vector<16xf32> to vector<1x1x1x16xf32>
        tpu.vector_store %arg5[%parallel_loop3A_488, %parallel_loop3A_489, %parallel_loop3A_490, %parallel_loop3A_491], %parallel_loop3A_494 {add = true, strides = array<i32>} : memref<3x4x8x1024xf32, #tpu.memory_space<vmem>>, vector<1x1x1x16xf32>,
        %parallel_loop3A_495 = arith.index_cast %select_n3A_138 : i32 to index
        %parallel_loop3A_496 = arith.index_cast %parallel_loop3A_198 : i32 to index
        %parallel_loop3A_497 = arith.constant 128 : index
        %parallel_loop3A_498 = tpu.vector_load %arg6[%parallel_loop3A_495, %parallel_loop3A_496, %parallel_loop3A_497] {strides = array<i32>} : memref<3x8x1024xf32, #tpu.memory_space<vmem>>, vector<1x1x16xf32>,
        %parallel_loop3A_499 = vector.shape_cast %parallel_loop3A_498 : vector<1x1x16xf32> to vector<16xf32>
        %parallel_loop3A_500 = arith.index_cast %select_n3A_138 : i32 to index
        %parallel_loop3A_501 = arith.index_cast %parallel_loop3A_198 : i32 to index
        %parallel_loop3A_502 = arith.constant 144 : index
        %parallel_loop3A_503 = tpu.vector_load %arg6[%parallel_loop3A_500, %parallel_loop3A_501, %parallel_loop3A_502] {strides = array<i32>} : memref<3x8x1024xf32, #tpu.memory_space<vmem>>, vector<1x1x16xf32>,
        %parallel_loop3A_504 = vector.shape_cast %parallel_loop3A_503 : vector<1x1x16xf32> to vector<16xf32>
        %parallel_loop3A_505 = arith.index_cast %select_n3A_138 : i32 to index
        %parallel_loop3A_506 = arith.index_cast %parallel_loop3A_198 : i32 to index
        %parallel_loop3A_507 = arith.constant 160 : index
        %parallel_loop3A_508 = tpu.vector_load %arg6[%parallel_loop3A_505, %parallel_loop3A_506, %parallel_loop3A_507] {strides = array<i32>} : memref<3x8x1024xf32, #tpu.memory_space<vmem>>, vector<1x1x16xf32>,
        %parallel_loop3A_509 = vector.shape_cast %parallel_loop3A_508 : vector<1x1x16xf32> to vector<16xf32>
        %parallel_loop3A_510 = arith.index_cast %select_n3A_138 : i32 to index
        %parallel_loop3A_511 = arith.index_cast %parallel_loop3A_198 : i32 to index
        %parallel_loop3A_512 = arith.constant 176 : index
        %parallel_loop3A_513 = tpu.vector_load %arg6[%parallel_loop3A_510, %parallel_loop3A_511, %parallel_loop3A_512] {strides = array<i32>} : memref<3x8x1024xf32, #tpu.memory_space<vmem>>, vector<1x1x16xf32>,
        %parallel_loop3A_514 = vector.shape_cast %parallel_loop3A_513 : vector<1x1x16xf32> to vector<16xf32>
        %parallel_loop3A_515 = arith.index_cast %select_n3A_138 : i32 to index
        %parallel_loop3A_516 = arith.index_cast %parallel_loop3A_198 : i32 to index
        %parallel_loop3A_517 = arith.constant 192 : index
        %parallel_loop3A_518 = tpu.vector_load %arg6[%parallel_loop3A_515, %parallel_loop3A_516, %parallel_loop3A_517] {strides = array<i32>} : memref<3x8x1024xf32, #tpu.memory_space<vmem>>, vector<1x1x16xf32>,
        %parallel_loop3A_519 = vector.shape_cast %parallel_loop3A_518 : vector<1x1x16xf32> to vector<16xf32>
        %parallel_loop3A_520 = arith.index_cast %select_n3A_138 : i32 to index
        %parallel_loop3A_521 = arith.index_cast %parallel_loop3A_198 : i32 to index
        %parallel_loop3A_522 = arith.constant 208 : index
        %parallel_loop3A_523 = tpu.vector_load %arg6[%parallel_loop3A_520, %parallel_loop3A_521, %parallel_loop3A_522] {strides = array<i32>} : memref<3x8x1024xf32, #tpu.memory_space<vmem>>, vector<1x1x16xf32>,
        %parallel_loop3A_524 = vector.shape_cast %parallel_loop3A_523 : vector<1x1x16xf32> to vector<16xf32>
        %parallel_loop3A_525 = arith.index_cast %select_n3A_138 : i32 to index
        %parallel_loop3A_526 = arith.index_cast %parallel_loop3A_198 : i32 to index
        %parallel_loop3A_527 = arith.constant 224 : index
        %parallel_loop3A_528 = tpu.vector_load %arg6[%parallel_loop3A_525, %parallel_loop3A_526, %parallel_loop3A_527] {strides = array<i32>} : memref<3x8x1024xf32, #tpu.memory_space<vmem>>, vector<1x1x16xf32>,
        %parallel_loop3A_529 = vector.shape_cast %parallel_loop3A_528 : vector<1x1x16xf32> to vector<16xf32>
        %parallel_loop3A_530 = arith.index_cast %select_n3A_138 : i32 to index
        %parallel_loop3A_531 = arith.index_cast %parallel_loop3A_198 : i32 to index
        %parallel_loop3A_532 = arith.constant 240 : index
        %parallel_loop3A_533 = tpu.vector_load %arg6[%parallel_loop3A_530, %parallel_loop3A_531, %parallel_loop3A_532] {strides = array<i32>} : memref<3x8x1024xf32, #tpu.memory_space<vmem>>, vector<1x1x16xf32>,
        %parallel_loop3A_534 = vector.shape_cast %parallel_loop3A_533 : vector<1x1x16xf32> to vector<16xf32>
        %parallel_loop3A_535 = arith.constant 0 : i32
        %parallel_loop3A_536 = arith.index_cast %select_n3A_138 : i32 to index
        %parallel_loop3A_537 = arith.index_cast %parallel_loop3A_535 : i32 to index
        %parallel_loop3A_538 = arith.index_cast %parallel_loop3A_198 : i32 to index
        %parallel_loop3A_539 = arith.constant 128 : index
        %parallel_loop3A_540 = tpu.vector_load %arg5[%parallel_loop3A_536, %parallel_loop3A_537, %parallel_loop3A_538, %parallel_loop3A_539] {strides = array<i32>} : memref<3x4x8x1024xf32, #tpu.memory_space<vmem>>, vector<1x1x1x16xf32>,
        %parallel_loop3A_541 = vector.shape_cast %parallel_loop3A_540 : vector<1x1x1x16xf32> to vector<16xf32>
        %parallel_loop3A_542 = vector.shape_cast %parallel_loop3A_499 : vector<16xf32> to vector<1x1x1x16xf32>
        tpu.vector_store %arg5[%parallel_loop3A_536, %parallel_loop3A_537, %parallel_loop3A_538, %parallel_loop3A_539], %parallel_loop3A_542 {add = true, strides = array<i32>} : memref<3x4x8x1024xf32, #tpu.memory_space<vmem>>, vector<1x1x1x16xf32>,
        %parallel_loop3A_543 = arith.constant 1 : i32
        %parallel_loop3A_544 = arith.index_cast %select_n3A_138 : i32 to index
        %parallel_loop3A_545 = arith.index_cast %parallel_loop3A_543 : i32 to index
        %parallel_loop3A_546 = arith.index_cast %parallel_loop3A_198 : i32 to index
        %parallel_loop3A_547 = arith.constant 128 : index
        %parallel_loop3A_548 = tpu.vector_load %arg5[%parallel_loop3A_544, %parallel_loop3A_545, %parallel_loop3A_546, %parallel_loop3A_547] {strides = array<i32>} : memref<3x4x8x1024xf32, #tpu.memory_space<vmem>>, vector<1x1x1x16xf32>,
        %parallel_loop3A_549 = vector.shape_cast %parallel_loop3A_548 : vector<1x1x1x16xf32> to vector<16xf32>
        %parallel_loop3A_550 = vector.shape_cast %parallel_loop3A_499 : vector<16xf32> to vector<1x1x1x16xf32>
        tpu.vector_store %arg5[%parallel_loop3A_544, %parallel_loop3A_545, %parallel_loop3A_546, %parallel_loop3A_547], %parallel_loop3A_550 {add = true, strides = array<i32>} : memref<3x4x8x1024xf32, #tpu.memory_space<vmem>>, vector<1x1x1x16xf32>,
        %parallel_loop3A_551 = arith.constant 2 : i32
        %parallel_loop3A_552 = arith.index_cast %select_n3A_138 : i32 to index
        %parallel_loop3A_553 = arith.index_cast %parallel_loop3A_551 : i32 to index
        %parallel_loop3A_554 = arith.index_cast %parallel_loop3A_198 : i32 to index
        %parallel_loop3A_555 = arith.constant 128 : index
        %parallel_loop3A_556 = tpu.vector_load %arg5[%parallel_loop3A_552, %parallel_loop3A_553, %parallel_loop3A_554, %parallel_loop3A_555] {strides = array<i32>} : memref<3x4x8x1024xf32, #tpu.memory_space<vmem>>, vector<1x1x1x16xf32>,
        %parallel_loop3A_557 = vector.shape_cast %parallel_loop3A_556 : vector<1x1x1x16xf32> to vector<16xf32>
        %parallel_loop3A_558 = vector.shape_cast %parallel_loop3A_499 : vector<16xf32> to vector<1x1x1x16xf32>
        tpu.vector_store %arg5[%parallel_loop3A_552, %parallel_loop3A_553, %parallel_loop3A_554, %parallel_loop3A_555], %parallel_loop3A_558 {add = true, strides = array<i32>} : memref<3x4x8x1024xf32, #tpu.memory_space<vmem>>, vector<1x1x1x16xf32>,
        %parallel_loop3A_559 = arith.constant 3 : i32
        %parallel_loop3A_560 = arith.index_cast %select_n3A_138 : i32 to index
        %parallel_loop3A_561 = arith.index_cast %parallel_loop3A_559 : i32 to index
        %parallel_loop3A_562 = arith.index_cast %parallel_loop3A_198 : i32 to index
        %parallel_loop3A_563 = arith.constant 128 : index
        %parallel_loop3A_564 = tpu.vector_load %arg5[%parallel_loop3A_560, %parallel_loop3A_561, %parallel_loop3A_562, %parallel_loop3A_563] {strides = array<i32>} : memref<3x4x8x1024xf32, #tpu.memory_space<vmem>>, vector<1x1x1x16xf32>,
        %parallel_loop3A_565 = vector.shape_cast %parallel_loop3A_564 : vector<1x1x1x16xf32> to vector<16xf32>
        %parallel_loop3A_566 = vector.shape_cast %parallel_loop3A_499 : vector<16xf32> to vector<1x1x1x16xf32>
        tpu.vector_store %arg5[%parallel_loop3A_560, %parallel_loop3A_561, %parallel_loop3A_562, %parallel_loop3A_563], %parallel_loop3A_566 {add = true, strides = array<i32>} : memref<3x4x8x1024xf32, #tpu.memory_space<vmem>>, vector<1x1x1x16xf32>,
        %parallel_loop3A_567 = arith.constant 0 : i32
        %parallel_loop3A_568 = arith.index_cast %select_n3A_138 : i32 to index
        %parallel_loop3A_569 = arith.index_cast %parallel_loop3A_567 : i32 to index
        %parallel_loop3A_570 = arith.index_cast %parallel_loop3A_198 : i32 to index
        %parallel_loop3A_571 = arith.constant 144 : index
        %parallel_loop3A_572 = tpu.vector_load %arg5[%parallel_loop3A_568, %parallel_loop3A_569, %parallel_loop3A_570, %parallel_loop3A_571] {strides = array<i32>} : memref<3x4x8x1024xf32, #tpu.memory_space<vmem>>, vector<1x1x1x16xf32>,
        %parallel_loop3A_573 = vector.shape_cast %parallel_loop3A_572 : vector<1x1x1x16xf32> to vector<16xf32>
        %parallel_loop3A_574 = vector.shape_cast %parallel_loop3A_504 : vector<16xf32> to vector<1x1x1x16xf32>
        tpu.vector_store %arg5[%parallel_loop3A_568, %parallel_loop3A_569, %parallel_loop3A_570, %parallel_loop3A_571], %parallel_loop3A_574 {add = true, strides = array<i32>} : memref<3x4x8x1024xf32, #tpu.memory_space<vmem>>, vector<1x1x1x16xf32>,
        %parallel_loop3A_575 = arith.constant 1 : i32
        %parallel_loop3A_576 = arith.index_cast %select_n3A_138 : i32 to index
        %parallel_loop3A_577 = arith.index_cast %parallel_loop3A_575 : i32 to index
        %parallel_loop3A_578 = arith.index_cast %parallel_loop3A_198 : i32 to index
        %parallel_loop3A_579 = arith.constant 144 : index
        %parallel_loop3A_580 = tpu.vector_load %arg5[%parallel_loop3A_576, %parallel_loop3A_577, %parallel_loop3A_578, %parallel_loop3A_579] {strides = array<i32>} : memref<3x4x8x1024xf32, #tpu.memory_space<vmem>>, vector<1x1x1x16xf32>,
        %parallel_loop3A_581 = vector.shape_cast %parallel_loop3A_580 : vector<1x1x1x16xf32> to vector<16xf32>
        %parallel_loop3A_582 = vector.shape_cast %parallel_loop3A_504 : vector<16xf32> to vector<1x1x1x16xf32>
        tpu.vector_store %arg5[%parallel_loop3A_576, %parallel_loop3A_577, %parallel_loop3A_578, %parallel_loop3A_579], %parallel_loop3A_582 {add = true, strides = array<i32>} : memref<3x4x8x1024xf32, #tpu.memory_space<vmem>>, vector<1x1x1x16xf32>,
        %parallel_loop3A_583 = arith.constant 2 : i32
        %parallel_loop3A_584 = arith.index_cast %select_n3A_138 : i32 to index
        %parallel_loop3A_585 = arith.index_cast %parallel_loop3A_583 : i32 to index
        %parallel_loop3A_586 = arith.index_cast %parallel_loop3A_198 : i32 to index
        %parallel_loop3A_587 = arith.constant 144 : index
        %parallel_loop3A_588 = tpu.vector_load %arg5[%parallel_loop3A_584, %parallel_loop3A_585, %parallel_loop3A_586, %parallel_loop3A_587] {strides = array<i32>} : memref<3x4x8x1024xf32, #tpu.memory_space<vmem>>, vector<1x1x1x16xf32>,
        %parallel_loop3A_589 = vector.shape_cast %parallel_loop3A_588 : vector<1x1x1x16xf32> to vector<16xf32>
        %parallel_loop3A_590 = vector.shape_cast %parallel_loop3A_504 : vector<16xf32> to vector<1x1x1x16xf32>
        tpu.vector_store %arg5[%parallel_loop3A_584, %parallel_loop3A_585, %parallel_loop3A_586, %parallel_loop3A_587], %parallel_loop3A_590 {add = true, strides = array<i32>} : memref<3x4x8x1024xf32, #tpu.memory_space<vmem>>, vector<1x1x1x16xf32>,
        %parallel_loop3A_591 = arith.constant 3 : i32
        %parallel_loop3A_592 = arith.index_cast %select_n3A_138 : i32 to index
        %parallel_loop3A_593 = arith.index_cast %parallel_loop3A_591 : i32 to index
        %parallel_loop3A_594 = arith.index_cast %parallel_loop3A_198 : i32 to index
        %parallel_loop3A_595 = arith.constant 144 : index
        %parallel_loop3A_596 = tpu.vector_load %arg5[%parallel_loop3A_592, %parallel_loop3A_593, %parallel_loop3A_594, %parallel_loop3A_595] {strides = array<i32>} : memref<3x4x8x1024xf32, #tpu.memory_space<vmem>>, vector<1x1x1x16xf32>,
        %parallel_loop3A_597 = vector.shape_cast %parallel_loop3A_596 : vector<1x1x1x16xf32> to vector<16xf32>
        %parallel_loop3A_598 = vector.shape_cast %parallel_loop3A_504 : vector<16xf32> to vector<1x1x1x16xf32>
        tpu.vector_store %arg5[%parallel_loop3A_592, %parallel_loop3A_593, %parallel_loop3A_594, %parallel_loop3A_595], %parallel_loop3A_598 {add = true, strides = array<i32>} : memref<3x4x8x1024xf32, #tpu.memory_space<vmem>>, vector<1x1x1x16xf32>,
        %parallel_loop3A_599 = arith.constant 0 : i32
        %parallel_loop3A_600 = arith.index_cast %select_n3A_138 : i32 to index
        %parallel_loop3A_601 = arith.index_cast %parallel_loop3A_599 : i32 to index
        %parallel_loop3A_602 = arith.index_cast %parallel_loop3A_198 : i32 to index
        %parallel_loop3A_603 = arith.constant 160 : index
        %parallel_loop3A_604 = tpu.vector_load %arg5[%parallel_loop3A_600, %parallel_loop3A_601, %parallel_loop3A_602, %parallel_loop3A_603] {strides = array<i32>} : memref<3x4x8x1024xf32, #tpu.memory_space<vmem>>, vector<1x1x1x16xf32>,
        %parallel_loop3A_605 = vector.shape_cast %parallel_loop3A_604 : vector<1x1x1x16xf32> to vector<16xf32>
        %parallel_loop3A_606 = vector.shape_cast %parallel_loop3A_509 : vector<16xf32> to vector<1x1x1x16xf32>
        tpu.vector_store %arg5[%parallel_loop3A_600, %parallel_loop3A_601, %parallel_loop3A_602, %parallel_loop3A_603], %parallel_loop3A_606 {add = true, strides = array<i32>} : memref<3x4x8x1024xf32, #tpu.memory_space<vmem>>, vector<1x1x1x16xf32>,
        %parallel_loop3A_607 = arith.constant 1 : i32
        %parallel_loop3A_608 = arith.index_cast %select_n3A_138 : i32 to index
        %parallel_loop3A_609 = arith.index_cast %parallel_loop3A_607 : i32 to index
        %parallel_loop3A_610 = arith.index_cast %parallel_loop3A_198 : i32 to index
        %parallel_loop3A_611 = arith.constant 160 : index
        %parallel_loop3A_612 = tpu.vector_load %arg5[%parallel_loop3A_608, %parallel_loop3A_609, %parallel_loop3A_610, %parallel_loop3A_611] {strides = array<i32>} : memref<3x4x8x1024xf32, #tpu.memory_space<vmem>>, vector<1x1x1x16xf32>,
        %parallel_loop3A_613 = vector.shape_cast %parallel_loop3A_612 : vector<1x1x1x16xf32> to vector<16xf32>
        %parallel_loop3A_614 = vector.shape_cast %parallel_loop3A_509 : vector<16xf32> to vector<1x1x1x16xf32>
        tpu.vector_store %arg5[%parallel_loop3A_608, %parallel_loop3A_609, %parallel_loop3A_610, %parallel_loop3A_611], %parallel_loop3A_614 {add = true, strides = array<i32>} : memref<3x4x8x1024xf32, #tpu.memory_space<vmem>>, vector<1x1x1x16xf32>,
        %parallel_loop3A_615 = arith.constant 2 : i32
        %parallel_loop3A_616 = arith.index_cast %select_n3A_138 : i32 to index
        %parallel_loop3A_617 = arith.index_cast %parallel_loop3A_615 : i32 to index
        %parallel_loop3A_618 = arith.index_cast %parallel_loop3A_198 : i32 to index
        %parallel_loop3A_619 = arith.constant 160 : index
        %parallel_loop3A_620 = tpu.vector_load %arg5[%parallel_loop3A_616, %parallel_loop3A_617, %parallel_loop3A_618, %parallel_loop3A_619] {strides = array<i32>} : memref<3x4x8x1024xf32, #tpu.memory_space<vmem>>, vector<1x1x1x16xf32>,
        %parallel_loop3A_621 = vector.shape_cast %parallel_loop3A_620 : vector<1x1x1x16xf32> to vector<16xf32>
        %parallel_loop3A_622 = vector.shape_cast %parallel_loop3A_509 : vector<16xf32> to vector<1x1x1x16xf32>
        tpu.vector_store %arg5[%parallel_loop3A_616, %parallel_loop3A_617, %parallel_loop3A_618, %parallel_loop3A_619], %parallel_loop3A_622 {add = true, strides = array<i32>} : memref<3x4x8x1024xf32, #tpu.memory_space<vmem>>, vector<1x1x1x16xf32>,
        %parallel_loop3A_623 = arith.constant 3 : i32
        %parallel_loop3A_624 = arith.index_cast %select_n3A_138 : i32 to index
        %parallel_loop3A_625 = arith.index_cast %parallel_loop3A_623 : i32 to index
        %parallel_loop3A_626 = arith.index_cast %parallel_loop3A_198 : i32 to index
        %parallel_loop3A_627 = arith.constant 160 : index
        %parallel_loop3A_628 = tpu.vector_load %arg5[%parallel_loop3A_624, %parallel_loop3A_625, %parallel_loop3A_626, %parallel_loop3A_627] {strides = array<i32>} : memref<3x4x8x1024xf32, #tpu.memory_space<vmem>>, vector<1x1x1x16xf32>,
        %parallel_loop3A_629 = vector.shape_cast %parallel_loop3A_628 : vector<1x1x1x16xf32> to vector<16xf32>
        %parallel_loop3A_630 = vector.shape_cast %parallel_loop3A_509 : vector<16xf32> to vector<1x1x1x16xf32>
        tpu.vector_store %arg5[%parallel_loop3A_624, %parallel_loop3A_625, %parallel_loop3A_626, %parallel_loop3A_627], %parallel_loop3A_630 {add = true, strides = array<i32>} : memref<3x4x8x1024xf32, #tpu.memory_space<vmem>>, vector<1x1x1x16xf32>,
        %parallel_loop3A_631 = arith.constant 0 : i32
        %parallel_loop3A_632 = arith.index_cast %select_n3A_138 : i32 to index
        %parallel_loop3A_633 = arith.index_cast %parallel_loop3A_631 : i32 to index
        %parallel_loop3A_634 = arith.index_cast %parallel_loop3A_198 : i32 to index
        %parallel_loop3A_635 = arith.constant 176 : index
        %parallel_loop3A_636 = tpu.vector_load %arg5[%parallel_loop3A_632, %parallel_loop3A_633, %parallel_loop3A_634, %parallel_loop3A_635] {strides = array<i32>} : memref<3x4x8x1024xf32, #tpu.memory_space<vmem>>, vector<1x1x1x16xf32>,
        %parallel_loop3A_637 = vector.shape_cast %parallel_loop3A_636 : vector<1x1x1x16xf32> to vector<16xf32>
        %parallel_loop3A_638 = vector.shape_cast %parallel_loop3A_514 : vector<16xf32> to vector<1x1x1x16xf32>
        tpu.vector_store %arg5[%parallel_loop3A_632, %parallel_loop3A_633, %parallel_loop3A_634, %parallel_loop3A_635], %parallel_loop3A_638 {add = true, strides = array<i32>} : memref<3x4x8x1024xf32, #tpu.memory_space<vmem>>, vector<1x1x1x16xf32>,
        %parallel_loop3A_639 = arith.constant 1 : i32
        %parallel_loop3A_640 = arith.index_cast %select_n3A_138 : i32 to index
        %parallel_loop3A_641 = arith.index_cast %parallel_loop3A_639 : i32 to index
        %parallel_loop3A_642 = arith.index_cast %parallel_loop3A_198 : i32 to index
        %parallel_loop3A_643 = arith.constant 176 : index
        %parallel_loop3A_644 = tpu.vector_load %arg5[%parallel_loop3A_640, %parallel_loop3A_641, %parallel_loop3A_642, %parallel_loop3A_643] {strides = array<i32>} : memref<3x4x8x1024xf32, #tpu.memory_space<vmem>>, vector<1x1x1x16xf32>,
        %parallel_loop3A_645 = vector.shape_cast %parallel_loop3A_644 : vector<1x1x1x16xf32> to vector<16xf32>
        %parallel_loop3A_646 = vector.shape_cast %parallel_loop3A_514 : vector<16xf32> to vector<1x1x1x16xf32>
        tpu.vector_store %arg5[%parallel_loop3A_640, %parallel_loop3A_641, %parallel_loop3A_642, %parallel_loop3A_643], %parallel_loop3A_646 {add = true, strides = array<i32>} : memref<3x4x8x1024xf32, #tpu.memory_space<vmem>>, vector<1x1x1x16xf32>,
        %parallel_loop3A_647 = arith.constant 2 : i32
        %parallel_loop3A_648 = arith.index_cast %select_n3A_138 : i32 to index
        %parallel_loop3A_649 = arith.index_cast %parallel_loop3A_647 : i32 to index
        %parallel_loop3A_650 = arith.index_cast %parallel_loop3A_198 : i32 to index
        %parallel_loop3A_651 = arith.constant 176 : index
        %parallel_loop3A_652 = tpu.vector_load %arg5[%parallel_loop3A_648, %parallel_loop3A_649, %parallel_loop3A_650, %parallel_loop3A_651] {strides = array<i32>} : memref<3x4x8x1024xf32, #tpu.memory_space<vmem>>, vector<1x1x1x16xf32>,
        %parallel_loop3A_653 = vector.shape_cast %parallel_loop3A_652 : vector<1x1x1x16xf32> to vector<16xf32>
        %parallel_loop3A_654 = vector.shape_cast %parallel_loop3A_514 : vector<16xf32> to vector<1x1x1x16xf32>
        tpu.vector_store %arg5[%parallel_loop3A_648, %parallel_loop3A_649, %parallel_loop3A_650, %parallel_loop3A_651], %parallel_loop3A_654 {add = true, strides = array<i32>} : memref<3x4x8x1024xf32, #tpu.memory_space<vmem>>, vector<1x1x1x16xf32>,
        %parallel_loop3A_655 = arith.constant 3 : i32
        %parallel_loop3A_656 = arith.index_cast %select_n3A_138 : i32 to index
        %parallel_loop3A_657 = arith.index_cast %parallel_loop3A_655 : i32 to index
        %parallel_loop3A_658 = arith.index_cast %parallel_loop3A_198 : i32 to index
        %parallel_loop3A_659 = arith.constant 176 : index
        %parallel_loop3A_660 = tpu.vector_load %arg5[%parallel_loop3A_656, %parallel_loop3A_657, %parallel_loop3A_658, %parallel_loop3A_659] {strides = array<i32>} : memref<3x4x8x1024xf32, #tpu.memory_space<vmem>>, vector<1x1x1x16xf32>,
        %parallel_loop3A_661 = vector.shape_cast %parallel_loop3A_660 : vector<1x1x1x16xf32> to vector<16xf32>
        %parallel_loop3A_662 = vector.shape_cast %parallel_loop3A_514 : vector<16xf32> to vector<1x1x1x16xf32>
        tpu.vector_store %arg5[%parallel_loop3A_656, %parallel_loop3A_657, %parallel_loop3A_658, %parallel_loop3A_659], %parallel_loop3A_662 {add = true, strides = array<i32>} : memref<3x4x8x1024xf32, #tpu.memory_space<vmem>>, vector<1x1x1x16xf32>,
        %parallel_loop3A_663 = arith.constant 0 : i32
        %parallel_loop3A_664 = arith.index_cast %select_n3A_138 : i32 to index
        %parallel_loop3A_665 = arith.index_cast %parallel_loop3A_663 : i32 to index
        %parallel_loop3A_666 = arith.index_cast %parallel_loop3A_198 : i32 to index
        %parallel_loop3A_667 = arith.constant 192 : index
        %parallel_loop3A_668 = tpu.vector_load %arg5[%parallel_loop3A_664, %parallel_loop3A_665, %parallel_loop3A_666, %parallel_loop3A_667] {strides = array<i32>} : memref<3x4x8x1024xf32, #tpu.memory_space<vmem>>, vector<1x1x1x16xf32>,
        %parallel_loop3A_669 = vector.shape_cast %parallel_loop3A_668 : vector<1x1x1x16xf32> to vector<16xf32>
        %parallel_loop3A_670 = vector.shape_cast %parallel_loop3A_519 : vector<16xf32> to vector<1x1x1x16xf32>
        tpu.vector_store %arg5[%parallel_loop3A_664, %parallel_loop3A_665, %parallel_loop3A_666, %parallel_loop3A_667], %parallel_loop3A_670 {add = true, strides = array<i32>} : memref<3x4x8x1024xf32, #tpu.memory_space<vmem>>, vector<1x1x1x16xf32>,
        %parallel_loop3A_671 = arith.constant 1 : i32
        %parallel_loop3A_672 = arith.index_cast %select_n3A_138 : i32 to index
        %parallel_loop3A_673 = arith.index_cast %parallel_loop3A_671 : i32 to index
        %parallel_loop3A_674 = arith.index_cast %parallel_loop3A_198 : i32 to index
        %parallel_loop3A_675 = arith.constant 192 : index
        %parallel_loop3A_676 = tpu.vector_load %arg5[%parallel_loop3A_672, %parallel_loop3A_673, %parallel_loop3A_674, %parallel_loop3A_675] {strides = array<i32>} : memref<3x4x8x1024xf32, #tpu.memory_space<vmem>>, vector<1x1x1x16xf32>,
        %parallel_loop3A_677 = vector.shape_cast %parallel_loop3A_676 : vector<1x1x1x16xf32> to vector<16xf32>
        %parallel_loop3A_678 = vector.shape_cast %parallel_loop3A_519 : vector<16xf32> to vector<1x1x1x16xf32>
        tpu.vector_store %arg5[%parallel_loop3A_672, %parallel_loop3A_673, %parallel_loop3A_674, %parallel_loop3A_675], %parallel_loop3A_678 {add = true, strides = array<i32>} : memref<3x4x8x1024xf32, #tpu.memory_space<vmem>>, vector<1x1x1x16xf32>,
        %parallel_loop3A_679 = arith.constant 2 : i32
        %parallel_loop3A_680 = arith.index_cast %select_n3A_138 : i32 to index
        %parallel_loop3A_681 = arith.index_cast %parallel_loop3A_679 : i32 to index
        %parallel_loop3A_682 = arith.index_cast %parallel_loop3A_198 : i32 to index
        %parallel_loop3A_683 = arith.constant 192 : index
        %parallel_loop3A_684 = tpu.vector_load %arg5[%parallel_loop3A_680, %parallel_loop3A_681, %parallel_loop3A_682, %parallel_loop3A_683] {strides = array<i32>} : memref<3x4x8x1024xf32, #tpu.memory_space<vmem>>, vector<1x1x1x16xf32>,
        %parallel_loop3A_685 = vector.shape_cast %parallel_loop3A_684 : vector<1x1x1x16xf32> to vector<16xf32>
        %parallel_loop3A_686 = vector.shape_cast %parallel_loop3A_519 : vector<16xf32> to vector<1x1x1x16xf32>
        tpu.vector_store %arg5[%parallel_loop3A_680, %parallel_loop3A_681, %parallel_loop3A_682, %parallel_loop3A_683], %parallel_loop3A_686 {add = true, strides = array<i32>} : memref<3x4x8x1024xf32, #tpu.memory_space<vmem>>, vector<1x1x1x16xf32>,
        %parallel_loop3A_687 = arith.constant 3 : i32
        %parallel_loop3A_688 = arith.index_cast %select_n3A_138 : i32 to index
        %parallel_loop3A_689 = arith.index_cast %parallel_loop3A_687 : i32 to index
        %parallel_loop3A_690 = arith.index_cast %parallel_loop3A_198 : i32 to index
        %parallel_loop3A_691 = arith.constant 192 : index
        %parallel_loop3A_692 = tpu.vector_load %arg5[%parallel_loop3A_688, %parallel_loop3A_689, %parallel_loop3A_690, %parallel_loop3A_691] {strides = array<i32>} : memref<3x4x8x1024xf32, #tpu.memory_space<vmem>>, vector<1x1x1x16xf32>,
        %parallel_loop3A_693 = vector.shape_cast %parallel_loop3A_692 : vector<1x1x1x16xf32> to vector<16xf32>
        %parallel_loop3A_694 = vector.shape_cast %parallel_loop3A_519 : vector<16xf32> to vector<1x1x1x16xf32>
        tpu.vector_store %arg5[%parallel_loop3A_688, %parallel_loop3A_689, %parallel_loop3A_690, %parallel_loop3A_691], %parallel_loop3A_694 {add = true, strides = array<i32>} : memref<3x4x8x1024xf32, #tpu.memory_space<vmem>>, vector<1x1x1x16xf32>,
        %parallel_loop3A_695 = arith.constant 0 : i32
        %parallel_loop3A_696 = arith.index_cast %select_n3A_138 : i32 to index
        %parallel_loop3A_697 = arith.index_cast %parallel_loop3A_695 : i32 to index
        %parallel_loop3A_698 = arith.index_cast %parallel_loop3A_198 : i32 to index
        %parallel_loop3A_699 = arith.constant 208 : index
        %parallel_loop3A_700 = tpu.vector_load %arg5[%parallel_loop3A_696, %parallel_loop3A_697, %parallel_loop3A_698, %parallel_loop3A_699] {strides = array<i32>} : memref<3x4x8x1024xf32, #tpu.memory_space<vmem>>, vector<1x1x1x16xf32>,
        %parallel_loop3A_701 = vector.shape_cast %parallel_loop3A_700 : vector<1x1x1x16xf32> to vector<16xf32>
        %parallel_loop3A_702 = vector.shape_cast %parallel_loop3A_524 : vector<16xf32> to vector<1x1x1x16xf32>
        tpu.vector_store %arg5[%parallel_loop3A_696, %parallel_loop3A_697, %parallel_loop3A_698, %parallel_loop3A_699], %parallel_loop3A_702 {add = true, strides = array<i32>} : memref<3x4x8x1024xf32, #tpu.memory_space<vmem>>, vector<1x1x1x16xf32>,
        %parallel_loop3A_703 = arith.constant 1 : i32
        %parallel_loop3A_704 = arith.index_cast %select_n3A_138 : i32 to index
        %parallel_loop3A_705 = arith.index_cast %parallel_loop3A_703 : i32 to index
        %parallel_loop3A_706 = arith.index_cast %parallel_loop3A_198 : i32 to index
        %parallel_loop3A_707 = arith.constant 208 : index
        %parallel_loop3A_708 = tpu.vector_load %arg5[%parallel_loop3A_704, %parallel_loop3A_705, %parallel_loop3A_706, %parallel_loop3A_707] {strides = array<i32>} : memref<3x4x8x1024xf32, #tpu.memory_space<vmem>>, vector<1x1x1x16xf32>,
        %parallel_loop3A_709 = vector.shape_cast %parallel_loop3A_708 : vector<1x1x1x16xf32> to vector<16xf32>
        %parallel_loop3A_710 = vector.shape_cast %parallel_loop3A_524 : vector<16xf32> to vector<1x1x1x16xf32>
        tpu.vector_store %arg5[%parallel_loop3A_704, %parallel_loop3A_705, %parallel_loop3A_706, %parallel_loop3A_707], %parallel_loop3A_710 {add = true, strides = array<i32>} : memref<3x4x8x1024xf32, #tpu.memory_space<vmem>>, vector<1x1x1x16xf32>,
        %parallel_loop3A_711 = arith.constant 2 : i32
        %parallel_loop3A_712 = arith.index_cast %select_n3A_138 : i32 to index
        %parallel_loop3A_713 = arith.index_cast %parallel_loop3A_711 : i32 to index
        %parallel_loop3A_714 = arith.index_cast %parallel_loop3A_198 : i32 to index
        %parallel_loop3A_715 = arith.constant 208 : index
        %parallel_loop3A_716 = tpu.vector_load %arg5[%parallel_loop3A_712, %parallel_loop3A_713, %parallel_loop3A_714, %parallel_loop3A_715] {strides = array<i32>} : memref<3x4x8x1024xf32, #tpu.memory_space<vmem>>, vector<1x1x1x16xf32>,
        %parallel_loop3A_717 = vector.shape_cast %parallel_loop3A_716 : vector<1x1x1x16xf32> to vector<16xf32>
        %parallel_loop3A_718 = vector.shape_cast %parallel_loop3A_524 : vector<16xf32> to vector<1x1x1x16xf32>
        tpu.vector_store %arg5[%parallel_loop3A_712, %parallel_loop3A_713, %parallel_loop3A_714, %parallel_loop3A_715], %parallel_loop3A_718 {add = true, strides = array<i32>} : memref<3x4x8x1024xf32, #tpu.memory_space<vmem>>, vector<1x1x1x16xf32>,
        %parallel_loop3A_719 = arith.constant 3 : i32
        %parallel_loop3A_720 = arith.index_cast %select_n3A_138 : i32 to index
        %parallel_loop3A_721 = arith.index_cast %parallel_loop3A_719 : i32 to index
        %parallel_loop3A_722 = arith.index_cast %parallel_loop3A_198 : i32 to index
        %parallel_loop3A_723 = arith.constant 208 : index
        %parallel_loop3A_724 = tpu.vector_load %arg5[%parallel_loop3A_720, %parallel_loop3A_721, %parallel_loop3A_722, %parallel_loop3A_723] {strides = array<i32>} : memref<3x4x8x1024xf32, #tpu.memory_space<vmem>>, vector<1x1x1x16xf32>,
        %parallel_loop3A_725 = vector.shape_cast %parallel_loop3A_724 : vector<1x1x1x16xf32> to vector<16xf32>
        %parallel_loop3A_726 = vector.shape_cast %parallel_loop3A_524 : vector<16xf32> to vector<1x1x1x16xf32>
        tpu.vector_store %arg5[%parallel_loop3A_720, %parallel_loop3A_721, %parallel_loop3A_722, %parallel_loop3A_723], %parallel_loop3A_726 {add = true, strides = array<i32>} : memref<3x4x8x1024xf32, #tpu.memory_space<vmem>>, vector<1x1x1x16xf32>,
        %parallel_loop3A_727 = arith.constant 0 : i32
        %parallel_loop3A_728 = arith.index_cast %select_n3A_138 : i32 to index
        %parallel_loop3A_729 = arith.index_cast %parallel_loop3A_727 : i32 to index
        %parallel_loop3A_730 = arith.index_cast %parallel_loop3A_198 : i32 to index
        %parallel_loop3A_731 = arith.constant 224 : index
        %parallel_loop3A_732 = tpu.vector_load %arg5[%parallel_loop3A_728, %parallel_loop3A_729, %parallel_loop3A_730, %parallel_loop3A_731] {strides = array<i32>} : memref<3x4x8x1024xf32, #tpu.memory_space<vmem>>, vector<1x1x1x16xf32>,
        %parallel_loop3A_733 = vector.shape_cast %parallel_loop3A_732 : vector<1x1x1x16xf32> to vector<16xf32>
        %parallel_loop3A_734 = vector.shape_cast %parallel_loop3A_529 : vector<16xf32> to vector<1x1x1x16xf32>
        tpu.vector_store %arg5[%parallel_loop3A_728, %parallel_loop3A_729, %parallel_loop3A_730, %parallel_loop3A_731], %parallel_loop3A_734 {add = true, strides = array<i32>} : memref<3x4x8x1024xf32, #tpu.memory_space<vmem>>, vector<1x1x1x16xf32>,
        %parallel_loop3A_735 = arith.constant 1 : i32
        %parallel_loop3A_736 = arith.index_cast %select_n3A_138 : i32 to index
        %parallel_loop3A_737 = arith.index_cast %parallel_loop3A_735 : i32 to index
        %parallel_loop3A_738 = arith.index_cast %parallel_loop3A_198 : i32 to index
        %parallel_loop3A_739 = arith.constant 224 : index
        %parallel_loop3A_740 = tpu.vector_load %arg5[%parallel_loop3A_736, %parallel_loop3A_737, %parallel_loop3A_738, %parallel_loop3A_739] {strides = array<i32>} : memref<3x4x8x1024xf32, #tpu.memory_space<vmem>>, vector<1x1x1x16xf32>,
        %parallel_loop3A_741 = vector.shape_cast %parallel_loop3A_740 : vector<1x1x1x16xf32> to vector<16xf32>
        %parallel_loop3A_742 = vector.shape_cast %parallel_loop3A_529 : vector<16xf32> to vector<1x1x1x16xf32>
        tpu.vector_store %arg5[%parallel_loop3A_736, %parallel_loop3A_737, %parallel_loop3A_738, %parallel_loop3A_739], %parallel_loop3A_742 {add = true, strides = array<i32>} : memref<3x4x8x1024xf32, #tpu.memory_space<vmem>>, vector<1x1x1x16xf32>,
        %parallel_loop3A_743 = arith.constant 2 : i32
        %parallel_loop3A_744 = arith.index_cast %select_n3A_138 : i32 to index
        %parallel_loop3A_745 = arith.index_cast %parallel_loop3A_743 : i32 to index
        %parallel_loop3A_746 = arith.index_cast %parallel_loop3A_198 : i32 to index
        %parallel_loop3A_747 = arith.constant 224 : index
        %parallel_loop3A_748 = tpu.vector_load %arg5[%parallel_loop3A_744, %parallel_loop3A_745, %parallel_loop3A_746, %parallel_loop3A_747] {strides = array<i32>} : memref<3x4x8x1024xf32, #tpu.memory_space<vmem>>, vector<1x1x1x16xf32>,
        %parallel_loop3A_749 = vector.shape_cast %parallel_loop3A_748 : vector<1x1x1x16xf32> to vector<16xf32>
        %parallel_loop3A_750 = vector.shape_cast %parallel_loop3A_529 : vector<16xf32> to vector<1x1x1x16xf32>
        tpu.vector_store %arg5[%parallel_loop3A_744, %parallel_loop3A_745, %parallel_loop3A_746, %parallel_loop3A_747], %parallel_loop3A_750 {add = true, strides = array<i32>} : memref<3x4x8x1024xf32, #tpu.memory_space<vmem>>, vector<1x1x1x16xf32>,
        %parallel_loop3A_751 = arith.constant 3 : i32
        %parallel_loop3A_752 = arith.index_cast %select_n3A_138 : i32 to index
        %parallel_loop3A_753 = arith.index_cast %parallel_loop3A_751 : i32 to index
        %parallel_loop3A_754 = arith.index_cast %parallel_loop3A_198 : i32 to index
        %parallel_loop3A_755 = arith.constant 224 : index
        %parallel_loop3A_756 = tpu.vector_load %arg5[%parallel_loop3A_752, %parallel_loop3A_753, %parallel_loop3A_754, %parallel_loop3A_755] {strides = array<i32>} : memref<3x4x8x1024xf32, #tpu.memory_space<vmem>>, vector<1x1x1x16xf32>,
        %parallel_loop3A_757 = vector.shape_cast %parallel_loop3A_756 : vector<1x1x1x16xf32> to vector<16xf32>
        %parallel_loop3A_758 = vector.shape_cast %parallel_loop3A_529 : vector<16xf32> to vector<1x1x1x16xf32>
        tpu.vector_store %arg5[%parallel_loop3A_752, %parallel_loop3A_753, %parallel_loop3A_754, %parallel_loop3A_755], %parallel_loop3A_758 {add = true, strides = array<i32>} : memref<3x4x8x1024xf32, #tpu.memory_space<vmem>>, vector<1x1x1x16xf32>,
        %parallel_loop3A_759 = arith.constant 0 : i32
        %parallel_loop3A_760 = arith.index_cast %select_n3A_138 : i32 to index
        %parallel_loop3A_761 = arith.index_cast %parallel_loop3A_759 : i32 to index
        %parallel_loop3A_762 = arith.index_cast %parallel_loop3A_198 : i32 to index
        %parallel_loop3A_763 = arith.constant 240 : index
        %parallel_loop3A_764 = tpu.vector_load %arg5[%parallel_loop3A_760, %parallel_loop3A_761, %parallel_loop3A_762, %parallel_loop3A_763] {strides = array<i32>} : memref<3x4x8x1024xf32, #tpu.memory_space<vmem>>, vector<1x1x1x16xf32>,
        %parallel_loop3A_765 = vector.shape_cast %parallel_loop3A_764 : vector<1x1x1x16xf32> to vector<16xf32>
        %parallel_loop3A_766 = vector.shape_cast %parallel_loop3A_534 : vector<16xf32> to vector<1x1x1x16xf32>
        tpu.vector_store %arg5[%parallel_loop3A_760, %parallel_loop3A_761, %parallel_loop3A_762, %parallel_loop3A_763], %parallel_loop3A_766 {add = true, strides = array<i32>} : memref<3x4x8x1024xf32, #tpu.memory_space<vmem>>, vector<1x1x1x16xf32>,
        %parallel_loop3A_767 = arith.constant 1 : i32
        %parallel_loop3A_768 = arith.index_cast %select_n3A_138 : i32 to index
        %parallel_loop3A_769 = arith.index_cast %parallel_loop3A_767 : i32 to index
        %parallel_loop3A_770 = arith.index_cast %parallel_loop3A_198 : i32 to index
        %parallel_loop3A_771 = arith.constant 240 : index
        %parallel_loop3A_772 = tpu.vector_load %arg5[%parallel_loop3A_768, %parallel_loop3A_769, %parallel_loop3A_770, %parallel_loop3A_771] {strides = array<i32>} : memref<3x4x8x1024xf32, #tpu.memory_space<vmem>>, vector<1x1x1x16xf32>,
        %parallel_loop3A_773 = vector.shape_cast %parallel_loop3A_772 : vector<1x1x1x16xf32> to vector<16xf32>
        %parallel_loop3A_774 = vector.shape_cast %parallel_loop3A_534 : vector<16xf32> to vector<1x1x1x16xf32>
        tpu.vector_store %arg5[%parallel_loop3A_768, %parallel_loop3A_769, %parallel_loop3A_770, %parallel_loop3A_771], %parallel_loop3A_774 {add = true, strides = array<i32>} : memref<3x4x8x1024xf32, #tpu.memory_space<vmem>>, vector<1x1x1x16xf32>,
        %parallel_loop3A_775 = arith.constant 2 : i32
        %parallel_loop3A_776 = arith.index_cast %select_n3A_138 : i32 to index
        %parallel_loop3A_777 = arith.index_cast %parallel_loop3A_775 : i32 to index
        %parallel_loop3A_778 = arith.index_cast %parallel_loop3A_198 : i32 to index
        %parallel_loop3A_779 = arith.constant 240 : index
        %parallel_loop3A_780 = tpu.vector_load %arg5[%parallel_loop3A_776, %parallel_loop3A_777, %parallel_loop3A_778, %parallel_loop3A_779] {strides = array<i32>} : memref<3x4x8x1024xf32, #tpu.memory_space<vmem>>, vector<1x1x1x16xf32>,
        %parallel_loop3A_781 = vector.shape_cast %parallel_loop3A_780 : vector<1x1x1x16xf32> to vector<16xf32>
        %parallel_loop3A_782 = vector.shape_cast %parallel_loop3A_534 : vector<16xf32> to vector<1x1x1x16xf32>
        tpu.vector_store %arg5[%parallel_loop3A_776, %parallel_loop3A_777, %parallel_loop3A_778, %parallel_loop3A_779], %parallel_loop3A_782 {add = true, strides = array<i32>} : memref<3x4x8x1024xf32, #tpu.memory_space<vmem>>, vector<1x1x1x16xf32>,
        %parallel_loop3A_783 = arith.constant 3 : i32
        %parallel_loop3A_784 = arith.index_cast %select_n3A_138 : i32 to index
        %parallel_loop3A_785 = arith.index_cast %parallel_loop3A_783 : i32 to index
        %parallel_loop3A_786 = arith.index_cast %parallel_loop3A_198 : i32 to index
        %parallel_loop3A_787 = arith.constant 240 : index
        %parallel_loop3A_788 = tpu.vector_load %arg5[%parallel_loop3A_784, %parallel_loop3A_785, %parallel_loop3A_786, %parallel_loop3A_787] {strides = array<i32>} : memref<3x4x8x1024xf32, #tpu.memory_space<vmem>>, vector<1x1x1x16xf32>,
        %parallel_loop3A_789 = vector.shape_cast %parallel_loop3A_788 : vector<1x1x1x16xf32> to vector<16xf32>
        %parallel_loop3A_790 = vector.shape_cast %parallel_loop3A_534 : vector<16xf32> to vector<1x1x1x16xf32>
        tpu.vector_store %arg5[%parallel_loop3A_784, %parallel_loop3A_785, %parallel_loop3A_786, %parallel_loop3A_787], %parallel_loop3A_790 {add = true, strides = array<i32>} : memref<3x4x8x1024xf32, #tpu.memory_space<vmem>>, vector<1x1x1x16xf32>,
        %parallel_loop3A_791 = arith.index_cast %select_n3A_138 : i32 to index
        %parallel_loop3A_792 = arith.index_cast %parallel_loop3A_198 : i32 to index
        %parallel_loop3A_793 = arith.constant 256 : index
        %parallel_loop3A_794 = tpu.vector_load %arg6[%parallel_loop3A_791, %parallel_loop3A_792, %parallel_loop3A_793] {strides = array<i32>} : memref<3x8x1024xf32, #tpu.memory_space<vmem>>, vector<1x1x16xf32>,
        %parallel_loop3A_795 = vector.shape_cast %parallel_loop3A_794 : vector<1x1x16xf32> to vector<16xf32>
        %parallel_loop3A_796 = arith.index_cast %select_n3A_138 : i32 to index
        %parallel_loop3A_797 = arith.index_cast %parallel_loop3A_198 : i32 to index
        %parallel_loop3A_798 = arith.constant 272 : index
        %parallel_loop3A_799 = tpu.vector_load %arg6[%parallel_loop3A_796, %parallel_loop3A_797, %parallel_loop3A_798] {strides = array<i32>} : memref<3x8x1024xf32, #tpu.memory_space<vmem>>, vector<1x1x16xf32>,
        %parallel_loop3A_800 = vector.shape_cast %parallel_loop3A_799 : vector<1x1x16xf32> to vector<16xf32>
        %parallel_loop3A_801 = arith.index_cast %select_n3A_138 : i32 to index
        %parallel_loop3A_802 = arith.index_cast %parallel_loop3A_198 : i32 to index
        %parallel_loop3A_803 = arith.constant 288 : index
        %parallel_loop3A_804 = tpu.vector_load %arg6[%parallel_loop3A_801, %parallel_loop3A_802, %parallel_loop3A_803] {strides = array<i32>} : memref<3x8x1024xf32, #tpu.memory_space<vmem>>, vector<1x1x16xf32>,
        %parallel_loop3A_805 = vector.shape_cast %parallel_loop3A_804 : vector<1x1x16xf32> to vector<16xf32>
        %parallel_loop3A_806 = arith.index_cast %select_n3A_138 : i32 to index
        %parallel_loop3A_807 = arith.index_cast %parallel_loop3A_198 : i32 to index
        %parallel_loop3A_808 = arith.constant 304 : index
        %parallel_loop3A_809 = tpu.vector_load %arg6[%parallel_loop3A_806, %parallel_loop3A_807, %parallel_loop3A_808] {strides = array<i32>} : memref<3x8x1024xf32, #tpu.memory_space<vmem>>, vector<1x1x16xf32>,
        %parallel_loop3A_810 = vector.shape_cast %parallel_loop3A_809 : vector<1x1x16xf32> to vector<16xf32>
        %parallel_loop3A_811 = arith.index_cast %select_n3A_138 : i32 to index
        %parallel_loop3A_812 = arith.index_cast %parallel_loop3A_198 : i32 to index
        %parallel_loop3A_813 = arith.constant 320 : index
        %parallel_loop3A_814 = tpu.vector_load %arg6[%parallel_loop3A_811, %parallel_loop3A_812, %parallel_loop3A_813] {strides = array<i32>} : memref<3x8x1024xf32, #tpu.memory_space<vmem>>, vector<1x1x16xf32>,
        %parallel_loop3A_815 = vector.shape_cast %parallel_loop3A_814 : vector<1x1x16xf32> to vector<16xf32>
        %parallel_loop3A_816 = arith.index_cast %select_n3A_138 : i32 to index
        %parallel_loop3A_817 = arith.index_cast %parallel_loop3A_198 : i32 to index
        %parallel_loop3A_818 = arith.constant 336 : index
        %parallel_loop3A_819 = tpu.vector_load %arg6[%parallel_loop3A_816, %parallel_loop3A_817, %parallel_loop3A_818] {strides = array<i32>} : memref<3x8x1024xf32, #tpu.memory_space<vmem>>, vector<1x1x16xf32>,
        %parallel_loop3A_820 = vector.shape_cast %parallel_loop3A_819 : vector<1x1x16xf32> to vector<16xf32>
        %parallel_loop3A_821 = arith.index_cast %select_n3A_138 : i32 to index
        %parallel_loop3A_822 = arith.index_cast %parallel_loop3A_198 : i32 to index
        %parallel_loop3A_823 = arith.constant 352 : index
        %parallel_loop3A_824 = tpu.vector_load %arg6[%parallel_loop3A_821, %parallel_loop3A_822, %parallel_loop3A_823] {strides = array<i32>} : memref<3x8x1024xf32, #tpu.memory_space<vmem>>, vector<1x1x16xf32>,
        %parallel_loop3A_825 = vector.shape_cast %parallel_loop3A_824 : vector<1x1x16xf32> to vector<16xf32>
        %parallel_loop3A_826 = arith.index_cast %select_n3A_138 : i32 to index
        %parallel_loop3A_827 = arith.index_cast %parallel_loop3A_198 : i32 to index
        %parallel_loop3A_828 = arith.constant 368 : index
        %parallel_loop3A_829 = tpu.vector_load %arg6[%parallel_loop3A_826, %parallel_loop3A_827, %parallel_loop3A_828] {strides = array<i32>} : memref<3x8x1024xf32, #tpu.memory_space<vmem>>, vector<1x1x16xf32>,
        %parallel_loop3A_830 = vector.shape_cast %parallel_loop3A_829 : vector<1x1x16xf32> to vector<16xf32>
        %parallel_loop3A_831 = arith.constant 0 : i32
        %parallel_loop3A_832 = arith.index_cast %select_n3A_138 : i32 to index
        %parallel_loop3A_833 = arith.index_cast %parallel_loop3A_831 : i32 to index
        %parallel_loop3A_834 = arith.index_cast %parallel_loop3A_198 : i32 to index
        %parallel_loop3A_835 = arith.constant 256 : index
        %parallel_loop3A_836 = tpu.vector_load %arg5[%parallel_loop3A_832, %parallel_loop3A_833, %parallel_loop3A_834, %parallel_loop3A_835] {strides = array<i32>} : memref<3x4x8x1024xf32, #tpu.memory_space<vmem>>, vector<1x1x1x16xf32>,
        %parallel_loop3A_837 = vector.shape_cast %parallel_loop3A_836 : vector<1x1x1x16xf32> to vector<16xf32>
        %parallel_loop3A_838 = vector.shape_cast %parallel_loop3A_795 : vector<16xf32> to vector<1x1x1x16xf32>
        tpu.vector_store %arg5[%parallel_loop3A_832, %parallel_loop3A_833, %parallel_loop3A_834, %parallel_loop3A_835], %parallel_loop3A_838 {add = true, strides = array<i32>} : memref<3x4x8x1024xf32, #tpu.memory_space<vmem>>, vector<1x1x1x16xf32>,
        %parallel_loop3A_839 = arith.constant 1 : i32
        %parallel_loop3A_840 = arith.index_cast %select_n3A_138 : i32 to index
        %parallel_loop3A_841 = arith.index_cast %parallel_loop3A_839 : i32 to index
        %parallel_loop3A_842 = arith.index_cast %parallel_loop3A_198 : i32 to index
        %parallel_loop3A_843 = arith.constant 256 : index
        %parallel_loop3A_844 = tpu.vector_load %arg5[%parallel_loop3A_840, %parallel_loop3A_841, %parallel_loop3A_842, %parallel_loop3A_843] {strides = array<i32>} : memref<3x4x8x1024xf32, #tpu.memory_space<vmem>>, vector<1x1x1x16xf32>,
        %parallel_loop3A_845 = vector.shape_cast %parallel_loop3A_844 : vector<1x1x1x16xf32> to vector<16xf32>
        %parallel_loop3A_846 = vector.shape_cast %parallel_loop3A_795 : vector<16xf32> to vector<1x1x1x16xf32>
        tpu.vector_store %arg5[%parallel_loop3A_840, %parallel_loop3A_841, %parallel_loop3A_842, %parallel_loop3A_843], %parallel_loop3A_846 {add = true, strides = array<i32>} : memref<3x4x8x1024xf32, #tpu.memory_space<vmem>>, vector<1x1x1x16xf32>,
        %parallel_loop3A_847 = arith.constant 2 : i32
        %parallel_loop3A_848 = arith.index_cast %select_n3A_138 : i32 to index
        %parallel_loop3A_849 = arith.index_cast %parallel_loop3A_847 : i32 to index
        %parallel_loop3A_850 = arith.index_cast %parallel_loop3A_198 : i32 to index
        %parallel_loop3A_851 = arith.constant 256 : index
        %parallel_loop3A_852 = tpu.vector_load %arg5[%parallel_loop3A_848, %parallel_loop3A_849, %parallel_loop3A_850, %parallel_loop3A_851] {strides = array<i32>} : memref<3x4x8x1024xf32, #tpu.memory_space<vmem>>, vector<1x1x1x16xf32>,
        %parallel_loop3A_853 = vector.shape_cast %parallel_loop3A_852 : vector<1x1x1x16xf32> to vector<16xf32>
        %parallel_loop3A_854 = vector.shape_cast %parallel_loop3A_795 : vector<16xf32> to vector<1x1x1x16xf32>
        tpu.vector_store %arg5[%parallel_loop3A_848, %parallel_loop3A_849, %parallel_loop3A_850, %parallel_loop3A_851], %parallel_loop3A_854 {add = true, strides = array<i32>} : memref<3x4x8x1024xf32, #tpu.memory_space<vmem>>, vector<1x1x1x16xf32>,
        %parallel_loop3A_855 = arith.constant 3 : i32
        %parallel_loop3A_856 = arith.index_cast %select_n3A_138 : i32 to index
        %parallel_loop3A_857 = arith.index_cast %parallel_loop3A_855 : i32 to index
        %parallel_loop3A_858 = arith.index_cast %parallel_loop3A_198 : i32 to index
        %parallel_loop3A_859 = arith.constant 256 : index
        %parallel_loop3A_860 = tpu.vector_load %arg5[%parallel_loop3A_856, %parallel_loop3A_857, %parallel_loop3A_858, %parallel_loop3A_859] {strides = array<i32>} : memref<3x4x8x1024xf32, #tpu.memory_space<vmem>>, vector<1x1x1x16xf32>,
        %parallel_loop3A_861 = vector.shape_cast %parallel_loop3A_860 : vector<1x1x1x16xf32> to vector<16xf32>
        %parallel_loop3A_862 = vector.shape_cast %parallel_loop3A_795 : vector<16xf32> to vector<1x1x1x16xf32>
        tpu.vector_store %arg5[%parallel_loop3A_856, %parallel_loop3A_857, %parallel_loop3A_858, %parallel_loop3A_859], %parallel_loop3A_862 {add = true, strides = array<i32>} : memref<3x4x8x1024xf32, #tpu.memory_space<vmem>>, vector<1x1x1x16xf32>,
        %parallel_loop3A_863 = arith.constant 0 : i32
        %parallel_loop3A_864 = arith.index_cast %select_n3A_138 : i32 to index
        %parallel_loop3A_865 = arith.index_cast %parallel_loop3A_863 : i32 to index
        %parallel_loop3A_866 = arith.index_cast %parallel_loop3A_198 : i32 to index
        %parallel_loop3A_867 = arith.constant 272 : index
        %parallel_loop3A_868 = tpu.vector_load %arg5[%parallel_loop3A_864, %parallel_loop3A_865, %parallel_loop3A_866, %parallel_loop3A_867] {strides = array<i32>} : memref<3x4x8x1024xf32, #tpu.memory_space<vmem>>, vector<1x1x1x16xf32>,
        %parallel_loop3A_869 = vector.shape_cast %parallel_loop3A_868 : vector<1x1x1x16xf32> to vector<16xf32>
        %parallel_loop3A_870 = vector.shape_cast %parallel_loop3A_800 : vector<16xf32> to vector<1x1x1x16xf32>
        tpu.vector_store %arg5[%parallel_loop3A_864, %parallel_loop3A_865, %parallel_loop3A_866, %parallel_loop3A_867], %parallel_loop3A_870 {add = true, strides = array<i32>} : memref<3x4x8x1024xf32, #tpu.memory_space<vmem>>, vector<1x1x1x16xf32>,
        %parallel_loop3A_871 = arith.constant 1 : i32
        %parallel_loop3A_872 = arith.index_cast %select_n3A_138 : i32 to index
        %parallel_loop3A_873 = arith.index_cast %parallel_loop3A_871 : i32 to index
        %parallel_loop3A_874 = arith.index_cast %parallel_loop3A_198 : i32 to index
        %parallel_loop3A_875 = arith.constant 272 : index
        %parallel_loop3A_876 = tpu.vector_load %arg5[%parallel_loop3A_872, %parallel_loop3A_873, %parallel_loop3A_874, %parallel_loop3A_875] {strides = array<i32>} : memref<3x4x8x1024xf32, #tpu.memory_space<vmem>>, vector<1x1x1x16xf32>,
        %parallel_loop3A_877 = vector.shape_cast %parallel_loop3A_876 : vector<1x1x1x16xf32> to vector<16xf32>
        %parallel_loop3A_878 = vector.shape_cast %parallel_loop3A_800 : vector<16xf32> to vector<1x1x1x16xf32>
        tpu.vector_store %arg5[%parallel_loop3A_872, %parallel_loop3A_873, %parallel_loop3A_874, %parallel_loop3A_875], %parallel_loop3A_878 {add = true, strides = array<i32>} : memref<3x4x8x1024xf32, #tpu.memory_space<vmem>>, vector<1x1x1x16xf32>,
        %parallel_loop3A_879 = arith.constant 2 : i32
        %parallel_loop3A_880 = arith.index_cast %select_n3A_138 : i32 to index
        %parallel_loop3A_881 = arith.index_cast %parallel_loop3A_879 : i32 to index
        %parallel_loop3A_882 = arith.index_cast %parallel_loop3A_198 : i32 to index
        %parallel_loop3A_883 = arith.constant 272 : index
        %parallel_loop3A_884 = tpu.vector_load %arg5[%parallel_loop3A_880, %parallel_loop3A_881, %parallel_loop3A_882, %parallel_loop3A_883] {strides = array<i32>} : memref<3x4x8x1024xf32, #tpu.memory_space<vmem>>, vector<1x1x1x16xf32>,
        %parallel_loop3A_885 = vector.shape_cast %parallel_loop3A_884 : vector<1x1x1x16xf32> to vector<16xf32>
        %parallel_loop3A_886 = vector.shape_cast %parallel_loop3A_800 : vector<16xf32> to vector<1x1x1x16xf32>
        tpu.vector_store %arg5[%parallel_loop3A_880, %parallel_loop3A_881, %parallel_loop3A_882, %parallel_loop3A_883], %parallel_loop3A_886 {add = true, strides = array<i32>} : memref<3x4x8x1024xf32, #tpu.memory_space<vmem>>, vector<1x1x1x16xf32>,
        %parallel_loop3A_887 = arith.constant 3 : i32
        %parallel_loop3A_888 = arith.index_cast %select_n3A_138 : i32 to index
        %parallel_loop3A_889 = arith.index_cast %parallel_loop3A_887 : i32 to index
        %parallel_loop3A_890 = arith.index_cast %parallel_loop3A_198 : i32 to index
        %parallel_loop3A_891 = arith.constant 272 : index
        %parallel_loop3A_892 = tpu.vector_load %arg5[%parallel_loop3A_888, %parallel_loop3A_889, %parallel_loop3A_890, %parallel_loop3A_891] {strides = array<i32>} : memref<3x4x8x1024xf32, #tpu.memory_space<vmem>>, vector<1x1x1x16xf32>,
        %parallel_loop3A_893 = vector.shape_cast %parallel_loop3A_892 : vector<1x1x1x16xf32> to vector<16xf32>
        %parallel_loop3A_894 = vector.shape_cast %parallel_loop3A_800 : vector<16xf32> to vector<1x1x1x16xf32>
        tpu.vector_store %arg5[%parallel_loop3A_888, %parallel_loop3A_889, %parallel_loop3A_890, %parallel_loop3A_891], %parallel_loop3A_894 {add = true, strides = array<i32>} : memref<3x4x8x1024xf32, #tpu.memory_space<vmem>>, vector<1x1x1x16xf32>,
        %parallel_loop3A_895 = arith.constant 0 : i32
        %parallel_loop3A_896 = arith.index_cast %select_n3A_138 : i32 to index
        %parallel_loop3A_897 = arith.index_cast %parallel_loop3A_895 : i32 to index
        %parallel_loop3A_898 = arith.index_cast %parallel_loop3A_198 : i32 to index
        %parallel_loop3A_899 = arith.constant 288 : index
        %parallel_loop3A_900 = tpu.vector_load %arg5[%parallel_loop3A_896, %parallel_loop3A_897, %parallel_loop3A_898, %parallel_loop3A_899] {strides = array<i32>} : memref<3x4x8x1024xf32, #tpu.memory_space<vmem>>, vector<1x1x1x16xf32>,
        %parallel_loop3A_901 = vector.shape_cast %parallel_loop3A_900 : vector<1x1x1x16xf32> to vector<16xf32>
        %parallel_loop3A_902 = vector.shape_cast %parallel_loop3A_805 : vector<16xf32> to vector<1x1x1x16xf32>
        tpu.vector_store %arg5[%parallel_loop3A_896, %parallel_loop3A_897, %parallel_loop3A_898, %parallel_loop3A_899], %parallel_loop3A_902 {add = true, strides = array<i32>} : memref<3x4x8x1024xf32, #tpu.memory_space<vmem>>, vector<1x1x1x16xf32>,
        %parallel_loop3A_903 = arith.constant 1 : i32
        %parallel_loop3A_904 = arith.index_cast %select_n3A_138 : i32 to index
        %parallel_loop3A_905 = arith.index_cast %parallel_loop3A_903 : i32 to index
        %parallel_loop3A_906 = arith.index_cast %parallel_loop3A_198 : i32 to index
        %parallel_loop3A_907 = arith.constant 288 : index
        %parallel_loop3A_908 = tpu.vector_load %arg5[%parallel_loop3A_904, %parallel_loop3A_905, %parallel_loop3A_906, %parallel_loop3A_907] {strides = array<i32>} : memref<3x4x8x1024xf32, #tpu.memory_space<vmem>>, vector<1x1x1x16xf32>,
        %parallel_loop3A_909 = vector.shape_cast %parallel_loop3A_908 : vector<1x1x1x16xf32> to vector<16xf32>
        %parallel_loop3A_910 = vector.shape_cast %parallel_loop3A_805 : vector<16xf32> to vector<1x1x1x16xf32>
        tpu.vector_store %arg5[%parallel_loop3A_904, %parallel_loop3A_905, %parallel_loop3A_906, %parallel_loop3A_907], %parallel_loop3A_910 {add = true, strides = array<i32>} : memref<3x4x8x1024xf32, #tpu.memory_space<vmem>>, vector<1x1x1x16xf32>,
        %parallel_loop3A_911 = arith.constant 2 : i32
        %parallel_loop3A_912 = arith.index_cast %select_n3A_138 : i32 to index
        %parallel_loop3A_913 = arith.index_cast %parallel_loop3A_911 : i32 to index
        %parallel_loop3A_914 = arith.index_cast %parallel_loop3A_198 : i32 to index
        %parallel_loop3A_915 = arith.constant 288 : index
        %parallel_loop3A_916 = tpu.vector_load %arg5[%parallel_loop3A_912, %parallel_loop3A_913, %parallel_loop3A_914, %parallel_loop3A_915] {strides = array<i32>} : memref<3x4x8x1024xf32, #tpu.memory_space<vmem>>, vector<1x1x1x16xf32>,
        %parallel_loop3A_917 = vector.shape_cast %parallel_loop3A_916 : vector<1x1x1x16xf32> to vector<16xf32>
        %parallel_loop3A_918 = vector.shape_cast %parallel_loop3A_805 : vector<16xf32> to vector<1x1x1x16xf32>
        tpu.vector_store %arg5[%parallel_loop3A_912, %parallel_loop3A_913, %parallel_loop3A_914, %parallel_loop3A_915], %parallel_loop3A_918 {add = true, strides = array<i32>} : memref<3x4x8x1024xf32, #tpu.memory_space<vmem>>, vector<1x1x1x16xf32>,
        %parallel_loop3A_919 = arith.constant 3 : i32
        %parallel_loop3A_920 = arith.index_cast %select_n3A_138 : i32 to index
        %parallel_loop3A_921 = arith.index_cast %parallel_loop3A_919 : i32 to index
        %parallel_loop3A_922 = arith.index_cast %parallel_loop3A_198 : i32 to index
        %parallel_loop3A_923 = arith.constant 288 : index
        %parallel_loop3A_924 = tpu.vector_load %arg5[%parallel_loop3A_920, %parallel_loop3A_921, %parallel_loop3A_922, %parallel_loop3A_923] {strides = array<i32>} : memref<3x4x8x1024xf32, #tpu.memory_space<vmem>>, vector<1x1x1x16xf32>,
        %parallel_loop3A_925 = vector.shape_cast %parallel_loop3A_924 : vector<1x1x1x16xf32> to vector<16xf32>
        %parallel_loop3A_926 = vector.shape_cast %parallel_loop3A_805 : vector<16xf32> to vector<1x1x1x16xf32>
        tpu.vector_store %arg5[%parallel_loop3A_920, %parallel_loop3A_921, %parallel_loop3A_922, %parallel_loop3A_923], %parallel_loop3A_926 {add = true, strides = array<i32>} : memref<3x4x8x1024xf32, #tpu.memory_space<vmem>>, vector<1x1x1x16xf32>,
        %parallel_loop3A_927 = arith.constant 0 : i32
        %parallel_loop3A_928 = arith.index_cast %select_n3A_138 : i32 to index
        %parallel_loop3A_929 = arith.index_cast %parallel_loop3A_927 : i32 to index
        %parallel_loop3A_930 = arith.index_cast %parallel_loop3A_198 : i32 to index
        %parallel_loop3A_931 = arith.constant 304 : index
        %parallel_loop3A_932 = tpu.vector_load %arg5[%parallel_loop3A_928, %parallel_loop3A_929, %parallel_loop3A_930, %parallel_loop3A_931] {strides = array<i32>} : memref<3x4x8x1024xf32, #tpu.memory_space<vmem>>, vector<1x1x1x16xf32>,
        %parallel_loop3A_933 = vector.shape_cast %parallel_loop3A_932 : vector<1x1x1x16xf32> to vector<16xf32>
        %parallel_loop3A_934 = vector.shape_cast %parallel_loop3A_810 : vector<16xf32> to vector<1x1x1x16xf32>
        tpu.vector_store %arg5[%parallel_loop3A_928, %parallel_loop3A_929, %parallel_loop3A_930, %parallel_loop3A_931], %parallel_loop3A_934 {add = true, strides = array<i32>} : memref<3x4x8x1024xf32, #tpu.memory_space<vmem>>, vector<1x1x1x16xf32>,
        %parallel_loop3A_935 = arith.constant 1 : i32
        %parallel_loop3A_936 = arith.index_cast %select_n3A_138 : i32 to index
        %parallel_loop3A_937 = arith.index_cast %parallel_loop3A_935 : i32 to index
        %parallel_loop3A_938 = arith.index_cast %parallel_loop3A_198 : i32 to index
        %parallel_loop3A_939 = arith.constant 304 : index
        %parallel_loop3A_940 = tpu.vector_load %arg5[%parallel_loop3A_936, %parallel_loop3A_937, %parallel_loop3A_938, %parallel_loop3A_939] {strides = array<i32>} : memref<3x4x8x1024xf32, #tpu.memory_space<vmem>>, vector<1x1x1x16xf32>,
        %parallel_loop3A_941 = vector.shape_cast %parallel_loop3A_940 : vector<1x1x1x16xf32> to vector<16xf32>
        %parallel_loop3A_942 = vector.shape_cast %parallel_loop3A_810 : vector<16xf32> to vector<1x1x1x16xf32>
        tpu.vector_store %arg5[%parallel_loop3A_936, %parallel_loop3A_937, %parallel_loop3A_938, %parallel_loop3A_939], %parallel_loop3A_942 {add = true, strides = array<i32>} : memref<3x4x8x1024xf32, #tpu.memory_space<vmem>>, vector<1x1x1x16xf32>,
        %parallel_loop3A_943 = arith.constant 2 : i32
        %parallel_loop3A_944 = arith.index_cast %select_n3A_138 : i32 to index
        %parallel_loop3A_945 = arith.index_cast %parallel_loop3A_943 : i32 to index
        %parallel_loop3A_946 = arith.index_cast %parallel_loop3A_198 : i32 to index
        %parallel_loop3A_947 = arith.constant 304 : index
        %parallel_loop3A_948 = tpu.vector_load %arg5[%parallel_loop3A_944, %parallel_loop3A_945, %parallel_loop3A_946, %parallel_loop3A_947] {strides = array<i32>} : memref<3x4x8x1024xf32, #tpu.memory_space<vmem>>, vector<1x1x1x16xf32>,
        %parallel_loop3A_949 = vector.shape_cast %parallel_loop3A_948 : vector<1x1x1x16xf32> to vector<16xf32>
        %parallel_loop3A_950 = vector.shape_cast %parallel_loop3A_810 : vector<16xf32> to vector<1x1x1x16xf32>
        tpu.vector_store %arg5[%parallel_loop3A_944, %parallel_loop3A_945, %parallel_loop3A_946, %parallel_loop3A_947], %parallel_loop3A_950 {add = true, strides = array<i32>} : memref<3x4x8x1024xf32, #tpu.memory_space<vmem>>, vector<1x1x1x16xf32>,
        %parallel_loop3A_951 = arith.constant 3 : i32
        %parallel_loop3A_952 = arith.index_cast %select_n3A_138 : i32 to index
        %parallel_loop3A_953 = arith.index_cast %parallel_loop3A_951 : i32 to index
        %parallel_loop3A_954 = arith.index_cast %parallel_loop3A_198 : i32 to index
        %parallel_loop3A_955 = arith.constant 304 : index
        %parallel_loop3A_956 = tpu.vector_load %arg5[%parallel_loop3A_952, %parallel_loop3A_953, %parallel_loop3A_954, %parallel_loop3A_955] {strides = array<i32>} : memref<3x4x8x1024xf32, #tpu.memory_space<vmem>>, vector<1x1x1x16xf32>,
        %parallel_loop3A_957 = vector.shape_cast %parallel_loop3A_956 : vector<1x1x1x16xf32> to vector<16xf32>
        %parallel_loop3A_958 = vector.shape_cast %parallel_loop3A_810 : vector<16xf32> to vector<1x1x1x16xf32>
        tpu.vector_store %arg5[%parallel_loop3A_952, %parallel_loop3A_953, %parallel_loop3A_954, %parallel_loop3A_955], %parallel_loop3A_958 {add = true, strides = array<i32>} : memref<3x4x8x1024xf32, #tpu.memory_space<vmem>>, vector<1x1x1x16xf32>,
        %parallel_loop3A_959 = arith.constant 0 : i32
        %parallel_loop3A_960 = arith.index_cast %select_n3A_138 : i32 to index
        %parallel_loop3A_961 = arith.index_cast %parallel_loop3A_959 : i32 to index
        %parallel_loop3A_962 = arith.index_cast %parallel_loop3A_198 : i32 to index
        %parallel_loop3A_963 = arith.constant 320 : index
        %parallel_loop3A_964 = tpu.vector_load %arg5[%parallel_loop3A_960, %parallel_loop3A_961, %parallel_loop3A_962, %parallel_loop3A_963] {strides = array<i32>} : memref<3x4x8x1024xf32, #tpu.memory_space<vmem>>, vector<1x1x1x16xf32>,
        %parallel_loop3A_965 = vector.shape_cast %parallel_loop3A_964 : vector<1x1x1x16xf32> to vector<16xf32>
        %parallel_loop3A_966 = vector.shape_cast %parallel_loop3A_815 : vector<16xf32> to vector<1x1x1x16xf32>
        tpu.vector_store %arg5[%parallel_loop3A_960, %parallel_loop3A_961, %parallel_loop3A_962, %parallel_loop3A_963], %parallel_loop3A_966 {add = true, strides = array<i32>} : memref<3x4x8x1024xf32, #tpu.memory_space<vmem>>, vector<1x1x1x16xf32>,
        %parallel_loop3A_967 = arith.constant 1 : i32
        %parallel_loop3A_968 = arith.index_cast %select_n3A_138 : i32 to index
        %parallel_loop3A_969 = arith.index_cast %parallel_loop3A_967 : i32 to index
        %parallel_loop3A_970 = arith.index_cast %parallel_loop3A_198 : i32 to index
        %parallel_loop3A_971 = arith.constant 320 : index
        %parallel_loop3A_972 = tpu.vector_load %arg5[%parallel_loop3A_968, %parallel_loop3A_969, %parallel_loop3A_970, %parallel_loop3A_971] {strides = array<i32>} : memref<3x4x8x1024xf32, #tpu.memory_space<vmem>>, vector<1x1x1x16xf32>,
        %parallel_loop3A_973 = vector.shape_cast %parallel_loop3A_972 : vector<1x1x1x16xf32> to vector<16xf32>
        %parallel_loop3A_974 = vector.shape_cast %parallel_loop3A_815 : vector<16xf32> to vector<1x1x1x16xf32>
        tpu.vector_store %arg5[%parallel_loop3A_968, %parallel_loop3A_969, %parallel_loop3A_970, %parallel_loop3A_971], %parallel_loop3A_974 {add = true, strides = array<i32>} : memref<3x4x8x1024xf32, #tpu.memory_space<vmem>>, vector<1x1x1x16xf32>,
        %parallel_loop3A_975 = arith.constant 2 : i32
        %parallel_loop3A_976 = arith.index_cast %select_n3A_138 : i32 to index
        %parallel_loop3A_977 = arith.index_cast %parallel_loop3A_975 : i32 to index
        %parallel_loop3A_978 = arith.index_cast %parallel_loop3A_198 : i32 to index
        %parallel_loop3A_979 = arith.constant 320 : index
        %parallel_loop3A_980 = tpu.vector_load %arg5[%parallel_loop3A_976, %parallel_loop3A_977, %parallel_loop3A_978, %parallel_loop3A_979] {strides = array<i32>} : memref<3x4x8x1024xf32, #tpu.memory_space<vmem>>, vector<1x1x1x16xf32>,
        %parallel_loop3A_981 = vector.shape_cast %parallel_loop3A_980 : vector<1x1x1x16xf32> to vector<16xf32>
        %parallel_loop3A_982 = vector.shape_cast %parallel_loop3A_815 : vector<16xf32> to vector<1x1x1x16xf32>
        tpu.vector_store %arg5[%parallel_loop3A_976, %parallel_loop3A_977, %parallel_loop3A_978, %parallel_loop3A_979], %parallel_loop3A_982 {add = true, strides = array<i32>} : memref<3x4x8x1024xf32, #tpu.memory_space<vmem>>, vector<1x1x1x16xf32>,
        %parallel_loop3A_983 = arith.constant 3 : i32
        %parallel_loop3A_984 = arith.index_cast %select_n3A_138 : i32 to index
        %parallel_loop3A_985 = arith.index_cast %parallel_loop3A_983 : i32 to index
        %parallel_loop3A_986 = arith.index_cast %parallel_loop3A_198 : i32 to index
        %parallel_loop3A_987 = arith.constant 320 : index
        %parallel_loop3A_988 = tpu.vector_load %arg5[%parallel_loop3A_984, %parallel_loop3A_985, %parallel_loop3A_986, %parallel_loop3A_987] {strides = array<i32>} : memref<3x4x8x1024xf32, #tpu.memory_space<vmem>>, vector<1x1x1x16xf32>,
        %parallel_loop3A_989 = vector.shape_cast %parallel_loop3A_988 : vector<1x1x1x16xf32> to vector<16xf32>
        %parallel_loop3A_990 = vector.shape_cast %parallel_loop3A_815 : vector<16xf32> to vector<1x1x1x16xf32>
        tpu.vector_store %arg5[%parallel_loop3A_984, %parallel_loop3A_985, %parallel_loop3A_986, %parallel_loop3A_987], %parallel_loop3A_990 {add = true, strides = array<i32>} : memref<3x4x8x1024xf32, #tpu.memory_space<vmem>>, vector<1x1x1x16xf32>,
        %parallel_loop3A_991 = arith.constant 0 : i32
        %parallel_loop3A_992 = arith.index_cast %select_n3A_138 : i32 to index
        %parallel_loop3A_993 = arith.index_cast %parallel_loop3A_991 : i32 to index
        %parallel_loop3A_994 = arith.index_cast %parallel_loop3A_198 : i32 to index
        %parallel_loop3A_995 = arith.constant 336 : index
        %parallel_loop3A_996 = tpu.vector_load %arg5[%parallel_loop3A_992, %parallel_loop3A_993, %parallel_loop3A_994, %parallel_loop3A_995] {strides = array<i32>} : memref<3x4x8x1024xf32, #tpu.memory_space<vmem>>, vector<1x1x1x16xf32>,
        %parallel_loop3A_997 = vector.shape_cast %parallel_loop3A_996 : vector<1x1x1x16xf32> to vector<16xf32>
        %parallel_loop3A_998 = vector.shape_cast %parallel_loop3A_820 : vector<16xf32> to vector<1x1x1x16xf32>
        tpu.vector_store %arg5[%parallel_loop3A_992, %parallel_loop3A_993, %parallel_loop3A_994, %parallel_loop3A_995], %parallel_loop3A_998 {add = true, strides = array<i32>} : memref<3x4x8x1024xf32, #tpu.memory_space<vmem>>, vector<1x1x1x16xf32>,
        %parallel_loop3A_999 = arith.constant 1 : i32
        %parallel_loop3A_1000 = arith.index_cast %select_n3A_138 : i32 to index
        %parallel_loop3A_1001 = arith.index_cast %parallel_loop3A_999 : i32 to index
        %parallel_loop3A_1002 = arith.index_cast %parallel_loop3A_198 : i32 to index
        %parallel_loop3A_1003 = arith.constant 336 : index
        %parallel_loop3A_1004 = tpu.vector_load %arg5[%parallel_loop3A_1000, %parallel_loop3A_1001, %parallel_loop3A_1002, %parallel_loop3A_1003] {strides = array<i32>} : memref<3x4x8x1024xf32, #tpu.memory_space<vmem>>, vector<1x1x1x16xf32>,
        %parallel_loop3A_1005 = vector.shape_cast %parallel_loop3A_1004 : vector<1x1x1x16xf32> to vector<16xf32>
        %parallel_loop3A_1006 = vector.shape_cast %parallel_loop3A_820 : vector<16xf32> to vector<1x1x1x16xf32>
        tpu.vector_store %arg5[%parallel_loop3A_1000, %parallel_loop3A_1001, %parallel_loop3A_1002, %parallel_loop3A_1003], %parallel_loop3A_1006 {add = true, strides = array<i32>} : memref<3x4x8x1024xf32, #tpu.memory_space<vmem>>, vector<1x1x1x16xf32>,
        %parallel_loop3A_1007 = arith.constant 2 : i32
        %parallel_loop3A_1008 = arith.index_cast %select_n3A_138 : i32 to index
        %parallel_loop3A_1009 = arith.index_cast %parallel_loop3A_1007 : i32 to index
        %parallel_loop3A_1010 = arith.index_cast %parallel_loop3A_198 : i32 to index
        %parallel_loop3A_1011 = arith.constant 336 : index
        %parallel_loop3A_1012 = tpu.vector_load %arg5[%parallel_loop3A_1008, %parallel_loop3A_1009, %parallel_loop3A_1010, %parallel_loop3A_1011] {strides = array<i32>} : memref<3x4x8x1024xf32, #tpu.memory_space<vmem>>, vector<1x1x1x16xf32>,
        %parallel_loop3A_1013 = vector.shape_cast %parallel_loop3A_1012 : vector<1x1x1x16xf32> to vector<16xf32>
        %parallel_loop3A_1014 = vector.shape_cast %parallel_loop3A_820 : vector<16xf32> to vector<1x1x1x16xf32>
        tpu.vector_store %arg5[%parallel_loop3A_1008, %parallel_loop3A_1009, %parallel_loop3A_1010, %parallel_loop3A_1011], %parallel_loop3A_1014 {add = true, strides = array<i32>} : memref<3x4x8x1024xf32, #tpu.memory_space<vmem>>, vector<1x1x1x16xf32>,
        %parallel_loop3A_1015 = arith.constant 3 : i32
        %parallel_loop3A_1016 = arith.index_cast %select_n3A_138 : i32 to index
        %parallel_loop3A_1017 = arith.index_cast %parallel_loop3A_1015 : i32 to index
        %parallel_loop3A_1018 = arith.index_cast %parallel_loop3A_198 : i32 to index
        %parallel_loop3A_1019 = arith.constant 336 : index
        %parallel_loop3A_1020 = tpu.vector_load %arg5[%parallel_loop3A_1016, %parallel_loop3A_1017, %parallel_loop3A_1018, %parallel_loop3A_1019] {strides = array<i32>} : memref<3x4x8x1024xf32, #tpu.memory_space<vmem>>, vector<1x1x1x16xf32>,
        %parallel_loop3A_1021 = vector.shape_cast %parallel_loop3A_1020 : vector<1x1x1x16xf32> to vector<16xf32>
        %parallel_loop3A_1022 = vector.shape_cast %parallel_loop3A_820 : vector<16xf32> to vector<1x1x1x16xf32>
        tpu.vector_store %arg5[%parallel_loop3A_1016, %parallel_loop3A_1017, %parallel_loop3A_1018, %parallel_loop3A_1019], %parallel_loop3A_1022 {add = true, strides = array<i32>} : memref<3x4x8x1024xf32, #tpu.memory_space<vmem>>, vector<1x1x1x16xf32>,
        %parallel_loop3A_1023 = arith.constant 0 : i32
        %parallel_loop3A_1024 = arith.index_cast %select_n3A_138 : i32 to index
        %parallel_loop3A_1025 = arith.index_cast %parallel_loop3A_1023 : i32 to index
        %parallel_loop3A_1026 = arith.index_cast %parallel_loop3A_198 : i32 to index
        %parallel_loop3A_1027 = arith.constant 352 : index
        %parallel_loop3A_1028 = tpu.vector_load %arg5[%parallel_loop3A_1024, %parallel_loop3A_1025, %parallel_loop3A_1026, %parallel_loop3A_1027] {strides = array<i32>} : memref<3x4x8x1024xf32, #tpu.memory_space<vmem>>, vector<1x1x1x16xf32>,
        %parallel_loop3A_1029 = vector.shape_cast %parallel_loop3A_1028 : vector<1x1x1x16xf32> to vector<16xf32>
        %parallel_loop3A_1030 = vector.shape_cast %parallel_loop3A_825 : vector<16xf32> to vector<1x1x1x16xf32>
        tpu.vector_store %arg5[%parallel_loop3A_1024, %parallel_loop3A_1025, %parallel_loop3A_1026, %parallel_loop3A_1027], %parallel_loop3A_1030 {add = true, strides = array<i32>} : memref<3x4x8x1024xf32, #tpu.memory_space<vmem>>, vector<1x1x1x16xf32>,
        %parallel_loop3A_1031 = arith.constant 1 : i32
        %parallel_loop3A_1032 = arith.index_cast %select_n3A_138 : i32 to index
        %parallel_loop3A_1033 = arith.index_cast %parallel_loop3A_1031 : i32 to index
        %parallel_loop3A_1034 = arith.index_cast %parallel_loop3A_198 : i32 to index
        %parallel_loop3A_1035 = arith.constant 352 : index
        %parallel_loop3A_1036 = tpu.vector_load %arg5[%parallel_loop3A_1032, %parallel_loop3A_1033, %parallel_loop3A_1034, %parallel_loop3A_1035] {strides = array<i32>} : memref<3x4x8x1024xf32, #tpu.memory_space<vmem>>, vector<1x1x1x16xf32>,
        %parallel_loop3A_1037 = vector.shape_cast %parallel_loop3A_1036 : vector<1x1x1x16xf32> to vector<16xf32>
        %parallel_loop3A_1038 = vector.shape_cast %parallel_loop3A_825 : vector<16xf32> to vector<1x1x1x16xf32>
        tpu.vector_store %arg5[%parallel_loop3A_1032, %parallel_loop3A_1033, %parallel_loop3A_1034, %parallel_loop3A_1035], %parallel_loop3A_1038 {add = true, strides = array<i32>} : memref<3x4x8x1024xf32, #tpu.memory_space<vmem>>, vector<1x1x1x16xf32>,
        %parallel_loop3A_1039 = arith.constant 2 : i32
        %parallel_loop3A_1040 = arith.index_cast %select_n3A_138 : i32 to index
        %parallel_loop3A_1041 = arith.index_cast %parallel_loop3A_1039 : i32 to index
        %parallel_loop3A_1042 = arith.index_cast %parallel_loop3A_198 : i32 to index
        %parallel_loop3A_1043 = arith.constant 352 : index
        %parallel_loop3A_1044 = tpu.vector_load %arg5[%parallel_loop3A_1040, %parallel_loop3A_1041, %parallel_loop3A_1042, %parallel_loop3A_1043] {strides = array<i32>} : memref<3x4x8x1024xf32, #tpu.memory_space<vmem>>, vector<1x1x1x16xf32>,
        %parallel_loop3A_1045 = vector.shape_cast %parallel_loop3A_1044 : vector<1x1x1x16xf32> to vector<16xf32>
        %parallel_loop3A_1046 = vector.shape_cast %parallel_loop3A_825 : vector<16xf32> to vector<1x1x1x16xf32>
        tpu.vector_store %arg5[%parallel_loop3A_1040, %parallel_loop3A_1041, %parallel_loop3A_1042, %parallel_loop3A_1043], %parallel_loop3A_1046 {add = true, strides = array<i32>} : memref<3x4x8x1024xf32, #tpu.memory_space<vmem>>, vector<1x1x1x16xf32>,
        %parallel_loop3A_1047 = arith.constant 3 : i32
        %parallel_loop3A_1048 = arith.index_cast %select_n3A_138 : i32 to index
        %parallel_loop3A_1049 = arith.index_cast %parallel_loop3A_1047 : i32 to index
        %parallel_loop3A_1050 = arith.index_cast %parallel_loop3A_198 : i32 to index
        %parallel_loop3A_1051 = arith.constant 352 : index
        %parallel_loop3A_1052 = tpu.vector_load %arg5[%parallel_loop3A_1048, %parallel_loop3A_1049, %parallel_loop3A_1050, %parallel_loop3A_1051] {strides = array<i32>} : memref<3x4x8x1024xf32, #tpu.memory_space<vmem>>, vector<1x1x1x16xf32>,
        %parallel_loop3A_1053 = vector.shape_cast %parallel_loop3A_1052 : vector<1x1x1x16xf32> to vector<16xf32>
        %parallel_loop3A_1054 = vector.shape_cast %parallel_loop3A_825 : vector<16xf32> to vector<1x1x1x16xf32>
        tpu.vector_store %arg5[%parallel_loop3A_1048, %parallel_loop3A_1049, %parallel_loop3A_1050, %parallel_loop3A_1051], %parallel_loop3A_1054 {add = true, strides = array<i32>} : memref<3x4x8x1024xf32, #tpu.memory_space<vmem>>, vector<1x1x1x16xf32>,
        %parallel_loop3A_1055 = arith.constant 0 : i32
        %parallel_loop3A_1056 = arith.index_cast %select_n3A_138 : i32 to index
        %parallel_loop3A_1057 = arith.index_cast %parallel_loop3A_1055 : i32 to index
        %parallel_loop3A_1058 = arith.index_cast %parallel_loop3A_198 : i32 to index
        %parallel_loop3A_1059 = arith.constant 368 : index
        %parallel_loop3A_1060 = tpu.vector_load %arg5[%parallel_loop3A_1056, %parallel_loop3A_1057, %parallel_loop3A_1058, %parallel_loop3A_1059] {strides = array<i32>} : memref<3x4x8x1024xf32, #tpu.memory_space<vmem>>, vector<1x1x1x16xf32>,
        %parallel_loop3A_1061 = vector.shape_cast %parallel_loop3A_1060 : vector<1x1x1x16xf32> to vector<16xf32>
        %parallel_loop3A_1062 = vector.shape_cast %parallel_loop3A_830 : vector<16xf32> to vector<1x1x1x16xf32>
        tpu.vector_store %arg5[%parallel_loop3A_1056, %parallel_loop3A_1057, %parallel_loop3A_1058, %parallel_loop3A_1059], %parallel_loop3A_1062 {add = true, strides = array<i32>} : memref<3x4x8x1024xf32, #tpu.memory_space<vmem>>, vector<1x1x1x16xf32>,
        %parallel_loop3A_1063 = arith.constant 1 : i32
        %parallel_loop3A_1064 = arith.index_cast %select_n3A_138 : i32 to index
        %parallel_loop3A_1065 = arith.index_cast %parallel_loop3A_1063 : i32 to index
        %parallel_loop3A_1066 = arith.index_cast %parallel_loop3A_198 : i32 to index
        %parallel_loop3A_1067 = arith.constant 368 : index
        %parallel_loop3A_1068 = tpu.vector_load %arg5[%parallel_loop3A_1064, %parallel_loop3A_1065, %parallel_loop3A_1066, %parallel_loop3A_1067] {strides = array<i32>} : memref<3x4x8x1024xf32, #tpu.memory_space<vmem>>, vector<1x1x1x16xf32>,
        %parallel_loop3A_1069 = vector.shape_cast %parallel_loop3A_1068 : vector<1x1x1x16xf32> to vector<16xf32>
        %parallel_loop3A_1070 = vector.shape_cast %parallel_loop3A_830 : vector<16xf32> to vector<1x1x1x16xf32>
        tpu.vector_store %arg5[%parallel_loop3A_1064, %parallel_loop3A_1065, %parallel_loop3A_1066, %parallel_loop3A_1067], %parallel_loop3A_1070 {add = true, strides = array<i32>} : memref<3x4x8x1024xf32, #tpu.memory_space<vmem>>, vector<1x1x1x16xf32>,
        %parallel_loop3A_1071 = arith.constant 2 : i32
        %parallel_loop3A_1072 = arith.index_cast %select_n3A_138 : i32 to index
        %parallel_loop3A_1073 = arith.index_cast %parallel_loop3A_1071 : i32 to index
        %parallel_loop3A_1074 = arith.index_cast %parallel_loop3A_198 : i32 to index
        %parallel_loop3A_1075 = arith.constant 368 : index
        %parallel_loop3A_1076 = tpu.vector_load %arg5[%parallel_loop3A_1072, %parallel_loop3A_1073, %parallel_loop3A_1074, %parallel_loop3A_1075] {strides = array<i32>} : memref<3x4x8x1024xf32, #tpu.memory_space<vmem>>, vector<1x1x1x16xf32>,
        %parallel_loop3A_1077 = vector.shape_cast %parallel_loop3A_1076 : vector<1x1x1x16xf32> to vector<16xf32>
        %parallel_loop3A_1078 = vector.shape_cast %parallel_loop3A_830 : vector<16xf32> to vector<1x1x1x16xf32>
        tpu.vector_store %arg5[%parallel_loop3A_1072, %parallel_loop3A_1073, %parallel_loop3A_1074, %parallel_loop3A_1075], %parallel_loop3A_1078 {add = true, strides = array<i32>} : memref<3x4x8x1024xf32, #tpu.memory_space<vmem>>, vector<1x1x1x16xf32>,
        %parallel_loop3A_1079 = arith.constant 3 : i32
        %parallel_loop3A_1080 = arith.index_cast %select_n3A_138 : i32 to index
        %parallel_loop3A_1081 = arith.index_cast %parallel_loop3A_1079 : i32 to index
        %parallel_loop3A_1082 = arith.index_cast %parallel_loop3A_198 : i32 to index
        %parallel_loop3A_1083 = arith.constant 368 : index
        %parallel_loop3A_1084 = tpu.vector_load %arg5[%parallel_loop3A_1080, %parallel_loop3A_1081, %parallel_loop3A_1082, %parallel_loop3A_1083] {strides = array<i32>} : memref<3x4x8x1024xf32, #tpu.memory_space<vmem>>, vector<1x1x1x16xf32>,
        %parallel_loop3A_1085 = vector.shape_cast %parallel_loop3A_1084 : vector<1x1x1x16xf32> to vector<16xf32>
        %parallel_loop3A_1086 = vector.shape_cast %parallel_loop3A_830 : vector<16xf32> to vector<1x1x1x16xf32>
        tpu.vector_store %arg5[%parallel_loop3A_1080, %parallel_loop3A_1081, %parallel_loop3A_1082, %parallel_loop3A_1083], %parallel_loop3A_1086 {add = true, strides = array<i32>} : memref<3x4x8x1024xf32, #tpu.memory_space<vmem>>, vector<1x1x1x16xf32>,
        %parallel_loop3A_1087 = arith.index_cast %select_n3A_138 : i32 to index
        %parallel_loop3A_1088 = arith.index_cast %parallel_loop3A_198 : i32 to index
        %parallel_loop3A_1089 = arith.constant 384 : index
        %parallel_loop3A_1090 = tpu.vector_load %arg6[%parallel_loop3A_1087, %parallel_loop3A_1088, %parallel_loop3A_1089] {strides = array<i32>} : memref<3x8x1024xf32, #tpu.memory_space<vmem>>, vector<1x1x16xf32>,
        %parallel_loop3A_1091 = vector.shape_cast %parallel_loop3A_1090 : vector<1x1x16xf32> to vector<16xf32>
        %parallel_loop3A_1092 = arith.index_cast %select_n3A_138 : i32 to index
        %parallel_loop3A_1093 = arith.index_cast %parallel_loop3A_198 : i32 to index
        %parallel_loop3A_1094 = arith.constant 400 : index
        %parallel_loop3A_1095 = tpu.vector_load %arg6[%parallel_loop3A_1092, %parallel_loop3A_1093, %parallel_loop3A_1094] {strides = array<i32>} : memref<3x8x1024xf32, #tpu.memory_space<vmem>>, vector<1x1x16xf32>,
        %parallel_loop3A_1096 = vector.shape_cast %parallel_loop3A_1095 : vector<1x1x16xf32> to vector<16xf32>
        %parallel_loop3A_1097 = arith.index_cast %select_n3A_138 : i32 to index
        %parallel_loop3A_1098 = arith.index_cast %parallel_loop3A_198 : i32 to index
        %parallel_loop3A_1099 = arith.constant 416 : index
        %parallel_loop3A_1100 = tpu.vector_load %arg6[%parallel_loop3A_1097, %parallel_loop3A_1098, %parallel_loop3A_1099] {strides = array<i32>} : memref<3x8x1024xf32, #tpu.memory_space<vmem>>, vector<1x1x16xf32>,
        %parallel_loop3A_1101 = vector.shape_cast %parallel_loop3A_1100 : vector<1x1x16xf32> to vector<16xf32>
        %parallel_loop3A_1102 = arith.index_cast %select_n3A_138 : i32 to index
        %parallel_loop3A_1103 = arith.index_cast %parallel_loop3A_198 : i32 to index
        %parallel_loop3A_1104 = arith.constant 432 : index
        %parallel_loop3A_1105 = tpu.vector_load %arg6[%parallel_loop3A_1102, %parallel_loop3A_1103, %parallel_loop3A_1104] {strides = array<i32>} : memref<3x8x1024xf32, #tpu.memory_space<vmem>>, vector<1x1x16xf32>,
        %parallel_loop3A_1106 = vector.shape_cast %parallel_loop3A_1105 : vector<1x1x16xf32> to vector<16xf32>
        %parallel_loop3A_1107 = arith.index_cast %select_n3A_138 : i32 to index
        %parallel_loop3A_1108 = arith.index_cast %parallel_loop3A_198 : i32 to index
        %parallel_loop3A_1109 = arith.constant 448 : index
        %parallel_loop3A_1110 = tpu.vector_load %arg6[%parallel_loop3A_1107, %parallel_loop3A_1108, %parallel_loop3A_1109] {strides = array<i32>} : memref<3x8x1024xf32, #tpu.memory_space<vmem>>, vector<1x1x16xf32>,
        %parallel_loop3A_1111 = vector.shape_cast %parallel_loop3A_1110 : vector<1x1x16xf32> to vector<16xf32>
        %parallel_loop3A_1112 = arith.index_cast %select_n3A_138 : i32 to index
        %parallel_loop3A_1113 = arith.index_cast %parallel_loop3A_198 : i32 to index
        %parallel_loop3A_1114 = arith.constant 464 : index
        %parallel_loop3A_1115 = tpu.vector_load %arg6[%parallel_loop3A_1112, %parallel_loop3A_1113, %parallel_loop3A_1114] {strides = array<i32>} : memref<3x8x1024xf32, #tpu.memory_space<vmem>>, vector<1x1x16xf32>,
        %parallel_loop3A_1116 = vector.shape_cast %parallel_loop3A_1115 : vector<1x1x16xf32> to vector<16xf32>
        %parallel_loop3A_1117 = arith.index_cast %select_n3A_138 : i32 to index
        %parallel_loop3A_1118 = arith.index_cast %parallel_loop3A_198 : i32 to index
        %parallel_loop3A_1119 = arith.constant 480 : index
        %parallel_loop3A_1120 = tpu.vector_load %arg6[%parallel_loop3A_1117, %parallel_loop3A_1118, %parallel_loop3A_1119] {strides = array<i32>} : memref<3x8x1024xf32, #tpu.memory_space<vmem>>, vector<1x1x16xf32>,
        %parallel_loop3A_1121 = vector.shape_cast %parallel_loop3A_1120 : vector<1x1x16xf32> to vector<16xf32>
        %parallel_loop3A_1122 = arith.index_cast %select_n3A_138 : i32 to index
        %parallel_loop3A_1123 = arith.index_cast %parallel_loop3A_198 : i32 to index
        %parallel_loop3A_1124 = arith.constant 496 : index
        %parallel_loop3A_1125 = tpu.vector_load %arg6[%parallel_loop3A_1122, %parallel_loop3A_1123, %parallel_loop3A_1124] {strides = array<i32>} : memref<3x8x1024xf32, #tpu.memory_space<vmem>>, vector<1x1x16xf32>,
        %parallel_loop3A_1126 = vector.shape_cast %parallel_loop3A_1125 : vector<1x1x16xf32> to vector<16xf32>
        %parallel_loop3A_1127 = arith.constant 0 : i32
        %parallel_loop3A_1128 = arith.index_cast %select_n3A_138 : i32 to index
        %parallel_loop3A_1129 = arith.index_cast %parallel_loop3A_1127 : i32 to index
        %parallel_loop3A_1130 = arith.index_cast %parallel_loop3A_198 : i32 to index
        %parallel_loop3A_1131 = arith.constant 384 : index
        %parallel_loop3A_1132 = tpu.vector_load %arg5[%parallel_loop3A_1128, %parallel_loop3A_1129, %parallel_loop3A_1130, %parallel_loop3A_1131] {strides = array<i32>} : memref<3x4x8x1024xf32, #tpu.memory_space<vmem>>, vector<1x1x1x16xf32>,
        %parallel_loop3A_1133 = vector.shape_cast %parallel_loop3A_1132 : vector<1x1x1x16xf32> to vector<16xf32>
        %parallel_loop3A_1134 = vector.shape_cast %parallel_loop3A_1091 : vector<16xf32> to vector<1x1x1x16xf32>
        tpu.vector_store %arg5[%parallel_loop3A_1128, %parallel_loop3A_1129, %parallel_loop3A_1130, %parallel_loop3A_1131], %parallel_loop3A_1134 {add = true, strides = array<i32>} : memref<3x4x8x1024xf32, #tpu.memory_space<vmem>>, vector<1x1x1x16xf32>,
        %parallel_loop3A_1135 = arith.constant 1 : i32
        %parallel_loop3A_1136 = arith.index_cast %select_n3A_138 : i32 to index
        %parallel_loop3A_1137 = arith.index_cast %parallel_loop3A_1135 : i32 to index
        %parallel_loop3A_1138 = arith.index_cast %parallel_loop3A_198 : i32 to index
        %parallel_loop3A_1139 = arith.constant 384 : index
        %parallel_loop3A_1140 = tpu.vector_load %arg5[%parallel_loop3A_1136, %parallel_loop3A_1137, %parallel_loop3A_1138, %parallel_loop3A_1139] {strides = array<i32>} : memref<3x4x8x1024xf32, #tpu.memory_space<vmem>>, vector<1x1x1x16xf32>,
        %parallel_loop3A_1141 = vector.shape_cast %parallel_loop3A_1140 : vector<1x1x1x16xf32> to vector<16xf32>
        %parallel_loop3A_1142 = vector.shape_cast %parallel_loop3A_1091 : vector<16xf32> to vector<1x1x1x16xf32>
        tpu.vector_store %arg5[%parallel_loop3A_1136, %parallel_loop3A_1137, %parallel_loop3A_1138, %parallel_loop3A_1139], %parallel_loop3A_1142 {add = true, strides = array<i32>} : memref<3x4x8x1024xf32, #tpu.memory_space<vmem>>, vector<1x1x1x16xf32>,
        %parallel_loop3A_1143 = arith.constant 2 : i32
        %parallel_loop3A_1144 = arith.index_cast %select_n3A_138 : i32 to index
        %parallel_loop3A_1145 = arith.index_cast %parallel_loop3A_1143 : i32 to index
        %parallel_loop3A_1146 = arith.index_cast %parallel_loop3A_198 : i32 to index
        %parallel_loop3A_1147 = arith.constant 384 : index
        %parallel_loop3A_1148 = tpu.vector_load %arg5[%parallel_loop3A_1144, %parallel_loop3A_1145, %parallel_loop3A_1146, %parallel_loop3A_1147] {strides = array<i32>} : memref<3x4x8x1024xf32, #tpu.memory_space<vmem>>, vector<1x1x1x16xf32>,
        %parallel_loop3A_1149 = vector.shape_cast %parallel_loop3A_1148 : vector<1x1x1x16xf32> to vector<16xf32>
        %parallel_loop3A_1150 = vector.shape_cast %parallel_loop3A_1091 : vector<16xf32> to vector<1x1x1x16xf32>
        tpu.vector_store %arg5[%parallel_loop3A_1144, %parallel_loop3A_1145, %parallel_loop3A_1146, %parallel_loop3A_1147], %parallel_loop3A_1150 {add = true, strides = array<i32>} : memref<3x4x8x1024xf32, #tpu.memory_space<vmem>>, vector<1x1x1x16xf32>,
        %parallel_loop3A_1151 = arith.constant 3 : i32
        %parallel_loop3A_1152 = arith.index_cast %select_n3A_138 : i32 to index
        %parallel_loop3A_1153 = arith.index_cast %parallel_loop3A_1151 : i32 to index
        %parallel_loop3A_1154 = arith.index_cast %parallel_loop3A_198 : i32 to index
        %parallel_loop3A_1155 = arith.constant 384 : index
        %parallel_loop3A_1156 = tpu.vector_load %arg5[%parallel_loop3A_1152, %parallel_loop3A_1153, %parallel_loop3A_1154, %parallel_loop3A_1155] {strides = array<i32>} : memref<3x4x8x1024xf32, #tpu.memory_space<vmem>>, vector<1x1x1x16xf32>,
        %parallel_loop3A_1157 = vector.shape_cast %parallel_loop3A_1156 : vector<1x1x1x16xf32> to vector<16xf32>
        %parallel_loop3A_1158 = vector.shape_cast %parallel_loop3A_1091 : vector<16xf32> to vector<1x1x1x16xf32>
        tpu.vector_store %arg5[%parallel_loop3A_1152, %parallel_loop3A_1153, %parallel_loop3A_1154, %parallel_loop3A_1155], %parallel_loop3A_1158 {add = true, strides = array<i32>} : memref<3x4x8x1024xf32, #tpu.memory_space<vmem>>, vector<1x1x1x16xf32>,
        %parallel_loop3A_1159 = arith.constant 0 : i32
        %parallel_loop3A_1160 = arith.index_cast %select_n3A_138 : i32 to index
        %parallel_loop3A_1161 = arith.index_cast %parallel_loop3A_1159 : i32 to index
        %parallel_loop3A_1162 = arith.index_cast %parallel_loop3A_198 : i32 to index
        %parallel_loop3A_1163 = arith.constant 400 : index
        %parallel_loop3A_1164 = tpu.vector_load %arg5[%parallel_loop3A_1160, %parallel_loop3A_1161, %parallel_loop3A_1162, %parallel_loop3A_1163] {strides = array<i32>} : memref<3x4x8x1024xf32, #tpu.memory_space<vmem>>, vector<1x1x1x16xf32>,
        %parallel_loop3A_1165 = vector.shape_cast %parallel_loop3A_1164 : vector<1x1x1x16xf32> to vector<16xf32>
        %parallel_loop3A_1166 = vector.shape_cast %parallel_loop3A_1096 : vector<16xf32> to vector<1x1x1x16xf32>
        tpu.vector_store %arg5[%parallel_loop3A_1160, %parallel_loop3A_1161, %parallel_loop3A_1162, %parallel_loop3A_1163], %parallel_loop3A_1166 {add = true, strides = array<i32>} : memref<3x4x8x1024xf32, #tpu.memory_space<vmem>>, vector<1x1x1x16xf32>,
        %parallel_loop3A_1167 = arith.constant 1 : i32
        %parallel_loop3A_1168 = arith.index_cast %select_n3A_138 : i32 to index
        %parallel_loop3A_1169 = arith.index_cast %parallel_loop3A_1167 : i32 to index
        %parallel_loop3A_1170 = arith.index_cast %parallel_loop3A_198 : i32 to index
        %parallel_loop3A_1171 = arith.constant 400 : index
        %parallel_loop3A_1172 = tpu.vector_load %arg5[%parallel_loop3A_1168, %parallel_loop3A_1169, %parallel_loop3A_1170, %parallel_loop3A_1171] {strides = array<i32>} : memref<3x4x8x1024xf32, #tpu.memory_space<vmem>>, vector<1x1x1x16xf32>,
        %parallel_loop3A_1173 = vector.shape_cast %parallel_loop3A_1172 : vector<1x1x1x16xf32> to vector<16xf32>
        %parallel_loop3A_1174 = vector.shape_cast %parallel_loop3A_1096 : vector<16xf32> to vector<1x1x1x16xf32>
        tpu.vector_store %arg5[%parallel_loop3A_1168, %parallel_loop3A_1169, %parallel_loop3A_1170, %parallel_loop3A_1171], %parallel_loop3A_1174 {add = true, strides = array<i32>} : memref<3x4x8x1024xf32, #tpu.memory_space<vmem>>, vector<1x1x1x16xf32>,
        %parallel_loop3A_1175 = arith.constant 2 : i32
        %parallel_loop3A_1176 = arith.index_cast %select_n3A_138 : i32 to index
        %parallel_loop3A_1177 = arith.index_cast %parallel_loop3A_1175 : i32 to index
        %parallel_loop3A_1178 = arith.index_cast %parallel_loop3A_198 : i32 to index
        %parallel_loop3A_1179 = arith.constant 400 : index
        %parallel_loop3A_1180 = tpu.vector_load %arg5[%parallel_loop3A_1176, %parallel_loop3A_1177, %parallel_loop3A_1178, %parallel_loop3A_1179] {strides = array<i32>} : memref<3x4x8x1024xf32, #tpu.memory_space<vmem>>, vector<1x1x1x16xf32>,
        %parallel_loop3A_1181 = vector.shape_cast %parallel_loop3A_1180 : vector<1x1x1x16xf32> to vector<16xf32>
        %parallel_loop3A_1182 = vector.shape_cast %parallel_loop3A_1096 : vector<16xf32> to vector<1x1x1x16xf32>
        tpu.vector_store %arg5[%parallel_loop3A_1176, %parallel_loop3A_1177, %parallel_loop3A_1178, %parallel_loop3A_1179], %parallel_loop3A_1182 {add = true, strides = array<i32>} : memref<3x4x8x1024xf32, #tpu.memory_space<vmem>>, vector<1x1x1x16xf32>,
        %parallel_loop3A_1183 = arith.constant 3 : i32
        %parallel_loop3A_1184 = arith.index_cast %select_n3A_138 : i32 to index
        %parallel_loop3A_1185 = arith.index_cast %parallel_loop3A_1183 : i32 to index
        %parallel_loop3A_1186 = arith.index_cast %parallel_loop3A_198 : i32 to index
        %parallel_loop3A_1187 = arith.constant 400 : index
        %parallel_loop3A_1188 = tpu.vector_load %arg5[%parallel_loop3A_1184, %parallel_loop3A_1185, %parallel_loop3A_1186, %parallel_loop3A_1187] {strides = array<i32>} : memref<3x4x8x1024xf32, #tpu.memory_space<vmem>>, vector<1x1x1x16xf32>,
        %parallel_loop3A_1189 = vector.shape_cast %parallel_loop3A_1188 : vector<1x1x1x16xf32> to vector<16xf32>
        %parallel_loop3A_1190 = vector.shape_cast %parallel_loop3A_1096 : vector<16xf32> to vector<1x1x1x16xf32>
        tpu.vector_store %arg5[%parallel_loop3A_1184, %parallel_loop3A_1185, %parallel_loop3A_1186, %parallel_loop3A_1187], %parallel_loop3A_1190 {add = true, strides = array<i32>} : memref<3x4x8x1024xf32, #tpu.memory_space<vmem>>, vector<1x1x1x16xf32>,
        %parallel_loop3A_1191 = arith.constant 0 : i32
        %parallel_loop3A_1192 = arith.index_cast %select_n3A_138 : i32 to index
        %parallel_loop3A_1193 = arith.index_cast %parallel_loop3A_1191 : i32 to index
        %parallel_loop3A_1194 = arith.index_cast %parallel_loop3A_198 : i32 to index
        %parallel_loop3A_1195 = arith.constant 416 : index
        %parallel_loop3A_1196 = tpu.vector_load %arg5[%parallel_loop3A_1192, %parallel_loop3A_1193, %parallel_loop3A_1194, %parallel_loop3A_1195] {strides = array<i32>} : memref<3x4x8x1024xf32, #tpu.memory_space<vmem>>, vector<1x1x1x16xf32>,
        %parallel_loop3A_1197 = vector.shape_cast %parallel_loop3A_1196 : vector<1x1x1x16xf32> to vector<16xf32>
        %parallel_loop3A_1198 = vector.shape_cast %parallel_loop3A_1101 : vector<16xf32> to vector<1x1x1x16xf32>
        tpu.vector_store %arg5[%parallel_loop3A_1192, %parallel_loop3A_1193, %parallel_loop3A_1194, %parallel_loop3A_1195], %parallel_loop3A_1198 {add = true, strides = array<i32>} : memref<3x4x8x1024xf32, #tpu.memory_space<vmem>>, vector<1x1x1x16xf32>,
        %parallel_loop3A_1199 = arith.constant 1 : i32
        %parallel_loop3A_1200 = arith.index_cast %select_n3A_138 : i32 to index
        %parallel_loop3A_1201 = arith.index_cast %parallel_loop3A_1199 : i32 to index
        %parallel_loop3A_1202 = arith.index_cast %parallel_loop3A_198 : i32 to index
        %parallel_loop3A_1203 = arith.constant 416 : index
        %parallel_loop3A_1204 = tpu.vector_load %arg5[%parallel_loop3A_1200, %parallel_loop3A_1201, %parallel_loop3A_1202, %parallel_loop3A_1203] {strides = array<i32>} : memref<3x4x8x1024xf32, #tpu.memory_space<vmem>>, vector<1x1x1x16xf32>,
        %parallel_loop3A_1205 = vector.shape_cast %parallel_loop3A_1204 : vector<1x1x1x16xf32> to vector<16xf32>
        %parallel_loop3A_1206 = vector.shape_cast %parallel_loop3A_1101 : vector<16xf32> to vector<1x1x1x16xf32>
        tpu.vector_store %arg5[%parallel_loop3A_1200, %parallel_loop3A_1201, %parallel_loop3A_1202, %parallel_loop3A_1203], %parallel_loop3A_1206 {add = true, strides = array<i32>} : memref<3x4x8x1024xf32, #tpu.memory_space<vmem>>, vector<1x1x1x16xf32>,
        %parallel_loop3A_1207 = arith.constant 2 : i32
        %parallel_loop3A_1208 = arith.index_cast %select_n3A_138 : i32 to index
        %parallel_loop3A_1209 = arith.index_cast %parallel_loop3A_1207 : i32 to index
        %parallel_loop3A_1210 = arith.index_cast %parallel_loop3A_198 : i32 to index
        %parallel_loop3A_1211 = arith.constant 416 : index
        %parallel_loop3A_1212 = tpu.vector_load %arg5[%parallel_loop3A_1208, %parallel_loop3A_1209, %parallel_loop3A_1210, %parallel_loop3A_1211] {strides = array<i32>} : memref<3x4x8x1024xf32, #tpu.memory_space<vmem>>, vector<1x1x1x16xf32>,
        %parallel_loop3A_1213 = vector.shape_cast %parallel_loop3A_1212 : vector<1x1x1x16xf32> to vector<16xf32>
        %parallel_loop3A_1214 = vector.shape_cast %parallel_loop3A_1101 : vector<16xf32> to vector<1x1x1x16xf32>
        tpu.vector_store %arg5[%parallel_loop3A_1208, %parallel_loop3A_1209, %parallel_loop3A_1210, %parallel_loop3A_1211], %parallel_loop3A_1214 {add = true, strides = array<i32>} : memref<3x4x8x1024xf32, #tpu.memory_space<vmem>>, vector<1x1x1x16xf32>,
        %parallel_loop3A_1215 = arith.constant 3 : i32
        %parallel_loop3A_1216 = arith.index_cast %select_n3A_138 : i32 to index
        %parallel_loop3A_1217 = arith.index_cast %parallel_loop3A_1215 : i32 to index
        %parallel_loop3A_1218 = arith.index_cast %parallel_loop3A_198 : i32 to index
        %parallel_loop3A_1219 = arith.constant 416 : index
        %parallel_loop3A_1220 = tpu.vector_load %arg5[%parallel_loop3A_1216, %parallel_loop3A_1217, %parallel_loop3A_1218, %parallel_loop3A_1219] {strides = array<i32>} : memref<3x4x8x1024xf32, #tpu.memory_space<vmem>>, vector<1x1x1x16xf32>,
        %parallel_loop3A_1221 = vector.shape_cast %parallel_loop3A_1220 : vector<1x1x1x16xf32> to vector<16xf32>
        %parallel_loop3A_1222 = vector.shape_cast %parallel_loop3A_1101 : vector<16xf32> to vector<1x1x1x16xf32>
        tpu.vector_store %arg5[%parallel_loop3A_1216, %parallel_loop3A_1217, %parallel_loop3A_1218, %parallel_loop3A_1219], %parallel_loop3A_1222 {add = true, strides = array<i32>} : memref<3x4x8x1024xf32, #tpu.memory_space<vmem>>, vector<1x1x1x16xf32>,
        %parallel_loop3A_1223 = arith.constant 0 : i32
        %parallel_loop3A_1224 = arith.index_cast %select_n3A_138 : i32 to index
        %parallel_loop3A_1225 = arith.index_cast %parallel_loop3A_1223 : i32 to index
        %parallel_loop3A_1226 = arith.index_cast %parallel_loop3A_198 : i32 to index
        %parallel_loop3A_1227 = arith.constant 432 : index
        %parallel_loop3A_1228 = tpu.vector_load %arg5[%parallel_loop3A_1224, %parallel_loop3A_1225, %parallel_loop3A_1226, %parallel_loop3A_1227] {strides = array<i32>} : memref<3x4x8x1024xf32, #tpu.memory_space<vmem>>, vector<1x1x1x16xf32>,
        %parallel_loop3A_1229 = vector.shape_cast %parallel_loop3A_1228 : vector<1x1x1x16xf32> to vector<16xf32>
        %parallel_loop3A_1230 = vector.shape_cast %parallel_loop3A_1106 : vector<16xf32> to vector<1x1x1x16xf32>
        tpu.vector_store %arg5[%parallel_loop3A_1224, %parallel_loop3A_1225, %parallel_loop3A_1226, %parallel_loop3A_1227], %parallel_loop3A_1230 {add = true, strides = array<i32>} : memref<3x4x8x1024xf32, #tpu.memory_space<vmem>>, vector<1x1x1x16xf32>,
        %parallel_loop3A_1231 = arith.constant 1 : i32
        %parallel_loop3A_1232 = arith.index_cast %select_n3A_138 : i32 to index
        %parallel_loop3A_1233 = arith.index_cast %parallel_loop3A_1231 : i32 to index
        %parallel_loop3A_1234 = arith.index_cast %parallel_loop3A_198 : i32 to index
        %parallel_loop3A_1235 = arith.constant 432 : index
        %parallel_loop3A_1236 = tpu.vector_load %arg5[%parallel_loop3A_1232, %parallel_loop3A_1233, %parallel_loop3A_1234, %parallel_loop3A_1235] {strides = array<i32>} : memref<3x4x8x1024xf32, #tpu.memory_space<vmem>>, vector<1x1x1x16xf32>,
        %parallel_loop3A_1237 = vector.shape_cast %parallel_loop3A_1236 : vector<1x1x1x16xf32> to vector<16xf32>
        %parallel_loop3A_1238 = vector.shape_cast %parallel_loop3A_1106 : vector<16xf32> to vector<1x1x1x16xf32>
        tpu.vector_store %arg5[%parallel_loop3A_1232, %parallel_loop3A_1233, %parallel_loop3A_1234, %parallel_loop3A_1235], %parallel_loop3A_1238 {add = true, strides = array<i32>} : memref<3x4x8x1024xf32, #tpu.memory_space<vmem>>, vector<1x1x1x16xf32>,
        %parallel_loop3A_1239 = arith.constant 2 : i32
        %parallel_loop3A_1240 = arith.index_cast %select_n3A_138 : i32 to index
        %parallel_loop3A_1241 = arith.index_cast %parallel_loop3A_1239 : i32 to index
        %parallel_loop3A_1242 = arith.index_cast %parallel_loop3A_198 : i32 to index
        %parallel_loop3A_1243 = arith.constant 432 : index
        %parallel_loop3A_1244 = tpu.vector_load %arg5[%parallel_loop3A_1240, %parallel_loop3A_1241, %parallel_loop3A_1242, %parallel_loop3A_1243] {strides = array<i32>} : memref<3x4x8x1024xf32, #tpu.memory_space<vmem>>, vector<1x1x1x16xf32>,
        %parallel_loop3A_1245 = vector.shape_cast %parallel_loop3A_1244 : vector<1x1x1x16xf32> to vector<16xf32>
        %parallel_loop3A_1246 = vector.shape_cast %parallel_loop3A_1106 : vector<16xf32> to vector<1x1x1x16xf32>
        tpu.vector_store %arg5[%parallel_loop3A_1240, %parallel_loop3A_1241, %parallel_loop3A_1242, %parallel_loop3A_1243], %parallel_loop3A_1246 {add = true, strides = array<i32>} : memref<3x4x8x1024xf32, #tpu.memory_space<vmem>>, vector<1x1x1x16xf32>,
        %parallel_loop3A_1247 = arith.constant 3 : i32
        %parallel_loop3A_1248 = arith.index_cast %select_n3A_138 : i32 to index
        %parallel_loop3A_1249 = arith.index_cast %parallel_loop3A_1247 : i32 to index
        %parallel_loop3A_1250 = arith.index_cast %parallel_loop3A_198 : i32 to index
        %parallel_loop3A_1251 = arith.constant 432 : index
        %parallel_loop3A_1252 = tpu.vector_load %arg5[%parallel_loop3A_1248, %parallel_loop3A_1249, %parallel_loop3A_1250, %parallel_loop3A_1251] {strides = array<i32>} : memref<3x4x8x1024xf32, #tpu.memory_space<vmem>>, vector<1x1x1x16xf32>,
        %parallel_loop3A_1253 = vector.shape_cast %parallel_loop3A_1252 : vector<1x1x1x16xf32> to vector<16xf32>
        %parallel_loop3A_1254 = vector.shape_cast %parallel_loop3A_1106 : vector<16xf32> to vector<1x1x1x16xf32>
        tpu.vector_store %arg5[%parallel_loop3A_1248, %parallel_loop3A_1249, %parallel_loop3A_1250, %parallel_loop3A_1251], %parallel_loop3A_1254 {add = true, strides = array<i32>} : memref<3x4x8x1024xf32, #tpu.memory_space<vmem>>, vector<1x1x1x16xf32>,
        %parallel_loop3A_1255 = arith.constant 0 : i32
        %parallel_loop3A_1256 = arith.index_cast %select_n3A_138 : i32 to index
        %parallel_loop3A_1257 = arith.index_cast %parallel_loop3A_1255 : i32 to index
        %parallel_loop3A_1258 = arith.index_cast %parallel_loop3A_198 : i32 to index
        %parallel_loop3A_1259 = arith.constant 448 : index
        %parallel_loop3A_1260 = tpu.vector_load %arg5[%parallel_loop3A_1256, %parallel_loop3A_1257, %parallel_loop3A_1258, %parallel_loop3A_1259] {strides = array<i32>} : memref<3x4x8x1024xf32, #tpu.memory_space<vmem>>, vector<1x1x1x16xf32>,
        %parallel_loop3A_1261 = vector.shape_cast %parallel_loop3A_1260 : vector<1x1x1x16xf32> to vector<16xf32>
        %parallel_loop3A_1262 = vector.shape_cast %parallel_loop3A_1111 : vector<16xf32> to vector<1x1x1x16xf32>
        tpu.vector_store %arg5[%parallel_loop3A_1256, %parallel_loop3A_1257, %parallel_loop3A_1258, %parallel_loop3A_1259], %parallel_loop3A_1262 {add = true, strides = array<i32>} : memref<3x4x8x1024xf32, #tpu.memory_space<vmem>>, vector<1x1x1x16xf32>,
        %parallel_loop3A_1263 = arith.constant 1 : i32
        %parallel_loop3A_1264 = arith.index_cast %select_n3A_138 : i32 to index
        %parallel_loop3A_1265 = arith.index_cast %parallel_loop3A_1263 : i32 to index
        %parallel_loop3A_1266 = arith.index_cast %parallel_loop3A_198 : i32 to index
        %parallel_loop3A_1267 = arith.constant 448 : index
        %parallel_loop3A_1268 = tpu.vector_load %arg5[%parallel_loop3A_1264, %parallel_loop3A_1265, %parallel_loop3A_1266, %parallel_loop3A_1267] {strides = array<i32>} : memref<3x4x8x1024xf32, #tpu.memory_space<vmem>>, vector<1x1x1x16xf32>,
        %parallel_loop3A_1269 = vector.shape_cast %parallel_loop3A_1268 : vector<1x1x1x16xf32> to vector<16xf32>
        %parallel_loop3A_1270 = vector.shape_cast %parallel_loop3A_1111 : vector<16xf32> to vector<1x1x1x16xf32>
        tpu.vector_store %arg5[%parallel_loop3A_1264, %parallel_loop3A_1265, %parallel_loop3A_1266, %parallel_loop3A_1267], %parallel_loop3A_1270 {add = true, strides = array<i32>} : memref<3x4x8x1024xf32, #tpu.memory_space<vmem>>, vector<1x1x1x16xf32>,
        %parallel_loop3A_1271 = arith.constant 2 : i32
        %parallel_loop3A_1272 = arith.index_cast %select_n3A_138 : i32 to index
        %parallel_loop3A_1273 = arith.index_cast %parallel_loop3A_1271 : i32 to index
        %parallel_loop3A_1274 = arith.index_cast %parallel_loop3A_198 : i32 to index
        %parallel_loop3A_1275 = arith.constant 448 : index
        %parallel_loop3A_1276 = tpu.vector_load %arg5[%parallel_loop3A_1272, %parallel_loop3A_1273, %parallel_loop3A_1274, %parallel_loop3A_1275] {strides = array<i32>} : memref<3x4x8x1024xf32, #tpu.memory_space<vmem>>, vector<1x1x1x16xf32>,
        %parallel_loop3A_1277 = vector.shape_cast %parallel_loop3A_1276 : vector<1x1x1x16xf32> to vector<16xf32>
        %parallel_loop3A_1278 = vector.shape_cast %parallel_loop3A_1111 : vector<16xf32> to vector<1x1x1x16xf32>
        tpu.vector_store %arg5[%parallel_loop3A_1272, %parallel_loop3A_1273, %parallel_loop3A_1274, %parallel_loop3A_1275], %parallel_loop3A_1278 {add = true, strides = array<i32>} : memref<3x4x8x1024xf32, #tpu.memory_space<vmem>>, vector<1x1x1x16xf32>,
        %parallel_loop3A_1279 = arith.constant 3 : i32
        %parallel_loop3A_1280 = arith.index_cast %select_n3A_138 : i32 to index
        %parallel_loop3A_1281 = arith.index_cast %parallel_loop3A_1279 : i32 to index
        %parallel_loop3A_1282 = arith.index_cast %parallel_loop3A_198 : i32 to index
        %parallel_loop3A_1283 = arith.constant 448 : index
        %parallel_loop3A_1284 = tpu.vector_load %arg5[%parallel_loop3A_1280, %parallel_loop3A_1281, %parallel_loop3A_1282, %parallel_loop3A_1283] {strides = array<i32>} : memref<3x4x8x1024xf32, #tpu.memory_space<vmem>>, vector<1x1x1x16xf32>,
        %parallel_loop3A_1285 = vector.shape_cast %parallel_loop3A_1284 : vector<1x1x1x16xf32> to vector<16xf32>
        %parallel_loop3A_1286 = vector.shape_cast %parallel_loop3A_1111 : vector<16xf32> to vector<1x1x1x16xf32>
        tpu.vector_store %arg5[%parallel_loop3A_1280, %parallel_loop3A_1281, %parallel_loop3A_1282, %parallel_loop3A_1283], %parallel_loop3A_1286 {add = true, strides = array<i32>} : memref<3x4x8x1024xf32, #tpu.memory_space<vmem>>, vector<1x1x1x16xf32>,
        %parallel_loop3A_1287 = arith.constant 0 : i32
        %parallel_loop3A_1288 = arith.index_cast %select_n3A_138 : i32 to index
        %parallel_loop3A_1289 = arith.index_cast %parallel_loop3A_1287 : i32 to index
        %parallel_loop3A_1290 = arith.index_cast %parallel_loop3A_198 : i32 to index
        %parallel_loop3A_1291 = arith.constant 464 : index
        %parallel_loop3A_1292 = tpu.vector_load %arg5[%parallel_loop3A_1288, %parallel_loop3A_1289, %parallel_loop3A_1290, %parallel_loop3A_1291] {strides = array<i32>} : memref<3x4x8x1024xf32, #tpu.memory_space<vmem>>, vector<1x1x1x16xf32>,
        %parallel_loop3A_1293 = vector.shape_cast %parallel_loop3A_1292 : vector<1x1x1x16xf32> to vector<16xf32>
        %parallel_loop3A_1294 = vector.shape_cast %parallel_loop3A_1116 : vector<16xf32> to vector<1x1x1x16xf32>
        tpu.vector_store %arg5[%parallel_loop3A_1288, %parallel_loop3A_1289, %parallel_loop3A_1290, %parallel_loop3A_1291], %parallel_loop3A_1294 {add = true, strides = array<i32>} : memref<3x4x8x1024xf32, #tpu.memory_space<vmem>>, vector<1x1x1x16xf32>,
        %parallel_loop3A_1295 = arith.constant 1 : i32
        %parallel_loop3A_1296 = arith.index_cast %select_n3A_138 : i32 to index
        %parallel_loop3A_1297 = arith.index_cast %parallel_loop3A_1295 : i32 to index
        %parallel_loop3A_1298 = arith.index_cast %parallel_loop3A_198 : i32 to index
        %parallel_loop3A_1299 = arith.constant 464 : index
        %parallel_loop3A_1300 = tpu.vector_load %arg5[%parallel_loop3A_1296, %parallel_loop3A_1297, %parallel_loop3A_1298, %parallel_loop3A_1299] {strides = array<i32>} : memref<3x4x8x1024xf32, #tpu.memory_space<vmem>>, vector<1x1x1x16xf32>,
        %parallel_loop3A_1301 = vector.shape_cast %parallel_loop3A_1300 : vector<1x1x1x16xf32> to vector<16xf32>
        %parallel_loop3A_1302 = vector.shape_cast %parallel_loop3A_1116 : vector<16xf32> to vector<1x1x1x16xf32>
        tpu.vector_store %arg5[%parallel_loop3A_1296, %parallel_loop3A_1297, %parallel_loop3A_1298, %parallel_loop3A_1299], %parallel_loop3A_1302 {add = true, strides = array<i32>} : memref<3x4x8x1024xf32, #tpu.memory_space<vmem>>, vector<1x1x1x16xf32>,
        %parallel_loop3A_1303 = arith.constant 2 : i32
        %parallel_loop3A_1304 = arith.index_cast %select_n3A_138 : i32 to index
        %parallel_loop3A_1305 = arith.index_cast %parallel_loop3A_1303 : i32 to index
        %parallel_loop3A_1306 = arith.index_cast %parallel_loop3A_198 : i32 to index
        %parallel_loop3A_1307 = arith.constant 464 : index
        %parallel_loop3A_1308 = tpu.vector_load %arg5[%parallel_loop3A_1304, %parallel_loop3A_1305, %parallel_loop3A_1306, %parallel_loop3A_1307] {strides = array<i32>} : memref<3x4x8x1024xf32, #tpu.memory_space<vmem>>, vector<1x1x1x16xf32>,
        %parallel_loop3A_1309 = vector.shape_cast %parallel_loop3A_1308 : vector<1x1x1x16xf32> to vector<16xf32>
        %parallel_loop3A_1310 = vector.shape_cast %parallel_loop3A_1116 : vector<16xf32> to vector<1x1x1x16xf32>
        tpu.vector_store %arg5[%parallel_loop3A_1304, %parallel_loop3A_1305, %parallel_loop3A_1306, %parallel_loop3A_1307], %parallel_loop3A_1310 {add = true, strides = array<i32>} : memref<3x4x8x1024xf32, #tpu.memory_space<vmem>>, vector<1x1x1x16xf32>,
        %parallel_loop3A_1311 = arith.constant 3 : i32
        %parallel_loop3A_1312 = arith.index_cast %select_n3A_138 : i32 to index
        %parallel_loop3A_1313 = arith.index_cast %parallel_loop3A_1311 : i32 to index
        %parallel_loop3A_1314 = arith.index_cast %parallel_loop3A_198 : i32 to index
        %parallel_loop3A_1315 = arith.constant 464 : index
        %parallel_loop3A_1316 = tpu.vector_load %arg5[%parallel_loop3A_1312, %parallel_loop3A_1313, %parallel_loop3A_1314, %parallel_loop3A_1315] {strides = array<i32>} : memref<3x4x8x1024xf32, #tpu.memory_space<vmem>>, vector<1x1x1x16xf32>,
        %parallel_loop3A_1317 = vector.shape_cast %parallel_loop3A_1316 : vector<1x1x1x16xf32> to vector<16xf32>
        %parallel_loop3A_1318 = vector.shape_cast %parallel_loop3A_1116 : vector<16xf32> to vector<1x1x1x16xf32>
        tpu.vector_store %arg5[%parallel_loop3A_1312, %parallel_loop3A_1313, %parallel_loop3A_1314, %parallel_loop3A_1315], %parallel_loop3A_1318 {add = true, strides = array<i32>} : memref<3x4x8x1024xf32, #tpu.memory_space<vmem>>, vector<1x1x1x16xf32>,
        %parallel_loop3A_1319 = arith.constant 0 : i32
        %parallel_loop3A_1320 = arith.index_cast %select_n3A_138 : i32 to index
        %parallel_loop3A_1321 = arith.index_cast %parallel_loop3A_1319 : i32 to index
        %parallel_loop3A_1322 = arith.index_cast %parallel_loop3A_198 : i32 to index
        %parallel_loop3A_1323 = arith.constant 480 : index
        %parallel_loop3A_1324 = tpu.vector_load %arg5[%parallel_loop3A_1320, %parallel_loop3A_1321, %parallel_loop3A_1322, %parallel_loop3A_1323] {strides = array<i32>} : memref<3x4x8x1024xf32, #tpu.memory_space<vmem>>, vector<1x1x1x16xf32>,
        %parallel_loop3A_1325 = vector.shape_cast %parallel_loop3A_1324 : vector<1x1x1x16xf32> to vector<16xf32>
        %parallel_loop3A_1326 = vector.shape_cast %parallel_loop3A_1121 : vector<16xf32> to vector<1x1x1x16xf32>
        tpu.vector_store %arg5[%parallel_loop3A_1320, %parallel_loop3A_1321, %parallel_loop3A_1322, %parallel_loop3A_1323], %parallel_loop3A_1326 {add = true, strides = array<i32>} : memref<3x4x8x1024xf32, #tpu.memory_space<vmem>>, vector<1x1x1x16xf32>,
        %parallel_loop3A_1327 = arith.constant 1 : i32
        %parallel_loop3A_1328 = arith.index_cast %select_n3A_138 : i32 to index
        %parallel_loop3A_1329 = arith.index_cast %parallel_loop3A_1327 : i32 to index
        %parallel_loop3A_1330 = arith.index_cast %parallel_loop3A_198 : i32 to index
        %parallel_loop3A_1331 = arith.constant 480 : index
        %parallel_loop3A_1332 = tpu.vector_load %arg5[%parallel_loop3A_1328, %parallel_loop3A_1329, %parallel_loop3A_1330, %parallel_loop3A_1331] {strides = array<i32>} : memref<3x4x8x1024xf32, #tpu.memory_space<vmem>>, vector<1x1x1x16xf32>,
        %parallel_loop3A_1333 = vector.shape_cast %parallel_loop3A_1332 : vector<1x1x1x16xf32> to vector<16xf32>
        %parallel_loop3A_1334 = vector.shape_cast %parallel_loop3A_1121 : vector<16xf32> to vector<1x1x1x16xf32>
        tpu.vector_store %arg5[%parallel_loop3A_1328, %parallel_loop3A_1329, %parallel_loop3A_1330, %parallel_loop3A_1331], %parallel_loop3A_1334 {add = true, strides = array<i32>} : memref<3x4x8x1024xf32, #tpu.memory_space<vmem>>, vector<1x1x1x16xf32>,
        %parallel_loop3A_1335 = arith.constant 2 : i32
        %parallel_loop3A_1336 = arith.index_cast %select_n3A_138 : i32 to index
        %parallel_loop3A_1337 = arith.index_cast %parallel_loop3A_1335 : i32 to index
        %parallel_loop3A_1338 = arith.index_cast %parallel_loop3A_198 : i32 to index
        %parallel_loop3A_1339 = arith.constant 480 : index
        %parallel_loop3A_1340 = tpu.vector_load %arg5[%parallel_loop3A_1336, %parallel_loop3A_1337, %parallel_loop3A_1338, %parallel_loop3A_1339] {strides = array<i32>} : memref<3x4x8x1024xf32, #tpu.memory_space<vmem>>, vector<1x1x1x16xf32>,
        %parallel_loop3A_1341 = vector.shape_cast %parallel_loop3A_1340 : vector<1x1x1x16xf32> to vector<16xf32>
        %parallel_loop3A_1342 = vector.shape_cast %parallel_loop3A_1121 : vector<16xf32> to vector<1x1x1x16xf32>
        tpu.vector_store %arg5[%parallel_loop3A_1336, %parallel_loop3A_1337, %parallel_loop3A_1338, %parallel_loop3A_1339], %parallel_loop3A_1342 {add = true, strides = array<i32>} : memref<3x4x8x1024xf32, #tpu.memory_space<vmem>>, vector<1x1x1x16xf32>,
        %parallel_loop3A_1343 = arith.constant 3 : i32
        %parallel_loop3A_1344 = arith.index_cast %select_n3A_138 : i32 to index
        %parallel_loop3A_1345 = arith.index_cast %parallel_loop3A_1343 : i32 to index
        %parallel_loop3A_1346 = arith.index_cast %parallel_loop3A_198 : i32 to index
        %parallel_loop3A_1347 = arith.constant 480 : index
        %parallel_loop3A_1348 = tpu.vector_load %arg5[%parallel_loop3A_1344, %parallel_loop3A_1345, %parallel_loop3A_1346, %parallel_loop3A_1347] {strides = array<i32>} : memref<3x4x8x1024xf32, #tpu.memory_space<vmem>>, vector<1x1x1x16xf32>,
        %parallel_loop3A_1349 = vector.shape_cast %parallel_loop3A_1348 : vector<1x1x1x16xf32> to vector<16xf32>
        %parallel_loop3A_1350 = vector.shape_cast %parallel_loop3A_1121 : vector<16xf32> to vector<1x1x1x16xf32>
        tpu.vector_store %arg5[%parallel_loop3A_1344, %parallel_loop3A_1345, %parallel_loop3A_1346, %parallel_loop3A_1347], %parallel_loop3A_1350 {add = true, strides = array<i32>} : memref<3x4x8x1024xf32, #tpu.memory_space<vmem>>, vector<1x1x1x16xf32>,
        %parallel_loop3A_1351 = arith.constant 0 : i32
        %parallel_loop3A_1352 = arith.index_cast %select_n3A_138 : i32 to index
        %parallel_loop3A_1353 = arith.index_cast %parallel_loop3A_1351 : i32 to index
        %parallel_loop3A_1354 = arith.index_cast %parallel_loop3A_198 : i32 to index
        %parallel_loop3A_1355 = arith.constant 496 : index
        %parallel_loop3A_1356 = tpu.vector_load %arg5[%parallel_loop3A_1352, %parallel_loop3A_1353, %parallel_loop3A_1354, %parallel_loop3A_1355] {strides = array<i32>} : memref<3x4x8x1024xf32, #tpu.memory_space<vmem>>, vector<1x1x1x16xf32>,
        %parallel_loop3A_1357 = vector.shape_cast %parallel_loop3A_1356 : vector<1x1x1x16xf32> to vector<16xf32>
        %parallel_loop3A_1358 = vector.shape_cast %parallel_loop3A_1126 : vector<16xf32> to vector<1x1x1x16xf32>
        tpu.vector_store %arg5[%parallel_loop3A_1352, %parallel_loop3A_1353, %parallel_loop3A_1354, %parallel_loop3A_1355], %parallel_loop3A_1358 {add = true, strides = array<i32>} : memref<3x4x8x1024xf32, #tpu.memory_space<vmem>>, vector<1x1x1x16xf32>,
        %parallel_loop3A_1359 = arith.constant 1 : i32
        %parallel_loop3A_1360 = arith.index_cast %select_n3A_138 : i32 to index
        %parallel_loop3A_1361 = arith.index_cast %parallel_loop3A_1359 : i32 to index
        %parallel_loop3A_1362 = arith.index_cast %parallel_loop3A_198 : i32 to index
        %parallel_loop3A_1363 = arith.constant 496 : index
        %parallel_loop3A_1364 = tpu.vector_load %arg5[%parallel_loop3A_1360, %parallel_loop3A_1361, %parallel_loop3A_1362, %parallel_loop3A_1363] {strides = array<i32>} : memref<3x4x8x1024xf32, #tpu.memory_space<vmem>>, vector<1x1x1x16xf32>,
        %parallel_loop3A_1365 = vector.shape_cast %parallel_loop3A_1364 : vector<1x1x1x16xf32> to vector<16xf32>
        %parallel_loop3A_1366 = vector.shape_cast %parallel_loop3A_1126 : vector<16xf32> to vector<1x1x1x16xf32>
        tpu.vector_store %arg5[%parallel_loop3A_1360, %parallel_loop3A_1361, %parallel_loop3A_1362, %parallel_loop3A_1363], %parallel_loop3A_1366 {add = true, strides = array<i32>} : memref<3x4x8x1024xf32, #tpu.memory_space<vmem>>, vector<1x1x1x16xf32>,
        %parallel_loop3A_1367 = arith.constant 2 : i32
        %parallel_loop3A_1368 = arith.index_cast %select_n3A_138 : i32 to index
        %parallel_loop3A_1369 = arith.index_cast %parallel_loop3A_1367 : i32 to index
        %parallel_loop3A_1370 = arith.index_cast %parallel_loop3A_198 : i32 to index
        %parallel_loop3A_1371 = arith.constant 496 : index
        %parallel_loop3A_1372 = tpu.vector_load %arg5[%parallel_loop3A_1368, %parallel_loop3A_1369, %parallel_loop3A_1370, %parallel_loop3A_1371] {strides = array<i32>} : memref<3x4x8x1024xf32, #tpu.memory_space<vmem>>, vector<1x1x1x16xf32>,
        %parallel_loop3A_1373 = vector.shape_cast %parallel_loop3A_1372 : vector<1x1x1x16xf32> to vector<16xf32>
        %parallel_loop3A_1374 = vector.shape_cast %parallel_loop3A_1126 : vector<16xf32> to vector<1x1x1x16xf32>
        tpu.vector_store %arg5[%parallel_loop3A_1368, %parallel_loop3A_1369, %parallel_loop3A_1370, %parallel_loop3A_1371], %parallel_loop3A_1374 {add = true, strides = array<i32>} : memref<3x4x8x1024xf32, #tpu.memory_space<vmem>>, vector<1x1x1x16xf32>,
        %parallel_loop3A_1375 = arith.constant 3 : i32
        %parallel_loop3A_1376 = arith.index_cast %select_n3A_138 : i32 to index
        %parallel_loop3A_1377 = arith.index_cast %parallel_loop3A_1375 : i32 to index
        %parallel_loop3A_1378 = arith.index_cast %parallel_loop3A_198 : i32 to index
        %parallel_loop3A_1379 = arith.constant 496 : index
        %parallel_loop3A_1380 = tpu.vector_load %arg5[%parallel_loop3A_1376, %parallel_loop3A_1377, %parallel_loop3A_1378, %parallel_loop3A_1379] {strides = array<i32>} : memref<3x4x8x1024xf32, #tpu.memory_space<vmem>>, vector<1x1x1x16xf32>,
        %parallel_loop3A_1381 = vector.shape_cast %parallel_loop3A_1380 : vector<1x1x1x16xf32> to vector<16xf32>
        %parallel_loop3A_1382 = vector.shape_cast %parallel_loop3A_1126 : vector<16xf32> to vector<1x1x1x16xf32>
        tpu.vector_store %arg5[%parallel_loop3A_1376, %parallel_loop3A_1377, %parallel_loop3A_1378, %parallel_loop3A_1379], %parallel_loop3A_1382 {add = true, strides = array<i32>} : memref<3x4x8x1024xf32, #tpu.memory_space<vmem>>, vector<1x1x1x16xf32>,
        %parallel_loop3A_1383 = arith.index_cast %select_n3A_138 : i32 to index
        %parallel_loop3A_1384 = arith.index_cast %parallel_loop3A_198 : i32 to index
        %parallel_loop3A_1385 = arith.constant 512 : index
        %parallel_loop3A_1386 = tpu.vector_load %arg6[%parallel_loop3A_1383, %parallel_loop3A_1384, %parallel_loop3A_1385] {strides = array<i32>} : memref<3x8x1024xf32, #tpu.memory_space<vmem>>, vector<1x1x16xf32>,
        %parallel_loop3A_1387 = vector.shape_cast %parallel_loop3A_1386 : vector<1x1x16xf32> to vector<16xf32>
        %parallel_loop3A_1388 = arith.index_cast %select_n3A_138 : i32 to index
        %parallel_loop3A_1389 = arith.index_cast %parallel_loop3A_198 : i32 to index
        %parallel_loop3A_1390 = arith.constant 528 : index
        %parallel_loop3A_1391 = tpu.vector_load %arg6[%parallel_loop3A_1388, %parallel_loop3A_1389, %parallel_loop3A_1390] {strides = array<i32>} : memref<3x8x1024xf32, #tpu.memory_space<vmem>>, vector<1x1x16xf32>,
        %parallel_loop3A_1392 = vector.shape_cast %parallel_loop3A_1391 : vector<1x1x16xf32> to vector<16xf32>
        %parallel_loop3A_1393 = arith.index_cast %select_n3A_138 : i32 to index
        %parallel_loop3A_1394 = arith.index_cast %parallel_loop3A_198 : i32 to index
        %parallel_loop3A_1395 = arith.constant 544 : index
        %parallel_loop3A_1396 = tpu.vector_load %arg6[%parallel_loop3A_1393, %parallel_loop3A_1394, %parallel_loop3A_1395] {strides = array<i32>} : memref<3x8x1024xf32, #tpu.memory_space<vmem>>, vector<1x1x16xf32>,
        %parallel_loop3A_1397 = vector.shape_cast %parallel_loop3A_1396 : vector<1x1x16xf32> to vector<16xf32>
        %parallel_loop3A_1398 = arith.index_cast %select_n3A_138 : i32 to index
        %parallel_loop3A_1399 = arith.index_cast %parallel_loop3A_198 : i32 to index
        %parallel_loop3A_1400 = arith.constant 560 : index
        %parallel_loop3A_1401 = tpu.vector_load %arg6[%parallel_loop3A_1398, %parallel_loop3A_1399, %parallel_loop3A_1400] {strides = array<i32>} : memref<3x8x1024xf32, #tpu.memory_space<vmem>>, vector<1x1x16xf32>,
        %parallel_loop3A_1402 = vector.shape_cast %parallel_loop3A_1401 : vector<1x1x16xf32> to vector<16xf32>
        %parallel_loop3A_1403 = arith.index_cast %select_n3A_138 : i32 to index
        %parallel_loop3A_1404 = arith.index_cast %parallel_loop3A_198 : i32 to index
        %parallel_loop3A_1405 = arith.constant 576 : index
        %parallel_loop3A_1406 = tpu.vector_load %arg6[%parallel_loop3A_1403, %parallel_loop3A_1404, %parallel_loop3A_1405] {strides = array<i32>} : memref<3x8x1024xf32, #tpu.memory_space<vmem>>, vector<1x1x16xf32>,
        %parallel_loop3A_1407 = vector.shape_cast %parallel_loop3A_1406 : vector<1x1x16xf32> to vector<16xf32>
        %parallel_loop3A_1408 = arith.index_cast %select_n3A_138 : i32 to index
        %parallel_loop3A_1409 = arith.index_cast %parallel_loop3A_198 : i32 to index
        %parallel_loop3A_1410 = arith.constant 592 : index
        %parallel_loop3A_1411 = tpu.vector_load %arg6[%parallel_loop3A_1408, %parallel_loop3A_1409, %parallel_loop3A_1410] {strides = array<i32>} : memref<3x8x1024xf32, #tpu.memory_space<vmem>>, vector<1x1x16xf32>,
        %parallel_loop3A_1412 = vector.shape_cast %parallel_loop3A_1411 : vector<1x1x16xf32> to vector<16xf32>
        %parallel_loop3A_1413 = arith.index_cast %select_n3A_138 : i32 to index
        %parallel_loop3A_1414 = arith.index_cast %parallel_loop3A_198 : i32 to index
        %parallel_loop3A_1415 = arith.constant 608 : index
        %parallel_loop3A_1416 = tpu.vector_load %arg6[%parallel_loop3A_1413, %parallel_loop3A_1414, %parallel_loop3A_1415] {strides = array<i32>} : memref<3x8x1024xf32, #tpu.memory_space<vmem>>, vector<1x1x16xf32>,
        %parallel_loop3A_1417 = vector.shape_cast %parallel_loop3A_1416 : vector<1x1x16xf32> to vector<16xf32>
        %parallel_loop3A_1418 = arith.index_cast %select_n3A_138 : i32 to index
        %parallel_loop3A_1419 = arith.index_cast %parallel_loop3A_198 : i32 to index
        %parallel_loop3A_1420 = arith.constant 624 : index
        %parallel_loop3A_1421 = tpu.vector_load %arg6[%parallel_loop3A_1418, %parallel_loop3A_1419, %parallel_loop3A_1420] {strides = array<i32>} : memref<3x8x1024xf32, #tpu.memory_space<vmem>>, vector<1x1x16xf32>,
        %parallel_loop3A_1422 = vector.shape_cast %parallel_loop3A_1421 : vector<1x1x16xf32> to vector<16xf32>
        %parallel_loop3A_1423 = arith.constant 0 : i32
        %parallel_loop3A_1424 = arith.index_cast %select_n3A_138 : i32 to index
        %parallel_loop3A_1425 = arith.index_cast %parallel_loop3A_1423 : i32 to index
        %parallel_loop3A_1426 = arith.index_cast %parallel_loop3A_198 : i32 to index
        %parallel_loop3A_1427 = arith.constant 512 : index
        %parallel_loop3A_1428 = tpu.vector_load %arg5[%parallel_loop3A_1424, %parallel_loop3A_1425, %parallel_loop3A_1426, %parallel_loop3A_1427] {strides = array<i32>} : memref<3x4x8x1024xf32, #tpu.memory_space<vmem>>, vector<1x1x1x16xf32>,
        %parallel_loop3A_1429 = vector.shape_cast %parallel_loop3A_1428 : vector<1x1x1x16xf32> to vector<16xf32>
        %parallel_loop3A_1430 = vector.shape_cast %parallel_loop3A_1387 : vector<16xf32> to vector<1x1x1x16xf32>
        tpu.vector_store %arg5[%parallel_loop3A_1424, %parallel_loop3A_1425, %parallel_loop3A_1426, %parallel_loop3A_1427], %parallel_loop3A_1430 {add = true, strides = array<i32>} : memref<3x4x8x1024xf32, #tpu.memory_space<vmem>>, vector<1x1x1x16xf32>,
        %parallel_loop3A_1431 = arith.constant 1 : i32
        %parallel_loop3A_1432 = arith.index_cast %select_n3A_138 : i32 to index
        %parallel_loop3A_1433 = arith.index_cast %parallel_loop3A_1431 : i32 to index
        %parallel_loop3A_1434 = arith.index_cast %parallel_loop3A_198 : i32 to index
        %parallel_loop3A_1435 = arith.constant 512 : index
        %parallel_loop3A_1436 = tpu.vector_load %arg5[%parallel_loop3A_1432, %parallel_loop3A_1433, %parallel_loop3A_1434, %parallel_loop3A_1435] {strides = array<i32>} : memref<3x4x8x1024xf32, #tpu.memory_space<vmem>>, vector<1x1x1x16xf32>,
        %parallel_loop3A_1437 = vector.shape_cast %parallel_loop3A_1436 : vector<1x1x1x16xf32> to vector<16xf32>
        %parallel_loop3A_1438 = vector.shape_cast %parallel_loop3A_1387 : vector<16xf32> to vector<1x1x1x16xf32>
        tpu.vector_store %arg5[%parallel_loop3A_1432, %parallel_loop3A_1433, %parallel_loop3A_1434, %parallel_loop3A_1435], %parallel_loop3A_1438 {add = true, strides = array<i32>} : memref<3x4x8x1024xf32, #tpu.memory_space<vmem>>, vector<1x1x1x16xf32>,
        %parallel_loop3A_1439 = arith.constant 2 : i32
        %parallel_loop3A_1440 = arith.index_cast %select_n3A_138 : i32 to index
        %parallel_loop3A_1441 = arith.index_cast %parallel_loop3A_1439 : i32 to index
        %parallel_loop3A_1442 = arith.index_cast %parallel_loop3A_198 : i32 to index
        %parallel_loop3A_1443 = arith.constant 512 : index
        %parallel_loop3A_1444 = tpu.vector_load %arg5[%parallel_loop3A_1440, %parallel_loop3A_1441, %parallel_loop3A_1442, %parallel_loop3A_1443] {strides = array<i32>} : memref<3x4x8x1024xf32, #tpu.memory_space<vmem>>, vector<1x1x1x16xf32>,
        %parallel_loop3A_1445 = vector.shape_cast %parallel_loop3A_1444 : vector<1x1x1x16xf32> to vector<16xf32>
        %parallel_loop3A_1446 = vector.shape_cast %parallel_loop3A_1387 : vector<16xf32> to vector<1x1x1x16xf32>
        tpu.vector_store %arg5[%parallel_loop3A_1440, %parallel_loop3A_1441, %parallel_loop3A_1442, %parallel_loop3A_1443], %parallel_loop3A_1446 {add = true, strides = array<i32>} : memref<3x4x8x1024xf32, #tpu.memory_space<vmem>>, vector<1x1x1x16xf32>,
        %parallel_loop3A_1447 = arith.constant 3 : i32
        %parallel_loop3A_1448 = arith.index_cast %select_n3A_138 : i32 to index
        %parallel_loop3A_1449 = arith.index_cast %parallel_loop3A_1447 : i32 to index
        %parallel_loop3A_1450 = arith.index_cast %parallel_loop3A_198 : i32 to index
        %parallel_loop3A_1451 = arith.constant 512 : index
        %parallel_loop3A_1452 = tpu.vector_load %arg5[%parallel_loop3A_1448, %parallel_loop3A_1449, %parallel_loop3A_1450, %parallel_loop3A_1451] {strides = array<i32>} : memref<3x4x8x1024xf32, #tpu.memory_space<vmem>>, vector<1x1x1x16xf32>,
        %parallel_loop3A_1453 = vector.shape_cast %parallel_loop3A_1452 : vector<1x1x1x16xf32> to vector<16xf32>
        %parallel_loop3A_1454 = vector.shape_cast %parallel_loop3A_1387 : vector<16xf32> to vector<1x1x1x16xf32>
        tpu.vector_store %arg5[%parallel_loop3A_1448, %parallel_loop3A_1449, %parallel_loop3A_1450, %parallel_loop3A_1451], %parallel_loop3A_1454 {add = true, strides = array<i32>} : memref<3x4x8x1024xf32, #tpu.memory_space<vmem>>, vector<1x1x1x16xf32>,
        %parallel_loop3A_1455 = arith.constant 0 : i32
        %parallel_loop3A_1456 = arith.index_cast %select_n3A_138 : i32 to index
        %parallel_loop3A_1457 = arith.index_cast %parallel_loop3A_1455 : i32 to index
        %parallel_loop3A_1458 = arith.index_cast %parallel_loop3A_198 : i32 to index
        %parallel_loop3A_1459 = arith.constant 528 : index
        %parallel_loop3A_1460 = tpu.vector_load %arg5[%parallel_loop3A_1456, %parallel_loop3A_1457, %parallel_loop3A_1458, %parallel_loop3A_1459] {strides = array<i32>} : memref<3x4x8x1024xf32, #tpu.memory_space<vmem>>, vector<1x1x1x16xf32>,
        %parallel_loop3A_1461 = vector.shape_cast %parallel_loop3A_1460 : vector<1x1x1x16xf32> to vector<16xf32>
        %parallel_loop3A_1462 = vector.shape_cast %parallel_loop3A_1392 : vector<16xf32> to vector<1x1x1x16xf32>
        tpu.vector_store %arg5[%parallel_loop3A_1456, %parallel_loop3A_1457, %parallel_loop3A_1458, %parallel_loop3A_1459], %parallel_loop3A_1462 {add = true, strides = array<i32>} : memref<3x4x8x1024xf32, #tpu.memory_space<vmem>>, vector<1x1x1x16xf32>,
        %parallel_loop3A_1463 = arith.constant 1 : i32
        %parallel_loop3A_1464 = arith.index_cast %select_n3A_138 : i32 to index
        %parallel_loop3A_1465 = arith.index_cast %parallel_loop3A_1463 : i32 to index
        %parallel_loop3A_1466 = arith.index_cast %parallel_loop3A_198 : i32 to index
        %parallel_loop3A_1467 = arith.constant 528 : index
        %parallel_loop3A_1468 = tpu.vector_load %arg5[%parallel_loop3A_1464, %parallel_loop3A_1465, %parallel_loop3A_1466, %parallel_loop3A_1467] {strides = array<i32>} : memref<3x4x8x1024xf32, #tpu.memory_space<vmem>>, vector<1x1x1x16xf32>,
        %parallel_loop3A_1469 = vector.shape_cast %parallel_loop3A_1468 : vector<1x1x1x16xf32> to vector<16xf32>
        %parallel_loop3A_1470 = vector.shape_cast %parallel_loop3A_1392 : vector<16xf32> to vector<1x1x1x16xf32>
        tpu.vector_store %arg5[%parallel_loop3A_1464, %parallel_loop3A_1465, %parallel_loop3A_1466, %parallel_loop3A_1467], %parallel_loop3A_1470 {add = true, strides = array<i32>} : memref<3x4x8x1024xf32, #tpu.memory_space<vmem>>, vector<1x1x1x16xf32>,
        %parallel_loop3A_1471 = arith.constant 2 : i32
        %parallel_loop3A_1472 = arith.index_cast %select_n3A_138 : i32 to index
        %parallel_loop3A_1473 = arith.index_cast %parallel_loop3A_1471 : i32 to index
        %parallel_loop3A_1474 = arith.index_cast %parallel_loop3A_198 : i32 to index
        %parallel_loop3A_1475 = arith.constant 528 : index
        %parallel_loop3A_1476 = tpu.vector_load %arg5[%parallel_loop3A_1472, %parallel_loop3A_1473, %parallel_loop3A_1474, %parallel_loop3A_1475] {strides = array<i32>} : memref<3x4x8x1024xf32, #tpu.memory_space<vmem>>, vector<1x1x1x16xf32>,
        %parallel_loop3A_1477 = vector.shape_cast %parallel_loop3A_1476 : vector<1x1x1x16xf32> to vector<16xf32>
        %parallel_loop3A_1478 = vector.shape_cast %parallel_loop3A_1392 : vector<16xf32> to vector<1x1x1x16xf32>
        tpu.vector_store %arg5[%parallel_loop3A_1472, %parallel_loop3A_1473, %parallel_loop3A_1474, %parallel_loop3A_1475], %parallel_loop3A_1478 {add = true, strides = array<i32>} : memref<3x4x8x1024xf32, #tpu.memory_space<vmem>>, vector<1x1x1x16xf32>,
        %parallel_loop3A_1479 = arith.constant 3 : i32
        %parallel_loop3A_1480 = arith.index_cast %select_n3A_138 : i32 to index
        %parallel_loop3A_1481 = arith.index_cast %parallel_loop3A_1479 : i32 to index
        %parallel_loop3A_1482 = arith.index_cast %parallel_loop3A_198 : i32 to index
        %parallel_loop3A_1483 = arith.constant 528 : index
        %parallel_loop3A_1484 = tpu.vector_load %arg5[%parallel_loop3A_1480, %parallel_loop3A_1481, %parallel_loop3A_1482, %parallel_loop3A_1483] {strides = array<i32>} : memref<3x4x8x1024xf32, #tpu.memory_space<vmem>>, vector<1x1x1x16xf32>,
        %parallel_loop3A_1485 = vector.shape_cast %parallel_loop3A_1484 : vector<1x1x1x16xf32> to vector<16xf32>
        %parallel_loop3A_1486 = vector.shape_cast %parallel_loop3A_1392 : vector<16xf32> to vector<1x1x1x16xf32>
        tpu.vector_store %arg5[%parallel_loop3A_1480, %parallel_loop3A_1481, %parallel_loop3A_1482, %parallel_loop3A_1483], %parallel_loop3A_1486 {add = true, strides = array<i32>} : memref<3x4x8x1024xf32, #tpu.memory_space<vmem>>, vector<1x1x1x16xf32>,
        %parallel_loop3A_1487 = arith.constant 0 : i32
        %parallel_loop3A_1488 = arith.index_cast %select_n3A_138 : i32 to index
        %parallel_loop3A_1489 = arith.index_cast %parallel_loop3A_1487 : i32 to index
        %parallel_loop3A_1490 = arith.index_cast %parallel_loop3A_198 : i32 to index
        %parallel_loop3A_1491 = arith.constant 544 : index
        %parallel_loop3A_1492 = tpu.vector_load %arg5[%parallel_loop3A_1488, %parallel_loop3A_1489, %parallel_loop3A_1490, %parallel_loop3A_1491] {strides = array<i32>} : memref<3x4x8x1024xf32, #tpu.memory_space<vmem>>, vector<1x1x1x16xf32>,
        %parallel_loop3A_1493 = vector.shape_cast %parallel_loop3A_1492 : vector<1x1x1x16xf32> to vector<16xf32>
        %parallel_loop3A_1494 = vector.shape_cast %parallel_loop3A_1397 : vector<16xf32> to vector<1x1x1x16xf32>
        tpu.vector_store %arg5[%parallel_loop3A_1488, %parallel_loop3A_1489, %parallel_loop3A_1490, %parallel_loop3A_1491], %parallel_loop3A_1494 {add = true, strides = array<i32>} : memref<3x4x8x1024xf32, #tpu.memory_space<vmem>>, vector<1x1x1x16xf32>,
        %parallel_loop3A_1495 = arith.constant 1 : i32
        %parallel_loop3A_1496 = arith.index_cast %select_n3A_138 : i32 to index
        %parallel_loop3A_1497 = arith.index_cast %parallel_loop3A_1495 : i32 to index
        %parallel_loop3A_1498 = arith.index_cast %parallel_loop3A_198 : i32 to index
        %parallel_loop3A_1499 = arith.constant 544 : index
        %parallel_loop3A_1500 = tpu.vector_load %arg5[%parallel_loop3A_1496, %parallel_loop3A_1497, %parallel_loop3A_1498, %parallel_loop3A_1499] {strides = array<i32>} : memref<3x4x8x1024xf32, #tpu.memory_space<vmem>>, vector<1x1x1x16xf32>,
        %parallel_loop3A_1501 = vector.shape_cast %parallel_loop3A_1500 : vector<1x1x1x16xf32> to vector<16xf32>
        %parallel_loop3A_1502 = vector.shape_cast %parallel_loop3A_1397 : vector<16xf32> to vector<1x1x1x16xf32>
        tpu.vector_store %arg5[%parallel_loop3A_1496, %parallel_loop3A_1497, %parallel_loop3A_1498, %parallel_loop3A_1499], %parallel_loop3A_1502 {add = true, strides = array<i32>} : memref<3x4x8x1024xf32, #tpu.memory_space<vmem>>, vector<1x1x1x16xf32>,
        %parallel_loop3A_1503 = arith.constant 2 : i32
        %parallel_loop3A_1504 = arith.index_cast %select_n3A_138 : i32 to index
        %parallel_loop3A_1505 = arith.index_cast %parallel_loop3A_1503 : i32 to index
        %parallel_loop3A_1506 = arith.index_cast %parallel_loop3A_198 : i32 to index
        %parallel_loop3A_1507 = arith.constant 544 : index
        %parallel_loop3A_1508 = tpu.vector_load %arg5[%parallel_loop3A_1504, %parallel_loop3A_1505, %parallel_loop3A_1506, %parallel_loop3A_1507] {strides = array<i32>} : memref<3x4x8x1024xf32, #tpu.memory_space<vmem>>, vector<1x1x1x16xf32>,
        %parallel_loop3A_1509 = vector.shape_cast %parallel_loop3A_1508 : vector<1x1x1x16xf32> to vector<16xf32>
        %parallel_loop3A_1510 = vector.shape_cast %parallel_loop3A_1397 : vector<16xf32> to vector<1x1x1x16xf32>
        tpu.vector_store %arg5[%parallel_loop3A_1504, %parallel_loop3A_1505, %parallel_loop3A_1506, %parallel_loop3A_1507], %parallel_loop3A_1510 {add = true, strides = array<i32>} : memref<3x4x8x1024xf32, #tpu.memory_space<vmem>>, vector<1x1x1x16xf32>,
        %parallel_loop3A_1511 = arith.constant 3 : i32
        %parallel_loop3A_1512 = arith.index_cast %select_n3A_138 : i32 to index
        %parallel_loop3A_1513 = arith.index_cast %parallel_loop3A_1511 : i32 to index
        %parallel_loop3A_1514 = arith.index_cast %parallel_loop3A_198 : i32 to index
        %parallel_loop3A_1515 = arith.constant 544 : index
        %parallel_loop3A_1516 = tpu.vector_load %arg5[%parallel_loop3A_1512, %parallel_loop3A_1513, %parallel_loop3A_1514, %parallel_loop3A_1515] {strides = array<i32>} : memref<3x4x8x1024xf32, #tpu.memory_space<vmem>>, vector<1x1x1x16xf32>,
        %parallel_loop3A_1517 = vector.shape_cast %parallel_loop3A_1516 : vector<1x1x1x16xf32> to vector<16xf32>
        %parallel_loop3A_1518 = vector.shape_cast %parallel_loop3A_1397 : vector<16xf32> to vector<1x1x1x16xf32>
        tpu.vector_store %arg5[%parallel_loop3A_1512, %parallel_loop3A_1513, %parallel_loop3A_1514, %parallel_loop3A_1515], %parallel_loop3A_1518 {add = true, strides = array<i32>} : memref<3x4x8x1024xf32, #tpu.memory_space<vmem>>, vector<1x1x1x16xf32>,
        %parallel_loop3A_1519 = arith.constant 0 : i32
        %parallel_loop3A_1520 = arith.index_cast %select_n3A_138 : i32 to index
        %parallel_loop3A_1521 = arith.index_cast %parallel_loop3A_1519 : i32 to index
        %parallel_loop3A_1522 = arith.index_cast %parallel_loop3A_198 : i32 to index
        %parallel_loop3A_1523 = arith.constant 560 : index
        %parallel_loop3A_1524 = tpu.vector_load %arg5[%parallel_loop3A_1520, %parallel_loop3A_1521, %parallel_loop3A_1522, %parallel_loop3A_1523] {strides = array<i32>} : memref<3x4x8x1024xf32, #tpu.memory_space<vmem>>, vector<1x1x1x16xf32>,
        %parallel_loop3A_1525 = vector.shape_cast %parallel_loop3A_1524 : vector<1x1x1x16xf32> to vector<16xf32>
        %parallel_loop3A_1526 = vector.shape_cast %parallel_loop3A_1402 : vector<16xf32> to vector<1x1x1x16xf32>
        tpu.vector_store %arg5[%parallel_loop3A_1520, %parallel_loop3A_1521, %parallel_loop3A_1522, %parallel_loop3A_1523], %parallel_loop3A_1526 {add = true, strides = array<i32>} : memref<3x4x8x1024xf32, #tpu.memory_space<vmem>>, vector<1x1x1x16xf32>,
        %parallel_loop3A_1527 = arith.constant 1 : i32
        %parallel_loop3A_1528 = arith.index_cast %select_n3A_138 : i32 to index
        %parallel_loop3A_1529 = arith.index_cast %parallel_loop3A_1527 : i32 to index
        %parallel_loop3A_1530 = arith.index_cast %parallel_loop3A_198 : i32 to index
        %parallel_loop3A_1531 = arith.constant 560 : index
        %parallel_loop3A_1532 = tpu.vector_load %arg5[%parallel_loop3A_1528, %parallel_loop3A_1529, %parallel_loop3A_1530, %parallel_loop3A_1531] {strides = array<i32>} : memref<3x4x8x1024xf32, #tpu.memory_space<vmem>>, vector<1x1x1x16xf32>,
        %parallel_loop3A_1533 = vector.shape_cast %parallel_loop3A_1532 : vector<1x1x1x16xf32> to vector<16xf32>
        %parallel_loop3A_1534 = vector.shape_cast %parallel_loop3A_1402 : vector<16xf32> to vector<1x1x1x16xf32>
        tpu.vector_store %arg5[%parallel_loop3A_1528, %parallel_loop3A_1529, %parallel_loop3A_1530, %parallel_loop3A_1531], %parallel_loop3A_1534 {add = true, strides = array<i32>} : memref<3x4x8x1024xf32, #tpu.memory_space<vmem>>, vector<1x1x1x16xf32>,
        %parallel_loop3A_1535 = arith.constant 2 : i32
        %parallel_loop3A_1536 = arith.index_cast %select_n3A_138 : i32 to index
        %parallel_loop3A_1537 = arith.index_cast %parallel_loop3A_1535 : i32 to index
        %parallel_loop3A_1538 = arith.index_cast %parallel_loop3A_198 : i32 to index
        %parallel_loop3A_1539 = arith.constant 560 : index
        %parallel_loop3A_1540 = tpu.vector_load %arg5[%parallel_loop3A_1536, %parallel_loop3A_1537, %parallel_loop3A_1538, %parallel_loop3A_1539] {strides = array<i32>} : memref<3x4x8x1024xf32, #tpu.memory_space<vmem>>, vector<1x1x1x16xf32>,
        %parallel_loop3A_1541 = vector.shape_cast %parallel_loop3A_1540 : vector<1x1x1x16xf32> to vector<16xf32>
        %parallel_loop3A_1542 = vector.shape_cast %parallel_loop3A_1402 : vector<16xf32> to vector<1x1x1x16xf32>
        tpu.vector_store %arg5[%parallel_loop3A_1536, %parallel_loop3A_1537, %parallel_loop3A_1538, %parallel_loop3A_1539], %parallel_loop3A_1542 {add = true, strides = array<i32>} : memref<3x4x8x1024xf32, #tpu.memory_space<vmem>>, vector<1x1x1x16xf32>,
        %parallel_loop3A_1543 = arith.constant 3 : i32
        %parallel_loop3A_1544 = arith.index_cast %select_n3A_138 : i32 to index
        %parallel_loop3A_1545 = arith.index_cast %parallel_loop3A_1543 : i32 to index
        %parallel_loop3A_1546 = arith.index_cast %parallel_loop3A_198 : i32 to index
        %parallel_loop3A_1547 = arith.constant 560 : index
        %parallel_loop3A_1548 = tpu.vector_load %arg5[%parallel_loop3A_1544, %parallel_loop3A_1545, %parallel_loop3A_1546, %parallel_loop3A_1547] {strides = array<i32>} : memref<3x4x8x1024xf32, #tpu.memory_space<vmem>>, vector<1x1x1x16xf32>,
        %parallel_loop3A_1549 = vector.shape_cast %parallel_loop3A_1548 : vector<1x1x1x16xf32> to vector<16xf32>
        %parallel_loop3A_1550 = vector.shape_cast %parallel_loop3A_1402 : vector<16xf32> to vector<1x1x1x16xf32>
        tpu.vector_store %arg5[%parallel_loop3A_1544, %parallel_loop3A_1545, %parallel_loop3A_1546, %parallel_loop3A_1547], %parallel_loop3A_1550 {add = true, strides = array<i32>} : memref<3x4x8x1024xf32, #tpu.memory_space<vmem>>, vector<1x1x1x16xf32>,
        %parallel_loop3A_1551 = arith.constant 0 : i32
        %parallel_loop3A_1552 = arith.index_cast %select_n3A_138 : i32 to index
        %parallel_loop3A_1553 = arith.index_cast %parallel_loop3A_1551 : i32 to index
        %parallel_loop3A_1554 = arith.index_cast %parallel_loop3A_198 : i32 to index
        %parallel_loop3A_1555 = arith.constant 576 : index
        %parallel_loop3A_1556 = tpu.vector_load %arg5[%parallel_loop3A_1552, %parallel_loop3A_1553, %parallel_loop3A_1554, %parallel_loop3A_1555] {strides = array<i32>} : memref<3x4x8x1024xf32, #tpu.memory_space<vmem>>, vector<1x1x1x16xf32>,
        %parallel_loop3A_1557 = vector.shape_cast %parallel_loop3A_1556 : vector<1x1x1x16xf32> to vector<16xf32>
        %parallel_loop3A_1558 = vector.shape_cast %parallel_loop3A_1407 : vector<16xf32> to vector<1x1x1x16xf32>
        tpu.vector_store %arg5[%parallel_loop3A_1552, %parallel_loop3A_1553, %parallel_loop3A_1554, %parallel_loop3A_1555], %parallel_loop3A_1558 {add = true, strides = array<i32>} : memref<3x4x8x1024xf32, #tpu.memory_space<vmem>>, vector<1x1x1x16xf32>,
        %parallel_loop3A_1559 = arith.constant 1 : i32
        %parallel_loop3A_1560 = arith.index_cast %select_n3A_138 : i32 to index
        %parallel_loop3A_1561 = arith.index_cast %parallel_loop3A_1559 : i32 to index
        %parallel_loop3A_1562 = arith.index_cast %parallel_loop3A_198 : i32 to index
        %parallel_loop3A_1563 = arith.constant 576 : index
        %parallel_loop3A_1564 = tpu.vector_load %arg5[%parallel_loop3A_1560, %parallel_loop3A_1561, %parallel_loop3A_1562, %parallel_loop3A_1563] {strides = array<i32>} : memref<3x4x8x1024xf32, #tpu.memory_space<vmem>>, vector<1x1x1x16xf32>,
        %parallel_loop3A_1565 = vector.shape_cast %parallel_loop3A_1564 : vector<1x1x1x16xf32> to vector<16xf32>
        %parallel_loop3A_1566 = vector.shape_cast %parallel_loop3A_1407 : vector<16xf32> to vector<1x1x1x16xf32>
        tpu.vector_store %arg5[%parallel_loop3A_1560, %parallel_loop3A_1561, %parallel_loop3A_1562, %parallel_loop3A_1563], %parallel_loop3A_1566 {add = true, strides = array<i32>} : memref<3x4x8x1024xf32, #tpu.memory_space<vmem>>, vector<1x1x1x16xf32>,
        %parallel_loop3A_1567 = arith.constant 2 : i32
        %parallel_loop3A_1568 = arith.index_cast %select_n3A_138 : i32 to index
        %parallel_loop3A_1569 = arith.index_cast %parallel_loop3A_1567 : i32 to index
        %parallel_loop3A_1570 = arith.index_cast %parallel_loop3A_198 : i32 to index
        %parallel_loop3A_1571 = arith.constant 576 : index
        %parallel_loop3A_1572 = tpu.vector_load %arg5[%parallel_loop3A_1568, %parallel_loop3A_1569, %parallel_loop3A_1570, %parallel_loop3A_1571] {strides = array<i32>} : memref<3x4x8x1024xf32, #tpu.memory_space<vmem>>, vector<1x1x1x16xf32>,
        %parallel_loop3A_1573 = vector.shape_cast %parallel_loop3A_1572 : vector<1x1x1x16xf32> to vector<16xf32>
        %parallel_loop3A_1574 = vector.shape_cast %parallel_loop3A_1407 : vector<16xf32> to vector<1x1x1x16xf32>
        tpu.vector_store %arg5[%parallel_loop3A_1568, %parallel_loop3A_1569, %parallel_loop3A_1570, %parallel_loop3A_1571], %parallel_loop3A_1574 {add = true, strides = array<i32>} : memref<3x4x8x1024xf32, #tpu.memory_space<vmem>>, vector<1x1x1x16xf32>,
        %parallel_loop3A_1575 = arith.constant 3 : i32
        %parallel_loop3A_1576 = arith.index_cast %select_n3A_138 : i32 to index
        %parallel_loop3A_1577 = arith.index_cast %parallel_loop3A_1575 : i32 to index
        %parallel_loop3A_1578 = arith.index_cast %parallel_loop3A_198 : i32 to index
        %parallel_loop3A_1579 = arith.constant 576 : index
        %parallel_loop3A_1580 = tpu.vector_load %arg5[%parallel_loop3A_1576, %parallel_loop3A_1577, %parallel_loop3A_1578, %parallel_loop3A_1579] {strides = array<i32>} : memref<3x4x8x1024xf32, #tpu.memory_space<vmem>>, vector<1x1x1x16xf32>,
        %parallel_loop3A_1581 = vector.shape_cast %parallel_loop3A_1580 : vector<1x1x1x16xf32> to vector<16xf32>
        %parallel_loop3A_1582 = vector.shape_cast %parallel_loop3A_1407 : vector<16xf32> to vector<1x1x1x16xf32>
        tpu.vector_store %arg5[%parallel_loop3A_1576, %parallel_loop3A_1577, %parallel_loop3A_1578, %parallel_loop3A_1579], %parallel_loop3A_1582 {add = true, strides = array<i32>} : memref<3x4x8x1024xf32, #tpu.memory_space<vmem>>, vector<1x1x1x16xf32>,
        %parallel_loop3A_1583 = arith.constant 0 : i32
        %parallel_loop3A_1584 = arith.index_cast %select_n3A_138 : i32 to index
        %parallel_loop3A_1585 = arith.index_cast %parallel_loop3A_1583 : i32 to index
        %parallel_loop3A_1586 = arith.index_cast %parallel_loop3A_198 : i32 to index
        %parallel_loop3A_1587 = arith.constant 592 : index
        %parallel_loop3A_1588 = tpu.vector_load %arg5[%parallel_loop3A_1584, %parallel_loop3A_1585, %parallel_loop3A_1586, %parallel_loop3A_1587] {strides = array<i32>} : memref<3x4x8x1024xf32, #tpu.memory_space<vmem>>, vector<1x1x1x16xf32>,
        %parallel_loop3A_1589 = vector.shape_cast %parallel_loop3A_1588 : vector<1x1x1x16xf32> to vector<16xf32>
        %parallel_loop3A_1590 = vector.shape_cast %parallel_loop3A_1412 : vector<16xf32> to vector<1x1x1x16xf32>
        tpu.vector_store %arg5[%parallel_loop3A_1584, %parallel_loop3A_1585, %parallel_loop3A_1586, %parallel_loop3A_1587], %parallel_loop3A_1590 {add = true, strides = array<i32>} : memref<3x4x8x1024xf32, #tpu.memory_space<vmem>>, vector<1x1x1x16xf32>,
        %parallel_loop3A_1591 = arith.constant 1 : i32
        %parallel_loop3A_1592 = arith.index_cast %select_n3A_138 : i32 to index
        %parallel_loop3A_1593 = arith.index_cast %parallel_loop3A_1591 : i32 to index
        %parallel_loop3A_1594 = arith.index_cast %parallel_loop3A_198 : i32 to index
        %parallel_loop3A_1595 = arith.constant 592 : index
        %parallel_loop3A_1596 = tpu.vector_load %arg5[%parallel_loop3A_1592, %parallel_loop3A_1593, %parallel_loop3A_1594, %parallel_loop3A_1595] {strides = array<i32>} : memref<3x4x8x1024xf32, #tpu.memory_space<vmem>>, vector<1x1x1x16xf32>,
        %parallel_loop3A_1597 = vector.shape_cast %parallel_loop3A_1596 : vector<1x1x1x16xf32> to vector<16xf32>
        %parallel_loop3A_1598 = vector.shape_cast %parallel_loop3A_1412 : vector<16xf32> to vector<1x1x1x16xf32>
        tpu.vector_store %arg5[%parallel_loop3A_1592, %parallel_loop3A_1593, %parallel_loop3A_1594, %parallel_loop3A_1595], %parallel_loop3A_1598 {add = true, strides = array<i32>} : memref<3x4x8x1024xf32, #tpu.memory_space<vmem>>, vector<1x1x1x16xf32>,
        %parallel_loop3A_1599 = arith.constant 2 : i32
        %parallel_loop3A_1600 = arith.index_cast %select_n3A_138 : i32 to index
        %parallel_loop3A_1601 = arith.index_cast %parallel_loop3A_1599 : i32 to index
        %parallel_loop3A_1602 = arith.index_cast %parallel_loop3A_198 : i32 to index
        %parallel_loop3A_1603 = arith.constant 592 : index
        %parallel_loop3A_1604 = tpu.vector_load %arg5[%parallel_loop3A_1600, %parallel_loop3A_1601, %parallel_loop3A_1602, %parallel_loop3A_1603] {strides = array<i32>} : memref<3x4x8x1024xf32, #tpu.memory_space<vmem>>, vector<1x1x1x16xf32>,
        %parallel_loop3A_1605 = vector.shape_cast %parallel_loop3A_1604 : vector<1x1x1x16xf32> to vector<16xf32>
        %parallel_loop3A_1606 = vector.shape_cast %parallel_loop3A_1412 : vector<16xf32> to vector<1x1x1x16xf32>
        tpu.vector_store %arg5[%parallel_loop3A_1600, %parallel_loop3A_1601, %parallel_loop3A_1602, %parallel_loop3A_1603], %parallel_loop3A_1606 {add = true, strides = array<i32>} : memref<3x4x8x1024xf32, #tpu.memory_space<vmem>>, vector<1x1x1x16xf32>,
        %parallel_loop3A_1607 = arith.constant 3 : i32
        %parallel_loop3A_1608 = arith.index_cast %select_n3A_138 : i32 to index
        %parallel_loop3A_1609 = arith.index_cast %parallel_loop3A_1607 : i32 to index
        %parallel_loop3A_1610 = arith.index_cast %parallel_loop3A_198 : i32 to index
        %parallel_loop3A_1611 = arith.constant 592 : index
        %parallel_loop3A_1612 = tpu.vector_load %arg5[%parallel_loop3A_1608, %parallel_loop3A_1609, %parallel_loop3A_1610, %parallel_loop3A_1611] {strides = array<i32>} : memref<3x4x8x1024xf32, #tpu.memory_space<vmem>>, vector<1x1x1x16xf32>,
        %parallel_loop3A_1613 = vector.shape_cast %parallel_loop3A_1612 : vector<1x1x1x16xf32> to vector<16xf32>
        %parallel_loop3A_1614 = vector.shape_cast %parallel_loop3A_1412 : vector<16xf32> to vector<1x1x1x16xf32>
        tpu.vector_store %arg5[%parallel_loop3A_1608, %parallel_loop3A_1609, %parallel_loop3A_1610, %parallel_loop3A_1611], %parallel_loop3A_1614 {add = true, strides = array<i32>} : memref<3x4x8x1024xf32, #tpu.memory_space<vmem>>, vector<1x1x1x16xf32>,
        %parallel_loop3A_1615 = arith.constant 0 : i32
        %parallel_loop3A_1616 = arith.index_cast %select_n3A_138 : i32 to index
        %parallel_loop3A_1617 = arith.index_cast %parallel_loop3A_1615 : i32 to index
        %parallel_loop3A_1618 = arith.index_cast %parallel_loop3A_198 : i32 to index
        %parallel_loop3A_1619 = arith.constant 608 : index
        %parallel_loop3A_1620 = tpu.vector_load %arg5[%parallel_loop3A_1616, %parallel_loop3A_1617, %parallel_loop3A_1618, %parallel_loop3A_1619] {strides = array<i32>} : memref<3x4x8x1024xf32, #tpu.memory_space<vmem>>, vector<1x1x1x16xf32>,
        %parallel_loop3A_1621 = vector.shape_cast %parallel_loop3A_1620 : vector<1x1x1x16xf32> to vector<16xf32>
        %parallel_loop3A_1622 = vector.shape_cast %parallel_loop3A_1417 : vector<16xf32> to vector<1x1x1x16xf32>
        tpu.vector_store %arg5[%parallel_loop3A_1616, %parallel_loop3A_1617, %parallel_loop3A_1618, %parallel_loop3A_1619], %parallel_loop3A_1622 {add = true, strides = array<i32>} : memref<3x4x8x1024xf32, #tpu.memory_space<vmem>>, vector<1x1x1x16xf32>,
        %parallel_loop3A_1623 = arith.constant 1 : i32
        %parallel_loop3A_1624 = arith.index_cast %select_n3A_138 : i32 to index
        %parallel_loop3A_1625 = arith.index_cast %parallel_loop3A_1623 : i32 to index
        %parallel_loop3A_1626 = arith.index_cast %parallel_loop3A_198 : i32 to index
        %parallel_loop3A_1627 = arith.constant 608 : index
        %parallel_loop3A_1628 = tpu.vector_load %arg5[%parallel_loop3A_1624, %parallel_loop3A_1625, %parallel_loop3A_1626, %parallel_loop3A_1627] {strides = array<i32>} : memref<3x4x8x1024xf32, #tpu.memory_space<vmem>>, vector<1x1x1x16xf32>,
        %parallel_loop3A_1629 = vector.shape_cast %parallel_loop3A_1628 : vector<1x1x1x16xf32> to vector<16xf32>
        %parallel_loop3A_1630 = vector.shape_cast %parallel_loop3A_1417 : vector<16xf32> to vector<1x1x1x16xf32>
        tpu.vector_store %arg5[%parallel_loop3A_1624, %parallel_loop3A_1625, %parallel_loop3A_1626, %parallel_loop3A_1627], %parallel_loop3A_1630 {add = true, strides = array<i32>} : memref<3x4x8x1024xf32, #tpu.memory_space<vmem>>, vector<1x1x1x16xf32>,
        %parallel_loop3A_1631 = arith.constant 2 : i32
        %parallel_loop3A_1632 = arith.index_cast %select_n3A_138 : i32 to index
        %parallel_loop3A_1633 = arith.index_cast %parallel_loop3A_1631 : i32 to index
        %parallel_loop3A_1634 = arith.index_cast %parallel_loop3A_198 : i32 to index
        %parallel_loop3A_1635 = arith.constant 608 : index
        %parallel_loop3A_1636 = tpu.vector_load %arg5[%parallel_loop3A_1632, %parallel_loop3A_1633, %parallel_loop3A_1634, %parallel_loop3A_1635] {strides = array<i32>} : memref<3x4x8x1024xf32, #tpu.memory_space<vmem>>, vector<1x1x1x16xf32>,
        %parallel_loop3A_1637 = vector.shape_cast %parallel_loop3A_1636 : vector<1x1x1x16xf32> to vector<16xf32>
        %parallel_loop3A_1638 = vector.shape_cast %parallel_loop3A_1417 : vector<16xf32> to vector<1x1x1x16xf32>
        tpu.vector_store %arg5[%parallel_loop3A_1632, %parallel_loop3A_1633, %parallel_loop3A_1634, %parallel_loop3A_1635], %parallel_loop3A_1638 {add = true, strides = array<i32>} : memref<3x4x8x1024xf32, #tpu.memory_space<vmem>>, vector<1x1x1x16xf32>,
        %parallel_loop3A_1639 = arith.constant 3 : i32
        %parallel_loop3A_1640 = arith.index_cast %select_n3A_138 : i32 to index
        %parallel_loop3A_1641 = arith.index_cast %parallel_loop3A_1639 : i32 to index
        %parallel_loop3A_1642 = arith.index_cast %parallel_loop3A_198 : i32 to index
        %parallel_loop3A_1643 = arith.constant 608 : index
        %parallel_loop3A_1644 = tpu.vector_load %arg5[%parallel_loop3A_1640, %parallel_loop3A_1641, %parallel_loop3A_1642, %parallel_loop3A_1643] {strides = array<i32>} : memref<3x4x8x1024xf32, #tpu.memory_space<vmem>>, vector<1x1x1x16xf32>,
        %parallel_loop3A_1645 = vector.shape_cast %parallel_loop3A_1644 : vector<1x1x1x16xf32> to vector<16xf32>
        %parallel_loop3A_1646 = vector.shape_cast %parallel_loop3A_1417 : vector<16xf32> to vector<1x1x1x16xf32>
        tpu.vector_store %arg5[%parallel_loop3A_1640, %parallel_loop3A_1641, %parallel_loop3A_1642, %parallel_loop3A_1643], %parallel_loop3A_1646 {add = true, strides = array<i32>} : memref<3x4x8x1024xf32, #tpu.memory_space<vmem>>, vector<1x1x1x16xf32>,
        %parallel_loop3A_1647 = arith.constant 0 : i32
        %parallel_loop3A_1648 = arith.index_cast %select_n3A_138 : i32 to index
        %parallel_loop3A_1649 = arith.index_cast %parallel_loop3A_1647 : i32 to index
        %parallel_loop3A_1650 = arith.index_cast %parallel_loop3A_198 : i32 to index
        %parallel_loop3A_1651 = arith.constant 624 : index
        %parallel_loop3A_1652 = tpu.vector_load %arg5[%parallel_loop3A_1648, %parallel_loop3A_1649, %parallel_loop3A_1650, %parallel_loop3A_1651] {strides = array<i32>} : memref<3x4x8x1024xf32, #tpu.memory_space<vmem>>, vector<1x1x1x16xf32>,
        %parallel_loop3A_1653 = vector.shape_cast %parallel_loop3A_1652 : vector<1x1x1x16xf32> to vector<16xf32>
        %parallel_loop3A_1654 = vector.shape_cast %parallel_loop3A_1422 : vector<16xf32> to vector<1x1x1x16xf32>
        tpu.vector_store %arg5[%parallel_loop3A_1648, %parallel_loop3A_1649, %parallel_loop3A_1650, %parallel_loop3A_1651], %parallel_loop3A_1654 {add = true, strides = array<i32>} : memref<3x4x8x1024xf32, #tpu.memory_space<vmem>>, vector<1x1x1x16xf32>,
        %parallel_loop3A_1655 = arith.constant 1 : i32
        %parallel_loop3A_1656 = arith.index_cast %select_n3A_138 : i32 to index
        %parallel_loop3A_1657 = arith.index_cast %parallel_loop3A_1655 : i32 to index
        %parallel_loop3A_1658 = arith.index_cast %parallel_loop3A_198 : i32 to index
        %parallel_loop3A_1659 = arith.constant 624 : index
        %parallel_loop3A_1660 = tpu.vector_load %arg5[%parallel_loop3A_1656, %parallel_loop3A_1657, %parallel_loop3A_1658, %parallel_loop3A_1659] {strides = array<i32>} : memref<3x4x8x1024xf32, #tpu.memory_space<vmem>>, vector<1x1x1x16xf32>,
        %parallel_loop3A_1661 = vector.shape_cast %parallel_loop3A_1660 : vector<1x1x1x16xf32> to vector<16xf32>
        %parallel_loop3A_1662 = vector.shape_cast %parallel_loop3A_1422 : vector<16xf32> to vector<1x1x1x16xf32>
        tpu.vector_store %arg5[%parallel_loop3A_1656, %parallel_loop3A_1657, %parallel_loop3A_1658, %parallel_loop3A_1659], %parallel_loop3A_1662 {add = true, strides = array<i32>} : memref<3x4x8x1024xf32, #tpu.memory_space<vmem>>, vector<1x1x1x16xf32>,
        %parallel_loop3A_1663 = arith.constant 2 : i32
        %parallel_loop3A_1664 = arith.index_cast %select_n3A_138 : i32 to index
        %parallel_loop3A_1665 = arith.index_cast %parallel_loop3A_1663 : i32 to index
        %parallel_loop3A_1666 = arith.index_cast %parallel_loop3A_198 : i32 to index
        %parallel_loop3A_1667 = arith.constant 624 : index
        %parallel_loop3A_1668 = tpu.vector_load %arg5[%parallel_loop3A_1664, %parallel_loop3A_1665, %parallel_loop3A_1666, %parallel_loop3A_1667] {strides = array<i32>} : memref<3x4x8x1024xf32, #tpu.memory_space<vmem>>, vector<1x1x1x16xf32>,
        %parallel_loop3A_1669 = vector.shape_cast %parallel_loop3A_1668 : vector<1x1x1x16xf32> to vector<16xf32>
        %parallel_loop3A_1670 = vector.shape_cast %parallel_loop3A_1422 : vector<16xf32> to vector<1x1x1x16xf32>
        tpu.vector_store %arg5[%parallel_loop3A_1664, %parallel_loop3A_1665, %parallel_loop3A_1666, %parallel_loop3A_1667], %parallel_loop3A_1670 {add = true, strides = array<i32>} : memref<3x4x8x1024xf32, #tpu.memory_space<vmem>>, vector<1x1x1x16xf32>,
        %parallel_loop3A_1671 = arith.constant 3 : i32
        %parallel_loop3A_1672 = arith.index_cast %select_n3A_138 : i32 to index
        %parallel_loop3A_1673 = arith.index_cast %parallel_loop3A_1671 : i32 to index
        %parallel_loop3A_1674 = arith.index_cast %parallel_loop3A_198 : i32 to index
        %parallel_loop3A_1675 = arith.constant 624 : index
        %parallel_loop3A_1676 = tpu.vector_load %arg5[%parallel_loop3A_1672, %parallel_loop3A_1673, %parallel_loop3A_1674, %parallel_loop3A_1675] {strides = array<i32>} : memref<3x4x8x1024xf32, #tpu.memory_space<vmem>>, vector<1x1x1x16xf32>,
        %parallel_loop3A_1677 = vector.shape_cast %parallel_loop3A_1676 : vector<1x1x1x16xf32> to vector<16xf32>
        %parallel_loop3A_1678 = vector.shape_cast %parallel_loop3A_1422 : vector<16xf32> to vector<1x1x1x16xf32>
        tpu.vector_store %arg5[%parallel_loop3A_1672, %parallel_loop3A_1673, %parallel_loop3A_1674, %parallel_loop3A_1675], %parallel_loop3A_1678 {add = true, strides = array<i32>} : memref<3x4x8x1024xf32, #tpu.memory_space<vmem>>, vector<1x1x1x16xf32>,
        %parallel_loop3A_1679 = arith.index_cast %select_n3A_138 : i32 to index
        %parallel_loop3A_1680 = arith.index_cast %parallel_loop3A_198 : i32 to index
        %parallel_loop3A_1681 = arith.constant 640 : index
        %parallel_loop3A_1682 = tpu.vector_load %arg6[%parallel_loop3A_1679, %parallel_loop3A_1680, %parallel_loop3A_1681] {strides = array<i32>} : memref<3x8x1024xf32, #tpu.memory_space<vmem>>, vector<1x1x16xf32>,
        %parallel_loop3A_1683 = vector.shape_cast %parallel_loop3A_1682 : vector<1x1x16xf32> to vector<16xf32>
        %parallel_loop3A_1684 = arith.index_cast %select_n3A_138 : i32 to index
        %parallel_loop3A_1685 = arith.index_cast %parallel_loop3A_198 : i32 to index
        %parallel_loop3A_1686 = arith.constant 656 : index
        %parallel_loop3A_1687 = tpu.vector_load %arg6[%parallel_loop3A_1684, %parallel_loop3A_1685, %parallel_loop3A_1686] {strides = array<i32>} : memref<3x8x1024xf32, #tpu.memory_space<vmem>>, vector<1x1x16xf32>,
        %parallel_loop3A_1688 = vector.shape_cast %parallel_loop3A_1687 : vector<1x1x16xf32> to vector<16xf32>
        %parallel_loop3A_1689 = arith.index_cast %select_n3A_138 : i32 to index
        %parallel_loop3A_1690 = arith.index_cast %parallel_loop3A_198 : i32 to index
        %parallel_loop3A_1691 = arith.constant 672 : index
        %parallel_loop3A_1692 = tpu.vector_load %arg6[%parallel_loop3A_1689, %parallel_loop3A_1690, %parallel_loop3A_1691] {strides = array<i32>} : memref<3x8x1024xf32, #tpu.memory_space<vmem>>, vector<1x1x16xf32>,
        %parallel_loop3A_1693 = vector.shape_cast %parallel_loop3A_1692 : vector<1x1x16xf32> to vector<16xf32>
        %parallel_loop3A_1694 = arith.index_cast %select_n3A_138 : i32 to index
        %parallel_loop3A_1695 = arith.index_cast %parallel_loop3A_198 : i32 to index
        %parallel_loop3A_1696 = arith.constant 688 : index
        %parallel_loop3A_1697 = tpu.vector_load %arg6[%parallel_loop3A_1694, %parallel_loop3A_1695, %parallel_loop3A_1696] {strides = array<i32>} : memref<3x8x1024xf32, #tpu.memory_space<vmem>>, vector<1x1x16xf32>,
        %parallel_loop3A_1698 = vector.shape_cast %parallel_loop3A_1697 : vector<1x1x16xf32> to vector<16xf32>
        %parallel_loop3A_1699 = arith.index_cast %select_n3A_138 : i32 to index
        %parallel_loop3A_1700 = arith.index_cast %parallel_loop3A_198 : i32 to index
        %parallel_loop3A_1701 = arith.constant 704 : index
        %parallel_loop3A_1702 = tpu.vector_load %arg6[%parallel_loop3A_1699, %parallel_loop3A_1700, %parallel_loop3A_1701] {strides = array<i32>} : memref<3x8x1024xf32, #tpu.memory_space<vmem>>, vector<1x1x16xf32>,
        %parallel_loop3A_1703 = vector.shape_cast %parallel_loop3A_1702 : vector<1x1x16xf32> to vector<16xf32>
        %parallel_loop3A_1704 = arith.index_cast %select_n3A_138 : i32 to index
        %parallel_loop3A_1705 = arith.index_cast %parallel_loop3A_198 : i32 to index
        %parallel_loop3A_1706 = arith.constant 720 : index
        %parallel_loop3A_1707 = tpu.vector_load %arg6[%parallel_loop3A_1704, %parallel_loop3A_1705, %parallel_loop3A_1706] {strides = array<i32>} : memref<3x8x1024xf32, #tpu.memory_space<vmem>>, vector<1x1x16xf32>,
        %parallel_loop3A_1708 = vector.shape_cast %parallel_loop3A_1707 : vector<1x1x16xf32> to vector<16xf32>
        %parallel_loop3A_1709 = arith.index_cast %select_n3A_138 : i32 to index
        %parallel_loop3A_1710 = arith.index_cast %parallel_loop3A_198 : i32 to index
        %parallel_loop3A_1711 = arith.constant 736 : index
        %parallel_loop3A_1712 = tpu.vector_load %arg6[%parallel_loop3A_1709, %parallel_loop3A_1710, %parallel_loop3A_1711] {strides = array<i32>} : memref<3x8x1024xf32, #tpu.memory_space<vmem>>, vector<1x1x16xf32>,
        %parallel_loop3A_1713 = vector.shape_cast %parallel_loop3A_1712 : vector<1x1x16xf32> to vector<16xf32>
        %parallel_loop3A_1714 = arith.index_cast %select_n3A_138 : i32 to index
        %parallel_loop3A_1715 = arith.index_cast %parallel_loop3A_198 : i32 to index
        %parallel_loop3A_1716 = arith.constant 752 : index
        %parallel_loop3A_1717 = tpu.vector_load %arg6[%parallel_loop3A_1714, %parallel_loop3A_1715, %parallel_loop3A_1716] {strides = array<i32>} : memref<3x8x1024xf32, #tpu.memory_space<vmem>>, vector<1x1x16xf32>,
        %parallel_loop3A_1718 = vector.shape_cast %parallel_loop3A_1717 : vector<1x1x16xf32> to vector<16xf32>
        %parallel_loop3A_1719 = arith.constant 0 : i32
        %parallel_loop3A_1720 = arith.index_cast %select_n3A_138 : i32 to index
        %parallel_loop3A_1721 = arith.index_cast %parallel_loop3A_1719 : i32 to index
        %parallel_loop3A_1722 = arith.index_cast %parallel_loop3A_198 : i32 to index
        %parallel_loop3A_1723 = arith.constant 640 : index
        %parallel_loop3A_1724 = tpu.vector_load %arg5[%parallel_loop3A_1720, %parallel_loop3A_1721, %parallel_loop3A_1722, %parallel_loop3A_1723] {strides = array<i32>} : memref<3x4x8x1024xf32, #tpu.memory_space<vmem>>, vector<1x1x1x16xf32>,
        %parallel_loop3A_1725 = vector.shape_cast %parallel_loop3A_1724 : vector<1x1x1x16xf32> to vector<16xf32>
        %parallel_loop3A_1726 = vector.shape_cast %parallel_loop3A_1683 : vector<16xf32> to vector<1x1x1x16xf32>
        tpu.vector_store %arg5[%parallel_loop3A_1720, %parallel_loop3A_1721, %parallel_loop3A_1722, %parallel_loop3A_1723], %parallel_loop3A_1726 {add = true, strides = array<i32>} : memref<3x4x8x1024xf32, #tpu.memory_space<vmem>>, vector<1x1x1x16xf32>,
        %parallel_loop3A_1727 = arith.constant 1 : i32
        %parallel_loop3A_1728 = arith.index_cast %select_n3A_138 : i32 to index
        %parallel_loop3A_1729 = arith.index_cast %parallel_loop3A_1727 : i32 to index
        %parallel_loop3A_1730 = arith.index_cast %parallel_loop3A_198 : i32 to index
        %parallel_loop3A_1731 = arith.constant 640 : index
        %parallel_loop3A_1732 = tpu.vector_load %arg5[%parallel_loop3A_1728, %parallel_loop3A_1729, %parallel_loop3A_1730, %parallel_loop3A_1731] {strides = array<i32>} : memref<3x4x8x1024xf32, #tpu.memory_space<vmem>>, vector<1x1x1x16xf32>,
        %parallel_loop3A_1733 = vector.shape_cast %parallel_loop3A_1732 : vector<1x1x1x16xf32> to vector<16xf32>
        %parallel_loop3A_1734 = vector.shape_cast %parallel_loop3A_1683 : vector<16xf32> to vector<1x1x1x16xf32>
        tpu.vector_store %arg5[%parallel_loop3A_1728, %parallel_loop3A_1729, %parallel_loop3A_1730, %parallel_loop3A_1731], %parallel_loop3A_1734 {add = true, strides = array<i32>} : memref<3x4x8x1024xf32, #tpu.memory_space<vmem>>, vector<1x1x1x16xf32>,
        %parallel_loop3A_1735 = arith.constant 2 : i32
        %parallel_loop3A_1736 = arith.index_cast %select_n3A_138 : i32 to index
        %parallel_loop3A_1737 = arith.index_cast %parallel_loop3A_1735 : i32 to index
        %parallel_loop3A_1738 = arith.index_cast %parallel_loop3A_198 : i32 to index
        %parallel_loop3A_1739 = arith.constant 640 : index
        %parallel_loop3A_1740 = tpu.vector_load %arg5[%parallel_loop3A_1736, %parallel_loop3A_1737, %parallel_loop3A_1738, %parallel_loop3A_1739] {strides = array<i32>} : memref<3x4x8x1024xf32, #tpu.memory_space<vmem>>, vector<1x1x1x16xf32>,
        %parallel_loop3A_1741 = vector.shape_cast %parallel_loop3A_1740 : vector<1x1x1x16xf32> to vector<16xf32>
        %parallel_loop3A_1742 = vector.shape_cast %parallel_loop3A_1683 : vector<16xf32> to vector<1x1x1x16xf32>
        tpu.vector_store %arg5[%parallel_loop3A_1736, %parallel_loop3A_1737, %parallel_loop3A_1738, %parallel_loop3A_1739], %parallel_loop3A_1742 {add = true, strides = array<i32>} : memref<3x4x8x1024xf32, #tpu.memory_space<vmem>>, vector<1x1x1x16xf32>,
        %parallel_loop3A_1743 = arith.constant 3 : i32
        %parallel_loop3A_1744 = arith.index_cast %select_n3A_138 : i32 to index
        %parallel_loop3A_1745 = arith.index_cast %parallel_loop3A_1743 : i32 to index
        %parallel_loop3A_1746 = arith.index_cast %parallel_loop3A_198 : i32 to index
        %parallel_loop3A_1747 = arith.constant 640 : index
        %parallel_loop3A_1748 = tpu.vector_load %arg5[%parallel_loop3A_1744, %parallel_loop3A_1745, %parallel_loop3A_1746, %parallel_loop3A_1747] {strides = array<i32>} : memref<3x4x8x1024xf32, #tpu.memory_space<vmem>>, vector<1x1x1x16xf32>,
        %parallel_loop3A_1749 = vector.shape_cast %parallel_loop3A_1748 : vector<1x1x1x16xf32> to vector<16xf32>
        %parallel_loop3A_1750 = vector.shape_cast %parallel_loop3A_1683 : vector<16xf32> to vector<1x1x1x16xf32>
        tpu.vector_store %arg5[%parallel_loop3A_1744, %parallel_loop3A_1745, %parallel_loop3A_1746, %parallel_loop3A_1747], %parallel_loop3A_1750 {add = true, strides = array<i32>} : memref<3x4x8x1024xf32, #tpu.memory_space<vmem>>, vector<1x1x1x16xf32>,
        %parallel_loop3A_1751 = arith.constant 0 : i32
        %parallel_loop3A_1752 = arith.index_cast %select_n3A_138 : i32 to index
        %parallel_loop3A_1753 = arith.index_cast %parallel_loop3A_1751 : i32 to index
        %parallel_loop3A_1754 = arith.index_cast %parallel_loop3A_198 : i32 to index
        %parallel_loop3A_1755 = arith.constant 656 : index
        %parallel_loop3A_1756 = tpu.vector_load %arg5[%parallel_loop3A_1752, %parallel_loop3A_1753, %parallel_loop3A_1754, %parallel_loop3A_1755] {strides = array<i32>} : memref<3x4x8x1024xf32, #tpu.memory_space<vmem>>, vector<1x1x1x16xf32>,
        %parallel_loop3A_1757 = vector.shape_cast %parallel_loop3A_1756 : vector<1x1x1x16xf32> to vector<16xf32>
        %parallel_loop3A_1758 = vector.shape_cast %parallel_loop3A_1688 : vector<16xf32> to vector<1x1x1x16xf32>
        tpu.vector_store %arg5[%parallel_loop3A_1752, %parallel_loop3A_1753, %parallel_loop3A_1754, %parallel_loop3A_1755], %parallel_loop3A_1758 {add = true, strides = array<i32>} : memref<3x4x8x1024xf32, #tpu.memory_space<vmem>>, vector<1x1x1x16xf32>,
        %parallel_loop3A_1759 = arith.constant 1 : i32
        %parallel_loop3A_1760 = arith.index_cast %select_n3A_138 : i32 to index
        %parallel_loop3A_1761 = arith.index_cast %parallel_loop3A_1759 : i32 to index
        %parallel_loop3A_1762 = arith.index_cast %parallel_loop3A_198 : i32 to index
        %parallel_loop3A_1763 = arith.constant 656 : index
        %parallel_loop3A_1764 = tpu.vector_load %arg5[%parallel_loop3A_1760, %parallel_loop3A_1761, %parallel_loop3A_1762, %parallel_loop3A_1763] {strides = array<i32>} : memref<3x4x8x1024xf32, #tpu.memory_space<vmem>>, vector<1x1x1x16xf32>,
        %parallel_loop3A_1765 = vector.shape_cast %parallel_loop3A_1764 : vector<1x1x1x16xf32> to vector<16xf32>
        %parallel_loop3A_1766 = vector.shape_cast %parallel_loop3A_1688 : vector<16xf32> to vector<1x1x1x16xf32>
        tpu.vector_store %arg5[%parallel_loop3A_1760, %parallel_loop3A_1761, %parallel_loop3A_1762, %parallel_loop3A_1763], %parallel_loop3A_1766 {add = true, strides = array<i32>} : memref<3x4x8x1024xf32, #tpu.memory_space<vmem>>, vector<1x1x1x16xf32>,
        %parallel_loop3A_1767 = arith.constant 2 : i32
        %parallel_loop3A_1768 = arith.index_cast %select_n3A_138 : i32 to index
        %parallel_loop3A_1769 = arith.index_cast %parallel_loop3A_1767 : i32 to index
        %parallel_loop3A_1770 = arith.index_cast %parallel_loop3A_198 : i32 to index
        %parallel_loop3A_1771 = arith.constant 656 : index
        %parallel_loop3A_1772 = tpu.vector_load %arg5[%parallel_loop3A_1768, %parallel_loop3A_1769, %parallel_loop3A_1770, %parallel_loop3A_1771] {strides = array<i32>} : memref<3x4x8x1024xf32, #tpu.memory_space<vmem>>, vector<1x1x1x16xf32>,
        %parallel_loop3A_1773 = vector.shape_cast %parallel_loop3A_1772 : vector<1x1x1x16xf32> to vector<16xf32>
        %parallel_loop3A_1774 = vector.shape_cast %parallel_loop3A_1688 : vector<16xf32> to vector<1x1x1x16xf32>
        tpu.vector_store %arg5[%parallel_loop3A_1768, %parallel_loop3A_1769, %parallel_loop3A_1770, %parallel_loop3A_1771], %parallel_loop3A_1774 {add = true, strides = array<i32>} : memref<3x4x8x1024xf32, #tpu.memory_space<vmem>>, vector<1x1x1x16xf32>,
        %parallel_loop3A_1775 = arith.constant 3 : i32
        %parallel_loop3A_1776 = arith.index_cast %select_n3A_138 : i32 to index
        %parallel_loop3A_1777 = arith.index_cast %parallel_loop3A_1775 : i32 to index
        %parallel_loop3A_1778 = arith.index_cast %parallel_loop3A_198 : i32 to index
        %parallel_loop3A_1779 = arith.constant 656 : index
        %parallel_loop3A_1780 = tpu.vector_load %arg5[%parallel_loop3A_1776, %parallel_loop3A_1777, %parallel_loop3A_1778, %parallel_loop3A_1779] {strides = array<i32>} : memref<3x4x8x1024xf32, #tpu.memory_space<vmem>>, vector<1x1x1x16xf32>,
        %parallel_loop3A_1781 = vector.shape_cast %parallel_loop3A_1780 : vector<1x1x1x16xf32> to vector<16xf32>
        %parallel_loop3A_1782 = vector.shape_cast %parallel_loop3A_1688 : vector<16xf32> to vector<1x1x1x16xf32>
        tpu.vector_store %arg5[%parallel_loop3A_1776, %parallel_loop3A_1777, %parallel_loop3A_1778, %parallel_loop3A_1779], %parallel_loop3A_1782 {add = true, strides = array<i32>} : memref<3x4x8x1024xf32, #tpu.memory_space<vmem>>, vector<1x1x1x16xf32>,
        %parallel_loop3A_1783 = arith.constant 0 : i32
        %parallel_loop3A_1784 = arith.index_cast %select_n3A_138 : i32 to index
        %parallel_loop3A_1785 = arith.index_cast %parallel_loop3A_1783 : i32 to index
        %parallel_loop3A_1786 = arith.index_cast %parallel_loop3A_198 : i32 to index
        %parallel_loop3A_1787 = arith.constant 672 : index
        %parallel_loop3A_1788 = tpu.vector_load %arg5[%parallel_loop3A_1784, %parallel_loop3A_1785, %parallel_loop3A_1786, %parallel_loop3A_1787] {strides = array<i32>} : memref<3x4x8x1024xf32, #tpu.memory_space<vmem>>, vector<1x1x1x16xf32>,
        %parallel_loop3A_1789 = vector.shape_cast %parallel_loop3A_1788 : vector<1x1x1x16xf32> to vector<16xf32>
        %parallel_loop3A_1790 = vector.shape_cast %parallel_loop3A_1693 : vector<16xf32> to vector<1x1x1x16xf32>
        tpu.vector_store %arg5[%parallel_loop3A_1784, %parallel_loop3A_1785, %parallel_loop3A_1786, %parallel_loop3A_1787], %parallel_loop3A_1790 {add = true, strides = array<i32>} : memref<3x4x8x1024xf32, #tpu.memory_space<vmem>>, vector<1x1x1x16xf32>,
        %parallel_loop3A_1791 = arith.constant 1 : i32
        %parallel_loop3A_1792 = arith.index_cast %select_n3A_138 : i32 to index
        %parallel_loop3A_1793 = arith.index_cast %parallel_loop3A_1791 : i32 to index
        %parallel_loop3A_1794 = arith.index_cast %parallel_loop3A_198 : i32 to index
        %parallel_loop3A_1795 = arith.constant 672 : index
        %parallel_loop3A_1796 = tpu.vector_load %arg5[%parallel_loop3A_1792, %parallel_loop3A_1793, %parallel_loop3A_1794, %parallel_loop3A_1795] {strides = array<i32>} : memref<3x4x8x1024xf32, #tpu.memory_space<vmem>>, vector<1x1x1x16xf32>,
        %parallel_loop3A_1797 = vector.shape_cast %parallel_loop3A_1796 : vector<1x1x1x16xf32> to vector<16xf32>
        %parallel_loop3A_1798 = vector.shape_cast %parallel_loop3A_1693 : vector<16xf32> to vector<1x1x1x16xf32>
        tpu.vector_store %arg5[%parallel_loop3A_1792, %parallel_loop3A_1793, %parallel_loop3A_1794, %parallel_loop3A_1795], %parallel_loop3A_1798 {add = true, strides = array<i32>} : memref<3x4x8x1024xf32, #tpu.memory_space<vmem>>, vector<1x1x1x16xf32>,
        %parallel_loop3A_1799 = arith.constant 2 : i32
        %parallel_loop3A_1800 = arith.index_cast %select_n3A_138 : i32 to index
        %parallel_loop3A_1801 = arith.index_cast %parallel_loop3A_1799 : i32 to index
        %parallel_loop3A_1802 = arith.index_cast %parallel_loop3A_198 : i32 to index
        %parallel_loop3A_1803 = arith.constant 672 : index
        %parallel_loop3A_1804 = tpu.vector_load %arg5[%parallel_loop3A_1800, %parallel_loop3A_1801, %parallel_loop3A_1802, %parallel_loop3A_1803] {strides = array<i32>} : memref<3x4x8x1024xf32, #tpu.memory_space<vmem>>, vector<1x1x1x16xf32>,
        %parallel_loop3A_1805 = vector.shape_cast %parallel_loop3A_1804 : vector<1x1x1x16xf32> to vector<16xf32>
        %parallel_loop3A_1806 = vector.shape_cast %parallel_loop3A_1693 : vector<16xf32> to vector<1x1x1x16xf32>
        tpu.vector_store %arg5[%parallel_loop3A_1800, %parallel_loop3A_1801, %parallel_loop3A_1802, %parallel_loop3A_1803], %parallel_loop3A_1806 {add = true, strides = array<i32>} : memref<3x4x8x1024xf32, #tpu.memory_space<vmem>>, vector<1x1x1x16xf32>,
        %parallel_loop3A_1807 = arith.constant 3 : i32
        %parallel_loop3A_1808 = arith.index_cast %select_n3A_138 : i32 to index
        %parallel_loop3A_1809 = arith.index_cast %parallel_loop3A_1807 : i32 to index
        %parallel_loop3A_1810 = arith.index_cast %parallel_loop3A_198 : i32 to index
        %parallel_loop3A_1811 = arith.constant 672 : index
        %parallel_loop3A_1812 = tpu.vector_load %arg5[%parallel_loop3A_1808, %parallel_loop3A_1809, %parallel_loop3A_1810, %parallel_loop3A_1811] {strides = array<i32>} : memref<3x4x8x1024xf32, #tpu.memory_space<vmem>>, vector<1x1x1x16xf32>,
        %parallel_loop3A_1813 = vector.shape_cast %parallel_loop3A_1812 : vector<1x1x1x16xf32> to vector<16xf32>
        %parallel_loop3A_1814 = vector.shape_cast %parallel_loop3A_1693 : vector<16xf32> to vector<1x1x1x16xf32>
        tpu.vector_store %arg5[%parallel_loop3A_1808, %parallel_loop3A_1809, %parallel_loop3A_1810, %parallel_loop3A_1811], %parallel_loop3A_1814 {add = true, strides = array<i32>} : memref<3x4x8x1024xf32, #tpu.memory_space<vmem>>, vector<1x1x1x16xf32>,
        %parallel_loop3A_1815 = arith.constant 0 : i32
        %parallel_loop3A_1816 = arith.index_cast %select_n3A_138 : i32 to index
        %parallel_loop3A_1817 = arith.index_cast %parallel_loop3A_1815 : i32 to index
        %parallel_loop3A_1818 = arith.index_cast %parallel_loop3A_198 : i32 to index
        %parallel_loop3A_1819 = arith.constant 688 : index
        %parallel_loop3A_1820 = tpu.vector_load %arg5[%parallel_loop3A_1816, %parallel_loop3A_1817, %parallel_loop3A_1818, %parallel_loop3A_1819] {strides = array<i32>} : memref<3x4x8x1024xf32, #tpu.memory_space<vmem>>, vector<1x1x1x16xf32>,
        %parallel_loop3A_1821 = vector.shape_cast %parallel_loop3A_1820 : vector<1x1x1x16xf32> to vector<16xf32>
        %parallel_loop3A_1822 = vector.shape_cast %parallel_loop3A_1698 : vector<16xf32> to vector<1x1x1x16xf32>
        tpu.vector_store %arg5[%parallel_loop3A_1816, %parallel_loop3A_1817, %parallel_loop3A_1818, %parallel_loop3A_1819], %parallel_loop3A_1822 {add = true, strides = array<i32>} : memref<3x4x8x1024xf32, #tpu.memory_space<vmem>>, vector<1x1x1x16xf32>,
        %parallel_loop3A_1823 = arith.constant 1 : i32
        %parallel_loop3A_1824 = arith.index_cast %select_n3A_138 : i32 to index
        %parallel_loop3A_1825 = arith.index_cast %parallel_loop3A_1823 : i32 to index
        %parallel_loop3A_1826 = arith.index_cast %parallel_loop3A_198 : i32 to index
        %parallel_loop3A_1827 = arith.constant 688 : index
        %parallel_loop3A_1828 = tpu.vector_load %arg5[%parallel_loop3A_1824, %parallel_loop3A_1825, %parallel_loop3A_1826, %parallel_loop3A_1827] {strides = array<i32>} : memref<3x4x8x1024xf32, #tpu.memory_space<vmem>>, vector<1x1x1x16xf32>,
        %parallel_loop3A_1829 = vector.shape_cast %parallel_loop3A_1828 : vector<1x1x1x16xf32> to vector<16xf32>
        %parallel_loop3A_1830 = vector.shape_cast %parallel_loop3A_1698 : vector<16xf32> to vector<1x1x1x16xf32>
        tpu.vector_store %arg5[%parallel_loop3A_1824, %parallel_loop3A_1825, %parallel_loop3A_1826, %parallel_loop3A_1827], %parallel_loop3A_1830 {add = true, strides = array<i32>} : memref<3x4x8x1024xf32, #tpu.memory_space<vmem>>, vector<1x1x1x16xf32>,
        %parallel_loop3A_1831 = arith.constant 2 : i32
        %parallel_loop3A_1832 = arith.index_cast %select_n3A_138 : i32 to index
        %parallel_loop3A_1833 = arith.index_cast %parallel_loop3A_1831 : i32 to index
        %parallel_loop3A_1834 = arith.index_cast %parallel_loop3A_198 : i32 to index
        %parallel_loop3A_1835 = arith.constant 688 : index
        %parallel_loop3A_1836 = tpu.vector_load %arg5[%parallel_loop3A_1832, %parallel_loop3A_1833, %parallel_loop3A_1834, %parallel_loop3A_1835] {strides = array<i32>} : memref<3x4x8x1024xf32, #tpu.memory_space<vmem>>, vector<1x1x1x16xf32>,
        %parallel_loop3A_1837 = vector.shape_cast %parallel_loop3A_1836 : vector<1x1x1x16xf32> to vector<16xf32>
        %parallel_loop3A_1838 = vector.shape_cast %parallel_loop3A_1698 : vector<16xf32> to vector<1x1x1x16xf32>
        tpu.vector_store %arg5[%parallel_loop3A_1832, %parallel_loop3A_1833, %parallel_loop3A_1834, %parallel_loop3A_1835], %parallel_loop3A_1838 {add = true, strides = array<i32>} : memref<3x4x8x1024xf32, #tpu.memory_space<vmem>>, vector<1x1x1x16xf32>,
        %parallel_loop3A_1839 = arith.constant 3 : i32
        %parallel_loop3A_1840 = arith.index_cast %select_n3A_138 : i32 to index
        %parallel_loop3A_1841 = arith.index_cast %parallel_loop3A_1839 : i32 to index
        %parallel_loop3A_1842 = arith.index_cast %parallel_loop3A_198 : i32 to index
        %parallel_loop3A_1843 = arith.constant 688 : index
        %parallel_loop3A_1844 = tpu.vector_load %arg5[%parallel_loop3A_1840, %parallel_loop3A_1841, %parallel_loop3A_1842, %parallel_loop3A_1843] {strides = array<i32>} : memref<3x4x8x1024xf32, #tpu.memory_space<vmem>>, vector<1x1x1x16xf32>,
        %parallel_loop3A_1845 = vector.shape_cast %parallel_loop3A_1844 : vector<1x1x1x16xf32> to vector<16xf32>
        %parallel_loop3A_1846 = vector.shape_cast %parallel_loop3A_1698 : vector<16xf32> to vector<1x1x1x16xf32>
        tpu.vector_store %arg5[%parallel_loop3A_1840, %parallel_loop3A_1841, %parallel_loop3A_1842, %parallel_loop3A_1843], %parallel_loop3A_1846 {add = true, strides = array<i32>} : memref<3x4x8x1024xf32, #tpu.memory_space<vmem>>, vector<1x1x1x16xf32>,
        %parallel_loop3A_1847 = arith.constant 0 : i32
        %parallel_loop3A_1848 = arith.index_cast %select_n3A_138 : i32 to index
        %parallel_loop3A_1849 = arith.index_cast %parallel_loop3A_1847 : i32 to index
        %parallel_loop3A_1850 = arith.index_cast %parallel_loop3A_198 : i32 to index
        %parallel_loop3A_1851 = arith.constant 704 : index
        %parallel_loop3A_1852 = tpu.vector_load %arg5[%parallel_loop3A_1848, %parallel_loop3A_1849, %parallel_loop3A_1850, %parallel_loop3A_1851] {strides = array<i32>} : memref<3x4x8x1024xf32, #tpu.memory_space<vmem>>, vector<1x1x1x16xf32>,
        %parallel_loop3A_1853 = vector.shape_cast %parallel_loop3A_1852 : vector<1x1x1x16xf32> to vector<16xf32>
        %parallel_loop3A_1854 = vector.shape_cast %parallel_loop3A_1703 : vector<16xf32> to vector<1x1x1x16xf32>
        tpu.vector_store %arg5[%parallel_loop3A_1848, %parallel_loop3A_1849, %parallel_loop3A_1850, %parallel_loop3A_1851], %parallel_loop3A_1854 {add = true, strides = array<i32>} : memref<3x4x8x1024xf32, #tpu.memory_space<vmem>>, vector<1x1x1x16xf32>,
        %parallel_loop3A_1855 = arith.constant 1 : i32
        %parallel_loop3A_1856 = arith.index_cast %select_n3A_138 : i32 to index
        %parallel_loop3A_1857 = arith.index_cast %parallel_loop3A_1855 : i32 to index
        %parallel_loop3A_1858 = arith.index_cast %parallel_loop3A_198 : i32 to index
        %parallel_loop3A_1859 = arith.constant 704 : index
        %parallel_loop3A_1860 = tpu.vector_load %arg5[%parallel_loop3A_1856, %parallel_loop3A_1857, %parallel_loop3A_1858, %parallel_loop3A_1859] {strides = array<i32>} : memref<3x4x8x1024xf32, #tpu.memory_space<vmem>>, vector<1x1x1x16xf32>,
        %parallel_loop3A_1861 = vector.shape_cast %parallel_loop3A_1860 : vector<1x1x1x16xf32> to vector<16xf32>
        %parallel_loop3A_1862 = vector.shape_cast %parallel_loop3A_1703 : vector<16xf32> to vector<1x1x1x16xf32>
        tpu.vector_store %arg5[%parallel_loop3A_1856, %parallel_loop3A_1857, %parallel_loop3A_1858, %parallel_loop3A_1859], %parallel_loop3A_1862 {add = true, strides = array<i32>} : memref<3x4x8x1024xf32, #tpu.memory_space<vmem>>, vector<1x1x1x16xf32>,
        %parallel_loop3A_1863 = arith.constant 2 : i32
        %parallel_loop3A_1864 = arith.index_cast %select_n3A_138 : i32 to index
        %parallel_loop3A_1865 = arith.index_cast %parallel_loop3A_1863 : i32 to index
        %parallel_loop3A_1866 = arith.index_cast %parallel_loop3A_198 : i32 to index
        %parallel_loop3A_1867 = arith.constant 704 : index
        %parallel_loop3A_1868 = tpu.vector_load %arg5[%parallel_loop3A_1864, %parallel_loop3A_1865, %parallel_loop3A_1866, %parallel_loop3A_1867] {strides = array<i32>} : memref<3x4x8x1024xf32, #tpu.memory_space<vmem>>, vector<1x1x1x16xf32>,
        %parallel_loop3A_1869 = vector.shape_cast %parallel_loop3A_1868 : vector<1x1x1x16xf32> to vector<16xf32>
        %parallel_loop3A_1870 = vector.shape_cast %parallel_loop3A_1703 : vector<16xf32> to vector<1x1x1x16xf32>
        tpu.vector_store %arg5[%parallel_loop3A_1864, %parallel_loop3A_1865, %parallel_loop3A_1866, %parallel_loop3A_1867], %parallel_loop3A_1870 {add = true, strides = array<i32>} : memref<3x4x8x1024xf32, #tpu.memory_space<vmem>>, vector<1x1x1x16xf32>,
        %parallel_loop3A_1871 = arith.constant 3 : i32
        %parallel_loop3A_1872 = arith.index_cast %select_n3A_138 : i32 to index
        %parallel_loop3A_1873 = arith.index_cast %parallel_loop3A_1871 : i32 to index
        %parallel_loop3A_1874 = arith.index_cast %parallel_loop3A_198 : i32 to index
        %parallel_loop3A_1875 = arith.constant 704 : index
        %parallel_loop3A_1876 = tpu.vector_load %arg5[%parallel_loop3A_1872, %parallel_loop3A_1873, %parallel_loop3A_1874, %parallel_loop3A_1875] {strides = array<i32>} : memref<3x4x8x1024xf32, #tpu.memory_space<vmem>>, vector<1x1x1x16xf32>,
        %parallel_loop3A_1877 = vector.shape_cast %parallel_loop3A_1876 : vector<1x1x1x16xf32> to vector<16xf32>
        %parallel_loop3A_1878 = vector.shape_cast %parallel_loop3A_1703 : vector<16xf32> to vector<1x1x1x16xf32>
        tpu.vector_store %arg5[%parallel_loop3A_1872, %parallel_loop3A_1873, %parallel_loop3A_1874, %parallel_loop3A_1875], %parallel_loop3A_1878 {add = true, strides = array<i32>} : memref<3x4x8x1024xf32, #tpu.memory_space<vmem>>, vector<1x1x1x16xf32>,
        %parallel_loop3A_1879 = arith.constant 0 : i32
        %parallel_loop3A_1880 = arith.index_cast %select_n3A_138 : i32 to index
        %parallel_loop3A_1881 = arith.index_cast %parallel_loop3A_1879 : i32 to index
        %parallel_loop3A_1882 = arith.index_cast %parallel_loop3A_198 : i32 to index
        %parallel_loop3A_1883 = arith.constant 720 : index
        %parallel_loop3A_1884 = tpu.vector_load %arg5[%parallel_loop3A_1880, %parallel_loop3A_1881, %parallel_loop3A_1882, %parallel_loop3A_1883] {strides = array<i32>} : memref<3x4x8x1024xf32, #tpu.memory_space<vmem>>, vector<1x1x1x16xf32>,
        %parallel_loop3A_1885 = vector.shape_cast %parallel_loop3A_1884 : vector<1x1x1x16xf32> to vector<16xf32>
        %parallel_loop3A_1886 = vector.shape_cast %parallel_loop3A_1708 : vector<16xf32> to vector<1x1x1x16xf32>
        tpu.vector_store %arg5[%parallel_loop3A_1880, %parallel_loop3A_1881, %parallel_loop3A_1882, %parallel_loop3A_1883], %parallel_loop3A_1886 {add = true, strides = array<i32>} : memref<3x4x8x1024xf32, #tpu.memory_space<vmem>>, vector<1x1x1x16xf32>,
        %parallel_loop3A_1887 = arith.constant 1 : i32
        %parallel_loop3A_1888 = arith.index_cast %select_n3A_138 : i32 to index
        %parallel_loop3A_1889 = arith.index_cast %parallel_loop3A_1887 : i32 to index
        %parallel_loop3A_1890 = arith.index_cast %parallel_loop3A_198 : i32 to index
        %parallel_loop3A_1891 = arith.constant 720 : index
        %parallel_loop3A_1892 = tpu.vector_load %arg5[%parallel_loop3A_1888, %parallel_loop3A_1889, %parallel_loop3A_1890, %parallel_loop3A_1891] {strides = array<i32>} : memref<3x4x8x1024xf32, #tpu.memory_space<vmem>>, vector<1x1x1x16xf32>,
        %parallel_loop3A_1893 = vector.shape_cast %parallel_loop3A_1892 : vector<1x1x1x16xf32> to vector<16xf32>
        %parallel_loop3A_1894 = vector.shape_cast %parallel_loop3A_1708 : vector<16xf32> to vector<1x1x1x16xf32>
        tpu.vector_store %arg5[%parallel_loop3A_1888, %parallel_loop3A_1889, %parallel_loop3A_1890, %parallel_loop3A_1891], %parallel_loop3A_1894 {add = true, strides = array<i32>} : memref<3x4x8x1024xf32, #tpu.memory_space<vmem>>, vector<1x1x1x16xf32>,
        %parallel_loop3A_1895 = arith.constant 2 : i32
        %parallel_loop3A_1896 = arith.index_cast %select_n3A_138 : i32 to index
        %parallel_loop3A_1897 = arith.index_cast %parallel_loop3A_1895 : i32 to index
        %parallel_loop3A_1898 = arith.index_cast %parallel_loop3A_198 : i32 to index
        %parallel_loop3A_1899 = arith.constant 720 : index
        %parallel_loop3A_1900 = tpu.vector_load %arg5[%parallel_loop3A_1896, %parallel_loop3A_1897, %parallel_loop3A_1898, %parallel_loop3A_1899] {strides = array<i32>} : memref<3x4x8x1024xf32, #tpu.memory_space<vmem>>, vector<1x1x1x16xf32>,
        %parallel_loop3A_1901 = vector.shape_cast %parallel_loop3A_1900 : vector<1x1x1x16xf32> to vector<16xf32>
        %parallel_loop3A_1902 = vector.shape_cast %parallel_loop3A_1708 : vector<16xf32> to vector<1x1x1x16xf32>
        tpu.vector_store %arg5[%parallel_loop3A_1896, %parallel_loop3A_1897, %parallel_loop3A_1898, %parallel_loop3A_1899], %parallel_loop3A_1902 {add = true, strides = array<i32>} : memref<3x4x8x1024xf32, #tpu.memory_space<vmem>>, vector<1x1x1x16xf32>,
        %parallel_loop3A_1903 = arith.constant 3 : i32
        %parallel_loop3A_1904 = arith.index_cast %select_n3A_138 : i32 to index
        %parallel_loop3A_1905 = arith.index_cast %parallel_loop3A_1903 : i32 to index
        %parallel_loop3A_1906 = arith.index_cast %parallel_loop3A_198 : i32 to index
        %parallel_loop3A_1907 = arith.constant 720 : index
        %parallel_loop3A_1908 = tpu.vector_load %arg5[%parallel_loop3A_1904, %parallel_loop3A_1905, %parallel_loop3A_1906, %parallel_loop3A_1907] {strides = array<i32>} : memref<3x4x8x1024xf32, #tpu.memory_space<vmem>>, vector<1x1x1x16xf32>,
        %parallel_loop3A_1909 = vector.shape_cast %parallel_loop3A_1908 : vector<1x1x1x16xf32> to vector<16xf32>
        %parallel_loop3A_1910 = vector.shape_cast %parallel_loop3A_1708 : vector<16xf32> to vector<1x1x1x16xf32>
        tpu.vector_store %arg5[%parallel_loop3A_1904, %parallel_loop3A_1905, %parallel_loop3A_1906, %parallel_loop3A_1907], %parallel_loop3A_1910 {add = true, strides = array<i32>} : memref<3x4x8x1024xf32, #tpu.memory_space<vmem>>, vector<1x1x1x16xf32>,
        %parallel_loop3A_1911 = arith.constant 0 : i32
        %parallel_loop3A_1912 = arith.index_cast %select_n3A_138 : i32 to index
        %parallel_loop3A_1913 = arith.index_cast %parallel_loop3A_1911 : i32 to index
        %parallel_loop3A_1914 = arith.index_cast %parallel_loop3A_198 : i32 to index
        %parallel_loop3A_1915 = arith.constant 736 : index
        %parallel_loop3A_1916 = tpu.vector_load %arg5[%parallel_loop3A_1912, %parallel_loop3A_1913, %parallel_loop3A_1914, %parallel_loop3A_1915] {strides = array<i32>} : memref<3x4x8x1024xf32, #tpu.memory_space<vmem>>, vector<1x1x1x16xf32>,
        %parallel_loop3A_1917 = vector.shape_cast %parallel_loop3A_1916 : vector<1x1x1x16xf32> to vector<16xf32>
        %parallel_loop3A_1918 = vector.shape_cast %parallel_loop3A_1713 : vector<16xf32> to vector<1x1x1x16xf32>
        tpu.vector_store %arg5[%parallel_loop3A_1912, %parallel_loop3A_1913, %parallel_loop3A_1914, %parallel_loop3A_1915], %parallel_loop3A_1918 {add = true, strides = array<i32>} : memref<3x4x8x1024xf32, #tpu.memory_space<vmem>>, vector<1x1x1x16xf32>,
        %parallel_loop3A_1919 = arith.constant 1 : i32
        %parallel_loop3A_1920 = arith.index_cast %select_n3A_138 : i32 to index
        %parallel_loop3A_1921 = arith.index_cast %parallel_loop3A_1919 : i32 to index
        %parallel_loop3A_1922 = arith.index_cast %parallel_loop3A_198 : i32 to index
        %parallel_loop3A_1923 = arith.constant 736 : index
        %parallel_loop3A_1924 = tpu.vector_load %arg5[%parallel_loop3A_1920, %parallel_loop3A_1921, %parallel_loop3A_1922, %parallel_loop3A_1923] {strides = array<i32>} : memref<3x4x8x1024xf32, #tpu.memory_space<vmem>>, vector<1x1x1x16xf32>,
        %parallel_loop3A_1925 = vector.shape_cast %parallel_loop3A_1924 : vector<1x1x1x16xf32> to vector<16xf32>
        %parallel_loop3A_1926 = vector.shape_cast %parallel_loop3A_1713 : vector<16xf32> to vector<1x1x1x16xf32>
        tpu.vector_store %arg5[%parallel_loop3A_1920, %parallel_loop3A_1921, %parallel_loop3A_1922, %parallel_loop3A_1923], %parallel_loop3A_1926 {add = true, strides = array<i32>} : memref<3x4x8x1024xf32, #tpu.memory_space<vmem>>, vector<1x1x1x16xf32>,
        %parallel_loop3A_1927 = arith.constant 2 : i32
        %parallel_loop3A_1928 = arith.index_cast %select_n3A_138 : i32 to index
        %parallel_loop3A_1929 = arith.index_cast %parallel_loop3A_1927 : i32 to index
        %parallel_loop3A_1930 = arith.index_cast %parallel_loop3A_198 : i32 to index
        %parallel_loop3A_1931 = arith.constant 736 : index
        %parallel_loop3A_1932 = tpu.vector_load %arg5[%parallel_loop3A_1928, %parallel_loop3A_1929, %parallel_loop3A_1930, %parallel_loop3A_1931] {strides = array<i32>} : memref<3x4x8x1024xf32, #tpu.memory_space<vmem>>, vector<1x1x1x16xf32>,
        %parallel_loop3A_1933 = vector.shape_cast %parallel_loop3A_1932 : vector<1x1x1x16xf32> to vector<16xf32>
        %parallel_loop3A_1934 = vector.shape_cast %parallel_loop3A_1713 : vector<16xf32> to vector<1x1x1x16xf32>
        tpu.vector_store %arg5[%parallel_loop3A_1928, %parallel_loop3A_1929, %parallel_loop3A_1930, %parallel_loop3A_1931], %parallel_loop3A_1934 {add = true, strides = array<i32>} : memref<3x4x8x1024xf32, #tpu.memory_space<vmem>>, vector<1x1x1x16xf32>,
        %parallel_loop3A_1935 = arith.constant 3 : i32
        %parallel_loop3A_1936 = arith.index_cast %select_n3A_138 : i32 to index
        %parallel_loop3A_1937 = arith.index_cast %parallel_loop3A_1935 : i32 to index
        %parallel_loop3A_1938 = arith.index_cast %parallel_loop3A_198 : i32 to index
        %parallel_loop3A_1939 = arith.constant 736 : index
        %parallel_loop3A_1940 = tpu.vector_load %arg5[%parallel_loop3A_1936, %parallel_loop3A_1937, %parallel_loop3A_1938, %parallel_loop3A_1939] {strides = array<i32>} : memref<3x4x8x1024xf32, #tpu.memory_space<vmem>>, vector<1x1x1x16xf32>,
        %parallel_loop3A_1941 = vector.shape_cast %parallel_loop3A_1940 : vector<1x1x1x16xf32> to vector<16xf32>
        %parallel_loop3A_1942 = vector.shape_cast %parallel_loop3A_1713 : vector<16xf32> to vector<1x1x1x16xf32>
        tpu.vector_store %arg5[%parallel_loop3A_1936, %parallel_loop3A_1937, %parallel_loop3A_1938, %parallel_loop3A_1939], %parallel_loop3A_1942 {add = true, strides = array<i32>} : memref<3x4x8x1024xf32, #tpu.memory_space<vmem>>, vector<1x1x1x16xf32>,
        %parallel_loop3A_1943 = arith.constant 0 : i32
        %parallel_loop3A_1944 = arith.index_cast %select_n3A_138 : i32 to index
        %parallel_loop3A_1945 = arith.index_cast %parallel_loop3A_1943 : i32 to index
        %parallel_loop3A_1946 = arith.index_cast %parallel_loop3A_198 : i32 to index
        %parallel_loop3A_1947 = arith.constant 752 : index
        %parallel_loop3A_1948 = tpu.vector_load %arg5[%parallel_loop3A_1944, %parallel_loop3A_1945, %parallel_loop3A_1946, %parallel_loop3A_1947] {strides = array<i32>} : memref<3x4x8x1024xf32, #tpu.memory_space<vmem>>, vector<1x1x1x16xf32>,
        %parallel_loop3A_1949 = vector.shape_cast %parallel_loop3A_1948 : vector<1x1x1x16xf32> to vector<16xf32>
        %parallel_loop3A_1950 = vector.shape_cast %parallel_loop3A_1718 : vector<16xf32> to vector<1x1x1x16xf32>
        tpu.vector_store %arg5[%parallel_loop3A_1944, %parallel_loop3A_1945, %parallel_loop3A_1946, %parallel_loop3A_1947], %parallel_loop3A_1950 {add = true, strides = array<i32>} : memref<3x4x8x1024xf32, #tpu.memory_space<vmem>>, vector<1x1x1x16xf32>,
        %parallel_loop3A_1951 = arith.constant 1 : i32
        %parallel_loop3A_1952 = arith.index_cast %select_n3A_138 : i32 to index
        %parallel_loop3A_1953 = arith.index_cast %parallel_loop3A_1951 : i32 to index
        %parallel_loop3A_1954 = arith.index_cast %parallel_loop3A_198 : i32 to index
        %parallel_loop3A_1955 = arith.constant 752 : index
        %parallel_loop3A_1956 = tpu.vector_load %arg5[%parallel_loop3A_1952, %parallel_loop3A_1953, %parallel_loop3A_1954, %parallel_loop3A_1955] {strides = array<i32>} : memref<3x4x8x1024xf32, #tpu.memory_space<vmem>>, vector<1x1x1x16xf32>,
        %parallel_loop3A_1957 = vector.shape_cast %parallel_loop3A_1956 : vector<1x1x1x16xf32> to vector<16xf32>
        %parallel_loop3A_1958 = vector.shape_cast %parallel_loop3A_1718 : vector<16xf32> to vector<1x1x1x16xf32>
        tpu.vector_store %arg5[%parallel_loop3A_1952, %parallel_loop3A_1953, %parallel_loop3A_1954, %parallel_loop3A_1955], %parallel_loop3A_1958 {add = true, strides = array<i32>} : memref<3x4x8x1024xf32, #tpu.memory_space<vmem>>, vector<1x1x1x16xf32>,
        %parallel_loop3A_1959 = arith.constant 2 : i32
        %parallel_loop3A_1960 = arith.index_cast %select_n3A_138 : i32 to index
        %parallel_loop3A_1961 = arith.index_cast %parallel_loop3A_1959 : i32 to index
        %parallel_loop3A_1962 = arith.index_cast %parallel_loop3A_198 : i32 to index
        %parallel_loop3A_1963 = arith.constant 752 : index
        %parallel_loop3A_1964 = tpu.vector_load %arg5[%parallel_loop3A_1960, %parallel_loop3A_1961, %parallel_loop3A_1962, %parallel_loop3A_1963] {strides = array<i32>} : memref<3x4x8x1024xf32, #tpu.memory_space<vmem>>, vector<1x1x1x16xf32>,
        %parallel_loop3A_1965 = vector.shape_cast %parallel_loop3A_1964 : vector<1x1x1x16xf32> to vector<16xf32>
        %parallel_loop3A_1966 = vector.shape_cast %parallel_loop3A_1718 : vector<16xf32> to vector<1x1x1x16xf32>
        tpu.vector_store %arg5[%parallel_loop3A_1960, %parallel_loop3A_1961, %parallel_loop3A_1962, %parallel_loop3A_1963], %parallel_loop3A_1966 {add = true, strides = array<i32>} : memref<3x4x8x1024xf32, #tpu.memory_space<vmem>>, vector<1x1x1x16xf32>,
        %parallel_loop3A_1967 = arith.constant 3 : i32
        %parallel_loop3A_1968 = arith.index_cast %select_n3A_138 : i32 to index
        %parallel_loop3A_1969 = arith.index_cast %parallel_loop3A_1967 : i32 to index
        %parallel_loop3A_1970 = arith.index_cast %parallel_loop3A_198 : i32 to index
        %parallel_loop3A_1971 = arith.constant 752 : index
        %parallel_loop3A_1972 = tpu.vector_load %arg5[%parallel_loop3A_1968, %parallel_loop3A_1969, %parallel_loop3A_1970, %parallel_loop3A_1971] {strides = array<i32>} : memref<3x4x8x1024xf32, #tpu.memory_space<vmem>>, vector<1x1x1x16xf32>,
        %parallel_loop3A_1973 = vector.shape_cast %parallel_loop3A_1972 : vector<1x1x1x16xf32> to vector<16xf32>
        %parallel_loop3A_1974 = vector.shape_cast %parallel_loop3A_1718 : vector<16xf32> to vector<1x1x1x16xf32>
        tpu.vector_store %arg5[%parallel_loop3A_1968, %parallel_loop3A_1969, %parallel_loop3A_1970, %parallel_loop3A_1971], %parallel_loop3A_1974 {add = true, strides = array<i32>} : memref<3x4x8x1024xf32, #tpu.memory_space<vmem>>, vector<1x1x1x16xf32>,
        %parallel_loop3A_1975 = arith.index_cast %select_n3A_138 : i32 to index
        %parallel_loop3A_1976 = arith.index_cast %parallel_loop3A_198 : i32 to index
        %parallel_loop3A_1977 = arith.constant 768 : index
        %parallel_loop3A_1978 = tpu.vector_load %arg6[%parallel_loop3A_1975, %parallel_loop3A_1976, %parallel_loop3A_1977] {strides = array<i32>} : memref<3x8x1024xf32, #tpu.memory_space<vmem>>, vector<1x1x16xf32>,
        %parallel_loop3A_1979 = vector.shape_cast %parallel_loop3A_1978 : vector<1x1x16xf32> to vector<16xf32>
        %parallel_loop3A_1980 = arith.index_cast %select_n3A_138 : i32 to index
        %parallel_loop3A_1981 = arith.index_cast %parallel_loop3A_198 : i32 to index
        %parallel_loop3A_1982 = arith.constant 784 : index
        %parallel_loop3A_1983 = tpu.vector_load %arg6[%parallel_loop3A_1980, %parallel_loop3A_1981, %parallel_loop3A_1982] {strides = array<i32>} : memref<3x8x1024xf32, #tpu.memory_space<vmem>>, vector<1x1x16xf32>,
        %parallel_loop3A_1984 = vector.shape_cast %parallel_loop3A_1983 : vector<1x1x16xf32> to vector<16xf32>
        %parallel_loop3A_1985 = arith.index_cast %select_n3A_138 : i32 to index
        %parallel_loop3A_1986 = arith.index_cast %parallel_loop3A_198 : i32 to index
        %parallel_loop3A_1987 = arith.constant 800 : index
        %parallel_loop3A_1988 = tpu.vector_load %arg6[%parallel_loop3A_1985, %parallel_loop3A_1986, %parallel_loop3A_1987] {strides = array<i32>} : memref<3x8x1024xf32, #tpu.memory_space<vmem>>, vector<1x1x16xf32>,
        %parallel_loop3A_1989 = vector.shape_cast %parallel_loop3A_1988 : vector<1x1x16xf32> to vector<16xf32>
        %parallel_loop3A_1990 = arith.index_cast %select_n3A_138 : i32 to index
        %parallel_loop3A_1991 = arith.index_cast %parallel_loop3A_198 : i32 to index
        %parallel_loop3A_1992 = arith.constant 816 : index
        %parallel_loop3A_1993 = tpu.vector_load %arg6[%parallel_loop3A_1990, %parallel_loop3A_1991, %parallel_loop3A_1992] {strides = array<i32>} : memref<3x8x1024xf32, #tpu.memory_space<vmem>>, vector<1x1x16xf32>,
        %parallel_loop3A_1994 = vector.shape_cast %parallel_loop3A_1993 : vector<1x1x16xf32> to vector<16xf32>
        %parallel_loop3A_1995 = arith.index_cast %select_n3A_138 : i32 to index
        %parallel_loop3A_1996 = arith.index_cast %parallel_loop3A_198 : i32 to index
        %parallel_loop3A_1997 = arith.constant 832 : index
        %parallel_loop3A_1998 = tpu.vector_load %arg6[%parallel_loop3A_1995, %parallel_loop3A_1996, %parallel_loop3A_1997] {strides = array<i32>} : memref<3x8x1024xf32, #tpu.memory_space<vmem>>, vector<1x1x16xf32>,
        %parallel_loop3A_1999 = vector.shape_cast %parallel_loop3A_1998 : vector<1x1x16xf32> to vector<16xf32>
        %parallel_loop3A_2000 = arith.index_cast %select_n3A_138 : i32 to index
        %parallel_loop3A_2001 = arith.index_cast %parallel_loop3A_198 : i32 to index
        %parallel_loop3A_2002 = arith.constant 848 : index
        %parallel_loop3A_2003 = tpu.vector_load %arg6[%parallel_loop3A_2000, %parallel_loop3A_2001, %parallel_loop3A_2002] {strides = array<i32>} : memref<3x8x1024xf32, #tpu.memory_space<vmem>>, vector<1x1x16xf32>,
        %parallel_loop3A_2004 = vector.shape_cast %parallel_loop3A_2003 : vector<1x1x16xf32> to vector<16xf32>
        %parallel_loop3A_2005 = arith.index_cast %select_n3A_138 : i32 to index
        %parallel_loop3A_2006 = arith.index_cast %parallel_loop3A_198 : i32 to index
        %parallel_loop3A_2007 = arith.constant 864 : index
        %parallel_loop3A_2008 = tpu.vector_load %arg6[%parallel_loop3A_2005, %parallel_loop3A_2006, %parallel_loop3A_2007] {strides = array<i32>} : memref<3x8x1024xf32, #tpu.memory_space<vmem>>, vector<1x1x16xf32>,
        %parallel_loop3A_2009 = vector.shape_cast %parallel_loop3A_2008 : vector<1x1x16xf32> to vector<16xf32>
        %parallel_loop3A_2010 = arith.index_cast %select_n3A_138 : i32 to index
        %parallel_loop3A_2011 = arith.index_cast %parallel_loop3A_198 : i32 to index
        %parallel_loop3A_2012 = arith.constant 880 : index
        %parallel_loop3A_2013 = tpu.vector_load %arg6[%parallel_loop3A_2010, %parallel_loop3A_2011, %parallel_loop3A_2012] {strides = array<i32>} : memref<3x8x1024xf32, #tpu.memory_space<vmem>>, vector<1x1x16xf32>,
        %parallel_loop3A_2014 = vector.shape_cast %parallel_loop3A_2013 : vector<1x1x16xf32> to vector<16xf32>
        %parallel_loop3A_2015 = arith.constant 0 : i32
        %parallel_loop3A_2016 = arith.index_cast %select_n3A_138 : i32 to index
        %parallel_loop3A_2017 = arith.index_cast %parallel_loop3A_2015 : i32 to index
        %parallel_loop3A_2018 = arith.index_cast %parallel_loop3A_198 : i32 to index
        %parallel_loop3A_2019 = arith.constant 768 : index
        %parallel_loop3A_2020 = tpu.vector_load %arg5[%parallel_loop3A_2016, %parallel_loop3A_2017, %parallel_loop3A_2018, %parallel_loop3A_2019] {strides = array<i32>} : memref<3x4x8x1024xf32, #tpu.memory_space<vmem>>, vector<1x1x1x16xf32>,
        %parallel_loop3A_2021 = vector.shape_cast %parallel_loop3A_2020 : vector<1x1x1x16xf32> to vector<16xf32>
        %parallel_loop3A_2022 = vector.shape_cast %parallel_loop3A_1979 : vector<16xf32> to vector<1x1x1x16xf32>
        tpu.vector_store %arg5[%parallel_loop3A_2016, %parallel_loop3A_2017, %parallel_loop3A_2018, %parallel_loop3A_2019], %parallel_loop3A_2022 {add = true, strides = array<i32>} : memref<3x4x8x1024xf32, #tpu.memory_space<vmem>>, vector<1x1x1x16xf32>,
        %parallel_loop3A_2023 = arith.constant 1 : i32
        %parallel_loop3A_2024 = arith.index_cast %select_n3A_138 : i32 to index
        %parallel_loop3A_2025 = arith.index_cast %parallel_loop3A_2023 : i32 to index
        %parallel_loop3A_2026 = arith.index_cast %parallel_loop3A_198 : i32 to index
        %parallel_loop3A_2027 = arith.constant 768 : index
        %parallel_loop3A_2028 = tpu.vector_load %arg5[%parallel_loop3A_2024, %parallel_loop3A_2025, %parallel_loop3A_2026, %parallel_loop3A_2027] {strides = array<i32>} : memref<3x4x8x1024xf32, #tpu.memory_space<vmem>>, vector<1x1x1x16xf32>,
        %parallel_loop3A_2029 = vector.shape_cast %parallel_loop3A_2028 : vector<1x1x1x16xf32> to vector<16xf32>
        %parallel_loop3A_2030 = vector.shape_cast %parallel_loop3A_1979 : vector<16xf32> to vector<1x1x1x16xf32>
        tpu.vector_store %arg5[%parallel_loop3A_2024, %parallel_loop3A_2025, %parallel_loop3A_2026, %parallel_loop3A_2027], %parallel_loop3A_2030 {add = true, strides = array<i32>} : memref<3x4x8x1024xf32, #tpu.memory_space<vmem>>, vector<1x1x1x16xf32>,
        %parallel_loop3A_2031 = arith.constant 2 : i32
        %parallel_loop3A_2032 = arith.index_cast %select_n3A_138 : i32 to index
        %parallel_loop3A_2033 = arith.index_cast %parallel_loop3A_2031 : i32 to index
        %parallel_loop3A_2034 = arith.index_cast %parallel_loop3A_198 : i32 to index
        %parallel_loop3A_2035 = arith.constant 768 : index
        %parallel_loop3A_2036 = tpu.vector_load %arg5[%parallel_loop3A_2032, %parallel_loop3A_2033, %parallel_loop3A_2034, %parallel_loop3A_2035] {strides = array<i32>} : memref<3x4x8x1024xf32, #tpu.memory_space<vmem>>, vector<1x1x1x16xf32>,
        %parallel_loop3A_2037 = vector.shape_cast %parallel_loop3A_2036 : vector<1x1x1x16xf32> to vector<16xf32>
        %parallel_loop3A_2038 = vector.shape_cast %parallel_loop3A_1979 : vector<16xf32> to vector<1x1x1x16xf32>
        tpu.vector_store %arg5[%parallel_loop3A_2032, %parallel_loop3A_2033, %parallel_loop3A_2034, %parallel_loop3A_2035], %parallel_loop3A_2038 {add = true, strides = array<i32>} : memref<3x4x8x1024xf32, #tpu.memory_space<vmem>>, vector<1x1x1x16xf32>,
        %parallel_loop3A_2039 = arith.constant 3 : i32
        %parallel_loop3A_2040 = arith.index_cast %select_n3A_138 : i32 to index
        %parallel_loop3A_2041 = arith.index_cast %parallel_loop3A_2039 : i32 to index
        %parallel_loop3A_2042 = arith.index_cast %parallel_loop3A_198 : i32 to index
        %parallel_loop3A_2043 = arith.constant 768 : index
        %parallel_loop3A_2044 = tpu.vector_load %arg5[%parallel_loop3A_2040, %parallel_loop3A_2041, %parallel_loop3A_2042, %parallel_loop3A_2043] {strides = array<i32>} : memref<3x4x8x1024xf32, #tpu.memory_space<vmem>>, vector<1x1x1x16xf32>,
        %parallel_loop3A_2045 = vector.shape_cast %parallel_loop3A_2044 : vector<1x1x1x16xf32> to vector<16xf32>
        %parallel_loop3A_2046 = vector.shape_cast %parallel_loop3A_1979 : vector<16xf32> to vector<1x1x1x16xf32>
        tpu.vector_store %arg5[%parallel_loop3A_2040, %parallel_loop3A_2041, %parallel_loop3A_2042, %parallel_loop3A_2043], %parallel_loop3A_2046 {add = true, strides = array<i32>} : memref<3x4x8x1024xf32, #tpu.memory_space<vmem>>, vector<1x1x1x16xf32>,
        %parallel_loop3A_2047 = arith.constant 0 : i32
        %parallel_loop3A_2048 = arith.index_cast %select_n3A_138 : i32 to index
        %parallel_loop3A_2049 = arith.index_cast %parallel_loop3A_2047 : i32 to index
        %parallel_loop3A_2050 = arith.index_cast %parallel_loop3A_198 : i32 to index
        %parallel_loop3A_2051 = arith.constant 784 : index
        %parallel_loop3A_2052 = tpu.vector_load %arg5[%parallel_loop3A_2048, %parallel_loop3A_2049, %parallel_loop3A_2050, %parallel_loop3A_2051] {strides = array<i32>} : memref<3x4x8x1024xf32, #tpu.memory_space<vmem>>, vector<1x1x1x16xf32>,
        %parallel_loop3A_2053 = vector.shape_cast %parallel_loop3A_2052 : vector<1x1x1x16xf32> to vector<16xf32>
        %parallel_loop3A_2054 = vector.shape_cast %parallel_loop3A_1984 : vector<16xf32> to vector<1x1x1x16xf32>
        tpu.vector_store %arg5[%parallel_loop3A_2048, %parallel_loop3A_2049, %parallel_loop3A_2050, %parallel_loop3A_2051], %parallel_loop3A_2054 {add = true, strides = array<i32>} : memref<3x4x8x1024xf32, #tpu.memory_space<vmem>>, vector<1x1x1x16xf32>,
        %parallel_loop3A_2055 = arith.constant 1 : i32
        %parallel_loop3A_2056 = arith.index_cast %select_n3A_138 : i32 to index
        %parallel_loop3A_2057 = arith.index_cast %parallel_loop3A_2055 : i32 to index
        %parallel_loop3A_2058 = arith.index_cast %parallel_loop3A_198 : i32 to index
        %parallel_loop3A_2059 = arith.constant 784 : index
        %parallel_loop3A_2060 = tpu.vector_load %arg5[%parallel_loop3A_2056, %parallel_loop3A_2057, %parallel_loop3A_2058, %parallel_loop3A_2059] {strides = array<i32>} : memref<3x4x8x1024xf32, #tpu.memory_space<vmem>>, vector<1x1x1x16xf32>,
        %parallel_loop3A_2061 = vector.shape_cast %parallel_loop3A_2060 : vector<1x1x1x16xf32> to vector<16xf32>
        %parallel_loop3A_2062 = vector.shape_cast %parallel_loop3A_1984 : vector<16xf32> to vector<1x1x1x16xf32>
        tpu.vector_store %arg5[%parallel_loop3A_2056, %parallel_loop3A_2057, %parallel_loop3A_2058, %parallel_loop3A_2059], %parallel_loop3A_2062 {add = true, strides = array<i32>} : memref<3x4x8x1024xf32, #tpu.memory_space<vmem>>, vector<1x1x1x16xf32>,
        %parallel_loop3A_2063 = arith.constant 2 : i32
        %parallel_loop3A_2064 = arith.index_cast %select_n3A_138 : i32 to index
        %parallel_loop3A_2065 = arith.index_cast %parallel_loop3A_2063 : i32 to index
        %parallel_loop3A_2066 = arith.index_cast %parallel_loop3A_198 : i32 to index
        %parallel_loop3A_2067 = arith.constant 784 : index
        %parallel_loop3A_2068 = tpu.vector_load %arg5[%parallel_loop3A_2064, %parallel_loop3A_2065, %parallel_loop3A_2066, %parallel_loop3A_2067] {strides = array<i32>} : memref<3x4x8x1024xf32, #tpu.memory_space<vmem>>, vector<1x1x1x16xf32>,
        %parallel_loop3A_2069 = vector.shape_cast %parallel_loop3A_2068 : vector<1x1x1x16xf32> to vector<16xf32>
        %parallel_loop3A_2070 = vector.shape_cast %parallel_loop3A_1984 : vector<16xf32> to vector<1x1x1x16xf32>
        tpu.vector_store %arg5[%parallel_loop3A_2064, %parallel_loop3A_2065, %parallel_loop3A_2066, %parallel_loop3A_2067], %parallel_loop3A_2070 {add = true, strides = array<i32>} : memref<3x4x8x1024xf32, #tpu.memory_space<vmem>>, vector<1x1x1x16xf32>,
        %parallel_loop3A_2071 = arith.constant 3 : i32
        %parallel_loop3A_2072 = arith.index_cast %select_n3A_138 : i32 to index
        %parallel_loop3A_2073 = arith.index_cast %parallel_loop3A_2071 : i32 to index
        %parallel_loop3A_2074 = arith.index_cast %parallel_loop3A_198 : i32 to index
        %parallel_loop3A_2075 = arith.constant 784 : index
        %parallel_loop3A_2076 = tpu.vector_load %arg5[%parallel_loop3A_2072, %parallel_loop3A_2073, %parallel_loop3A_2074, %parallel_loop3A_2075] {strides = array<i32>} : memref<3x4x8x1024xf32, #tpu.memory_space<vmem>>, vector<1x1x1x16xf32>,
        %parallel_loop3A_2077 = vector.shape_cast %parallel_loop3A_2076 : vector<1x1x1x16xf32> to vector<16xf32>
        %parallel_loop3A_2078 = vector.shape_cast %parallel_loop3A_1984 : vector<16xf32> to vector<1x1x1x16xf32>
        tpu.vector_store %arg5[%parallel_loop3A_2072, %parallel_loop3A_2073, %parallel_loop3A_2074, %parallel_loop3A_2075], %parallel_loop3A_2078 {add = true, strides = array<i32>} : memref<3x4x8x1024xf32, #tpu.memory_space<vmem>>, vector<1x1x1x16xf32>,
        %parallel_loop3A_2079 = arith.constant 0 : i32
        %parallel_loop3A_2080 = arith.index_cast %select_n3A_138 : i32 to index
        %parallel_loop3A_2081 = arith.index_cast %parallel_loop3A_2079 : i32 to index
        %parallel_loop3A_2082 = arith.index_cast %parallel_loop3A_198 : i32 to index
        %parallel_loop3A_2083 = arith.constant 800 : index
        %parallel_loop3A_2084 = tpu.vector_load %arg5[%parallel_loop3A_2080, %parallel_loop3A_2081, %parallel_loop3A_2082, %parallel_loop3A_2083] {strides = array<i32>} : memref<3x4x8x1024xf32, #tpu.memory_space<vmem>>, vector<1x1x1x16xf32>,
        %parallel_loop3A_2085 = vector.shape_cast %parallel_loop3A_2084 : vector<1x1x1x16xf32> to vector<16xf32>
        %parallel_loop3A_2086 = vector.shape_cast %parallel_loop3A_1989 : vector<16xf32> to vector<1x1x1x16xf32>
        tpu.vector_store %arg5[%parallel_loop3A_2080, %parallel_loop3A_2081, %parallel_loop3A_2082, %parallel_loop3A_2083], %parallel_loop3A_2086 {add = true, strides = array<i32>} : memref<3x4x8x1024xf32, #tpu.memory_space<vmem>>, vector<1x1x1x16xf32>,
        %parallel_loop3A_2087 = arith.constant 1 : i32
        %parallel_loop3A_2088 = arith.index_cast %select_n3A_138 : i32 to index
        %parallel_loop3A_2089 = arith.index_cast %parallel_loop3A_2087 : i32 to index
        %parallel_loop3A_2090 = arith.index_cast %parallel_loop3A_198 : i32 to index
        %parallel_loop3A_2091 = arith.constant 800 : index
        %parallel_loop3A_2092 = tpu.vector_load %arg5[%parallel_loop3A_2088, %parallel_loop3A_2089, %parallel_loop3A_2090, %parallel_loop3A_2091] {strides = array<i32>} : memref<3x4x8x1024xf32, #tpu.memory_space<vmem>>, vector<1x1x1x16xf32>,
        %parallel_loop3A_2093 = vector.shape_cast %parallel_loop3A_2092 : vector<1x1x1x16xf32> to vector<16xf32>
        %parallel_loop3A_2094 = vector.shape_cast %parallel_loop3A_1989 : vector<16xf32> to vector<1x1x1x16xf32>
        tpu.vector_store %arg5[%parallel_loop3A_2088, %parallel_loop3A_2089, %parallel_loop3A_2090, %parallel_loop3A_2091], %parallel_loop3A_2094 {add = true, strides = array<i32>} : memref<3x4x8x1024xf32, #tpu.memory_space<vmem>>, vector<1x1x1x16xf32>,
        %parallel_loop3A_2095 = arith.constant 2 : i32
        %parallel_loop3A_2096 = arith.index_cast %select_n3A_138 : i32 to index
        %parallel_loop3A_2097 = arith.index_cast %parallel_loop3A_2095 : i32 to index
        %parallel_loop3A_2098 = arith.index_cast %parallel_loop3A_198 : i32 to index
        %parallel_loop3A_2099 = arith.constant 800 : index
        %parallel_loop3A_2100 = tpu.vector_load %arg5[%parallel_loop3A_2096, %parallel_loop3A_2097, %parallel_loop3A_2098, %parallel_loop3A_2099] {strides = array<i32>} : memref<3x4x8x1024xf32, #tpu.memory_space<vmem>>, vector<1x1x1x16xf32>,
        %parallel_loop3A_2101 = vector.shape_cast %parallel_loop3A_2100 : vector<1x1x1x16xf32> to vector<16xf32>
        %parallel_loop3A_2102 = vector.shape_cast %parallel_loop3A_1989 : vector<16xf32> to vector<1x1x1x16xf32>
        tpu.vector_store %arg5[%parallel_loop3A_2096, %parallel_loop3A_2097, %parallel_loop3A_2098, %parallel_loop3A_2099], %parallel_loop3A_2102 {add = true, strides = array<i32>} : memref<3x4x8x1024xf32, #tpu.memory_space<vmem>>, vector<1x1x1x16xf32>,
        %parallel_loop3A_2103 = arith.constant 3 : i32
        %parallel_loop3A_2104 = arith.index_cast %select_n3A_138 : i32 to index
        %parallel_loop3A_2105 = arith.index_cast %parallel_loop3A_2103 : i32 to index
        %parallel_loop3A_2106 = arith.index_cast %parallel_loop3A_198 : i32 to index
        %parallel_loop3A_2107 = arith.constant 800 : index
        %parallel_loop3A_2108 = tpu.vector_load %arg5[%parallel_loop3A_2104, %parallel_loop3A_2105, %parallel_loop3A_2106, %parallel_loop3A_2107] {strides = array<i32>} : memref<3x4x8x1024xf32, #tpu.memory_space<vmem>>, vector<1x1x1x16xf32>,
        %parallel_loop3A_2109 = vector.shape_cast %parallel_loop3A_2108 : vector<1x1x1x16xf32> to vector<16xf32>
        %parallel_loop3A_2110 = vector.shape_cast %parallel_loop3A_1989 : vector<16xf32> to vector<1x1x1x16xf32>
        tpu.vector_store %arg5[%parallel_loop3A_2104, %parallel_loop3A_2105, %parallel_loop3A_2106, %parallel_loop3A_2107], %parallel_loop3A_2110 {add = true, strides = array<i32>} : memref<3x4x8x1024xf32, #tpu.memory_space<vmem>>, vector<1x1x1x16xf32>,
        %parallel_loop3A_2111 = arith.constant 0 : i32
        %parallel_loop3A_2112 = arith.index_cast %select_n3A_138 : i32 to index
        %parallel_loop3A_2113 = arith.index_cast %parallel_loop3A_2111 : i32 to index
        %parallel_loop3A_2114 = arith.index_cast %parallel_loop3A_198 : i32 to index
        %parallel_loop3A_2115 = arith.constant 816 : index
        %parallel_loop3A_2116 = tpu.vector_load %arg5[%parallel_loop3A_2112, %parallel_loop3A_2113, %parallel_loop3A_2114, %parallel_loop3A_2115] {strides = array<i32>} : memref<3x4x8x1024xf32, #tpu.memory_space<vmem>>, vector<1x1x1x16xf32>,
        %parallel_loop3A_2117 = vector.shape_cast %parallel_loop3A_2116 : vector<1x1x1x16xf32> to vector<16xf32>
        %parallel_loop3A_2118 = vector.shape_cast %parallel_loop3A_1994 : vector<16xf32> to vector<1x1x1x16xf32>
        tpu.vector_store %arg5[%parallel_loop3A_2112, %parallel_loop3A_2113, %parallel_loop3A_2114, %parallel_loop3A_2115], %parallel_loop3A_2118 {add = true, strides = array<i32>} : memref<3x4x8x1024xf32, #tpu.memory_space<vmem>>, vector<1x1x1x16xf32>,
        %parallel_loop3A_2119 = arith.constant 1 : i32
        %parallel_loop3A_2120 = arith.index_cast %select_n3A_138 : i32 to index
        %parallel_loop3A_2121 = arith.index_cast %parallel_loop3A_2119 : i32 to index
        %parallel_loop3A_2122 = arith.index_cast %parallel_loop3A_198 : i32 to index
        %parallel_loop3A_2123 = arith.constant 816 : index
        %parallel_loop3A_2124 = tpu.vector_load %arg5[%parallel_loop3A_2120, %parallel_loop3A_2121, %parallel_loop3A_2122, %parallel_loop3A_2123] {strides = array<i32>} : memref<3x4x8x1024xf32, #tpu.memory_space<vmem>>, vector<1x1x1x16xf32>,
        %parallel_loop3A_2125 = vector.shape_cast %parallel_loop3A_2124 : vector<1x1x1x16xf32> to vector<16xf32>
        %parallel_loop3A_2126 = vector.shape_cast %parallel_loop3A_1994 : vector<16xf32> to vector<1x1x1x16xf32>
        tpu.vector_store %arg5[%parallel_loop3A_2120, %parallel_loop3A_2121, %parallel_loop3A_2122, %parallel_loop3A_2123], %parallel_loop3A_2126 {add = true, strides = array<i32>} : memref<3x4x8x1024xf32, #tpu.memory_space<vmem>>, vector<1x1x1x16xf32>,
        %parallel_loop3A_2127 = arith.constant 2 : i32
        %parallel_loop3A_2128 = arith.index_cast %select_n3A_138 : i32 to index
        %parallel_loop3A_2129 = arith.index_cast %parallel_loop3A_2127 : i32 to index
        %parallel_loop3A_2130 = arith.index_cast %parallel_loop3A_198 : i32 to index
        %parallel_loop3A_2131 = arith.constant 816 : index
        %parallel_loop3A_2132 = tpu.vector_load %arg5[%parallel_loop3A_2128, %parallel_loop3A_2129, %parallel_loop3A_2130, %parallel_loop3A_2131] {strides = array<i32>} : memref<3x4x8x1024xf32, #tpu.memory_space<vmem>>, vector<1x1x1x16xf32>,
        %parallel_loop3A_2133 = vector.shape_cast %parallel_loop3A_2132 : vector<1x1x1x16xf32> to vector<16xf32>
        %parallel_loop3A_2134 = vector.shape_cast %parallel_loop3A_1994 : vector<16xf32> to vector<1x1x1x16xf32>
        tpu.vector_store %arg5[%parallel_loop3A_2128, %parallel_loop3A_2129, %parallel_loop3A_2130, %parallel_loop3A_2131], %parallel_loop3A_2134 {add = true, strides = array<i32>} : memref<3x4x8x1024xf32, #tpu.memory_space<vmem>>, vector<1x1x1x16xf32>,
        %parallel_loop3A_2135 = arith.constant 3 : i32
        %parallel_loop3A_2136 = arith.index_cast %select_n3A_138 : i32 to index
        %parallel_loop3A_2137 = arith.index_cast %parallel_loop3A_2135 : i32 to index
        %parallel_loop3A_2138 = arith.index_cast %parallel_loop3A_198 : i32 to index
        %parallel_loop3A_2139 = arith.constant 816 : index
        %parallel_loop3A_2140 = tpu.vector_load %arg5[%parallel_loop3A_2136, %parallel_loop3A_2137, %parallel_loop3A_2138, %parallel_loop3A_2139] {strides = array<i32>} : memref<3x4x8x1024xf32, #tpu.memory_space<vmem>>, vector<1x1x1x16xf32>,
        %parallel_loop3A_2141 = vector.shape_cast %parallel_loop3A_2140 : vector<1x1x1x16xf32> to vector<16xf32>
        %parallel_loop3A_2142 = vector.shape_cast %parallel_loop3A_1994 : vector<16xf32> to vector<1x1x1x16xf32>
        tpu.vector_store %arg5[%parallel_loop3A_2136, %parallel_loop3A_2137, %parallel_loop3A_2138, %parallel_loop3A_2139], %parallel_loop3A_2142 {add = true, strides = array<i32>} : memref<3x4x8x1024xf32, #tpu.memory_space<vmem>>, vector<1x1x1x16xf32>,
        %parallel_loop3A_2143 = arith.constant 0 : i32
        %parallel_loop3A_2144 = arith.index_cast %select_n3A_138 : i32 to index
        %parallel_loop3A_2145 = arith.index_cast %parallel_loop3A_2143 : i32 to index
        %parallel_loop3A_2146 = arith.index_cast %parallel_loop3A_198 : i32 to index
        %parallel_loop3A_2147 = arith.constant 832 : index
        %parallel_loop3A_2148 = tpu.vector_load %arg5[%parallel_loop3A_2144, %parallel_loop3A_2145, %parallel_loop3A_2146, %parallel_loop3A_2147] {strides = array<i32>} : memref<3x4x8x1024xf32, #tpu.memory_space<vmem>>, vector<1x1x1x16xf32>,
        %parallel_loop3A_2149 = vector.shape_cast %parallel_loop3A_2148 : vector<1x1x1x16xf32> to vector<16xf32>
        %parallel_loop3A_2150 = vector.shape_cast %parallel_loop3A_1999 : vector<16xf32> to vector<1x1x1x16xf32>
        tpu.vector_store %arg5[%parallel_loop3A_2144, %parallel_loop3A_2145, %parallel_loop3A_2146, %parallel_loop3A_2147], %parallel_loop3A_2150 {add = true, strides = array<i32>} : memref<3x4x8x1024xf32, #tpu.memory_space<vmem>>, vector<1x1x1x16xf32>,
        %parallel_loop3A_2151 = arith.constant 1 : i32
        %parallel_loop3A_2152 = arith.index_cast %select_n3A_138 : i32 to index
        %parallel_loop3A_2153 = arith.index_cast %parallel_loop3A_2151 : i32 to index
        %parallel_loop3A_2154 = arith.index_cast %parallel_loop3A_198 : i32 to index
        %parallel_loop3A_2155 = arith.constant 832 : index
        %parallel_loop3A_2156 = tpu.vector_load %arg5[%parallel_loop3A_2152, %parallel_loop3A_2153, %parallel_loop3A_2154, %parallel_loop3A_2155] {strides = array<i32>} : memref<3x4x8x1024xf32, #tpu.memory_space<vmem>>, vector<1x1x1x16xf32>,
        %parallel_loop3A_2157 = vector.shape_cast %parallel_loop3A_2156 : vector<1x1x1x16xf32> to vector<16xf32>
        %parallel_loop3A_2158 = vector.shape_cast %parallel_loop3A_1999 : vector<16xf32> to vector<1x1x1x16xf32>
        tpu.vector_store %arg5[%parallel_loop3A_2152, %parallel_loop3A_2153, %parallel_loop3A_2154, %parallel_loop3A_2155], %parallel_loop3A_2158 {add = true, strides = array<i32>} : memref<3x4x8x1024xf32, #tpu.memory_space<vmem>>, vector<1x1x1x16xf32>,
        %parallel_loop3A_2159 = arith.constant 2 : i32
        %parallel_loop3A_2160 = arith.index_cast %select_n3A_138 : i32 to index
        %parallel_loop3A_2161 = arith.index_cast %parallel_loop3A_2159 : i32 to index
        %parallel_loop3A_2162 = arith.index_cast %parallel_loop3A_198 : i32 to index
        %parallel_loop3A_2163 = arith.constant 832 : index
        %parallel_loop3A_2164 = tpu.vector_load %arg5[%parallel_loop3A_2160, %parallel_loop3A_2161, %parallel_loop3A_2162, %parallel_loop3A_2163] {strides = array<i32>} : memref<3x4x8x1024xf32, #tpu.memory_space<vmem>>, vector<1x1x1x16xf32>,
        %parallel_loop3A_2165 = vector.shape_cast %parallel_loop3A_2164 : vector<1x1x1x16xf32> to vector<16xf32>
        %parallel_loop3A_2166 = vector.shape_cast %parallel_loop3A_1999 : vector<16xf32> to vector<1x1x1x16xf32>
        tpu.vector_store %arg5[%parallel_loop3A_2160, %parallel_loop3A_2161, %parallel_loop3A_2162, %parallel_loop3A_2163], %parallel_loop3A_2166 {add = true, strides = array<i32>} : memref<3x4x8x1024xf32, #tpu.memory_space<vmem>>, vector<1x1x1x16xf32>,
        %parallel_loop3A_2167 = arith.constant 3 : i32
        %parallel_loop3A_2168 = arith.index_cast %select_n3A_138 : i32 to index
        %parallel_loop3A_2169 = arith.index_cast %parallel_loop3A_2167 : i32 to index
        %parallel_loop3A_2170 = arith.index_cast %parallel_loop3A_198 : i32 to index
        %parallel_loop3A_2171 = arith.constant 832 : index
        %parallel_loop3A_2172 = tpu.vector_load %arg5[%parallel_loop3A_2168, %parallel_loop3A_2169, %parallel_loop3A_2170, %parallel_loop3A_2171] {strides = array<i32>} : memref<3x4x8x1024xf32, #tpu.memory_space<vmem>>, vector<1x1x1x16xf32>,
        %parallel_loop3A_2173 = vector.shape_cast %parallel_loop3A_2172 : vector<1x1x1x16xf32> to vector<16xf32>
        %parallel_loop3A_2174 = vector.shape_cast %parallel_loop3A_1999 : vector<16xf32> to vector<1x1x1x16xf32>
        tpu.vector_store %arg5[%parallel_loop3A_2168, %parallel_loop3A_2169, %parallel_loop3A_2170, %parallel_loop3A_2171], %parallel_loop3A_2174 {add = true, strides = array<i32>} : memref<3x4x8x1024xf32, #tpu.memory_space<vmem>>, vector<1x1x1x16xf32>,
        %parallel_loop3A_2175 = arith.constant 0 : i32
        %parallel_loop3A_2176 = arith.index_cast %select_n3A_138 : i32 to index
        %parallel_loop3A_2177 = arith.index_cast %parallel_loop3A_2175 : i32 to index
        %parallel_loop3A_2178 = arith.index_cast %parallel_loop3A_198 : i32 to index
        %parallel_loop3A_2179 = arith.constant 848 : index
        %parallel_loop3A_2180 = tpu.vector_load %arg5[%parallel_loop3A_2176, %parallel_loop3A_2177, %parallel_loop3A_2178, %parallel_loop3A_2179] {strides = array<i32>} : memref<3x4x8x1024xf32, #tpu.memory_space<vmem>>, vector<1x1x1x16xf32>,
        %parallel_loop3A_2181 = vector.shape_cast %parallel_loop3A_2180 : vector<1x1x1x16xf32> to vector<16xf32>
        %parallel_loop3A_2182 = vector.shape_cast %parallel_loop3A_2004 : vector<16xf32> to vector<1x1x1x16xf32>
        tpu.vector_store %arg5[%parallel_loop3A_2176, %parallel_loop3A_2177, %parallel_loop3A_2178, %parallel_loop3A_2179], %parallel_loop3A_2182 {add = true, strides = array<i32>} : memref<3x4x8x1024xf32, #tpu.memory_space<vmem>>, vector<1x1x1x16xf32>,
        %parallel_loop3A_2183 = arith.constant 1 : i32
        %parallel_loop3A_2184 = arith.index_cast %select_n3A_138 : i32 to index
        %parallel_loop3A_2185 = arith.index_cast %parallel_loop3A_2183 : i32 to index
        %parallel_loop3A_2186 = arith.index_cast %parallel_loop3A_198 : i32 to index
        %parallel_loop3A_2187 = arith.constant 848 : index
        %parallel_loop3A_2188 = tpu.vector_load %arg5[%parallel_loop3A_2184, %parallel_loop3A_2185, %parallel_loop3A_2186, %parallel_loop3A_2187] {strides = array<i32>} : memref<3x4x8x1024xf32, #tpu.memory_space<vmem>>, vector<1x1x1x16xf32>,
        %parallel_loop3A_2189 = vector.shape_cast %parallel_loop3A_2188 : vector<1x1x1x16xf32> to vector<16xf32>
        %parallel_loop3A_2190 = vector.shape_cast %parallel_loop3A_2004 : vector<16xf32> to vector<1x1x1x16xf32>
        tpu.vector_store %arg5[%parallel_loop3A_2184, %parallel_loop3A_2185, %parallel_loop3A_2186, %parallel_loop3A_2187], %parallel_loop3A_2190 {add = true, strides = array<i32>} : memref<3x4x8x1024xf32, #tpu.memory_space<vmem>>, vector<1x1x1x16xf32>,
        %parallel_loop3A_2191 = arith.constant 2 : i32
        %parallel_loop3A_2192 = arith.index_cast %select_n3A_138 : i32 to index
        %parallel_loop3A_2193 = arith.index_cast %parallel_loop3A_2191 : i32 to index
        %parallel_loop3A_2194 = arith.index_cast %parallel_loop3A_198 : i32 to index
        %parallel_loop3A_2195 = arith.constant 848 : index
        %parallel_loop3A_2196 = tpu.vector_load %arg5[%parallel_loop3A_2192, %parallel_loop3A_2193, %parallel_loop3A_2194, %parallel_loop3A_2195] {strides = array<i32>} : memref<3x4x8x1024xf32, #tpu.memory_space<vmem>>, vector<1x1x1x16xf32>,
        %parallel_loop3A_2197 = vector.shape_cast %parallel_loop3A_2196 : vector<1x1x1x16xf32> to vector<16xf32>
        %parallel_loop3A_2198 = vector.shape_cast %parallel_loop3A_2004 : vector<16xf32> to vector<1x1x1x16xf32>
        tpu.vector_store %arg5[%parallel_loop3A_2192, %parallel_loop3A_2193, %parallel_loop3A_2194, %parallel_loop3A_2195], %parallel_loop3A_2198 {add = true, strides = array<i32>} : memref<3x4x8x1024xf32, #tpu.memory_space<vmem>>, vector<1x1x1x16xf32>,
        %parallel_loop3A_2199 = arith.constant 3 : i32
        %parallel_loop3A_2200 = arith.index_cast %select_n3A_138 : i32 to index
        %parallel_loop3A_2201 = arith.index_cast %parallel_loop3A_2199 : i32 to index
        %parallel_loop3A_2202 = arith.index_cast %parallel_loop3A_198 : i32 to index
        %parallel_loop3A_2203 = arith.constant 848 : index
        %parallel_loop3A_2204 = tpu.vector_load %arg5[%parallel_loop3A_2200, %parallel_loop3A_2201, %parallel_loop3A_2202, %parallel_loop3A_2203] {strides = array<i32>} : memref<3x4x8x1024xf32, #tpu.memory_space<vmem>>, vector<1x1x1x16xf32>,
        %parallel_loop3A_2205 = vector.shape_cast %parallel_loop3A_2204 : vector<1x1x1x16xf32> to vector<16xf32>
        %parallel_loop3A_2206 = vector.shape_cast %parallel_loop3A_2004 : vector<16xf32> to vector<1x1x1x16xf32>
        tpu.vector_store %arg5[%parallel_loop3A_2200, %parallel_loop3A_2201, %parallel_loop3A_2202, %parallel_loop3A_2203], %parallel_loop3A_2206 {add = true, strides = array<i32>} : memref<3x4x8x1024xf32, #tpu.memory_space<vmem>>, vector<1x1x1x16xf32>,
        %parallel_loop3A_2207 = arith.constant 0 : i32
        %parallel_loop3A_2208 = arith.index_cast %select_n3A_138 : i32 to index
        %parallel_loop3A_2209 = arith.index_cast %parallel_loop3A_2207 : i32 to index
        %parallel_loop3A_2210 = arith.index_cast %parallel_loop3A_198 : i32 to index
        %parallel_loop3A_2211 = arith.constant 864 : index
        %parallel_loop3A_2212 = tpu.vector_load %arg5[%parallel_loop3A_2208, %parallel_loop3A_2209, %parallel_loop3A_2210, %parallel_loop3A_2211] {strides = array<i32>} : memref<3x4x8x1024xf32, #tpu.memory_space<vmem>>, vector<1x1x1x16xf32>,
        %parallel_loop3A_2213 = vector.shape_cast %parallel_loop3A_2212 : vector<1x1x1x16xf32> to vector<16xf32>
        %parallel_loop3A_2214 = vector.shape_cast %parallel_loop3A_2009 : vector<16xf32> to vector<1x1x1x16xf32>
        tpu.vector_store %arg5[%parallel_loop3A_2208, %parallel_loop3A_2209, %parallel_loop3A_2210, %parallel_loop3A_2211], %parallel_loop3A_2214 {add = true, strides = array<i32>} : memref<3x4x8x1024xf32, #tpu.memory_space<vmem>>, vector<1x1x1x16xf32>,
        %parallel_loop3A_2215 = arith.constant 1 : i32
        %parallel_loop3A_2216 = arith.index_cast %select_n3A_138 : i32 to index
        %parallel_loop3A_2217 = arith.index_cast %parallel_loop3A_2215 : i32 to index
        %parallel_loop3A_2218 = arith.index_cast %parallel_loop3A_198 : i32 to index
        %parallel_loop3A_2219 = arith.constant 864 : index
        %parallel_loop3A_2220 = tpu.vector_load %arg5[%parallel_loop3A_2216, %parallel_loop3A_2217, %parallel_loop3A_2218, %parallel_loop3A_2219] {strides = array<i32>} : memref<3x4x8x1024xf32, #tpu.memory_space<vmem>>, vector<1x1x1x16xf32>,
        %parallel_loop3A_2221 = vector.shape_cast %parallel_loop3A_2220 : vector<1x1x1x16xf32> to vector<16xf32>
        %parallel_loop3A_2222 = vector.shape_cast %parallel_loop3A_2009 : vector<16xf32> to vector<1x1x1x16xf32>
        tpu.vector_store %arg5[%parallel_loop3A_2216, %parallel_loop3A_2217, %parallel_loop3A_2218, %parallel_loop3A_2219], %parallel_loop3A_2222 {add = true, strides = array<i32>} : memref<3x4x8x1024xf32, #tpu.memory_space<vmem>>, vector<1x1x1x16xf32>,
        %parallel_loop3A_2223 = arith.constant 2 : i32
        %parallel_loop3A_2224 = arith.index_cast %select_n3A_138 : i32 to index
        %parallel_loop3A_2225 = arith.index_cast %parallel_loop3A_2223 : i32 to index
        %parallel_loop3A_2226 = arith.index_cast %parallel_loop3A_198 : i32 to index
        %parallel_loop3A_2227 = arith.constant 864 : index
        %parallel_loop3A_2228 = tpu.vector_load %arg5[%parallel_loop3A_2224, %parallel_loop3A_2225, %parallel_loop3A_2226, %parallel_loop3A_2227] {strides = array<i32>} : memref<3x4x8x1024xf32, #tpu.memory_space<vmem>>, vector<1x1x1x16xf32>,
        %parallel_loop3A_2229 = vector.shape_cast %parallel_loop3A_2228 : vector<1x1x1x16xf32> to vector<16xf32>
        %parallel_loop3A_2230 = vector.shape_cast %parallel_loop3A_2009 : vector<16xf32> to vector<1x1x1x16xf32>
        tpu.vector_store %arg5[%parallel_loop3A_2224, %parallel_loop3A_2225, %parallel_loop3A_2226, %parallel_loop3A_2227], %parallel_loop3A_2230 {add = true, strides = array<i32>} : memref<3x4x8x1024xf32, #tpu.memory_space<vmem>>, vector<1x1x1x16xf32>,
        %parallel_loop3A_2231 = arith.constant 3 : i32
        %parallel_loop3A_2232 = arith.index_cast %select_n3A_138 : i32 to index
        %parallel_loop3A_2233 = arith.index_cast %parallel_loop3A_2231 : i32 to index
        %parallel_loop3A_2234 = arith.index_cast %parallel_loop3A_198 : i32 to index
        %parallel_loop3A_2235 = arith.constant 864 : index
        %parallel_loop3A_2236 = tpu.vector_load %arg5[%parallel_loop3A_2232, %parallel_loop3A_2233, %parallel_loop3A_2234, %parallel_loop3A_2235] {strides = array<i32>} : memref<3x4x8x1024xf32, #tpu.memory_space<vmem>>, vector<1x1x1x16xf32>,
        %parallel_loop3A_2237 = vector.shape_cast %parallel_loop3A_2236 : vector<1x1x1x16xf32> to vector<16xf32>
        %parallel_loop3A_2238 = vector.shape_cast %parallel_loop3A_2009 : vector<16xf32> to vector<1x1x1x16xf32>
        tpu.vector_store %arg5[%parallel_loop3A_2232, %parallel_loop3A_2233, %parallel_loop3A_2234, %parallel_loop3A_2235], %parallel_loop3A_2238 {add = true, strides = array<i32>} : memref<3x4x8x1024xf32, #tpu.memory_space<vmem>>, vector<1x1x1x16xf32>,
        %parallel_loop3A_2239 = arith.constant 0 : i32
        %parallel_loop3A_2240 = arith.index_cast %select_n3A_138 : i32 to index
        %parallel_loop3A_2241 = arith.index_cast %parallel_loop3A_2239 : i32 to index
        %parallel_loop3A_2242 = arith.index_cast %parallel_loop3A_198 : i32 to index
        %parallel_loop3A_2243 = arith.constant 880 : index
        %parallel_loop3A_2244 = tpu.vector_load %arg5[%parallel_loop3A_2240, %parallel_loop3A_2241, %parallel_loop3A_2242, %parallel_loop3A_2243] {strides = array<i32>} : memref<3x4x8x1024xf32, #tpu.memory_space<vmem>>, vector<1x1x1x16xf32>,
        %parallel_loop3A_2245 = vector.shape_cast %parallel_loop3A_2244 : vector<1x1x1x16xf32> to vector<16xf32>
        %parallel_loop3A_2246 = vector.shape_cast %parallel_loop3A_2014 : vector<16xf32> to vector<1x1x1x16xf32>
        tpu.vector_store %arg5[%parallel_loop3A_2240, %parallel_loop3A_2241, %parallel_loop3A_2242, %parallel_loop3A_2243], %parallel_loop3A_2246 {add = true, strides = array<i32>} : memref<3x4x8x1024xf32, #tpu.memory_space<vmem>>, vector<1x1x1x16xf32>,
        %parallel_loop3A_2247 = arith.constant 1 : i32
        %parallel_loop3A_2248 = arith.index_cast %select_n3A_138 : i32 to index
        %parallel_loop3A_2249 = arith.index_cast %parallel_loop3A_2247 : i32 to index
        %parallel_loop3A_2250 = arith.index_cast %parallel_loop3A_198 : i32 to index
        %parallel_loop3A_2251 = arith.constant 880 : index
        %parallel_loop3A_2252 = tpu.vector_load %arg5[%parallel_loop3A_2248, %parallel_loop3A_2249, %parallel_loop3A_2250, %parallel_loop3A_2251] {strides = array<i32>} : memref<3x4x8x1024xf32, #tpu.memory_space<vmem>>, vector<1x1x1x16xf32>,
        %parallel_loop3A_2253 = vector.shape_cast %parallel_loop3A_2252 : vector<1x1x1x16xf32> to vector<16xf32>
        %parallel_loop3A_2254 = vector.shape_cast %parallel_loop3A_2014 : vector<16xf32> to vector<1x1x1x16xf32>
        tpu.vector_store %arg5[%parallel_loop3A_2248, %parallel_loop3A_2249, %parallel_loop3A_2250, %parallel_loop3A_2251], %parallel_loop3A_2254 {add = true, strides = array<i32>} : memref<3x4x8x1024xf32, #tpu.memory_space<vmem>>, vector<1x1x1x16xf32>,
        %parallel_loop3A_2255 = arith.constant 2 : i32
        %parallel_loop3A_2256 = arith.index_cast %select_n3A_138 : i32 to index
        %parallel_loop3A_2257 = arith.index_cast %parallel_loop3A_2255 : i32 to index
        %parallel_loop3A_2258 = arith.index_cast %parallel_loop3A_198 : i32 to index
        %parallel_loop3A_2259 = arith.constant 880 : index
        %parallel_loop3A_2260 = tpu.vector_load %arg5[%parallel_loop3A_2256, %parallel_loop3A_2257, %parallel_loop3A_2258, %parallel_loop3A_2259] {strides = array<i32>} : memref<3x4x8x1024xf32, #tpu.memory_space<vmem>>, vector<1x1x1x16xf32>,
        %parallel_loop3A_2261 = vector.shape_cast %parallel_loop3A_2260 : vector<1x1x1x16xf32> to vector<16xf32>
        %parallel_loop3A_2262 = vector.shape_cast %parallel_loop3A_2014 : vector<16xf32> to vector<1x1x1x16xf32>
        tpu.vector_store %arg5[%parallel_loop3A_2256, %parallel_loop3A_2257, %parallel_loop3A_2258, %parallel_loop3A_2259], %parallel_loop3A_2262 {add = true, strides = array<i32>} : memref<3x4x8x1024xf32, #tpu.memory_space<vmem>>, vector<1x1x1x16xf32>,
        %parallel_loop3A_2263 = arith.constant 3 : i32
        %parallel_loop3A_2264 = arith.index_cast %select_n3A_138 : i32 to index
        %parallel_loop3A_2265 = arith.index_cast %parallel_loop3A_2263 : i32 to index
        %parallel_loop3A_2266 = arith.index_cast %parallel_loop3A_198 : i32 to index
        %parallel_loop3A_2267 = arith.constant 880 : index
        %parallel_loop3A_2268 = tpu.vector_load %arg5[%parallel_loop3A_2264, %parallel_loop3A_2265, %parallel_loop3A_2266, %parallel_loop3A_2267] {strides = array<i32>} : memref<3x4x8x1024xf32, #tpu.memory_space<vmem>>, vector<1x1x1x16xf32>,
        %parallel_loop3A_2269 = vector.shape_cast %parallel_loop3A_2268 : vector<1x1x1x16xf32> to vector<16xf32>
        %parallel_loop3A_2270 = vector.shape_cast %parallel_loop3A_2014 : vector<16xf32> to vector<1x1x1x16xf32>
        tpu.vector_store %arg5[%parallel_loop3A_2264, %parallel_loop3A_2265, %parallel_loop3A_2266, %parallel_loop3A_2267], %parallel_loop3A_2270 {add = true, strides = array<i32>} : memref<3x4x8x1024xf32, #tpu.memory_space<vmem>>, vector<1x1x1x16xf32>,
        %parallel_loop3A_2271 = arith.index_cast %select_n3A_138 : i32 to index
        %parallel_loop3A_2272 = arith.index_cast %parallel_loop3A_198 : i32 to index
        %parallel_loop3A_2273 = arith.constant 896 : index
        %parallel_loop3A_2274 = tpu.vector_load %arg6[%parallel_loop3A_2271, %parallel_loop3A_2272, %parallel_loop3A_2273] {strides = array<i32>} : memref<3x8x1024xf32, #tpu.memory_space<vmem>>, vector<1x1x16xf32>,
        %parallel_loop3A_2275 = vector.shape_cast %parallel_loop3A_2274 : vector<1x1x16xf32> to vector<16xf32>
        %parallel_loop3A_2276 = arith.index_cast %select_n3A_138 : i32 to index
        %parallel_loop3A_2277 = arith.index_cast %parallel_loop3A_198 : i32 to index
        %parallel_loop3A_2278 = arith.constant 912 : index
        %parallel_loop3A_2279 = tpu.vector_load %arg6[%parallel_loop3A_2276, %parallel_loop3A_2277, %parallel_loop3A_2278] {strides = array<i32>} : memref<3x8x1024xf32, #tpu.memory_space<vmem>>, vector<1x1x16xf32>,
        %parallel_loop3A_2280 = vector.shape_cast %parallel_loop3A_2279 : vector<1x1x16xf32> to vector<16xf32>
        %parallel_loop3A_2281 = arith.index_cast %select_n3A_138 : i32 to index
        %parallel_loop3A_2282 = arith.index_cast %parallel_loop3A_198 : i32 to index
        %parallel_loop3A_2283 = arith.constant 928 : index
        %parallel_loop3A_2284 = tpu.vector_load %arg6[%parallel_loop3A_2281, %parallel_loop3A_2282, %parallel_loop3A_2283] {strides = array<i32>} : memref<3x8x1024xf32, #tpu.memory_space<vmem>>, vector<1x1x16xf32>,
        %parallel_loop3A_2285 = vector.shape_cast %parallel_loop3A_2284 : vector<1x1x16xf32> to vector<16xf32>
        %parallel_loop3A_2286 = arith.index_cast %select_n3A_138 : i32 to index
        %parallel_loop3A_2287 = arith.index_cast %parallel_loop3A_198 : i32 to index
        %parallel_loop3A_2288 = arith.constant 944 : index
        %parallel_loop3A_2289 = tpu.vector_load %arg6[%parallel_loop3A_2286, %parallel_loop3A_2287, %parallel_loop3A_2288] {strides = array<i32>} : memref<3x8x1024xf32, #tpu.memory_space<vmem>>, vector<1x1x16xf32>,
        %parallel_loop3A_2290 = vector.shape_cast %parallel_loop3A_2289 : vector<1x1x16xf32> to vector<16xf32>
        %parallel_loop3A_2291 = arith.index_cast %select_n3A_138 : i32 to index
        %parallel_loop3A_2292 = arith.index_cast %parallel_loop3A_198 : i32 to index
        %parallel_loop3A_2293 = arith.constant 960 : index
        %parallel_loop3A_2294 = tpu.vector_load %arg6[%parallel_loop3A_2291, %parallel_loop3A_2292, %parallel_loop3A_2293] {strides = array<i32>} : memref<3x8x1024xf32, #tpu.memory_space<vmem>>, vector<1x1x16xf32>,
        %parallel_loop3A_2295 = vector.shape_cast %parallel_loop3A_2294 : vector<1x1x16xf32> to vector<16xf32>
        %parallel_loop3A_2296 = arith.index_cast %select_n3A_138 : i32 to index
        %parallel_loop3A_2297 = arith.index_cast %parallel_loop3A_198 : i32 to index
        %parallel_loop3A_2298 = arith.constant 976 : index
        %parallel_loop3A_2299 = tpu.vector_load %arg6[%parallel_loop3A_2296, %parallel_loop3A_2297, %parallel_loop3A_2298] {strides = array<i32>} : memref<3x8x1024xf32, #tpu.memory_space<vmem>>, vector<1x1x16xf32>,
        %parallel_loop3A_2300 = vector.shape_cast %parallel_loop3A_2299 : vector<1x1x16xf32> to vector<16xf32>
        %parallel_loop3A_2301 = arith.index_cast %select_n3A_138 : i32 to index
        %parallel_loop3A_2302 = arith.index_cast %parallel_loop3A_198 : i32 to index
        %parallel_loop3A_2303 = arith.constant 992 : index
        %parallel_loop3A_2304 = tpu.vector_load %arg6[%parallel_loop3A_2301, %parallel_loop3A_2302, %parallel_loop3A_2303] {strides = array<i32>} : memref<3x8x1024xf32, #tpu.memory_space<vmem>>, vector<1x1x16xf32>,
        %parallel_loop3A_2305 = vector.shape_cast %parallel_loop3A_2304 : vector<1x1x16xf32> to vector<16xf32>
        %parallel_loop3A_2306 = arith.index_cast %select_n3A_138 : i32 to index
        %parallel_loop3A_2307 = arith.index_cast %parallel_loop3A_198 : i32 to index
        %parallel_loop3A_2308 = arith.constant 1008 : index
        %parallel_loop3A_2309 = tpu.vector_load %arg6[%parallel_loop3A_2306, %parallel_loop3A_2307, %parallel_loop3A_2308] {strides = array<i32>} : memref<3x8x1024xf32, #tpu.memory_space<vmem>>, vector<1x1x16xf32>,
        %parallel_loop3A_2310 = vector.shape_cast %parallel_loop3A_2309 : vector<1x1x16xf32> to vector<16xf32>
        %parallel_loop3A_2311 = arith.constant 0 : i32
        %parallel_loop3A_2312 = arith.index_cast %select_n3A_138 : i32 to index
        %parallel_loop3A_2313 = arith.index_cast %parallel_loop3A_2311 : i32 to index
        %parallel_loop3A_2314 = arith.index_cast %parallel_loop3A_198 : i32 to index
        %parallel_loop3A_2315 = arith.constant 896 : index
        %parallel_loop3A_2316 = tpu.vector_load %arg5[%parallel_loop3A_2312, %parallel_loop3A_2313, %parallel_loop3A_2314, %parallel_loop3A_2315] {strides = array<i32>} : memref<3x4x8x1024xf32, #tpu.memory_space<vmem>>, vector<1x1x1x16xf32>,
        %parallel_loop3A_2317 = vector.shape_cast %parallel_loop3A_2316 : vector<1x1x1x16xf32> to vector<16xf32>
        %parallel_loop3A_2318 = vector.shape_cast %parallel_loop3A_2275 : vector<16xf32> to vector<1x1x1x16xf32>
        tpu.vector_store %arg5[%parallel_loop3A_2312, %parallel_loop3A_2313, %parallel_loop3A_2314, %parallel_loop3A_2315], %parallel_loop3A_2318 {add = true, strides = array<i32>} : memref<3x4x8x1024xf32, #tpu.memory_space<vmem>>, vector<1x1x1x16xf32>,
        %parallel_loop3A_2319 = arith.constant 1 : i32
        %parallel_loop3A_2320 = arith.index_cast %select_n3A_138 : i32 to index
        %parallel_loop3A_2321 = arith.index_cast %parallel_loop3A_2319 : i32 to index
        %parallel_loop3A_2322 = arith.index_cast %parallel_loop3A_198 : i32 to index
        %parallel_loop3A_2323 = arith.constant 896 : index
        %parallel_loop3A_2324 = tpu.vector_load %arg5[%parallel_loop3A_2320, %parallel_loop3A_2321, %parallel_loop3A_2322, %parallel_loop3A_2323] {strides = array<i32>} : memref<3x4x8x1024xf32, #tpu.memory_space<vmem>>, vector<1x1x1x16xf32>,
        %parallel_loop3A_2325 = vector.shape_cast %parallel_loop3A_2324 : vector<1x1x1x16xf32> to vector<16xf32>
        %parallel_loop3A_2326 = vector.shape_cast %parallel_loop3A_2275 : vector<16xf32> to vector<1x1x1x16xf32>
        tpu.vector_store %arg5[%parallel_loop3A_2320, %parallel_loop3A_2321, %parallel_loop3A_2322, %parallel_loop3A_2323], %parallel_loop3A_2326 {add = true, strides = array<i32>} : memref<3x4x8x1024xf32, #tpu.memory_space<vmem>>, vector<1x1x1x16xf32>,
        %parallel_loop3A_2327 = arith.constant 2 : i32
        %parallel_loop3A_2328 = arith.index_cast %select_n3A_138 : i32 to index
        %parallel_loop3A_2329 = arith.index_cast %parallel_loop3A_2327 : i32 to index
        %parallel_loop3A_2330 = arith.index_cast %parallel_loop3A_198 : i32 to index
        %parallel_loop3A_2331 = arith.constant 896 : index
        %parallel_loop3A_2332 = tpu.vector_load %arg5[%parallel_loop3A_2328, %parallel_loop3A_2329, %parallel_loop3A_2330, %parallel_loop3A_2331] {strides = array<i32>} : memref<3x4x8x1024xf32, #tpu.memory_space<vmem>>, vector<1x1x1x16xf32>,
        %parallel_loop3A_2333 = vector.shape_cast %parallel_loop3A_2332 : vector<1x1x1x16xf32> to vector<16xf32>
        %parallel_loop3A_2334 = vector.shape_cast %parallel_loop3A_2275 : vector<16xf32> to vector<1x1x1x16xf32>
        tpu.vector_store %arg5[%parallel_loop3A_2328, %parallel_loop3A_2329, %parallel_loop3A_2330, %parallel_loop3A_2331], %parallel_loop3A_2334 {add = true, strides = array<i32>} : memref<3x4x8x1024xf32, #tpu.memory_space<vmem>>, vector<1x1x1x16xf32>,
        %parallel_loop3A_2335 = arith.constant 3 : i32
        %parallel_loop3A_2336 = arith.index_cast %select_n3A_138 : i32 to index
        %parallel_loop3A_2337 = arith.index_cast %parallel_loop3A_2335 : i32 to index
        %parallel_loop3A_2338 = arith.index_cast %parallel_loop3A_198 : i32 to index
        %parallel_loop3A_2339 = arith.constant 896 : index
        %parallel_loop3A_2340 = tpu.vector_load %arg5[%parallel_loop3A_2336, %parallel_loop3A_2337, %parallel_loop3A_2338, %parallel_loop3A_2339] {strides = array<i32>} : memref<3x4x8x1024xf32, #tpu.memory_space<vmem>>, vector<1x1x1x16xf32>,
        %parallel_loop3A_2341 = vector.shape_cast %parallel_loop3A_2340 : vector<1x1x1x16xf32> to vector<16xf32>
        %parallel_loop3A_2342 = vector.shape_cast %parallel_loop3A_2275 : vector<16xf32> to vector<1x1x1x16xf32>
        tpu.vector_store %arg5[%parallel_loop3A_2336, %parallel_loop3A_2337, %parallel_loop3A_2338, %parallel_loop3A_2339], %parallel_loop3A_2342 {add = true, strides = array<i32>} : memref<3x4x8x1024xf32, #tpu.memory_space<vmem>>, vector<1x1x1x16xf32>,
        %parallel_loop3A_2343 = arith.constant 0 : i32
        %parallel_loop3A_2344 = arith.index_cast %select_n3A_138 : i32 to index
        %parallel_loop3A_2345 = arith.index_cast %parallel_loop3A_2343 : i32 to index
        %parallel_loop3A_2346 = arith.index_cast %parallel_loop3A_198 : i32 to index
        %parallel_loop3A_2347 = arith.constant 912 : index
        %parallel_loop3A_2348 = tpu.vector_load %arg5[%parallel_loop3A_2344, %parallel_loop3A_2345, %parallel_loop3A_2346, %parallel_loop3A_2347] {strides = array<i32>} : memref<3x4x8x1024xf32, #tpu.memory_space<vmem>>, vector<1x1x1x16xf32>,
        %parallel_loop3A_2349 = vector.shape_cast %parallel_loop3A_2348 : vector<1x1x1x16xf32> to vector<16xf32>
        %parallel_loop3A_2350 = vector.shape_cast %parallel_loop3A_2280 : vector<16xf32> to vector<1x1x1x16xf32>
        tpu.vector_store %arg5[%parallel_loop3A_2344, %parallel_loop3A_2345, %parallel_loop3A_2346, %parallel_loop3A_2347], %parallel_loop3A_2350 {add = true, strides = array<i32>} : memref<3x4x8x1024xf32, #tpu.memory_space<vmem>>, vector<1x1x1x16xf32>,
        %parallel_loop3A_2351 = arith.constant 1 : i32
        %parallel_loop3A_2352 = arith.index_cast %select_n3A_138 : i32 to index
        %parallel_loop3A_2353 = arith.index_cast %parallel_loop3A_2351 : i32 to index
        %parallel_loop3A_2354 = arith.index_cast %parallel_loop3A_198 : i32 to index
        %parallel_loop3A_2355 = arith.constant 912 : index
        %parallel_loop3A_2356 = tpu.vector_load %arg5[%parallel_loop3A_2352, %parallel_loop3A_2353, %parallel_loop3A_2354, %parallel_loop3A_2355] {strides = array<i32>} : memref<3x4x8x1024xf32, #tpu.memory_space<vmem>>, vector<1x1x1x16xf32>,
        %parallel_loop3A_2357 = vector.shape_cast %parallel_loop3A_2356 : vector<1x1x1x16xf32> to vector<16xf32>
        %parallel_loop3A_2358 = vector.shape_cast %parallel_loop3A_2280 : vector<16xf32> to vector<1x1x1x16xf32>
        tpu.vector_store %arg5[%parallel_loop3A_2352, %parallel_loop3A_2353, %parallel_loop3A_2354, %parallel_loop3A_2355], %parallel_loop3A_2358 {add = true, strides = array<i32>} : memref<3x4x8x1024xf32, #tpu.memory_space<vmem>>, vector<1x1x1x16xf32>,
        %parallel_loop3A_2359 = arith.constant 2 : i32
        %parallel_loop3A_2360 = arith.index_cast %select_n3A_138 : i32 to index
        %parallel_loop3A_2361 = arith.index_cast %parallel_loop3A_2359 : i32 to index
        %parallel_loop3A_2362 = arith.index_cast %parallel_loop3A_198 : i32 to index
        %parallel_loop3A_2363 = arith.constant 912 : index
        %parallel_loop3A_2364 = tpu.vector_load %arg5[%parallel_loop3A_2360, %parallel_loop3A_2361, %parallel_loop3A_2362, %parallel_loop3A_2363] {strides = array<i32>} : memref<3x4x8x1024xf32, #tpu.memory_space<vmem>>, vector<1x1x1x16xf32>,
        %parallel_loop3A_2365 = vector.shape_cast %parallel_loop3A_2364 : vector<1x1x1x16xf32> to vector<16xf32>
        %parallel_loop3A_2366 = vector.shape_cast %parallel_loop3A_2280 : vector<16xf32> to vector<1x1x1x16xf32>
        tpu.vector_store %arg5[%parallel_loop3A_2360, %parallel_loop3A_2361, %parallel_loop3A_2362, %parallel_loop3A_2363], %parallel_loop3A_2366 {add = true, strides = array<i32>} : memref<3x4x8x1024xf32, #tpu.memory_space<vmem>>, vector<1x1x1x16xf32>,
        %parallel_loop3A_2367 = arith.constant 3 : i32
        %parallel_loop3A_2368 = arith.index_cast %select_n3A_138 : i32 to index
        %parallel_loop3A_2369 = arith.index_cast %parallel_loop3A_2367 : i32 to index
        %parallel_loop3A_2370 = arith.index_cast %parallel_loop3A_198 : i32 to index
        %parallel_loop3A_2371 = arith.constant 912 : index
        %parallel_loop3A_2372 = tpu.vector_load %arg5[%parallel_loop3A_2368, %parallel_loop3A_2369, %parallel_loop3A_2370, %parallel_loop3A_2371] {strides = array<i32>} : memref<3x4x8x1024xf32, #tpu.memory_space<vmem>>, vector<1x1x1x16xf32>,
        %parallel_loop3A_2373 = vector.shape_cast %parallel_loop3A_2372 : vector<1x1x1x16xf32> to vector<16xf32>
        %parallel_loop3A_2374 = vector.shape_cast %parallel_loop3A_2280 : vector<16xf32> to vector<1x1x1x16xf32>
        tpu.vector_store %arg5[%parallel_loop3A_2368, %parallel_loop3A_2369, %parallel_loop3A_2370, %parallel_loop3A_2371], %parallel_loop3A_2374 {add = true, strides = array<i32>} : memref<3x4x8x1024xf32, #tpu.memory_space<vmem>>, vector<1x1x1x16xf32>,
        %parallel_loop3A_2375 = arith.constant 0 : i32
        %parallel_loop3A_2376 = arith.index_cast %select_n3A_138 : i32 to index
        %parallel_loop3A_2377 = arith.index_cast %parallel_loop3A_2375 : i32 to index
        %parallel_loop3A_2378 = arith.index_cast %parallel_loop3A_198 : i32 to index
        %parallel_loop3A_2379 = arith.constant 928 : index
        %parallel_loop3A_2380 = tpu.vector_load %arg5[%parallel_loop3A_2376, %parallel_loop3A_2377, %parallel_loop3A_2378, %parallel_loop3A_2379] {strides = array<i32>} : memref<3x4x8x1024xf32, #tpu.memory_space<vmem>>, vector<1x1x1x16xf32>,
        %parallel_loop3A_2381 = vector.shape_cast %parallel_loop3A_2380 : vector<1x1x1x16xf32> to vector<16xf32>
        %parallel_loop3A_2382 = vector.shape_cast %parallel_loop3A_2285 : vector<16xf32> to vector<1x1x1x16xf32>
        tpu.vector_store %arg5[%parallel_loop3A_2376, %parallel_loop3A_2377, %parallel_loop3A_2378, %parallel_loop3A_2379], %parallel_loop3A_2382 {add = true, strides = array<i32>} : memref<3x4x8x1024xf32, #tpu.memory_space<vmem>>, vector<1x1x1x16xf32>,
        %parallel_loop3A_2383 = arith.constant 1 : i32
        %parallel_loop3A_2384 = arith.index_cast %select_n3A_138 : i32 to index
        %parallel_loop3A_2385 = arith.index_cast %parallel_loop3A_2383 : i32 to index
        %parallel_loop3A_2386 = arith.index_cast %parallel_loop3A_198 : i32 to index
        %parallel_loop3A_2387 = arith.constant 928 : index
        %parallel_loop3A_2388 = tpu.vector_load %arg5[%parallel_loop3A_2384, %parallel_loop3A_2385, %parallel_loop3A_2386, %parallel_loop3A_2387] {strides = array<i32>} : memref<3x4x8x1024xf32, #tpu.memory_space<vmem>>, vector<1x1x1x16xf32>,
        %parallel_loop3A_2389 = vector.shape_cast %parallel_loop3A_2388 : vector<1x1x1x16xf32> to vector<16xf32>
        %parallel_loop3A_2390 = vector.shape_cast %parallel_loop3A_2285 : vector<16xf32> to vector<1x1x1x16xf32>
        tpu.vector_store %arg5[%parallel_loop3A_2384, %parallel_loop3A_2385, %parallel_loop3A_2386, %parallel_loop3A_2387], %parallel_loop3A_2390 {add = true, strides = array<i32>} : memref<3x4x8x1024xf32, #tpu.memory_space<vmem>>, vector<1x1x1x16xf32>,
        %parallel_loop3A_2391 = arith.constant 2 : i32
        %parallel_loop3A_2392 = arith.index_cast %select_n3A_138 : i32 to index
        %parallel_loop3A_2393 = arith.index_cast %parallel_loop3A_2391 : i32 to index
        %parallel_loop3A_2394 = arith.index_cast %parallel_loop3A_198 : i32 to index
        %parallel_loop3A_2395 = arith.constant 928 : index
        %parallel_loop3A_2396 = tpu.vector_load %arg5[%parallel_loop3A_2392, %parallel_loop3A_2393, %parallel_loop3A_2394, %parallel_loop3A_2395] {strides = array<i32>} : memref<3x4x8x1024xf32, #tpu.memory_space<vmem>>, vector<1x1x1x16xf32>,
        %parallel_loop3A_2397 = vector.shape_cast %parallel_loop3A_2396 : vector<1x1x1x16xf32> to vector<16xf32>
        %parallel_loop3A_2398 = vector.shape_cast %parallel_loop3A_2285 : vector<16xf32> to vector<1x1x1x16xf32>
        tpu.vector_store %arg5[%parallel_loop3A_2392, %parallel_loop3A_2393, %parallel_loop3A_2394, %parallel_loop3A_2395], %parallel_loop3A_2398 {add = true, strides = array<i32>} : memref<3x4x8x1024xf32, #tpu.memory_space<vmem>>, vector<1x1x1x16xf32>,
        %parallel_loop3A_2399 = arith.constant 3 : i32
        %parallel_loop3A_2400 = arith.index_cast %select_n3A_138 : i32 to index
        %parallel_loop3A_2401 = arith.index_cast %parallel_loop3A_2399 : i32 to index
        %parallel_loop3A_2402 = arith.index_cast %parallel_loop3A_198 : i32 to index
        %parallel_loop3A_2403 = arith.constant 928 : index
        %parallel_loop3A_2404 = tpu.vector_load %arg5[%parallel_loop3A_2400, %parallel_loop3A_2401, %parallel_loop3A_2402, %parallel_loop3A_2403] {strides = array<i32>} : memref<3x4x8x1024xf32, #tpu.memory_space<vmem>>, vector<1x1x1x16xf32>,
        %parallel_loop3A_2405 = vector.shape_cast %parallel_loop3A_2404 : vector<1x1x1x16xf32> to vector<16xf32>
        %parallel_loop3A_2406 = vector.shape_cast %parallel_loop3A_2285 : vector<16xf32> to vector<1x1x1x16xf32>
        tpu.vector_store %arg5[%parallel_loop3A_2400, %parallel_loop3A_2401, %parallel_loop3A_2402, %parallel_loop3A_2403], %parallel_loop3A_2406 {add = true, strides = array<i32>} : memref<3x4x8x1024xf32, #tpu.memory_space<vmem>>, vector<1x1x1x16xf32>,
        %parallel_loop3A_2407 = arith.constant 0 : i32
        %parallel_loop3A_2408 = arith.index_cast %select_n3A_138 : i32 to index
        %parallel_loop3A_2409 = arith.index_cast %parallel_loop3A_2407 : i32 to index
        %parallel_loop3A_2410 = arith.index_cast %parallel_loop3A_198 : i32 to index
        %parallel_loop3A_2411 = arith.constant 944 : index
        %parallel_loop3A_2412 = tpu.vector_load %arg5[%parallel_loop3A_2408, %parallel_loop3A_2409, %parallel_loop3A_2410, %parallel_loop3A_2411] {strides = array<i32>} : memref<3x4x8x1024xf32, #tpu.memory_space<vmem>>, vector<1x1x1x16xf32>,
        %parallel_loop3A_2413 = vector.shape_cast %parallel_loop3A_2412 : vector<1x1x1x16xf32> to vector<16xf32>
        %parallel_loop3A_2414 = vector.shape_cast %parallel_loop3A_2290 : vector<16xf32> to vector<1x1x1x16xf32>
        tpu.vector_store %arg5[%parallel_loop3A_2408, %parallel_loop3A_2409, %parallel_loop3A_2410, %parallel_loop3A_2411], %parallel_loop3A_2414 {add = true, strides = array<i32>} : memref<3x4x8x1024xf32, #tpu.memory_space<vmem>>, vector<1x1x1x16xf32>,
        %parallel_loop3A_2415 = arith.constant 1 : i32
        %parallel_loop3A_2416 = arith.index_cast %select_n3A_138 : i32 to index
        %parallel_loop3A_2417 = arith.index_cast %parallel_loop3A_2415 : i32 to index
        %parallel_loop3A_2418 = arith.index_cast %parallel_loop3A_198 : i32 to index
        %parallel_loop3A_2419 = arith.constant 944 : index
        %parallel_loop3A_2420 = tpu.vector_load %arg5[%parallel_loop3A_2416, %parallel_loop3A_2417, %parallel_loop3A_2418, %parallel_loop3A_2419] {strides = array<i32>} : memref<3x4x8x1024xf32, #tpu.memory_space<vmem>>, vector<1x1x1x16xf32>,
        %parallel_loop3A_2421 = vector.shape_cast %parallel_loop3A_2420 : vector<1x1x1x16xf32> to vector<16xf32>
        %parallel_loop3A_2422 = vector.shape_cast %parallel_loop3A_2290 : vector<16xf32> to vector<1x1x1x16xf32>
        tpu.vector_store %arg5[%parallel_loop3A_2416, %parallel_loop3A_2417, %parallel_loop3A_2418, %parallel_loop3A_2419], %parallel_loop3A_2422 {add = true, strides = array<i32>} : memref<3x4x8x1024xf32, #tpu.memory_space<vmem>>, vector<1x1x1x16xf32>,
        %parallel_loop3A_2423 = arith.constant 2 : i32
        %parallel_loop3A_2424 = arith.index_cast %select_n3A_138 : i32 to index
        %parallel_loop3A_2425 = arith.index_cast %parallel_loop3A_2423 : i32 to index
        %parallel_loop3A_2426 = arith.index_cast %parallel_loop3A_198 : i32 to index
        %parallel_loop3A_2427 = arith.constant 944 : index
        %parallel_loop3A_2428 = tpu.vector_load %arg5[%parallel_loop3A_2424, %parallel_loop3A_2425, %parallel_loop3A_2426, %parallel_loop3A_2427] {strides = array<i32>} : memref<3x4x8x1024xf32, #tpu.memory_space<vmem>>, vector<1x1x1x16xf32>,
        %parallel_loop3A_2429 = vector.shape_cast %parallel_loop3A_2428 : vector<1x1x1x16xf32> to vector<16xf32>
        %parallel_loop3A_2430 = vector.shape_cast %parallel_loop3A_2290 : vector<16xf32> to vector<1x1x1x16xf32>
        tpu.vector_store %arg5[%parallel_loop3A_2424, %parallel_loop3A_2425, %parallel_loop3A_2426, %parallel_loop3A_2427], %parallel_loop3A_2430 {add = true, strides = array<i32>} : memref<3x4x8x1024xf32, #tpu.memory_space<vmem>>, vector<1x1x1x16xf32>,
        %parallel_loop3A_2431 = arith.constant 3 : i32
        %parallel_loop3A_2432 = arith.index_cast %select_n3A_138 : i32 to index
        %parallel_loop3A_2433 = arith.index_cast %parallel_loop3A_2431 : i32 to index
        %parallel_loop3A_2434 = arith.index_cast %parallel_loop3A_198 : i32 to index
        %parallel_loop3A_2435 = arith.constant 944 : index
        %parallel_loop3A_2436 = tpu.vector_load %arg5[%parallel_loop3A_2432, %parallel_loop3A_2433, %parallel_loop3A_2434, %parallel_loop3A_2435] {strides = array<i32>} : memref<3x4x8x1024xf32, #tpu.memory_space<vmem>>, vector<1x1x1x16xf32>,
        %parallel_loop3A_2437 = vector.shape_cast %parallel_loop3A_2436 : vector<1x1x1x16xf32> to vector<16xf32>
        %parallel_loop3A_2438 = vector.shape_cast %parallel_loop3A_2290 : vector<16xf32> to vector<1x1x1x16xf32>
        tpu.vector_store %arg5[%parallel_loop3A_2432, %parallel_loop3A_2433, %parallel_loop3A_2434, %parallel_loop3A_2435], %parallel_loop3A_2438 {add = true, strides = array<i32>} : memref<3x4x8x1024xf32, #tpu.memory_space<vmem>>, vector<1x1x1x16xf32>,
        %parallel_loop3A_2439 = arith.constant 0 : i32
        %parallel_loop3A_2440 = arith.index_cast %select_n3A_138 : i32 to index
        %parallel_loop3A_2441 = arith.index_cast %parallel_loop3A_2439 : i32 to index
        %parallel_loop3A_2442 = arith.index_cast %parallel_loop3A_198 : i32 to index
        %parallel_loop3A_2443 = arith.constant 960 : index
        %parallel_loop3A_2444 = tpu.vector_load %arg5[%parallel_loop3A_2440, %parallel_loop3A_2441, %parallel_loop3A_2442, %parallel_loop3A_2443] {strides = array<i32>} : memref<3x4x8x1024xf32, #tpu.memory_space<vmem>>, vector<1x1x1x16xf32>,
        %parallel_loop3A_2445 = vector.shape_cast %parallel_loop3A_2444 : vector<1x1x1x16xf32> to vector<16xf32>
        %parallel_loop3A_2446 = vector.shape_cast %parallel_loop3A_2295 : vector<16xf32> to vector<1x1x1x16xf32>
        tpu.vector_store %arg5[%parallel_loop3A_2440, %parallel_loop3A_2441, %parallel_loop3A_2442, %parallel_loop3A_2443], %parallel_loop3A_2446 {add = true, strides = array<i32>} : memref<3x4x8x1024xf32, #tpu.memory_space<vmem>>, vector<1x1x1x16xf32>,
        %parallel_loop3A_2447 = arith.constant 1 : i32
        %parallel_loop3A_2448 = arith.index_cast %select_n3A_138 : i32 to index
        %parallel_loop3A_2449 = arith.index_cast %parallel_loop3A_2447 : i32 to index
        %parallel_loop3A_2450 = arith.index_cast %parallel_loop3A_198 : i32 to index
        %parallel_loop3A_2451 = arith.constant 960 : index
        %parallel_loop3A_2452 = tpu.vector_load %arg5[%parallel_loop3A_2448, %parallel_loop3A_2449, %parallel_loop3A_2450, %parallel_loop3A_2451] {strides = array<i32>} : memref<3x4x8x1024xf32, #tpu.memory_space<vmem>>, vector<1x1x1x16xf32>,
        %parallel_loop3A_2453 = vector.shape_cast %parallel_loop3A_2452 : vector<1x1x1x16xf32> to vector<16xf32>
        %parallel_loop3A_2454 = vector.shape_cast %parallel_loop3A_2295 : vector<16xf32> to vector<1x1x1x16xf32>
        tpu.vector_store %arg5[%parallel_loop3A_2448, %parallel_loop3A_2449, %parallel_loop3A_2450, %parallel_loop3A_2451], %parallel_loop3A_2454 {add = true, strides = array<i32>} : memref<3x4x8x1024xf32, #tpu.memory_space<vmem>>, vector<1x1x1x16xf32>,
        %parallel_loop3A_2455 = arith.constant 2 : i32
        %parallel_loop3A_2456 = arith.index_cast %select_n3A_138 : i32 to index
        %parallel_loop3A_2457 = arith.index_cast %parallel_loop3A_2455 : i32 to index
        %parallel_loop3A_2458 = arith.index_cast %parallel_loop3A_198 : i32 to index
        %parallel_loop3A_2459 = arith.constant 960 : index
        %parallel_loop3A_2460 = tpu.vector_load %arg5[%parallel_loop3A_2456, %parallel_loop3A_2457, %parallel_loop3A_2458, %parallel_loop3A_2459] {strides = array<i32>} : memref<3x4x8x1024xf32, #tpu.memory_space<vmem>>, vector<1x1x1x16xf32>,
        %parallel_loop3A_2461 = vector.shape_cast %parallel_loop3A_2460 : vector<1x1x1x16xf32> to vector<16xf32>
        %parallel_loop3A_2462 = vector.shape_cast %parallel_loop3A_2295 : vector<16xf32> to vector<1x1x1x16xf32>
        tpu.vector_store %arg5[%parallel_loop3A_2456, %parallel_loop3A_2457, %parallel_loop3A_2458, %parallel_loop3A_2459], %parallel_loop3A_2462 {add = true, strides = array<i32>} : memref<3x4x8x1024xf32, #tpu.memory_space<vmem>>, vector<1x1x1x16xf32>,
        %parallel_loop3A_2463 = arith.constant 3 : i32
        %parallel_loop3A_2464 = arith.index_cast %select_n3A_138 : i32 to index
        %parallel_loop3A_2465 = arith.index_cast %parallel_loop3A_2463 : i32 to index
        %parallel_loop3A_2466 = arith.index_cast %parallel_loop3A_198 : i32 to index
        %parallel_loop3A_2467 = arith.constant 960 : index
        %parallel_loop3A_2468 = tpu.vector_load %arg5[%parallel_loop3A_2464, %parallel_loop3A_2465, %parallel_loop3A_2466, %parallel_loop3A_2467] {strides = array<i32>} : memref<3x4x8x1024xf32, #tpu.memory_space<vmem>>, vector<1x1x1x16xf32>,
        %parallel_loop3A_2469 = vector.shape_cast %parallel_loop3A_2468 : vector<1x1x1x16xf32> to vector<16xf32>
        %parallel_loop3A_2470 = vector.shape_cast %parallel_loop3A_2295 : vector<16xf32> to vector<1x1x1x16xf32>
        tpu.vector_store %arg5[%parallel_loop3A_2464, %parallel_loop3A_2465, %parallel_loop3A_2466, %parallel_loop3A_2467], %parallel_loop3A_2470 {add = true, strides = array<i32>} : memref<3x4x8x1024xf32, #tpu.memory_space<vmem>>, vector<1x1x1x16xf32>,
        %parallel_loop3A_2471 = arith.constant 0 : i32
        %parallel_loop3A_2472 = arith.index_cast %select_n3A_138 : i32 to index
        %parallel_loop3A_2473 = arith.index_cast %parallel_loop3A_2471 : i32 to index
        %parallel_loop3A_2474 = arith.index_cast %parallel_loop3A_198 : i32 to index
        %parallel_loop3A_2475 = arith.constant 976 : index
        %parallel_loop3A_2476 = tpu.vector_load %arg5[%parallel_loop3A_2472, %parallel_loop3A_2473, %parallel_loop3A_2474, %parallel_loop3A_2475] {strides = array<i32>} : memref<3x4x8x1024xf32, #tpu.memory_space<vmem>>, vector<1x1x1x16xf32>,
        %parallel_loop3A_2477 = vector.shape_cast %parallel_loop3A_2476 : vector<1x1x1x16xf32> to vector<16xf32>
        %parallel_loop3A_2478 = vector.shape_cast %parallel_loop3A_2300 : vector<16xf32> to vector<1x1x1x16xf32>
        tpu.vector_store %arg5[%parallel_loop3A_2472, %parallel_loop3A_2473, %parallel_loop3A_2474, %parallel_loop3A_2475], %parallel_loop3A_2478 {add = true, strides = array<i32>} : memref<3x4x8x1024xf32, #tpu.memory_space<vmem>>, vector<1x1x1x16xf32>,
        %parallel_loop3A_2479 = arith.constant 1 : i32
        %parallel_loop3A_2480 = arith.index_cast %select_n3A_138 : i32 to index
        %parallel_loop3A_2481 = arith.index_cast %parallel_loop3A_2479 : i32 to index
        %parallel_loop3A_2482 = arith.index_cast %parallel_loop3A_198 : i32 to index
        %parallel_loop3A_2483 = arith.constant 976 : index
        %parallel_loop3A_2484 = tpu.vector_load %arg5[%parallel_loop3A_2480, %parallel_loop3A_2481, %parallel_loop3A_2482, %parallel_loop3A_2483] {strides = array<i32>} : memref<3x4x8x1024xf32, #tpu.memory_space<vmem>>, vector<1x1x1x16xf32>,
        %parallel_loop3A_2485 = vector.shape_cast %parallel_loop3A_2484 : vector<1x1x1x16xf32> to vector<16xf32>
        %parallel_loop3A_2486 = vector.shape_cast %parallel_loop3A_2300 : vector<16xf32> to vector<1x1x1x16xf32>
        tpu.vector_store %arg5[%parallel_loop3A_2480, %parallel_loop3A_2481, %parallel_loop3A_2482, %parallel_loop3A_2483], %parallel_loop3A_2486 {add = true, strides = array<i32>} : memref<3x4x8x1024xf32, #tpu.memory_space<vmem>>, vector<1x1x1x16xf32>,
        %parallel_loop3A_2487 = arith.constant 2 : i32
        %parallel_loop3A_2488 = arith.index_cast %select_n3A_138 : i32 to index
        %parallel_loop3A_2489 = arith.index_cast %parallel_loop3A_2487 : i32 to index
        %parallel_loop3A_2490 = arith.index_cast %parallel_loop3A_198 : i32 to index
        %parallel_loop3A_2491 = arith.constant 976 : index
        %parallel_loop3A_2492 = tpu.vector_load %arg5[%parallel_loop3A_2488, %parallel_loop3A_2489, %parallel_loop3A_2490, %parallel_loop3A_2491] {strides = array<i32>} : memref<3x4x8x1024xf32, #tpu.memory_space<vmem>>, vector<1x1x1x16xf32>,
        %parallel_loop3A_2493 = vector.shape_cast %parallel_loop3A_2492 : vector<1x1x1x16xf32> to vector<16xf32>
        %parallel_loop3A_2494 = vector.shape_cast %parallel_loop3A_2300 : vector<16xf32> to vector<1x1x1x16xf32>
        tpu.vector_store %arg5[%parallel_loop3A_2488, %parallel_loop3A_2489, %parallel_loop3A_2490, %parallel_loop3A_2491], %parallel_loop3A_2494 {add = true, strides = array<i32>} : memref<3x4x8x1024xf32, #tpu.memory_space<vmem>>, vector<1x1x1x16xf32>,
        %parallel_loop3A_2495 = arith.constant 3 : i32
        %parallel_loop3A_2496 = arith.index_cast %select_n3A_138 : i32 to index
        %parallel_loop3A_2497 = arith.index_cast %parallel_loop3A_2495 : i32 to index
        %parallel_loop3A_2498 = arith.index_cast %parallel_loop3A_198 : i32 to index
        %parallel_loop3A_2499 = arith.constant 976 : index
        %parallel_loop3A_2500 = tpu.vector_load %arg5[%parallel_loop3A_2496, %parallel_loop3A_2497, %parallel_loop3A_2498, %parallel_loop3A_2499] {strides = array<i32>} : memref<3x4x8x1024xf32, #tpu.memory_space<vmem>>, vector<1x1x1x16xf32>,
        %parallel_loop3A_2501 = vector.shape_cast %parallel_loop3A_2500 : vector<1x1x1x16xf32> to vector<16xf32>
        %parallel_loop3A_2502 = vector.shape_cast %parallel_loop3A_2300 : vector<16xf32> to vector<1x1x1x16xf32>
        tpu.vector_store %arg5[%parallel_loop3A_2496, %parallel_loop3A_2497, %parallel_loop3A_2498, %parallel_loop3A_2499], %parallel_loop3A_2502 {add = true, strides = array<i32>} : memref<3x4x8x1024xf32, #tpu.memory_space<vmem>>, vector<1x1x1x16xf32>,
        %parallel_loop3A_2503 = arith.constant 0 : i32
        %parallel_loop3A_2504 = arith.index_cast %select_n3A_138 : i32 to index
        %parallel_loop3A_2505 = arith.index_cast %parallel_loop3A_2503 : i32 to index
        %parallel_loop3A_2506 = arith.index_cast %parallel_loop3A_198 : i32 to index
        %parallel_loop3A_2507 = arith.constant 992 : index
        %parallel_loop3A_2508 = tpu.vector_load %arg5[%parallel_loop3A_2504, %parallel_loop3A_2505, %parallel_loop3A_2506, %parallel_loop3A_2507] {strides = array<i32>} : memref<3x4x8x1024xf32, #tpu.memory_space<vmem>>, vector<1x1x1x16xf32>,
        %parallel_loop3A_2509 = vector.shape_cast %parallel_loop3A_2508 : vector<1x1x1x16xf32> to vector<16xf32>
        %parallel_loop3A_2510 = vector.shape_cast %parallel_loop3A_2305 : vector<16xf32> to vector<1x1x1x16xf32>
        tpu.vector_store %arg5[%parallel_loop3A_2504, %parallel_loop3A_2505, %parallel_loop3A_2506, %parallel_loop3A_2507], %parallel_loop3A_2510 {add = true, strides = array<i32>} : memref<3x4x8x1024xf32, #tpu.memory_space<vmem>>, vector<1x1x1x16xf32>,
        %parallel_loop3A_2511 = arith.constant 1 : i32
        %parallel_loop3A_2512 = arith.index_cast %select_n3A_138 : i32 to index
        %parallel_loop3A_2513 = arith.index_cast %parallel_loop3A_2511 : i32 to index
        %parallel_loop3A_2514 = arith.index_cast %parallel_loop3A_198 : i32 to index
        %parallel_loop3A_2515 = arith.constant 992 : index
        %parallel_loop3A_2516 = tpu.vector_load %arg5[%parallel_loop3A_2512, %parallel_loop3A_2513, %parallel_loop3A_2514, %parallel_loop3A_2515] {strides = array<i32>} : memref<3x4x8x1024xf32, #tpu.memory_space<vmem>>, vector<1x1x1x16xf32>,
        %parallel_loop3A_2517 = vector.shape_cast %parallel_loop3A_2516 : vector<1x1x1x16xf32> to vector<16xf32>
        %parallel_loop3A_2518 = vector.shape_cast %parallel_loop3A_2305 : vector<16xf32> to vector<1x1x1x16xf32>
        tpu.vector_store %arg5[%parallel_loop3A_2512, %parallel_loop3A_2513, %parallel_loop3A_2514, %parallel_loop3A_2515], %parallel_loop3A_2518 {add = true, strides = array<i32>} : memref<3x4x8x1024xf32, #tpu.memory_space<vmem>>, vector<1x1x1x16xf32>,
        %parallel_loop3A_2519 = arith.constant 2 : i32
        %parallel_loop3A_2520 = arith.index_cast %select_n3A_138 : i32 to index
        %parallel_loop3A_2521 = arith.index_cast %parallel_loop3A_2519 : i32 to index
        %parallel_loop3A_2522 = arith.index_cast %parallel_loop3A_198 : i32 to index
        %parallel_loop3A_2523 = arith.constant 992 : index
        %parallel_loop3A_2524 = tpu.vector_load %arg5[%parallel_loop3A_2520, %parallel_loop3A_2521, %parallel_loop3A_2522, %parallel_loop3A_2523] {strides = array<i32>} : memref<3x4x8x1024xf32, #tpu.memory_space<vmem>>, vector<1x1x1x16xf32>,
        %parallel_loop3A_2525 = vector.shape_cast %parallel_loop3A_2524 : vector<1x1x1x16xf32> to vector<16xf32>
        %parallel_loop3A_2526 = vector.shape_cast %parallel_loop3A_2305 : vector<16xf32> to vector<1x1x1x16xf32>
        tpu.vector_store %arg5[%parallel_loop3A_2520, %parallel_loop3A_2521, %parallel_loop3A_2522, %parallel_loop3A_2523], %parallel_loop3A_2526 {add = true, strides = array<i32>} : memref<3x4x8x1024xf32, #tpu.memory_space<vmem>>, vector<1x1x1x16xf32>,
        %parallel_loop3A_2527 = arith.constant 3 : i32
        %parallel_loop3A_2528 = arith.index_cast %select_n3A_138 : i32 to index
        %parallel_loop3A_2529 = arith.index_cast %parallel_loop3A_2527 : i32 to index
        %parallel_loop3A_2530 = arith.index_cast %parallel_loop3A_198 : i32 to index
        %parallel_loop3A_2531 = arith.constant 992 : index
        %parallel_loop3A_2532 = tpu.vector_load %arg5[%parallel_loop3A_2528, %parallel_loop3A_2529, %parallel_loop3A_2530, %parallel_loop3A_2531] {strides = array<i32>} : memref<3x4x8x1024xf32, #tpu.memory_space<vmem>>, vector<1x1x1x16xf32>,
        %parallel_loop3A_2533 = vector.shape_cast %parallel_loop3A_2532 : vector<1x1x1x16xf32> to vector<16xf32>
        %parallel_loop3A_2534 = vector.shape_cast %parallel_loop3A_2305 : vector<16xf32> to vector<1x1x1x16xf32>
        tpu.vector_store %arg5[%parallel_loop3A_2528, %parallel_loop3A_2529, %parallel_loop3A_2530, %parallel_loop3A_2531], %parallel_loop3A_2534 {add = true, strides = array<i32>} : memref<3x4x8x1024xf32, #tpu.memory_space<vmem>>, vector<1x1x1x16xf32>,
        %parallel_loop3A_2535 = arith.constant 0 : i32
        %parallel_loop3A_2536 = arith.index_cast %select_n3A_138 : i32 to index
        %parallel_loop3A_2537 = arith.index_cast %parallel_loop3A_2535 : i32 to index
        %parallel_loop3A_2538 = arith.index_cast %parallel_loop3A_198 : i32 to index
        %parallel_loop3A_2539 = arith.constant 1008 : index
        %parallel_loop3A_2540 = tpu.vector_load %arg5[%parallel_loop3A_2536, %parallel_loop3A_2537, %parallel_loop3A_2538, %parallel_loop3A_2539] {strides = array<i32>} : memref<3x4x8x1024xf32, #tpu.memory_space<vmem>>, vector<1x1x1x16xf32>,
        %parallel_loop3A_2541 = vector.shape_cast %parallel_loop3A_2540 : vector<1x1x1x16xf32> to vector<16xf32>
        %parallel_loop3A_2542 = vector.shape_cast %parallel_loop3A_2310 : vector<16xf32> to vector<1x1x1x16xf32>
        tpu.vector_store %arg5[%parallel_loop3A_2536, %parallel_loop3A_2537, %parallel_loop3A_2538, %parallel_loop3A_2539], %parallel_loop3A_2542 {add = true, strides = array<i32>} : memref<3x4x8x1024xf32, #tpu.memory_space<vmem>>, vector<1x1x1x16xf32>,
        %parallel_loop3A_2543 = arith.constant 1 : i32
        %parallel_loop3A_2544 = arith.index_cast %select_n3A_138 : i32 to index
        %parallel_loop3A_2545 = arith.index_cast %parallel_loop3A_2543 : i32 to index
        %parallel_loop3A_2546 = arith.index_cast %parallel_loop3A_198 : i32 to index
        %parallel_loop3A_2547 = arith.constant 1008 : index
        %parallel_loop3A_2548 = tpu.vector_load %arg5[%parallel_loop3A_2544, %parallel_loop3A_2545, %parallel_loop3A_2546, %parallel_loop3A_2547] {strides = array<i32>} : memref<3x4x8x1024xf32, #tpu.memory_space<vmem>>, vector<1x1x1x16xf32>,
        %parallel_loop3A_2549 = vector.shape_cast %parallel_loop3A_2548 : vector<1x1x1x16xf32> to vector<16xf32>
        %parallel_loop3A_2550 = vector.shape_cast %parallel_loop3A_2310 : vector<16xf32> to vector<1x1x1x16xf32>
        tpu.vector_store %arg5[%parallel_loop3A_2544, %parallel_loop3A_2545, %parallel_loop3A_2546, %parallel_loop3A_2547], %parallel_loop3A_2550 {add = true, strides = array<i32>} : memref<3x4x8x1024xf32, #tpu.memory_space<vmem>>, vector<1x1x1x16xf32>,
        %parallel_loop3A_2551 = arith.constant 2 : i32
        %parallel_loop3A_2552 = arith.index_cast %select_n3A_138 : i32 to index
        %parallel_loop3A_2553 = arith.index_cast %parallel_loop3A_2551 : i32 to index
        %parallel_loop3A_2554 = arith.index_cast %parallel_loop3A_198 : i32 to index
        %parallel_loop3A_2555 = arith.constant 1008 : index
        %parallel_loop3A_2556 = tpu.vector_load %arg5[%parallel_loop3A_2552, %parallel_loop3A_2553, %parallel_loop3A_2554, %parallel_loop3A_2555] {strides = array<i32>} : memref<3x4x8x1024xf32, #tpu.memory_space<vmem>>, vector<1x1x1x16xf32>,
        %parallel_loop3A_2557 = vector.shape_cast %parallel_loop3A_2556 : vector<1x1x1x16xf32> to vector<16xf32>
        %parallel_loop3A_2558 = vector.shape_cast %parallel_loop3A_2310 : vector<16xf32> to vector<1x1x1x16xf32>
        tpu.vector_store %arg5[%parallel_loop3A_2552, %parallel_loop3A_2553, %parallel_loop3A_2554, %parallel_loop3A_2555], %parallel_loop3A_2558 {add = true, strides = array<i32>} : memref<3x4x8x1024xf32, #tpu.memory_space<vmem>>, vector<1x1x1x16xf32>,
        %parallel_loop3A_2559 = arith.constant 3 : i32
        %parallel_loop3A_2560 = arith.index_cast %select_n3A_138 : i32 to index
        %parallel_loop3A_2561 = arith.index_cast %parallel_loop3A_2559 : i32 to index
        %parallel_loop3A_2562 = arith.index_cast %parallel_loop3A_198 : i32 to index
        %parallel_loop3A_2563 = arith.constant 1008 : index
        %parallel_loop3A_2564 = tpu.vector_load %arg5[%parallel_loop3A_2560, %parallel_loop3A_2561, %parallel_loop3A_2562, %parallel_loop3A_2563] {strides = array<i32>} : memref<3x4x8x1024xf32, #tpu.memory_space<vmem>>, vector<1x1x1x16xf32>,
        %parallel_loop3A_2565 = vector.shape_cast %parallel_loop3A_2564 : vector<1x1x1x16xf32> to vector<16xf32>
        %parallel_loop3A_2566 = vector.shape_cast %parallel_loop3A_2310 : vector<16xf32> to vector<1x1x1x16xf32>
        tpu.vector_store %arg5[%parallel_loop3A_2560, %parallel_loop3A_2561, %parallel_loop3A_2562, %parallel_loop3A_2563], %parallel_loop3A_2566 {add = true, strides = array<i32>} : memref<3x4x8x1024xf32, #tpu.memory_space<vmem>>, vector<1x1x1x16xf32>,
      } {sc.loop_unroll_factor = 1 : i64, sc.parallel_access}
      %mul3A_172 = arith.constant 8 : i32
      %mul3A_173 = arith.muli %scan3A_128, %mul3A_172 : i32
      %add3A_174 = arith.addi %mul3A_2, %mul3A_173 : i32
      %dma_start3A_175 = arith.constant 0 : i32
      %dma_start3A_176 = arith.constant 0 : i32
      %dma_start3A_177 = arith.constant 0 : i32
      %dma_start3A_178 = tpu.memref_slice %arg5[%select_n3A_138, %dma_start3A_175, %dma_start3A_176, %dma_start3A_177] : memref<3x4x8x1024xf32, #tpu.memory_space<vmem>> -> memref<1x4x8x1024xf32, #tpu.memory_space<vmem>>
      %dma_start3A_179 = tpu.memref_squeeze %dma_start3A_178 : memref<1x4x8x1024xf32, #tpu.memory_space<vmem>> -> memref<4x8x1024xf32, #tpu.memory_space<vmem>>
      %dma_start3A_180 = arith.constant 0 : i32
      %dma_start3A_181 = arith.constant 0 : i32
      %dma_start3A_182 = tpu.memref_slice %arg4[%dma_start3A_180, %add3A_174, %dma_start3A_181] : memref<4x8192x1024xf32, #tpu.memory_space<hbm>> -> memref<4x8x1024xf32, #tpu.memory_space<hbm>>
      %dma_start3A_183 = arith.constant 0 : i32
      %dma_start3A_184 = arith.constant 0 : i32
      %dma_start3A_185 = tpu.memref_slice %arg4[%dma_start3A_183, %add3A_174, %dma_start3A_184] : memref<4x8192x1024xf32, #tpu.memory_space<hbm>> -> memref<4x8x1024xf32, #tpu.memory_space<hbm>>
      %dma_start3A_186 = arith.constant 0 : i32
      %dma_start3A_187 = arith.constant 0 : i32
      %dma_start3A_188 = arith.constant 0 : i32
      %dma_start3A_189 = tpu.memref_slice %arg5[%select_n3A_138, %dma_start3A_186, %dma_start3A_187, %dma_start3A_188] : memref<3x4x8x1024xf32, #tpu.memory_space<vmem>> -> memref<1x4x8x1024xf32, #tpu.memory_space<vmem>>
      %dma_start3A_190 = tpu.memref_squeeze %dma_start3A_189 : memref<1x4x8x1024xf32, #tpu.memory_space<vmem>> -> memref<4x8x1024xf32, #tpu.memory_space<vmem>>
      tpu.enqueue_dma source(%dma_start3A_190 : memref<4x8x1024xf32, #tpu.memory_space<vmem>>) target(%dma_start3A_185 : memref<4x8x1024xf32, #tpu.memory_space<hbm>>) target_semaphore(%arg9 : memref<!tpu.dma_semaphore, #tpu.memory_space<semaphore_mem>>)
      %add3A_191 = arith.constant 3 : i32
      %add3A_192 = arith.addi %scan3A_128, %add3A_191 : i32
      %sub3A = arith.constant 1 : i32
      %sub3A_193 = arith.subi %add3A_192, %sub3A : i32
      %lt3A_194 = arith.constant 32 : i32
      %lt3A_195 = arith.cmpi slt, %sub3A_193, %lt3A_194 : i32
      %convert_element_type3A = arith.extui %lt3A_195 : i1 to i32
      %cond3A = arith.constant 0 : i32
      %cond3A_196 = arith.cmpi ne, %convert_element_type3A, %cond3A : i32
      scf.if %cond3A_196 {
        %ge3A = arith.constant 1 : i32
        %ge3A_198 = arith.cmpi sge, %scan3A_128, %ge3A : i32
        %convert_element_type3A_199 = arith.extui %ge3A_198 : i1 to i32
        %cond3A_200 = arith.constant 0 : i32
        %cond3A_201 = arith.cmpi ne, %convert_element_type3A_199, %cond3A_200 : i32
        scf.if %cond3A_201 {
          %sub3A_257 = arith.constant 1 : i32
          %sub3A_258 = arith.subi %scan3A_128, %sub3A_257 : i32
          %sub3A_259 = arith.constant 1 : i32
          %sub3A_260 = arith.subi %scan3A_128, %sub3A_259 : i32
          %jit3A_261 = arith.constant 3 : i32
          %eq3A_262 = arith.constant 0 : i32
          %eq3A_263 = arith.cmpi eq, %jit3A_261, %eq3A_262 : i32
          %jit3A_264 = arith.constant 1 : i32
          %select_n3A_265 = arith.select %eq3A_263, %jit3A_264, %jit3A_261 : i32
          %rem3A_266 = arith.remsi %sub3A_260, %select_n3A_265 : i32
          %ne3A_267 = arith.constant 0 : i32
          %ne3A_268 = arith.cmpi ne, %rem3A_266, %ne3A_267 : i32
          %lt3A_269 = arith.constant 0 : i32
          %lt3A_270 = arith.cmpi slt, %rem3A_266, %lt3A_269 : i32
          %lt3A_271 = arith.constant 0 : i32
          %lt3A_272 = arith.cmpi slt, %select_n3A_265, %lt3A_271 : i32
          %ne3A_273 = arith.xori %lt3A_270, %lt3A_272 : i1
          %and3A_274 = arith.andi %ne3A_273, %ne3A_268 : i1
          %add3A_275 = arith.addi %rem3A_266, %select_n3A_265 : i32
          %select_n3A_276 = arith.select %and3A_274, %add3A_275, %rem3A_266 : i32
          %mul3A_277 = arith.constant 8 : i32
          %mul3A_278 = arith.muli %sub3A_258, %mul3A_277 : i32
          %add3A_279 = arith.addi %mul3A_2, %mul3A_278 : i32
          %dma_wait3A_280 = arith.constant 0 : i32
          %dma_wait3A_281 = arith.constant 0 : i32
          %dma_wait3A_282 = arith.constant 0 : i32
          %dma_wait3A_283 = tpu.memref_slice %arg5[%select_n3A_276, %dma_wait3A_280, %dma_wait3A_281, %dma_wait3A_282] : memref<3x4x8x1024xf32, #tpu.memory_space<vmem>> -> memref<1x4x8x1024xf32, #tpu.memory_space<vmem>>
          %dma_wait3A_284 = tpu.memref_squeeze %dma_wait3A_283 : memref<1x4x8x1024xf32, #tpu.memory_space<vmem>> -> memref<4x8x1024xf32, #tpu.memory_space<vmem>>
          %dma_wait3A_285 = arith.constant 0 : i32
          %dma_wait3A_286 = arith.constant 0 : i32
          %dma_wait3A_287 = tpu.memref_slice %arg4[%dma_wait3A_285, %add3A_279, %dma_wait3A_286] : memref<4x8192x1024xf32, #tpu.memory_space<hbm>> -> memref<4x8x1024xf32, #tpu.memory_space<hbm>>
          %dma_wait3A_288 = arith.constant 0 : i32
          %dma_wait3A_289 = arith.constant 0 : i32
          %dma_wait3A_290 = tpu.memref_slice %arg4[%dma_wait3A_288, %add3A_279, %dma_wait3A_289] : memref<4x8192x1024xf32, #tpu.memory_space<hbm>> -> memref<4x8x1024xf32, #tpu.memory_space<hbm>>
          %dma_wait3A_291 = arith.constant 0 : i32
          %dma_wait3A_292 = arith.constant 0 : i32
          %dma_wait3A_293 = arith.constant 0 : i32
          %dma_wait3A_294 = tpu.memref_slice %arg5[%select_n3A_276, %dma_wait3A_291, %dma_wait3A_292, %dma_wait3A_293] : memref<3x4x8x1024xf32, #tpu.memory_space<vmem>> -> memref<1x4x8x1024xf32, #tpu.memory_space<vmem>>
          %dma_wait3A_295 = tpu.memref_squeeze %dma_wait3A_294 : memref<1x4x8x1024xf32, #tpu.memory_space<vmem>> -> memref<4x8x1024xf32, #tpu.memory_space<vmem>>
          tpu.wait_dma2 semaphore(%arg9 : memref<!tpu.dma_semaphore, #tpu.memory_space<semaphore_mem>>) src(%dma_wait3A_295 : memref<4x8x1024xf32, #tpu.memory_space<vmem>>) dst(%dma_wait3A_290 : memref<4x8x1024xf32, #tpu.memory_space<hbm>>)
        } else {
        }
        %add3A_202 = arith.constant 3 : i32
        %add3A_203 = arith.addi %scan3A_128, %add3A_202 : i32
        %sub3A_204 = arith.constant 1 : i32
        %sub3A_205 = arith.subi %add3A_203, %sub3A_204 : i32
        %add3A_206 = arith.constant 3 : i32
        %add3A_207 = arith.addi %scan3A_128, %add3A_206 : i32
        %sub3A_208 = arith.constant 1 : i32
        %sub3A_209 = arith.subi %add3A_207, %sub3A_208 : i32
        %jit3A_210 = arith.constant 3 : i32
        %eq3A_211 = arith.constant 0 : i32
        %eq3A_212 = arith.cmpi eq, %jit3A_210, %eq3A_211 : i32
        %jit3A_213 = arith.constant 1 : i32
        %select_n3A_214 = arith.select %eq3A_212, %jit3A_213, %jit3A_210 : i32
        %rem3A_215 = arith.remsi %sub3A_209, %select_n3A_214 : i32
        %ne3A_216 = arith.constant 0 : i32
        %ne3A_217 = arith.cmpi ne, %rem3A_215, %ne3A_216 : i32
        %lt3A_218 = arith.constant 0 : i32
        %lt3A_219 = arith.cmpi slt, %rem3A_215, %lt3A_218 : i32
        %lt3A_220 = arith.constant 0 : i32
        %lt3A_221 = arith.cmpi slt, %select_n3A_214, %lt3A_220 : i32
        %ne3A_222 = arith.xori %lt3A_219, %lt3A_221 : i1
        %and3A_223 = arith.andi %ne3A_222, %ne3A_217 : i1
        %add3A_224 = arith.addi %rem3A_215, %select_n3A_214 : i32
        %select_n3A_225 = arith.select %and3A_223, %add3A_224, %rem3A_215 : i32
        %mul3A_226 = arith.constant 8 : i32
        %mul3A_227 = arith.muli %sub3A_205, %mul3A_226 : i32
        %add3A_228 = arith.addi %mul3A_2, %mul3A_227 : i32
        %dma_start3A_229 = arith.constant 0 : i32
        %dma_start3A_230 = arith.constant 0 : i32
        %dma_start3A_231 = tpu.memref_slice %arg6[%select_n3A_225, %dma_start3A_229, %dma_start3A_230] : memref<3x8x1024xf32, #tpu.memory_space<vmem>> -> memref<1x8x1024xf32, #tpu.memory_space<vmem>>
        %dma_start3A_232 = tpu.memref_squeeze %dma_start3A_231 : memref<1x8x1024xf32, #tpu.memory_space<vmem>> -> memref<8x1024xf32, #tpu.memory_space<vmem>>
        %dma_start3A_233 = arith.constant 0 : i32
        %dma_start3A_234 = tpu.memref_slice %arg3[%add3A_228, %dma_start3A_233] : memref<8192x1024xf32, #tpu.memory_space<hbm>> -> memref<8x1024xf32, #tpu.memory_space<hbm>>
        %dma_start3A_235 = arith.constant 0 : i32
        %dma_start3A_236 = arith.constant 0 : i32
        %dma_start3A_237 = tpu.memref_slice %arg6[%select_n3A_225, %dma_start3A_235, %dma_start3A_236] : memref<3x8x1024xf32, #tpu.memory_space<vmem>> -> memref<1x8x1024xf32, #tpu.memory_space<vmem>>
        %dma_start3A_238 = tpu.memref_squeeze %dma_start3A_237 : memref<1x8x1024xf32, #tpu.memory_space<vmem>> -> memref<8x1024xf32, #tpu.memory_space<vmem>>
        %dma_start3A_239 = arith.constant 0 : i32
        %dma_start3A_240 = tpu.memref_slice %arg3[%add3A_228, %dma_start3A_239] : memref<8192x1024xf32, #tpu.memory_space<hbm>> -> memref<8x1024xf32, #tpu.memory_space<hbm>>
        tpu.enqueue_dma source(%dma_start3A_240 : memref<8x1024xf32, #tpu.memory_space<hbm>>) target(%dma_start3A_238 : memref<8x1024xf32, #tpu.memory_space<vmem>>) target_semaphore(%arg8 : memref<!tpu.dma_semaphore, #tpu.memory_space<semaphore_mem>>)
        %dma_start3A_241 = arith.constant 0 : i32
        %dma_start3A_242 = arith.constant 0 : i32
        %dma_start3A_243 = arith.constant 0 : i32
        %dma_start3A_244 = tpu.memref_slice %arg5[%select_n3A_225, %dma_start3A_241, %dma_start3A_242, %dma_start3A_243] : memref<3x4x8x1024xf32, #tpu.memory_space<vmem>> -> memref<1x4x8x1024xf32, #tpu.memory_space<vmem>>
        %dma_start3A_245 = tpu.memref_squeeze %dma_start3A_244 : memref<1x4x8x1024xf32, #tpu.memory_space<vmem>> -> memref<4x8x1024xf32, #tpu.memory_space<vmem>>
        %dma_start3A_246 = arith.constant 0 : i32
        %dma_start3A_247 = arith.constant 0 : i32
        %dma_start3A_248 = tpu.memref_slice %arg2[%dma_start3A_246, %add3A_228, %dma_start3A_247] : memref<4x8192x1024xf32, #tpu.memory_space<hbm>> -> memref<4x8x1024xf32, #tpu.memory_space<hbm>>
        %dma_start3A_249 = arith.constant 0 : i32
        %dma_start3A_250 = arith.constant 0 : i32
        %dma_start3A_251 = arith.constant 0 : i32
        %dma_start3A_252 = tpu.memref_slice %arg5[%select_n3A_225, %dma_start3A_249, %dma_start3A_250, %dma_start3A_251] : memref<3x4x8x1024xf32, #tpu.memory_space<vmem>> -> memref<1x4x8x1024xf32, #tpu.memory_space<vmem>>
        %dma_start3A_253 = tpu.memref_squeeze %dma_start3A_252 : memref<1x4x8x1024xf32, #tpu.memory_space<vmem>> -> memref<4x8x1024xf32, #tpu.memory_space<vmem>>
        %dma_start3A_254 = arith.constant 0 : i32
        %dma_start3A_255 = arith.constant 0 : i32
        %dma_start3A_256 = tpu.memref_slice %arg2[%dma_start3A_254, %add3A_228, %dma_start3A_255] : memref<4x8192x1024xf32, #tpu.memory_space<hbm>> -> memref<4x8x1024xf32, #tpu.memory_space<hbm>>
        tpu.enqueue_dma source(%dma_start3A_256 : memref<4x8x1024xf32, #tpu.memory_space<hbm>>) target(%dma_start3A_253 : memref<4x8x1024xf32, #tpu.memory_space<vmem>>) target_semaphore(%arg7 : memref<!tpu.dma_semaphore, #tpu.memory_space<semaphore_mem>>)
      } else {
      }
      %scan3A_197 = arith.constant 0 : i32
      scf.yield %scan3A_197 : i32
    }
    %scan3A_71 = arith.constant 32 : i32
    %add3A_72 = arith.constant 232 : i32
    %add3A_73 = arith.addi %mul3A_2, %add3A_72 : i32
    %dma_wait3A = arith.constant 2 : i32
    %dma_wait3A_74 = arith.constant 0 : i32
    %dma_wait3A_75 = arith.constant 0 : i32
    %dma_wait3A_76 = arith.constant 0 : i32
    %dma_wait3A_77 = tpu.memref_slice %arg5[%dma_wait3A, %dma_wait3A_74, %dma_wait3A_75, %dma_wait3A_76] : memref<3x4x8x1024xf32, #tpu.memory_space<vmem>> -> memref<1x4x8x1024xf32, #tpu.memory_space<vmem>>
    %dma_wait3A_78 = tpu.memref_squeeze %dma_wait3A_77 : memref<1x4x8x1024xf32, #tpu.memory_space<vmem>> -> memref<4x8x1024xf32, #tpu.memory_space<vmem>>
    %dma_wait3A_79 = arith.constant 0 : i32
    %dma_wait3A_80 = arith.constant 0 : i32
    %dma_wait3A_81 = tpu.memref_slice %arg4[%dma_wait3A_79, %add3A_73, %dma_wait3A_80] : memref<4x8192x1024xf32, #tpu.memory_space<hbm>> -> memref<4x8x1024xf32, #tpu.memory_space<hbm>>
    %dma_wait3A_82 = arith.constant 0 : i32
    %dma_wait3A_83 = arith.constant 0 : i32
    %dma_wait3A_84 = tpu.memref_slice %arg4[%dma_wait3A_82, %add3A_73, %dma_wait3A_83] : memref<4x8192x1024xf32, #tpu.memory_space<hbm>> -> memref<4x8x1024xf32, #tpu.memory_space<hbm>>
    %dma_wait3A_85 = arith.constant 0 : i32
    %dma_wait3A_86 = arith.constant 0 : i32
    %dma_wait3A_87 = arith.constant 0 : i32
    %dma_wait3A_88 = tpu.memref_slice %arg5[%dma_wait3A, %dma_wait3A_85, %dma_wait3A_86, %dma_wait3A_87] : memref<3x4x8x1024xf32, #tpu.memory_space<vmem>> -> memref<1x4x8x1024xf32, #tpu.memory_space<vmem>>
    %dma_wait3A_89 = tpu.memref_squeeze %dma_wait3A_88 : memref<1x4x8x1024xf32, #tpu.memory_space<vmem>> -> memref<4x8x1024xf32, #tpu.memory_space<vmem>>
    tpu.wait_dma2 semaphore(%arg9 : memref<!tpu.dma_semaphore, #tpu.memory_space<semaphore_mem>>) src(%dma_wait3A_89 : memref<4x8x1024xf32, #tpu.memory_space<vmem>>) dst(%dma_wait3A_84 : memref<4x8x1024xf32, #tpu.memory_space<hbm>>)
    %add3A_90 = arith.constant 240 : i32
    %add3A_91 = arith.addi %mul3A_2, %add3A_90 : i32
    %dma_wait3A_92 = arith.constant 0 : i32
    %dma_wait3A_93 = arith.constant 0 : i32
    %dma_wait3A_94 = arith.constant 0 : i32
    %dma_wait3A_95 = arith.constant 0 : i32
    %dma_wait3A_96 = tpu.memref_slice %arg5[%dma_wait3A_92, %dma_wait3A_93, %dma_wait3A_94, %dma_wait3A_95] : memref<3x4x8x1024xf32, #tpu.memory_space<vmem>> -> memref<1x4x8x1024xf32, #tpu.memory_space<vmem>>
    %dma_wait3A_97 = tpu.memref_squeeze %dma_wait3A_96 : memref<1x4x8x1024xf32, #tpu.memory_space<vmem>> -> memref<4x8x1024xf32, #tpu.memory_space<vmem>>
    %dma_wait3A_98 = arith.constant 0 : i32
    %dma_wait3A_99 = arith.constant 0 : i32
    %dma_wait3A_100 = tpu.memref_slice %arg4[%dma_wait3A_98, %add3A_91, %dma_wait3A_99] : memref<4x8192x1024xf32, #tpu.memory_space<hbm>> -> memref<4x8x1024xf32, #tpu.memory_space<hbm>>
    %dma_wait3A_101 = arith.constant 0 : i32
    %dma_wait3A_102 = arith.constant 0 : i32
    %dma_wait3A_103 = tpu.memref_slice %arg4[%dma_wait3A_101, %add3A_91, %dma_wait3A_102] : memref<4x8192x1024xf32, #tpu.memory_space<hbm>> -> memref<4x8x1024xf32, #tpu.memory_space<hbm>>
    %dma_wait3A_104 = arith.constant 0 : i32
    %dma_wait3A_105 = arith.constant 0 : i32
    %dma_wait3A_106 = arith.constant 0 : i32
    %dma_wait3A_107 = tpu.memref_slice %arg5[%dma_wait3A_92, %dma_wait3A_104, %dma_wait3A_105, %dma_wait3A_106] : memref<3x4x8x1024xf32, #tpu.memory_space<vmem>> -> memref<1x4x8x1024xf32, #tpu.memory_space<vmem>>
    %dma_wait3A_108 = tpu.memref_squeeze %dma_wait3A_107 : memref<1x4x8x1024xf32, #tpu.memory_space<vmem>> -> memref<4x8x1024xf32, #tpu.memory_space<vmem>>
    tpu.wait_dma2 semaphore(%arg9 : memref<!tpu.dma_semaphore, #tpu.memory_space<semaphore_mem>>) src(%dma_wait3A_108 : memref<4x8x1024xf32, #tpu.memory_space<vmem>>) dst(%dma_wait3A_103 : memref<4x8x1024xf32, #tpu.memory_space<hbm>>)
    %add3A_109 = arith.constant 248 : i32
    %add3A_110 = arith.addi %mul3A_2, %add3A_109 : i32
    %dma_wait3A_111 = arith.constant 1 : i32
    %dma_wait3A_112 = arith.constant 0 : i32
    %dma_wait3A_113 = arith.constant 0 : i32
    %dma_wait3A_114 = arith.constant 0 : i32
    %dma_wait3A_115 = tpu.memref_slice %arg5[%dma_wait3A_111, %dma_wait3A_112, %dma_wait3A_113, %dma_wait3A_114] : memref<3x4x8x1024xf32, #tpu.memory_space<vmem>> -> memref<1x4x8x1024xf32, #tpu.memory_space<vmem>>
    %dma_wait3A_116 = tpu.memref_squeeze %dma_wait3A_115 : memref<1x4x8x1024xf32, #tpu.memory_space<vmem>> -> memref<4x8x1024xf32, #tpu.memory_space<vmem>>
    %dma_wait3A_117 = arith.constant 0 : i32
    %dma_wait3A_118 = arith.constant 0 : i32
    %dma_wait3A_119 = tpu.memref_slice %arg4[%dma_wait3A_117, %add3A_110, %dma_wait3A_118] : memref<4x8192x1024xf32, #tpu.memory_space<hbm>> -> memref<4x8x1024xf32, #tpu.memory_space<hbm>>
    %dma_wait3A_120 = arith.constant 0 : i32
    %dma_wait3A_121 = arith.constant 0 : i32
    %dma_wait3A_122 = tpu.memref_slice %arg4[%dma_wait3A_120, %add3A_110, %dma_wait3A_121] : memref<4x8192x1024xf32, #tpu.memory_space<hbm>> -> memref<4x8x1024xf32, #tpu.memory_space<hbm>>
    %dma_wait3A_123 = arith.constant 0 : i32
    %dma_wait3A_124 = arith.constant 0 : i32
    %dma_wait3A_125 = arith.constant 0 : i32
    %dma_wait3A_126 = tpu.memref_slice %arg5[%dma_wait3A_111, %dma_wait3A_123, %dma_wait3A_124, %dma_wait3A_125] : memref<3x4x8x1024xf32, #tpu.memory_space<vmem>> -> memref<1x4x8x1024xf32, #tpu.memory_space<vmem>>
    %dma_wait3A_127 = tpu.memref_squeeze %dma_wait3A_126 : memref<1x4x8x1024xf32, #tpu.memory_space<vmem>> -> memref<4x8x1024xf32, #tpu.memory_space<vmem>>
    tpu.wait_dma2 semaphore(%arg9 : memref<!tpu.dma_semaphore, #tpu.memory_space<semaphore_mem>>) src(%dma_wait3A_127 : memref<4x8x1024xf32, #tpu.memory_space<vmem>>) dst(%dma_wait3A_122 : memref<4x8x1024xf32, #tpu.memory_space<hbm>>)
    return
  }
}

</mosaic_0001>

<sc_bundles>
// kernel: _sc_add.3.cloned.1.call-start
scs
__scs_entry_jumppad:
0x0: {  	(pc) =	sbr.rel $0x88, $3  }
0x1: {  	(tag) =	ssettag $0x0;
	lr =	simm.s32 $0x1  }
0x2: {  	[smem:$0x3F9F] =	sst lr;
	_ =	strace $0xD0000000  }
0x3: {  	_ = 	snop  }
0x4: {  	_ = 	snop  }
0x5: {  	_ = 	snop  }
0x6: {  	_ = 	snop  }
0x7: {  	_ = 	snop  }
__scs_overlays_trampoline_lowered:
0x8: {  	[smem:$0x3FAE] =	sst s0  }
0x9: {  	[smem:$0x3FAF] =	sst s1  }
0xa: {  	[smem:$0x3FB0] =	sst s2  }
0xb: {  	[smem:$0x3FB1] =	sst s3  }
0xc: {  	[smem:$0x3FB2] =	sst s4  }
0xd: {  	[smem:$0x3FB3] =	sst s5  }
0xe: {  	[smem:$0x3FB4] =	sst s6  }
0xf: {  	[smem:$0x3FB5] =	sst s7  }
0x10: {  	[smem:$0x3FB6] =	sst s8  }
0x11: {  	[smem:$0x3FB7] =	sst s9;
	s0 =	simm.s32 @!p0 $0x0  }
0x12: {  	s1 =	sld [smem:$0x3F9D];
	s0 =	simm.s32 @p0 $0x1  }
0x13: {  	[smem:$0x3FB8] =	sst s0;
	s0 =	simm.s32 @!p1 $0x0  }
0x14: {  	s2 =	sld [smem:$0x3F9C];
	s0 =	simm.s32 @p1 $0x1  }
0x15: {  	[smem:$0x3FB9] =	sst s0;
	s0 =	simm.s32 @!p2 $0x0  }
0x16: {  	s3 =	sld [smem:$0x3FDB];
	s0 =	simm.s32 @p2 $0x1  }
0x17: {  	s4 =	simm.s32 $0x1BF5;
	[smem:$0x3FBB] =	sst s0  }
0x18: {  	s0 =	sld [smem:$0x3F9E];
	_ =	swait.ge [sflag:s4], $0x0  }
0x19: {  	s7 =	sld [smem:$0x3F9F]  }
0x1a: {  	s8 =	sadd.s32 $0xFFFFE003, lr  }
0x1b: {  	s9 =	sadd.s32 $0xFFFFFEF7, lr;
	s5 =	simm.s32 $0xFFFFFFFF;
	p2 =	slt.u32 s8, $0xFFFFF086  }
0x1c: {  	p1 =	slt.u32 s9, $0xF7A;
	s5 =	simm.s32 @!p2 $0x0  }
0x1d: {  	s5 =	simm.s32 @p1 $0x1;
	p0 =	seq.s32 s7, s2  }
0x1e: {  	s7 =	smul.u32 @!p0 $0xF7A, s2;
	p2 =	seq.s32 @!p0 s5, $0x0  }
0x1f: {  	s9 =	smul.u32 $0xF7A, s1;
	s8 =	simm.s32 @!p0 $0x1BF5;
	p2 =	por !p2, p0  }
0x20: {  	[sflag:s8] =	ssyncset.s32 @!p0 $0xFFFFF086;
	s6 =	sadd.s32 @!p0 s3, s7;
	s7 =	simm.s32 @!p0 $0x108  }
0x21: {  	s3 =	sadd.s32 s3, s9;
	s6 =	sadd.s32 @!p0 $0x88, s6;
	s7 =	simm.s32 @p2 $0x1082  }
0x22: {  	[simem:s7], [sflag:s8] =	dma.local @!p0 [hbm:s6], $0xF7A  }
0x23: {  	s9 =	sor.u32 $0xD0000000, s2;
	s6 =	simm.s32 $0x108;
	_ =	swait.ge @!p0 [sflag:s8], $0x0  }
0x24: {  	s3 =	sadd.s32 $0x88, s3;
	s6 =	simm.s32 @!p1 $0x1082;
	[sflag:s4] =	ssyncset.s32 $0xFFFFF086  }
0x25: {  	[simem:s6], [sflag:s4] =	dma.local [hbm:s3], $0xF7A  }
0x26: {  	[smem:$0x3F9F] =	sst s1;
	(tag) =	ssettag s2;
	_ =	strace s9  }
0x27: {  	s1 =	sld [smem:$0x3FAF]  }
0x28: {  	s2 =	sld [smem:$0x3FB0]  }
0x29: {  	s4 =	sld [smem:$0x3FB2]  }
0x2a: {  	p0 =	seq.s32 s5, $0x0;
	s5 =	sld [smem:$0x3FB3]  }
0x2b: {  	s6 =	sld [smem:$0x3FB4]  }
0x2c: {  	s7 =	sld [smem:$0x3FB5]  }
0x2d: {  	s3 =	simm.s32 $0x108;
	s8 =	sld [smem:$0x3FB6]  }
0x2e: {  	s3 =	simm.s32 @!p0 $0x1082;
	s9 =	sld [smem:$0x3FB7]  }
0x2f: {  	lr =	sadd.s32 s0, s3;
	s0 =	sld [smem:$0x3FAE]  }
0x30: {  	s3 =	sld [smem:$0x3FB1]  }
0x31: {  	[smem:$0x3FBA] =	sst s10  }
0x32: {  	s10 =	sld [smem:$0x3FB8];
	_ =	sdelay $0x3  }
0x33: {  	p0 =	seq.s32 s10, $0x1;
	s10 =	sld [smem:$0x3FBA];
	_ =	sdelay $0x3  }
0x34: {  	[smem:$0x3FBA] =	sst s10  }
0x35: {  	s10 =	sld [smem:$0x3FB9];
	_ =	sdelay $0x3  }
0x36: {  	p1 =	seq.s32 s10, $0x1;
	s10 =	sld [smem:$0x3FBA];
	_ =	sdelay $0x3  }
0x37: {  	[smem:$0x3FBA] =	sst s10  }
0x38: {  	s10 =	sld [smem:$0x3FBB]  }
0x39: {  	_ = 	snop;
	(pc) =	sbr.ind lr, $3  }
0x3a: {  	_ = 	snop  }
0x3b: {  	_ = 	snop  }
0x3c: {  	p2 =	seq.s32 s10, $0x1;
	s10 =	sld [smem:$0x3FBA]  }
0x3d: {  	_ =	shalt  }
0x3e: {  	_ =	shalt  }
0x3f: {  	_ =	shalt  }
0x40: {  	_ =	shalt  }
0x41: {  	_ =	shalt  }
0x42: {  	_ =	shalt  }
0x43: {  	_ =	shalt  }
0x44: {  	_ =	shalt  }
0x45: {  	_ =	shalt  }
0x46: {  	_ =	shalt  }
0x47: {  	_ =	shalt  }
0x48: {  	_ =	shalt  }
0x49: {  	_ =	shalt  }
0x4a: {  	_ =	shalt  }
0x4b: {  	_ =	shalt  }
0x4c: {  	_ =	shalt  }
0x4d: {  	_ =	shalt  }
0x4e: {  	_ =	shalt  }
0x4f: {  	_ =	shalt  }
0x50: {  	_ =	shalt  }
0x51: {  	_ =	shalt  }
0x52: {  	_ =	shalt  }
0x53: {  	_ =	shalt  }
0x54: {  	_ =	shalt  }
0x55: {  	_ =	shalt  }
0x56: {  	_ =	shalt  }
0x57: {  	_ =	shalt  }
0x58: {  	_ =	shalt  }
0x59: {  	_ =	shalt  }
0x5a: {  	_ =	shalt  }
0x5b: {  	_ =	shalt  }
0x5c: {  	_ =	shalt  }
0x5d: {  	_ =	shalt  }
0x5e: {  	_ =	shalt  }
0x5f: {  	_ =	shalt  }
0x60: {  	_ =	shalt  }
0x61: {  	_ =	shalt  }
0x62: {  	_ =	shalt  }
0x63: {  	_ =	shalt  }
0x64: {  	_ =	shalt  }
0x65: {  	_ =	shalt  }
0x66: {  	_ =	shalt  }
0x67: {  	_ =	shalt  }
0x68: {  	_ =	shalt  }
0x69: {  	_ =	shalt  }
0x6a: {  	_ =	shalt  }
0x6b: {  	_ =	shalt  }
0x6c: {  	_ =	shalt  }
0x6d: {  	_ =	shalt  }
0x6e: {  	_ =	shalt  }
0x6f: {  	_ =	shalt  }
0x70: {  	_ =	shalt  }
0x71: {  	_ =	shalt  }
0x72: {  	_ =	shalt  }
0x73: {  	_ =	shalt  }
0x74: {  	_ =	shalt  }
0x75: {  	_ =	shalt  }
0x76: {  	_ =	shalt  }
0x77: {  	_ =	shalt  }
0x78: {  	_ =	shalt  }
0x79: {  	_ =	shalt  }
0x7a: {  	_ =	shalt  }
0x7b: {  	_ =	shalt  }
0x7c: {  	_ =	shalt  }
0x7d: {  	_ =	shalt  }
0x7e: {  	_ =	shalt  }
0x7f: {  	_ =	shalt  }
0x80: {  	_ =	shalt  }
0x81: {  	_ =	shalt  }
0x82: {  	_ =	shalt  }
0x83: {  	_ =	shalt  }
0x84: {  	_ =	shalt  }
0x85: {  	_ =	shalt  }
0x86: {  	_ =	shalt  }
0x87: {  	_ =	shalt  }
.Lfunc_end0:
.L_simem_size_0:
called_computation_lowered:
.L_overlay_start_0:
0x88: {  	s2 =	sld [smem:$0x3FD9]  }
0x89: {  	s3 =	sld [smem:$0x3FFE];
	_ =	sdelay $0x1  }
0x8a: {  	s1 =	srdreg.scid  }
0x8b: {  	s0 =	sand.u32 $0x1, s1  }
0x8c: {  	s18 =	sshll.u32 s0, $0xA;
	s2 =	sadd.s32 s3, s2  }
0x8d: {  	s2 =	sadd.s32 s2, s18  }
0x8e: {  	[smem:$0x3FC6] =	sst s2  }
0x8f: {  	_ = 	snop  }
0x90: {  	s2 =	sld [smem:$0x3FC9]  }
0x91: {  	s19 =	sld [smem:$0x3FC8]  }
0x92: {  	s4 =	sld [smem:$0x3FD0];
	(tm) =	ssettm $0x1  }
0x93: {  	s5 =	sld [smem:$0x3FFB];
	_ =	sdelay $0x3  }
0x94: {  	_ =	strace s5  }
0x95: {  	s5 =	sld [smem:$0x3FFC];
	_ =	sdelay $0x3  }
0x96: {  	_ =	strace s5  }
0x97: {  	s5 =	sld [smem:$0x3FFD];
	_ =	sdelay $0x3  }
0x98: {  	_ =	strace s5  }
0x99: {  	_ =	strace $0x8FFFFFFF  }
0x9a: {  	s20 =	sld [smem:$0x3FDB];
	_ =	sdelay $0x1  }
0x9b: {  	s6 =	simm.s32 $_scs_section_size  }
0x9c: {  	s7 =	simm.s32 $_size__tile_overlayer_lowered;
	s8 =	simm.s32 $_tile_overlayer_lowered  }
0x9d: {  	s23 =	simm.s32 $0x1BFF;
	s22 =	sshll.u32 s8, $0x1;
	s5 =	sadd.s32 s6, s20  }
0x9e: {  	s9 =	simm.s32 $0x0;
	s21 =	sshll.u32 s7, $0x1;
	s7 =	sadd.s32 s22, s5  }
0x9f: {  	[timem:s9], [sflag:s23] =	dma.local [hbm:s7], s21  }
0xa0: {  	_ =	swait.ge [sflag:s23], s21  }
0xa1: {  	s6 =	ssub.s32 $0x0, s21;
	[sflag:s23] =	ssyncset.done $0x0  }
0xa2: {  	[sflag:s23] =	ssyncadd.s32 s6;
	_ =	sdelay $0x1  }
0xa3: {  	s24 =	simm.s32 $0x1B8B  }
0xa4: {  	_ =	swait.ge [sflag:s24], $0x1  }
0xa5: {  	[sflag:s24] =	ssyncset.done $0x0  }
0xa6: {  	s25 =	simm.s32 $0x1B8E;
	[sflag:s24] =	ssyncadd.s32 $0xFFFFFFFF  }
0xa7: {  	s26 =	simm.s32 $execute0_lowered;
	[smem:$0x3FD2] =	sst s25  }
0xa8: {  	s6 =	sshll.u32 s26, $0x1;
	_ =	strace $0x80000046;
	[dreg:$0x1] =	wrdreg $0xFFFFFFFF  }
0xa9: {  	s28 =	simm.s32 $_size_execute0_lowered;
	s5 =	sadd.s32 s5, s6;
	[dreg:$0x0] =	wrdreg $0x0  }
0xaa: {  	s6 =	sshll.u32 s28, $0x1;
	[dreg:$0x2] =	wrdreg s5  }
0xab: {  	[dreg:$0x3] =	wrdreg s6  }
0xac: {  	[dreg:$0x4] =	wrdreg $0xC0  }
0xad: {  	_ =	task [dreg:s9], $0x5FFFF  }
0xae: {  	[dreg:$0x1] =	wrdreg $0xFFFFFFFF  }
0xaf: {  	[dreg:$0x0] =	wrdreg $0x60  }
0xb0: {  	[dreg:$0x2] =	wrdreg s2  }
0xb1: {  	[dreg:$0x3] =	wrdreg s19  }
0xb2: {  	[dreg:$0x4] =	wrdreg s4  }
0xb3: {  	[dreg:$0x5] =	wrdreg $0x9  }
0xb4: {  	_ =	task.clear_ibuf [dreg:s9], $0x6FFFF;
	_ =	strace $0x90000046  }
0xb5: {  	s29 =	simm.s32 $0x9;
	_ =	strace $0x80000048  }
0xb6: {  	_ =	swait.ge [sflag:s29], $0x1  }
0xb7: {  	[sflag:s29] =	ssyncadd.s32 $0xFFFFFFFF  }
0xb8: {  	_ =	strace $0x90000048  }
0xb9: {  	_ =	sfence  }
0xba: {  	s30 =	sld [smem:$0x0];
	_ =	sdelay $0x2  }
0xbb: {  	s31 =	sshll.u32 s1, $0xD;
	s1 =	sshrl.u32 s1, $0x2  }
0xbc: {  	s3 =	sand.u32 $0x4000, s31;
	s1 =	sadd.s32 s1, s30  }
0xbd: {  	s0 =	sor.u32 s3, s0;
	s1 =	sshll.u32 s1, $0x11  }
0xbe: {  	s0 =	sor.u32 s1, s0  }
0xbf: {  	s0 =	sadd.s32 $0x8F2B, s0  }
0xc0: {  	[sflag:s0] =	ssyncadd.remote.s32 $0x1  }
0xc1: {  	_ =	sfence.sel $0xFFFF  }
0xc2: {  	[dreg:$0x0] =	wrdreg $0xFFFFFFFF;
	(pc) =	sbr.abs _section_cstart, $3  }
0xc3: {  	[dreg:$0x1] =	wrdreg $0xFFFFFFFF  }
0xc4: {  	_ =	task.clear_ibuf [dreg:s9], $0x2FFFF;
	_ =	strace $0x9FFFFFFF  }
0xc5: {  	(tm) =	ssettm $0x7FFFFFFF  }
tec
execute0_lowered:
.L_overlay_start_1:
0x0: {  	(tag) =	ssettag $0x1  }
0x1: {  	s2 =	rddreg [dreg:$0x0]  }
0x2: {  	s3 =	rddreg [dreg:$0x1];
	s0 =	srdreg.scid  }
0x3: {  	s4 =	rddreg [dreg:$0x2];
	s1 =	stileid.u32;
	s5 =	simm.s32 $0x0  }
0x4: {  	s12 =	simm.s32 $0x18000;
	s13 =	simm.s32 $0x2000;
	s14 =	simm.s32 $0x800000  }
0x5: {  	s15 =	simm.s32 $0x1A000;
	s16 =	simm.s32 $0x8000;
	s17 =	simm.s32 $0x2  }
0x6: {  	s18 =	simm.s32 $0x1;
	s19 =	simm.s32 $0x3;
	s20 =	simm.s32 $0x0  }
0x7: {  	s6 =	sand.u32 $0x1, s0;
	s0 =	rddreg [dreg:$0x3];
	s7 =	sshll.u32 s1, $0x9  }
0x8: {  	[smem:$0x7FF] =	sst s5;
	s8 =	sshll.u32 s6, $0x8;
	s6 =	ssub.s32 $0x2, s6  }
0x9: {  	_ =	strace $0x80000047;
	s10 =	sor.u32 s8, s7;
	s31 =	sshrl.u32 s6, $0x1  }
0xa: {  	s8 =	sshll.u32 s10, $0x7;
	s11 =	ssub.s32 s6, s31;
	s10 =	sshrl.u32 s10, $0x3  }
0xb: {  	s9 =	sor.u32 $0x400, s8;
	s6 =	sadd.s32 s3, s8;
	s7 =	sadd.s32 s2, s8  }
0xc: {  	s11 =	smax.u32 s11, $0x1;
	s8 =	sadd.s32 s3, s9;
	s9 =	sadd.s32 s2, s9  }
.LBB2_1:
0xd: {  	[tilespmem:s12], [sflag:$0x2] =	stream.linear.gather [hbm4b:s6+s5], $0x2000, $0x38;
	[tilespmem:$0x1E000] =	vst v63  }
0xe: {  	_ = 	snop  }
0xf: {  	[tilespmem:s5], [sflag:$0x1] =	stream.strided.gather [hbm4b:s7+s13], $0x8000, s14, s13, $0x38;
	[tilespmem:$0x1E000] =	vst v63  }
0x10: {  	_ = 	snop  }
0x11: {  	[tilespmem:s15], [sflag:$0x2] =	stream.linear.gather [hbm4b:s8+s5], $0x2000, $0x38;
	[tilespmem:$0x1E000] =	vst v63  }
0x12: {  	s21 =	simm.s32 $0x0  }
0x13: {  	[tilespmem:s16], [sflag:$0x1] =	stream.strided.gather [hbm4b:s9+s13], $0x8000, s14, s13, $0x38;
	[tilespmem:$0x1E000] =	vst v63  }
.LBB2_2:
0x14: {  	s22 =	smul.u32 $0xAB, s21;
	_ =	sdelay $0x1  }
0x15: {  	s22 =	sshrl.u32 s22, $0x9  }
0x16: {  	s22 =	sand.u32 $0x7F, s22  }
0x17: {  	s22 =	smul.u32 $0x3, s22;
	_ =	sdelay $0x1  }
0x18: {  	s22 =	ssub.s32 s21, s22  }
0x19: {  	s22 =	sand.u32 $0xFF, s22  }
0x1a: {  	s22 =	sshll.u32 s22, $0xF  }
0x1b: {  	s23 =	sshrl.u32 s22, $0x2  }
0x1c: {  	_ =	swait.ge [sflag:s17], $0x2000;
	s23 =	sor.u32 $0x18000, s23  }
0x1d: {  	[sflag:s17] =	ssyncset.done $0x0;
	v0 =	vmov s23  }
0x1e: {  	[sflag:s17] =	ssyncadd.s32 $0xFFFFE000  }
0x1f: {  	_ =	swait.ge [sflag:s18], $0x8000  }
0x20: {  	[sflag:s18] =	ssyncset.done $0x0  }
0x21: {  	s24 =	simm.s32 $0x0;
	[sflag:s18] =	ssyncadd.s32 $0xFFFF8000  }
0x22: {  	v1 =	vld.idx.msk [tilespmem:v0+s24+$0x0 ss:$0x1], $0xffff  }
0x23: {  	v2 =	vld.idx.msk [tilespmem:v0+s24+$0x10 ss:$0x1], $0xffff  }
0x24: {  	v3 =	vld.idx.msk [tilespmem:v0+s24+$0x20 ss:$0x1], $0xffff  }
0x25: {  	v4 =	vld.idx.msk [tilespmem:v0+s24+$0x30 ss:$0x1], $0xffff  }
0x26: {  	v5 =	vld.idx.msk [tilespmem:v0+s24+$0x40 ss:$0x1], $0xffff  }
0x27: {  	v6 =	vld.idx.msk [tilespmem:v0+s24+$0x50 ss:$0x1], $0xffff  }
0x28: {  	v7 =	vld.idx.msk [tilespmem:v0+s24+$0x60 ss:$0x1], $0xffff  }
0x29: {  	s23 =	sadd.s32 $0x0, s22;
	v8 =	vld.idx.msk [tilespmem:v0+s24+$0x70 ss:$0x1], $0xffff  }
0x2a: {  	[tilespmem:s23+$0x0] =	vst.add.f32.msk $0xffff, v1  }
0x2b: {  	[tilespmem:s23+$0x2000] =	vst.add.f32.msk $0xffff, v1  }
0x2c: {  	[tilespmem:s23+$0x4000] =	vst.add.f32.msk $0xffff, v1  }
0x2d: {  	[tilespmem:s23+$0x6000] =	vst.add.f32.msk $0xffff, v1  }
0x2e: {  	[tilespmem:s23+$0x10] =	vst.add.f32.msk $0xffff, v2  }
0x2f: {  	[tilespmem:s23+$0x2010] =	vst.add.f32.msk $0xffff, v2  }
0x30: {  	[tilespmem:s23+$0x4010] =	vst.add.f32.msk $0xffff, v2  }
0x31: {  	[tilespmem:s23+$0x6010] =	vst.add.f32.msk $0xffff, v2  }
0x32: {  	[tilespmem:s23+$0x20] =	vst.add.f32.msk $0xffff, v3  }
0x33: {  	[tilespmem:s23+$0x2020] =	vst.add.f32.msk $0xffff, v3  }
0x34: {  	[tilespmem:s23+$0x4020] =	vst.add.f32.msk $0xffff, v3  }
0x35: {  	[tilespmem:s23+$0x6020] =	vst.add.f32.msk $0xffff, v3  }
0x36: {  	[tilespmem:s23+$0x30] =	vst.add.f32.msk $0xffff, v4  }
0x37: {  	[tilespmem:s23+$0x2030] =	vst.add.f32.msk $0xffff, v4  }
0x38: {  	[tilespmem:s23+$0x4030] =	vst.add.f32.msk $0xffff, v4  }
0x39: {  	[tilespmem:s23+$0x6030] =	vst.add.f32.msk $0xffff, v4  }
0x3a: {  	[tilespmem:s23+$0x40] =	vst.add.f32.msk $0xffff, v5  }
0x3b: {  	[tilespmem:s23+$0x2040] =	vst.add.f32.msk $0xffff, v5  }
0x3c: {  	[tilespmem:s23+$0x4040] =	vst.add.f32.msk $0xffff, v5  }
0x3d: {  	[tilespmem:s23+$0x6040] =	vst.add.f32.msk $0xffff, v5  }
0x3e: {  	[tilespmem:s23+$0x50] =	vst.add.f32.msk $0xffff, v6  }
0x3f: {  	[tilespmem:s23+$0x2050] =	vst.add.f32.msk $0xffff, v6  }
0x40: {  	[tilespmem:s23+$0x4050] =	vst.add.f32.msk $0xffff, v6  }
0x41: {  	[tilespmem:s23+$0x6050] =	vst.add.f32.msk $0xffff, v6  }
0x42: {  	[tilespmem:s23+$0x60] =	vst.add.f32.msk $0xffff, v7  }
0x43: {  	[tilespmem:s23+$0x2060] =	vst.add.f32.msk $0xffff, v7  }
0x44: {  	[tilespmem:s23+$0x4060] =	vst.add.f32.msk $0xffff, v7  }
0x45: {  	[tilespmem:s23+$0x6060] =	vst.add.f32.msk $0xffff, v7  }
0x46: {  	[tilespmem:s23+$0x70] =	vst.add.f32.msk $0xffff, v8  }
0x47: {  	[tilespmem:s23+$0x2070] =	vst.add.f32.msk $0xffff, v8  }
0x48: {  	[tilespmem:s23+$0x4070] =	vst.add.f32.msk $0xffff, v8  }
0x49: {  	[tilespmem:s23+$0x6070] =	vst.add.f32.msk $0xffff, v8  }
0x4a: {  	v1 =	vld.idx.msk [tilespmem:v0+s24+$0x400 ss:$0x1], $0xffff  }
0x4b: {  	v2 =	vld.idx.msk [tilespmem:v0+s24+$0x410 ss:$0x1], $0xffff  }
0x4c: {  	v3 =	vld.idx.msk [tilespmem:v0+s24+$0x420 ss:$0x1], $0xffff  }
0x4d: {  	v4 =	vld.idx.msk [tilespmem:v0+s24+$0x430 ss:$0x1], $0xffff  }
0x4e: {  	v5 =	vld.idx.msk [tilespmem:v0+s24+$0x440 ss:$0x1], $0xffff  }
0x4f: {  	v6 =	vld.idx.msk [tilespmem:v0+s24+$0x450 ss:$0x1], $0xffff  }
0x50: {  	v7 =	vld.idx.msk [tilespmem:v0+s24+$0x460 ss:$0x1], $0xffff  }
0x51: {  	v8 =	vld.idx.msk [tilespmem:v0+s24+$0x470 ss:$0x1], $0xffff  }
0x52: {  	[tilespmem:s23+$0x400] =	vst.add.f32.msk $0xffff, v1  }
0x53: {  	[tilespmem:s23+$0x2400] =	vst.add.f32.msk $0xffff, v1  }
0x54: {  	[tilespmem:s23+$0x4400] =	vst.add.f32.msk $0xffff, v1  }
0x55: {  	[tilespmem:s23+$0x6400] =	vst.add.f32.msk $0xffff, v1  }
0x56: {  	[tilespmem:s23+$0x410] =	vst.add.f32.msk $0xffff, v2  }
0x57: {  	[tilespmem:s23+$0x2410] =	vst.add.f32.msk $0xffff, v2  }
0x58: {  	[tilespmem:s23+$0x4410] =	vst.add.f32.msk $0xffff, v2  }
0x59: {  	[tilespmem:s23+$0x6410] =	vst.add.f32.msk $0xffff, v2  }
0x5a: {  	[tilespmem:s23+$0x420] =	vst.add.f32.msk $0xffff, v3  }
0x5b: {  	[tilespmem:s23+$0x2420] =	vst.add.f32.msk $0xffff, v3  }
0x5c: {  	[tilespmem:s23+$0x4420] =	vst.add.f32.msk $0xffff, v3  }
0x5d: {  	[tilespmem:s23+$0x6420] =	vst.add.f32.msk $0xffff, v3  }
0x5e: {  	[tilespmem:s23+$0x430] =	vst.add.f32.msk $0xffff, v4  }
0x5f: {  	[tilespmem:s23+$0x2430] =	vst.add.f32.msk $0xffff, v4  }
0x60: {  	[tilespmem:s23+$0x4430] =	vst.add.f32.msk $0xffff, v4  }
0x61: {  	[tilespmem:s23+$0x6430] =	vst.add.f32.msk $0xffff, v4  }
0x62: {  	[tilespmem:s23+$0x440] =	vst.add.f32.msk $0xffff, v5  }
0x63: {  	[tilespmem:s23+$0x2440] =	vst.add.f32.msk $0xffff, v5  }
0x64: {  	[tilespmem:s23+$0x4440] =	vst.add.f32.msk $0xffff, v5  }
0x65: {  	[tilespmem:s23+$0x6440] =	vst.add.f32.msk $0xffff, v5  }
0x66: {  	[tilespmem:s23+$0x450] =	vst.add.f32.msk $0xffff, v6  }
0x67: {  	[tilespmem:s23+$0x2450] =	vst.add.f32.msk $0xffff, v6  }
0x68: {  	[tilespmem:s23+$0x4450] =	vst.add.f32.msk $0xffff, v6  }
0x69: {  	[tilespmem:s23+$0x6450] =	vst.add.f32.msk $0xffff, v6  }
0x6a: {  	[tilespmem:s23+$0x460] =	vst.add.f32.msk $0xffff, v7  }
0x6b: {  	[tilespmem:s23+$0x2460] =	vst.add.f32.msk $0xffff, v7  }
0x6c: {  	[tilespmem:s23+$0x4460] =	vst.add.f32.msk $0xffff, v7  }
0x6d: {  	[tilespmem:s23+$0x6460] =	vst.add.f32.msk $0xffff, v7  }
0x6e: {  	[tilespmem:s23+$0x470] =	vst.add.f32.msk $0xffff, v8  }
0x6f: {  	[tilespmem:s23+$0x2470] =	vst.add.f32.msk $0xffff, v8  }
0x70: {  	[tilespmem:s23+$0x4470] =	vst.add.f32.msk $0xffff, v8  }
0x71: {  	[tilespmem:s23+$0x6470] =	vst.add.f32.msk $0xffff, v8  }
0x72: {  	v1 =	vld.idx.msk [tilespmem:v0+s24+$0x800 ss:$0x1], $0xffff  }
0x73: {  	v2 =	vld.idx.msk [tilespmem:v0+s24+$0x810 ss:$0x1], $0xffff  }
0x74: {  	v3 =	vld.idx.msk [tilespmem:v0+s24+$0x820 ss:$0x1], $0xffff  }
0x75: {  	v4 =	vld.idx.msk [tilespmem:v0+s24+$0x830 ss:$0x1], $0xffff  }
0x76: {  	v5 =	vld.idx.msk [tilespmem:v0+s24+$0x840 ss:$0x1], $0xffff  }
0x77: {  	v6 =	vld.idx.msk [tilespmem:v0+s24+$0x850 ss:$0x1], $0xffff  }
0x78: {  	v7 =	vld.idx.msk [tilespmem:v0+s24+$0x860 ss:$0x1], $0xffff  }
0x79: {  	v8 =	vld.idx.msk [tilespmem:v0+s24+$0x870 ss:$0x1], $0xffff  }
0x7a: {  	[tilespmem:s23+$0x800] =	vst.add.f32.msk $0xffff, v1  }
0x7b: {  	[tilespmem:s23+$0x2800] =	vst.add.f32.msk $0xffff, v1  }
0x7c: {  	[tilespmem:s23+$0x4800] =	vst.add.f32.msk $0xffff, v1  }
0x7d: {  	[tilespmem:s23+$0x6800] =	vst.add.f32.msk $0xffff, v1  }
0x7e: {  	[tilespmem:s23+$0x810] =	vst.add.f32.msk $0xffff, v2  }
0x7f: {  	[tilespmem:s23+$0x2810] =	vst.add.f32.msk $0xffff, v2  }
0x80: {  	[tilespmem:s23+$0x4810] =	vst.add.f32.msk $0xffff, v2  }
0x81: {  	[tilespmem:s23+$0x6810] =	vst.add.f32.msk $0xffff, v2  }
0x82: {  	[tilespmem:s23+$0x820] =	vst.add.f32.msk $0xffff, v3  }
0x83: {  	[tilespmem:s23+$0x2820] =	vst.add.f32.msk $0xffff, v3  }
0x84: {  	[tilespmem:s23+$0x4820] =	vst.add.f32.msk $0xffff, v3  }
0x85: {  	[tilespmem:s23+$0x6820] =	vst.add.f32.msk $0xffff, v3  }
0x86: {  	[tilespmem:s23+$0x830] =	vst.add.f32.msk $0xffff, v4  }
0x87: {  	[tilespmem:s23+$0x2830] =	vst.add.f32.msk $0xffff, v4  }
0x88: {  	[tilespmem:s23+$0x4830] =	vst.add.f32.msk $0xffff, v4  }
0x89: {  	[tilespmem:s23+$0x6830] =	vst.add.f32.msk $0xffff, v4  }
0x8a: {  	[tilespmem:s23+$0x840] =	vst.add.f32.msk $0xffff, v5  }
0x8b: {  	[tilespmem:s23+$0x2840] =	vst.add.f32.msk $0xffff, v5  }
0x8c: {  	[tilespmem:s23+$0x4840] =	vst.add.f32.msk $0xffff, v5  }
0x8d: {  	[tilespmem:s23+$0x6840] =	vst.add.f32.msk $0xffff, v5  }
0x8e: {  	[tilespmem:s23+$0x850] =	vst.add.f32.msk $0xffff, v6  }
0x8f: {  	[tilespmem:s23+$0x2850] =	vst.add.f32.msk $0xffff, v6  }
0x90: {  	[tilespmem:s23+$0x4850] =	vst.add.f32.msk $0xffff, v6  }
0x91: {  	[tilespmem:s23+$0x6850] =	vst.add.f32.msk $0xffff, v6  }
0x92: {  	[tilespmem:s23+$0x860] =	vst.add.f32.msk $0xffff, v7  }
0x93: {  	[tilespmem:s23+$0x2860] =	vst.add.f32.msk $0xffff, v7  }
0x94: {  	[tilespmem:s23+$0x4860] =	vst.add.f32.msk $0xffff, v7  }
0x95: {  	[tilespmem:s23+$0x6860] =	vst.add.f32.msk $0xffff, v7  }
0x96: {  	[tilespmem:s23+$0x870] =	vst.add.f32.msk $0xffff, v8  }
0x97: {  	[tilespmem:s23+$0x2870] =	vst.add.f32.msk $0xffff, v8  }
0x98: {  	[tilespmem:s23+$0x4870] =	vst.add.f32.msk $0xffff, v8  }
0x99: {  	[tilespmem:s23+$0x6870] =	vst.add.f32.msk $0xffff, v8  }
0x9a: {  	v1 =	vld.idx.msk [tilespmem:v0+s24+$0xC00 ss:$0x1], $0xffff  }
0x9b: {  	v2 =	vld.idx.msk [tilespmem:v0+s24+$0xC10 ss:$0x1], $0xffff  }
0x9c: {  	v3 =	vld.idx.msk [tilespmem:v0+s24+$0xC20 ss:$0x1], $0xffff  }
0x9d: {  	v4 =	vld.idx.msk [tilespmem:v0+s24+$0xC30 ss:$0x1], $0xffff  }
0x9e: {  	v5 =	vld.idx.msk [tilespmem:v0+s24+$0xC40 ss:$0x1], $0xffff  }
0x9f: {  	v6 =	vld.idx.msk [tilespmem:v0+s24+$0xC50 ss:$0x1], $0xffff  }
0xa0: {  	v7 =	vld.idx.msk [tilespmem:v0+s24+$0xC60 ss:$0x1], $0xffff  }
0xa1: {  	v8 =	vld.idx.msk [tilespmem:v0+s24+$0xC70 ss:$0x1], $0xffff  }
0xa2: {  	[tilespmem:s23+$0xC00] =	vst.add.f32.msk $0xffff, v1  }
0xa3: {  	[tilespmem:s23+$0x2C00] =	vst.add.f32.msk $0xffff, v1  }
0xa4: {  	[tilespmem:s23+$0x4C00] =	vst.add.f32.msk $0xffff, v1  }
0xa5: {  	[tilespmem:s23+$0x6C00] =	vst.add.f32.msk $0xffff, v1  }
0xa6: {  	[tilespmem:s23+$0xC10] =	vst.add.f32.msk $0xffff, v2  }
0xa7: {  	[tilespmem:s23+$0x2C10] =	vst.add.f32.msk $0xffff, v2  }
0xa8: {  	[tilespmem:s23+$0x4C10] =	vst.add.f32.msk $0xffff, v2  }
0xa9: {  	[tilespmem:s23+$0x6C10] =	vst.add.f32.msk $0xffff, v2  }
0xaa: {  	[tilespmem:s23+$0xC20] =	vst.add.f32.msk $0xffff, v3  }
0xab: {  	[tilespmem:s23+$0x2C20] =	vst.add.f32.msk $0xffff, v3  }
0xac: {  	[tilespmem:s23+$0x4C20] =	vst.add.f32.msk $0xffff, v3  }
0xad: {  	[tilespmem:s23+$0x6C20] =	vst.add.f32.msk $0xffff, v3  }
0xae: {  	[tilespmem:s23+$0xC30] =	vst.add.f32.msk $0xffff, v4  }
0xaf: {  	[tilespmem:s23+$0x2C30] =	vst.add.f32.msk $0xffff, v4  }
0xb0: {  	[tilespmem:s23+$0x4C30] =	vst.add.f32.msk $0xffff, v4  }
0xb1: {  	[tilespmem:s23+$0x6C30] =	vst.add.f32.msk $0xffff, v4  }
0xb2: {  	[tilespmem:s23+$0xC40] =	vst.add.f32.msk $0xffff, v5  }
0xb3: {  	[tilespmem:s23+$0x2C40] =	vst.add.f32.msk $0xffff, v5  }
0xb4: {  	[tilespmem:s23+$0x4C40] =	vst.add.f32.msk $0xffff, v5  }
0xb5: {  	[tilespmem:s23+$0x6C40] =	vst.add.f32.msk $0xffff, v5  }
0xb6: {  	[tilespmem:s23+$0xC50] =	vst.add.f32.msk $0xffff, v6  }
0xb7: {  	[tilespmem:s23+$0x2C50] =	vst.add.f32.msk $0xffff, v6  }
0xb8: {  	[tilespmem:s23+$0x4C50] =	vst.add.f32.msk $0xffff, v6  }
0xb9: {  	[tilespmem:s23+$0x6C50] =	vst.add.f32.msk $0xffff, v6  }
0xba: {  	[tilespmem:s23+$0xC60] =	vst.add.f32.msk $0xffff, v7  }
0xbb: {  	[tilespmem:s23+$0x2C60] =	vst.add.f32.msk $0xffff, v7  }
0xbc: {  	[tilespmem:s23+$0x4C60] =	vst.add.f32.msk $0xffff, v7  }
0xbd: {  	[tilespmem:s23+$0x6C60] =	vst.add.f32.msk $0xffff, v7  }
0xbe: {  	[tilespmem:s23+$0xC70] =	vst.add.f32.msk $0xffff, v8  }
0xbf: {  	[tilespmem:s23+$0x2C70] =	vst.add.f32.msk $0xffff, v8  }
0xc0: {  	[tilespmem:s23+$0x4C70] =	vst.add.f32.msk $0xffff, v8  }
0xc1: {  	[tilespmem:s23+$0x6C70] =	vst.add.f32.msk $0xffff, v8  }
0xc2: {  	v1 =	vld.idx.msk [tilespmem:v0+s24+$0x1000 ss:$0x1], $0xffff  }
0xc3: {  	v2 =	vld.idx.msk [tilespmem:v0+s24+$0x1010 ss:$0x1], $0xffff  }
0xc4: {  	v3 =	vld.idx.msk [tilespmem:v0+s24+$0x1020 ss:$0x1], $0xffff  }
0xc5: {  	v4 =	vld.idx.msk [tilespmem:v0+s24+$0x1030 ss:$0x1], $0xffff  }
0xc6: {  	v5 =	vld.idx.msk [tilespmem:v0+s24+$0x1040 ss:$0x1], $0xffff  }
0xc7: {  	v6 =	vld.idx.msk [tilespmem:v0+s24+$0x1050 ss:$0x1], $0xffff  }
0xc8: {  	v7 =	vld.idx.msk [tilespmem:v0+s24+$0x1060 ss:$0x1], $0xffff  }
0xc9: {  	v8 =	vld.idx.msk [tilespmem:v0+s24+$0x1070 ss:$0x1], $0xffff  }
0xca: {  	[tilespmem:s23+$0x1000] =	vst.add.f32.msk $0xffff, v1  }
0xcb: {  	[tilespmem:s23+$0x3000] =	vst.add.f32.msk $0xffff, v1  }
0xcc: {  	[tilespmem:s23+$0x5000] =	vst.add.f32.msk $0xffff, v1  }
0xcd: {  	[tilespmem:s23+$0x7000] =	vst.add.f32.msk $0xffff, v1  }
0xce: {  	[tilespmem:s23+$0x1010] =	vst.add.f32.msk $0xffff, v2  }
0xcf: {  	[tilespmem:s23+$0x3010] =	vst.add.f32.msk $0xffff, v2  }
0xd0: {  	[tilespmem:s23+$0x5010] =	vst.add.f32.msk $0xffff, v2  }
0xd1: {  	[tilespmem:s23+$0x7010] =	vst.add.f32.msk $0xffff, v2  }
0xd2: {  	[tilespmem:s23+$0x1020] =	vst.add.f32.msk $0xffff, v3  }
0xd3: {  	[tilespmem:s23+$0x3020] =	vst.add.f32.msk $0xffff, v3  }
0xd4: {  	[tilespmem:s23+$0x5020] =	vst.add.f32.msk $0xffff, v3  }
0xd5: {  	[tilespmem:s23+$0x7020] =	vst.add.f32.msk $0xffff, v3  }
0xd6: {  	[tilespmem:s23+$0x1030] =	vst.add.f32.msk $0xffff, v4  }
0xd7: {  	[tilespmem:s23+$0x3030] =	vst.add.f32.msk $0xffff, v4  }
0xd8: {  	[tilespmem:s23+$0x5030] =	vst.add.f32.msk $0xffff, v4  }
0xd9: {  	[tilespmem:s23+$0x7030] =	vst.add.f32.msk $0xffff, v4  }
0xda: {  	[tilespmem:s23+$0x1040] =	vst.add.f32.msk $0xffff, v5  }
0xdb: {  	[tilespmem:s23+$0x3040] =	vst.add.f32.msk $0xffff, v5  }
0xdc: {  	[tilespmem:s23+$0x5040] =	vst.add.f32.msk $0xffff, v5  }
0xdd: {  	[tilespmem:s23+$0x7040] =	vst.add.f32.msk $0xffff, v5  }
0xde: {  	[tilespmem:s23+$0x1050] =	vst.add.f32.msk $0xffff, v6  }
0xdf: {  	[tilespmem:s23+$0x3050] =	vst.add.f32.msk $0xffff, v6  }
0xe0: {  	[tilespmem:s23+$0x5050] =	vst.add.f32.msk $0xffff, v6  }
0xe1: {  	[tilespmem:s23+$0x7050] =	vst.add.f32.msk $0xffff, v6  }
0xe2: {  	[tilespmem:s23+$0x1060] =	vst.add.f32.msk $0xffff, v7  }
0xe3: {  	[tilespmem:s23+$0x3060] =	vst.add.f32.msk $0xffff, v7  }
0xe4: {  	[tilespmem:s23+$0x5060] =	vst.add.f32.msk $0xffff, v7  }
0xe5: {  	[tilespmem:s23+$0x7060] =	vst.add.f32.msk $0xffff, v7  }
0xe6: {  	[tilespmem:s23+$0x1070] =	vst.add.f32.msk $0xffff, v8  }
0xe7: {  	[tilespmem:s23+$0x3070] =	vst.add.f32.msk $0xffff, v8  }
0xe8: {  	[tilespmem:s23+$0x5070] =	vst.add.f32.msk $0xffff, v8  }
0xe9: {  	[tilespmem:s23+$0x7070] =	vst.add.f32.msk $0xffff, v8  }
0xea: {  	v3 =	vld.idx.msk [tilespmem:v0+s24+$0x1400 ss:$0x1], $0xffff  }
0xeb: {  	v4 =	vld.idx.msk [tilespmem:v0+s24+$0x1410 ss:$0x1], $0xffff  }
0xec: {  	v5 =	vld.idx.msk [tilespmem:v0+s24+$0x1420 ss:$0x1], $0xffff  }
0xed: {  	v6 =	vld.idx.msk [tilespmem:v0+s24+$0x1430 ss:$0x1], $0xffff  }
0xee: {  	v7 =	vld.idx.msk [tilespmem:v0+s24+$0x1440 ss:$0x1], $0xffff  }
0xef: {  	v8 =	vld.idx.msk [tilespmem:v0+s24+$0x1450 ss:$0x1], $0xffff  }
0xf0: {  	v2 =	vld.idx.msk [tilespmem:v0+s24+$0x1460 ss:$0x1], $0xffff  }
0xf1: {  	v1 =	vld.idx.msk [tilespmem:v0+s24+$0x1470 ss:$0x1], $0xffff  }
0xf2: {  	[tilespmem:s23+$0x1400] =	vst.add.f32.msk $0xffff, v3  }
0xf3: {  	[tilespmem:s23+$0x3400] =	vst.add.f32.msk $0xffff, v3  }
0xf4: {  	[tilespmem:s23+$0x5400] =	vst.add.f32.msk $0xffff, v3  }
0xf5: {  	[tilespmem:s23+$0x7400] =	vst.add.f32.msk $0xffff, v3  }
0xf6: {  	[tilespmem:s23+$0x1410] =	vst.add.f32.msk $0xffff, v4  }
0xf7: {  	[tilespmem:s23+$0x3410] =	vst.add.f32.msk $0xffff, v4  }
0xf8: {  	[tilespmem:s23+$0x5410] =	vst.add.f32.msk $0xffff, v4  }
0xf9: {  	[tilespmem:s23+$0x7410] =	vst.add.f32.msk $0xffff, v4  }
0xfa: {  	[tilespmem:s23+$0x1420] =	vst.add.f32.msk $0xffff, v5  }
0xfb: {  	[tilespmem:s23+$0x3420] =	vst.add.f32.msk $0xffff, v5  }
0xfc: {  	[tilespmem:s23+$0x5420] =	vst.add.f32.msk $0xffff, v5  }
0xfd: {  	[tilespmem:s23+$0x7420] =	vst.add.f32.msk $0xffff, v5  }
0xfe: {  	[tilespmem:s23+$0x1430] =	vst.add.f32.msk $0xffff, v6  }
0xff: {  	[tilespmem:s23+$0x3430] =	vst.add.f32.msk $0xffff, v6  }
0x100: {  	[tilespmem:s23+$0x5430] =	vst.add.f32.msk $0xffff, v6  }
0x101: {  	[tilespmem:s23+$0x7430] =	vst.add.f32.msk $0xffff, v6  }
0x102: {  	[tilespmem:s23+$0x1440] =	vst.add.f32.msk $0xffff, v7  }
0x103: {  	[tilespmem:s23+$0x3440] =	vst.add.f32.msk $0xffff, v7  }
0x104: {  	[tilespmem:s23+$0x5440] =	vst.add.f32.msk $0xffff, v7  }
0x105: {  	[tilespmem:s23+$0x7440] =	vst.add.f32.msk $0xffff, v7  }
0x106: {  	[tilespmem:s23+$0x1450] =	vst.add.f32.msk $0xffff, v8  }
0x107: {  	[tilespmem:s23+$0x3450] =	vst.add.f32.msk $0xffff, v8  }
0x108: {  	[tilespmem:s23+$0x5450] =	vst.add.f32.msk $0xffff, v8  }
0x109: {  	[tilespmem:s23+$0x7450] =	vst.add.f32.msk $0xffff, v8  }
0x10a: {  	s25 =	simm.s32 $0x1;
	[tilespmem:s23+$0x1460] =	vst.add.f32.msk $0xffff, v2  }
.LBB2_3:
0x10b: {  	p0 =	sne.s32 s25, $0x7;
	[tilespmem:s23+$0x3460] =	vst.add.f32.msk $0xffff, v2  }
0x10c: {  	[tilespmem:s23+$0x5460] =	vst.add.f32.msk $0xffff, v2  }
0x10d: {  	[tilespmem:s23+$0x7460] =	vst.add.f32.msk $0xffff, v2  }
0x10e: {  	[tilespmem:s23+$0x1470] =	vst.add.f32.msk $0xffff, v1  }
0x10f: {  	[tilespmem:s23+$0x3470] =	vst.add.f32.msk $0xffff, v1  }
0x110: {  	[tilespmem:s23+$0x5470] =	vst.add.f32.msk $0xffff, v1  }
0x111: {  	[tilespmem:s23+$0x7470] =	vst.add.f32.msk $0xffff, v1  }
0x112: {  	v1 =	vld.idx.msk [tilespmem:v0+s24+$0x1800 ss:$0x1], $0xffff  }
0x113: {  	v2 =	vld.idx.msk [tilespmem:v0+s24+$0x1810 ss:$0x1], $0xffff  }
0x114: {  	v3 =	vld.idx.msk [tilespmem:v0+s24+$0x1820 ss:$0x1], $0xffff  }
0x115: {  	v4 =	vld.idx.msk [tilespmem:v0+s24+$0x1830 ss:$0x1], $0xffff  }
0x116: {  	v5 =	vld.idx.msk [tilespmem:v0+s24+$0x1840 ss:$0x1], $0xffff  }
0x117: {  	v6 =	vld.idx.msk [tilespmem:v0+s24+$0x1850 ss:$0x1], $0xffff  }
0x118: {  	v7 =	vld.idx.msk [tilespmem:v0+s24+$0x1860 ss:$0x1], $0xffff  }
0x119: {  	v8 =	vld.idx.msk [tilespmem:v0+s24+$0x1870 ss:$0x1], $0xffff  }
0x11a: {  	[tilespmem:s23+$0x1800] =	vst.add.f32.msk $0xffff, v1  }
0x11b: {  	[tilespmem:s23+$0x3800] =	vst.add.f32.msk $0xffff, v1  }
0x11c: {  	[tilespmem:s23+$0x5800] =	vst.add.f32.msk $0xffff, v1  }
0x11d: {  	[tilespmem:s23+$0x7800] =	vst.add.f32.msk $0xffff, v1  }
0x11e: {  	[tilespmem:s23+$0x1810] =	vst.add.f32.msk $0xffff, v2  }
0x11f: {  	[tilespmem:s23+$0x3810] =	vst.add.f32.msk $0xffff, v2  }
0x120: {  	[tilespmem:s23+$0x5810] =	vst.add.f32.msk $0xffff, v2  }
0x121: {  	[tilespmem:s23+$0x7810] =	vst.add.f32.msk $0xffff, v2  }
0x122: {  	[tilespmem:s23+$0x1820] =	vst.add.f32.msk $0xffff, v3  }
0x123: {  	[tilespmem:s23+$0x3820] =	vst.add.f32.msk $0xffff, v3  }
0x124: {  	[tilespmem:s23+$0x5820] =	vst.add.f32.msk $0xffff, v3  }
0x125: {  	[tilespmem:s23+$0x7820] =	vst.add.f32.msk $0xffff, v3  }
0x126: {  	[tilespmem:s23+$0x1830] =	vst.add.f32.msk $0xffff, v4  }
0x127: {  	[tilespmem:s23+$0x3830] =	vst.add.f32.msk $0xffff, v4  }
0x128: {  	[tilespmem:s23+$0x5830] =	vst.add.f32.msk $0xffff, v4  }
0x129: {  	[tilespmem:s23+$0x7830] =	vst.add.f32.msk $0xffff, v4  }
0x12a: {  	[tilespmem:s23+$0x1840] =	vst.add.f32.msk $0xffff, v5  }
0x12b: {  	[tilespmem:s23+$0x3840] =	vst.add.f32.msk $0xffff, v5  }
0x12c: {  	[tilespmem:s23+$0x5840] =	vst.add.f32.msk $0xffff, v5  }
0x12d: {  	[tilespmem:s23+$0x7840] =	vst.add.f32.msk $0xffff, v5  }
0x12e: {  	[tilespmem:s23+$0x1850] =	vst.add.f32.msk $0xffff, v6  }
0x12f: {  	[tilespmem:s23+$0x3850] =	vst.add.f32.msk $0xffff, v6  }
0x130: {  	[tilespmem:s23+$0x5850] =	vst.add.f32.msk $0xffff, v6  }
0x131: {  	[tilespmem:s23+$0x7850] =	vst.add.f32.msk $0xffff, v6  }
0x132: {  	[tilespmem:s23+$0x1860] =	vst.add.f32.msk $0xffff, v7  }
0x133: {  	[tilespmem:s23+$0x3860] =	vst.add.f32.msk $0xffff, v7  }
0x134: {  	[tilespmem:s23+$0x5860] =	vst.add.f32.msk $0xffff, v7  }
0x135: {  	[tilespmem:s23+$0x7860] =	vst.add.f32.msk $0xffff, v7  }
0x136: {  	[tilespmem:s23+$0x1870] =	vst.add.f32.msk $0xffff, v8  }
0x137: {  	[tilespmem:s23+$0x3870] =	vst.add.f32.msk $0xffff, v8  }
0x138: {  	[tilespmem:s23+$0x5870] =	vst.add.f32.msk $0xffff, v8  }
0x139: {  	[tilespmem:s23+$0x7870] =	vst.add.f32.msk $0xffff, v8  }
0x13a: {  	v1 =	vld.idx.msk [tilespmem:v0+s24+$0x1C00 ss:$0x1], $0xffff  }
0x13b: {  	v2 =	vld.idx.msk [tilespmem:v0+s24+$0x1C10 ss:$0x1], $0xffff  }
0x13c: {  	v3 =	vld.idx.msk [tilespmem:v0+s24+$0x1C70 ss:$0x1], $0xffff  }
0x13d: {  	v4 =	vld.idx.msk [tilespmem:v0+s24+$0x1C20 ss:$0x1], $0xffff  }
0x13e: {  	v5 =	vld.idx.msk [tilespmem:v0+s24+$0x1C30 ss:$0x1], $0xffff  }
0x13f: {  	v6 =	vld.idx.msk [tilespmem:v0+s24+$0x1C40 ss:$0x1], $0xffff  }
0x140: {  	v7 =	vld.idx.msk [tilespmem:v0+s24+$0x1C50 ss:$0x1], $0xffff  }
0x141: {  	v8 =	vld.idx.msk [tilespmem:v0+s24+$0x1C60 ss:$0x1], $0xffff  }
0x142: {  	[tilespmem:s23+$0x7C70] =	vst.add.f32.msk $0xffff, v3  }
0x143: {  	[tilespmem:s23+$0x1C00] =	vst.add.f32.msk $0xffff, v1  }
0x144: {  	[tilespmem:s23+$0x3C00] =	vst.add.f32.msk $0xffff, v1  }
0x145: {  	[tilespmem:s23+$0x5C00] =	vst.add.f32.msk $0xffff, v1  }
0x146: {  	[tilespmem:s23+$0x7C00] =	vst.add.f32.msk $0xffff, v1  }
0x147: {  	[tilespmem:s23+$0x1C10] =	vst.add.f32.msk $0xffff, v2  }
0x148: {  	[tilespmem:s23+$0x3C10] =	vst.add.f32.msk $0xffff, v2  }
0x149: {  	[tilespmem:s23+$0x5C10] =	vst.add.f32.msk $0xffff, v2  }
0x14a: {  	[tilespmem:s23+$0x7C10] =	vst.add.f32.msk $0xffff, v2  }
0x14b: {  	[tilespmem:s23+$0x1C20] =	vst.add.f32.msk $0xffff, v4  }
0x14c: {  	[tilespmem:s23+$0x3C20] =	vst.add.f32.msk $0xffff, v4  }
0x14d: {  	[tilespmem:s23+$0x5C20] =	vst.add.f32.msk $0xffff, v4  }
0x14e: {  	[tilespmem:s23+$0x7C20] =	vst.add.f32.msk $0xffff, v4  }
0x14f: {  	[tilespmem:s23+$0x1C30] =	vst.add.f32.msk $0xffff, v5  }
0x150: {  	[tilespmem:s23+$0x3C30] =	vst.add.f32.msk $0xffff, v5  }
0x151: {  	[tilespmem:s23+$0x5C30] =	vst.add.f32.msk $0xffff, v5  }
0x152: {  	[tilespmem:s23+$0x7C30] =	vst.add.f32.msk $0xffff, v5  }
0x153: {  	[tilespmem:s23+$0x1C40] =	vst.add.f32.msk $0xffff, v6  }
0x154: {  	[tilespmem:s23+$0x3C40] =	vst.add.f32.msk $0xffff, v6  }
0x155: {  	[tilespmem:s23+$0x5C40] =	vst.add.f32.msk $0xffff, v6  }
0x156: {  	[tilespmem:s23+$0x7C40] =	vst.add.f32.msk $0xffff, v6  }
0x157: {  	[tilespmem:s23+$0x1C50] =	vst.add.f32.msk $0xffff, v7  }
0x158: {  	[tilespmem:s23+$0x3C50] =	vst.add.f32.msk $0xffff, v7  }
0x159: {  	[tilespmem:s23+$0x5C50] =	vst.add.f32.msk $0xffff, v7  }
0x15a: {  	[tilespmem:s23+$0x7C50] =	vst.add.f32.msk $0xffff, v7  }
0x15b: {  	[tilespmem:s23+$0x1C60] =	vst.add.f32.msk $0xffff, v8  }
0x15c: {  	[tilespmem:s23+$0x3C60] =	vst.add.f32.msk $0xffff, v8  }
0x15d: {  	[tilespmem:s23+$0x5C60] =	vst.add.f32.msk $0xffff, v8  }
0x15e: {  	[tilespmem:s23+$0x7C60] =	vst.add.f32.msk $0xffff, v8  }
0x15f: {  	[tilespmem:s23+$0x1C70] =	vst.add.f32.msk $0xffff, v3  }
0x160: {  	[tilespmem:s23+$0x3C70] =	vst.add.f32.msk $0xffff, v3  }
0x161: {  	s24 =	sshll.u32 s25, $0x7;
	[tilespmem:s23+$0x5C70] =	vst.add.f32.msk $0xffff, v3  }
0x162: {  	v1 =	vld.idx.msk [tilespmem:v0+s24+$0x0 ss:$0x1], $0xffff  }
0x163: {  	v2 =	vld.idx.msk [tilespmem:v0+s24+$0x10 ss:$0x1], $0xffff  }
0x164: {  	v3 =	vld.idx.msk [tilespmem:v0+s24+$0x20 ss:$0x1], $0xffff  }
0x165: {  	v4 =	vld.idx.msk [tilespmem:v0+s24+$0x30 ss:$0x1], $0xffff  }
0x166: {  	v5 =	vld.idx.msk [tilespmem:v0+s24+$0x40 ss:$0x1], $0xffff  }
0x167: {  	v6 =	vld.idx.msk [tilespmem:v0+s24+$0x50 ss:$0x1], $0xffff  }
0x168: {  	v7 =	vld.idx.msk [tilespmem:v0+s24+$0x60 ss:$0x1], $0xffff  }
0x169: {  	s23 =	sadd.s32 s24, s22;
	v8 =	vld.idx.msk [tilespmem:v0+s24+$0x70 ss:$0x1], $0xffff  }
0x16a: {  	[tilespmem:s23+$0x0] =	vst.add.f32.msk $0xffff, v1  }
0x16b: {  	[tilespmem:s23+$0x2000] =	vst.add.f32.msk $0xffff, v1  }
0x16c: {  	[tilespmem:s23+$0x4000] =	vst.add.f32.msk $0xffff, v1  }
0x16d: {  	[tilespmem:s23+$0x6000] =	vst.add.f32.msk $0xffff, v1  }
0x16e: {  	[tilespmem:s23+$0x10] =	vst.add.f32.msk $0xffff, v2  }
0x16f: {  	[tilespmem:s23+$0x2010] =	vst.add.f32.msk $0xffff, v2  }
0x170: {  	[tilespmem:s23+$0x4010] =	vst.add.f32.msk $0xffff, v2  }
0x171: {  	[tilespmem:s23+$0x6010] =	vst.add.f32.msk $0xffff, v2  }
0x172: {  	[tilespmem:s23+$0x20] =	vst.add.f32.msk $0xffff, v3  }
0x173: {  	[tilespmem:s23+$0x2020] =	vst.add.f32.msk $0xffff, v3  }
0x174: {  	[tilespmem:s23+$0x4020] =	vst.add.f32.msk $0xffff, v3  }
0x175: {  	[tilespmem:s23+$0x6020] =	vst.add.f32.msk $0xffff, v3  }
0x176: {  	[tilespmem:s23+$0x30] =	vst.add.f32.msk $0xffff, v4  }
0x177: {  	[tilespmem:s23+$0x2030] =	vst.add.f32.msk $0xffff, v4  }
0x178: {  	[tilespmem:s23+$0x4030] =	vst.add.f32.msk $0xffff, v4  }
0x179: {  	[tilespmem:s23+$0x6030] =	vst.add.f32.msk $0xffff, v4  }
0x17a: {  	[tilespmem:s23+$0x40] =	vst.add.f32.msk $0xffff, v5  }
0x17b: {  	[tilespmem:s23+$0x2040] =	vst.add.f32.msk $0xffff, v5  }
0x17c: {  	[tilespmem:s23+$0x4040] =	vst.add.f32.msk $0xffff, v5  }
0x17d: {  	[tilespmem:s23+$0x6040] =	vst.add.f32.msk $0xffff, v5  }
0x17e: {  	[tilespmem:s23+$0x50] =	vst.add.f32.msk $0xffff, v6  }
0x17f: {  	[tilespmem:s23+$0x2050] =	vst.add.f32.msk $0xffff, v6  }
0x180: {  	[tilespmem:s23+$0x4050] =	vst.add.f32.msk $0xffff, v6  }
0x181: {  	[tilespmem:s23+$0x6050] =	vst.add.f32.msk $0xffff, v6  }
0x182: {  	[tilespmem:s23+$0x60] =	vst.add.f32.msk $0xffff, v7  }
0x183: {  	[tilespmem:s23+$0x2060] =	vst.add.f32.msk $0xffff, v7  }
0x184: {  	[tilespmem:s23+$0x4060] =	vst.add.f32.msk $0xffff, v7  }
0x185: {  	[tilespmem:s23+$0x6060] =	vst.add.f32.msk $0xffff, v7  }
0x186: {  	[tilespmem:s23+$0x70] =	vst.add.f32.msk $0xffff, v8  }
0x187: {  	[tilespmem:s23+$0x2070] =	vst.add.f32.msk $0xffff, v8  }
0x188: {  	[tilespmem:s23+$0x4070] =	vst.add.f32.msk $0xffff, v8  }
0x189: {  	[tilespmem:s23+$0x6070] =	vst.add.f32.msk $0xffff, v8  }
0x18a: {  	v1 =	vld.idx.msk [tilespmem:v0+s24+$0x400 ss:$0x1], $0xffff  }
0x18b: {  	v2 =	vld.idx.msk [tilespmem:v0+s24+$0x410 ss:$0x1], $0xffff  }
0x18c: {  	v3 =	vld.idx.msk [tilespmem:v0+s24+$0x420 ss:$0x1], $0xffff  }
0x18d: {  	v4 =	vld.idx.msk [tilespmem:v0+s24+$0x430 ss:$0x1], $0xffff  }
0x18e: {  	v5 =	vld.idx.msk [tilespmem:v0+s24+$0x440 ss:$0x1], $0xffff  }
0x18f: {  	v6 =	vld.idx.msk [tilespmem:v0+s24+$0x450 ss:$0x1], $0xffff  }
0x190: {  	v7 =	vld.idx.msk [tilespmem:v0+s24+$0x460 ss:$0x1], $0xffff  }
0x191: {  	v8 =	vld.idx.msk [tilespmem:v0+s24+$0x470 ss:$0x1], $0xffff  }
0x192: {  	[tilespmem:s23+$0x400] =	vst.add.f32.msk $0xffff, v1  }
0x193: {  	[tilespmem:s23+$0x2400] =	vst.add.f32.msk $0xffff, v1  }
0x194: {  	[tilespmem:s23+$0x4400] =	vst.add.f32.msk $0xffff, v1  }
0x195: {  	[tilespmem:s23+$0x6400] =	vst.add.f32.msk $0xffff, v1  }
0x196: {  	[tilespmem:s23+$0x410] =	vst.add.f32.msk $0xffff, v2  }
0x197: {  	[tilespmem:s23+$0x2410] =	vst.add.f32.msk $0xffff, v2  }
0x198: {  	[tilespmem:s23+$0x4410] =	vst.add.f32.msk $0xffff, v2  }
0x199: {  	[tilespmem:s23+$0x6410] =	vst.add.f32.msk $0xffff, v2  }
0x19a: {  	[tilespmem:s23+$0x420] =	vst.add.f32.msk $0xffff, v3  }
0x19b: {  	[tilespmem:s23+$0x2420] =	vst.add.f32.msk $0xffff, v3  }
0x19c: {  	[tilespmem:s23+$0x4420] =	vst.add.f32.msk $0xffff, v3  }
0x19d: {  	[tilespmem:s23+$0x6420] =	vst.add.f32.msk $0xffff, v3  }
0x19e: {  	[tilespmem:s23+$0x430] =	vst.add.f32.msk $0xffff, v4  }
0x19f: {  	[tilespmem:s23+$0x2430] =	vst.add.f32.msk $0xffff, v4  }
0x1a0: {  	[tilespmem:s23+$0x4430] =	vst.add.f32.msk $0xffff, v4  }
0x1a1: {  	[tilespmem:s23+$0x6430] =	vst.add.f32.msk $0xffff, v4  }
0x1a2: {  	[tilespmem:s23+$0x440] =	vst.add.f32.msk $0xffff, v5  }
0x1a3: {  	[tilespmem:s23+$0x2440] =	vst.add.f32.msk $0xffff, v5  }
0x1a4: {  	[tilespmem:s23+$0x4440] =	vst.add.f32.msk $0xffff, v5  }
0x1a5: {  	[tilespmem:s23+$0x6440] =	vst.add.f32.msk $0xffff, v5  }
0x1a6: {  	[tilespmem:s23+$0x450] =	vst.add.f32.msk $0xffff, v6  }
0x1a7: {  	[tilespmem:s23+$0x2450] =	vst.add.f32.msk $0xffff, v6  }
0x1a8: {  	[tilespmem:s23+$0x4450] =	vst.add.f32.msk $0xffff, v6  }
0x1a9: {  	[tilespmem:s23+$0x6450] =	vst.add.f32.msk $0xffff, v6  }
0x1aa: {  	[tilespmem:s23+$0x460] =	vst.add.f32.msk $0xffff, v7  }
0x1ab: {  	[tilespmem:s23+$0x2460] =	vst.add.f32.msk $0xffff, v7  }
0x1ac: {  	[tilespmem:s23+$0x4460] =	vst.add.f32.msk $0xffff, v7  }
0x1ad: {  	[tilespmem:s23+$0x6460] =	vst.add.f32.msk $0xffff, v7  }
0x1ae: {  	[tilespmem:s23+$0x470] =	vst.add.f32.msk $0xffff, v8  }
0x1af: {  	[tilespmem:s23+$0x2470] =	vst.add.f32.msk $0xffff, v8  }
0x1b0: {  	[tilespmem:s23+$0x4470] =	vst.add.f32.msk $0xffff, v8  }
0x1b1: {  	[tilespmem:s23+$0x6470] =	vst.add.f32.msk $0xffff, v8  }
0x1b2: {  	v1 =	vld.idx.msk [tilespmem:v0+s24+$0x800 ss:$0x1], $0xffff  }
0x1b3: {  	v2 =	vld.idx.msk [tilespmem:v0+s24+$0x810 ss:$0x1], $0xffff  }
0x1b4: {  	v3 =	vld.idx.msk [tilespmem:v0+s24+$0x820 ss:$0x1], $0xffff  }
0x1b5: {  	v4 =	vld.idx.msk [tilespmem:v0+s24+$0x830 ss:$0x1], $0xffff  }
0x1b6: {  	v5 =	vld.idx.msk [tilespmem:v0+s24+$0x840 ss:$0x1], $0xffff  }
0x1b7: {  	v6 =	vld.idx.msk [tilespmem:v0+s24+$0x850 ss:$0x1], $0xffff  }
0x1b8: {  	v7 =	vld.idx.msk [tilespmem:v0+s24+$0x860 ss:$0x1], $0xffff  }
0x1b9: {  	v8 =	vld.idx.msk [tilespmem:v0+s24+$0x870 ss:$0x1], $0xffff  }
0x1ba: {  	[tilespmem:s23+$0x800] =	vst.add.f32.msk $0xffff, v1  }
0x1bb: {  	[tilespmem:s23+$0x2800] =	vst.add.f32.msk $0xffff, v1  }
0x1bc: {  	[tilespmem:s23+$0x4800] =	vst.add.f32.msk $0xffff, v1  }
0x1bd: {  	[tilespmem:s23+$0x6800] =	vst.add.f32.msk $0xffff, v1  }
0x1be: {  	[tilespmem:s23+$0x810] =	vst.add.f32.msk $0xffff, v2  }
0x1bf: {  	[tilespmem:s23+$0x2810] =	vst.add.f32.msk $0xffff, v2  }
0x1c0: {  	[tilespmem:s23+$0x4810] =	vst.add.f32.msk $0xffff, v2  }
0x1c1: {  	[tilespmem:s23+$0x6810] =	vst.add.f32.msk $0xffff, v2  }
0x1c2: {  	[tilespmem:s23+$0x820] =	vst.add.f32.msk $0xffff, v3  }
0x1c3: {  	[tilespmem:s23+$0x2820] =	vst.add.f32.msk $0xffff, v3  }
0x1c4: {  	[tilespmem:s23+$0x4820] =	vst.add.f32.msk $0xffff, v3  }
0x1c5: {  	[tilespmem:s23+$0x6820] =	vst.add.f32.msk $0xffff, v3  }
0x1c6: {  	[tilespmem:s23+$0x830] =	vst.add.f32.msk $0xffff, v4  }
0x1c7: {  	[tilespmem:s23+$0x2830] =	vst.add.f32.msk $0xffff, v4  }
0x1c8: {  	[tilespmem:s23+$0x4830] =	vst.add.f32.msk $0xffff, v4  }
0x1c9: {  	[tilespmem:s23+$0x6830] =	vst.add.f32.msk $0xffff, v4  }
0x1ca: {  	[tilespmem:s23+$0x840] =	vst.add.f32.msk $0xffff, v5  }
0x1cb: {  	[tilespmem:s23+$0x2840] =	vst.add.f32.msk $0xffff, v5  }
0x1cc: {  	[tilespmem:s23+$0x4840] =	vst.add.f32.msk $0xffff, v5  }
0x1cd: {  	[tilespmem:s23+$0x6840] =	vst.add.f32.msk $0xffff, v5  }
0x1ce: {  	[tilespmem:s23+$0x850] =	vst.add.f32.msk $0xffff, v6  }
0x1cf: {  	[tilespmem:s23+$0x2850] =	vst.add.f32.msk $0xffff, v6  }
0x1d0: {  	[tilespmem:s23+$0x4850] =	vst.add.f32.msk $0xffff, v6  }
0x1d1: {  	[tilespmem:s23+$0x6850] =	vst.add.f32.msk $0xffff, v6  }
0x1d2: {  	[tilespmem:s23+$0x860] =	vst.add.f32.msk $0xffff, v7  }
0x1d3: {  	[tilespmem:s23+$0x2860] =	vst.add.f32.msk $0xffff, v7  }
0x1d4: {  	[tilespmem:s23+$0x4860] =	vst.add.f32.msk $0xffff, v7  }
0x1d5: {  	[tilespmem:s23+$0x6860] =	vst.add.f32.msk $0xffff, v7  }
0x1d6: {  	[tilespmem:s23+$0x870] =	vst.add.f32.msk $0xffff, v8  }
0x1d7: {  	[tilespmem:s23+$0x2870] =	vst.add.f32.msk $0xffff, v8  }
0x1d8: {  	[tilespmem:s23+$0x4870] =	vst.add.f32.msk $0xffff, v8  }
0x1d9: {  	[tilespmem:s23+$0x6870] =	vst.add.f32.msk $0xffff, v8  }
0x1da: {  	v1 =	vld.idx.msk [tilespmem:v0+s24+$0xC00 ss:$0x1], $0xffff  }
0x1db: {  	v2 =	vld.idx.msk [tilespmem:v0+s24+$0xC10 ss:$0x1], $0xffff  }
0x1dc: {  	v3 =	vld.idx.msk [tilespmem:v0+s24+$0xC20 ss:$0x1], $0xffff  }
0x1dd: {  	v4 =	vld.idx.msk [tilespmem:v0+s24+$0xC30 ss:$0x1], $0xffff  }
0x1de: {  	v5 =	vld.idx.msk [tilespmem:v0+s24+$0xC40 ss:$0x1], $0xffff  }
0x1df: {  	v6 =	vld.idx.msk [tilespmem:v0+s24+$0xC50 ss:$0x1], $0xffff  }
0x1e0: {  	v7 =	vld.idx.msk [tilespmem:v0+s24+$0xC60 ss:$0x1], $0xffff  }
0x1e1: {  	v8 =	vld.idx.msk [tilespmem:v0+s24+$0xC70 ss:$0x1], $0xffff  }
0x1e2: {  	[tilespmem:s23+$0xC00] =	vst.add.f32.msk $0xffff, v1  }
0x1e3: {  	[tilespmem:s23+$0x2C00] =	vst.add.f32.msk $0xffff, v1  }
0x1e4: {  	[tilespmem:s23+$0x4C00] =	vst.add.f32.msk $0xffff, v1  }
0x1e5: {  	[tilespmem:s23+$0x6C00] =	vst.add.f32.msk $0xffff, v1  }
0x1e6: {  	[tilespmem:s23+$0xC10] =	vst.add.f32.msk $0xffff, v2  }
0x1e7: {  	[tilespmem:s23+$0x2C10] =	vst.add.f32.msk $0xffff, v2  }
0x1e8: {  	[tilespmem:s23+$0x4C10] =	vst.add.f32.msk $0xffff, v2  }
0x1e9: {  	[tilespmem:s23+$0x6C10] =	vst.add.f32.msk $0xffff, v2  }
0x1ea: {  	[tilespmem:s23+$0xC20] =	vst.add.f32.msk $0xffff, v3  }
0x1eb: {  	[tilespmem:s23+$0x2C20] =	vst.add.f32.msk $0xffff, v3  }
0x1ec: {  	[tilespmem:s23+$0x4C20] =	vst.add.f32.msk $0xffff, v3  }
0x1ed: {  	[tilespmem:s23+$0x6C20] =	vst.add.f32.msk $0xffff, v3  }
0x1ee: {  	[tilespmem:s23+$0xC30] =	vst.add.f32.msk $0xffff, v4  }
0x1ef: {  	[tilespmem:s23+$0x2C30] =	vst.add.f32.msk $0xffff, v4  }
0x1f0: {  	[tilespmem:s23+$0x4C30] =	vst.add.f32.msk $0xffff, v4  }
0x1f1: {  	[tilespmem:s23+$0x6C30] =	vst.add.f32.msk $0xffff, v4  }
0x1f2: {  	[tilespmem:s23+$0xC40] =	vst.add.f32.msk $0xffff, v5  }
0x1f3: {  	[tilespmem:s23+$0x2C40] =	vst.add.f32.msk $0xffff, v5  }
0x1f4: {  	[tilespmem:s23+$0x4C40] =	vst.add.f32.msk $0xffff, v5  }
0x1f5: {  	[tilespmem:s23+$0x6C40] =	vst.add.f32.msk $0xffff, v5  }
0x1f6: {  	[tilespmem:s23+$0xC50] =	vst.add.f32.msk $0xffff, v6  }
0x1f7: {  	[tilespmem:s23+$0x2C50] =	vst.add.f32.msk $0xffff, v6  }
0x1f8: {  	[tilespmem:s23+$0x4C50] =	vst.add.f32.msk $0xffff, v6  }
0x1f9: {  	[tilespmem:s23+$0x6C50] =	vst.add.f32.msk $0xffff, v6  }
0x1fa: {  	[tilespmem:s23+$0xC60] =	vst.add.f32.msk $0xffff, v7  }
0x1fb: {  	[tilespmem:s23+$0x2C60] =	vst.add.f32.msk $0xffff, v7  }
0x1fc: {  	[tilespmem:s23+$0x4C60] =	vst.add.f32.msk $0xffff, v7  }
0x1fd: {  	[tilespmem:s23+$0x6C60] =	vst.add.f32.msk $0xffff, v7  }
0x1fe: {  	[tilespmem:s23+$0xC70] =	vst.add.f32.msk $0xffff, v8  }
0x1ff: {  	[tilespmem:s23+$0x2C70] =	vst.add.f32.msk $0xffff, v8  }
0x200: {  	[tilespmem:s23+$0x4C70] =	vst.add.f32.msk $0xffff, v8  }
0x201: {  	[tilespmem:s23+$0x6C70] =	vst.add.f32.msk $0xffff, v8  }
0x202: {  	v1 =	vld.idx.msk [tilespmem:v0+s24+$0x1000 ss:$0x1], $0xffff  }
0x203: {  	v2 =	vld.idx.msk [tilespmem:v0+s24+$0x1010 ss:$0x1], $0xffff  }
0x204: {  	v3 =	vld.idx.msk [tilespmem:v0+s24+$0x1020 ss:$0x1], $0xffff  }
0x205: {  	v4 =	vld.idx.msk [tilespmem:v0+s24+$0x1030 ss:$0x1], $0xffff  }
0x206: {  	v5 =	vld.idx.msk [tilespmem:v0+s24+$0x1040 ss:$0x1], $0xffff  }
0x207: {  	v6 =	vld.idx.msk [tilespmem:v0+s24+$0x1050 ss:$0x1], $0xffff  }
0x208: {  	v7 =	vld.idx.msk [tilespmem:v0+s24+$0x1060 ss:$0x1], $0xffff  }
0x209: {  	v8 =	vld.idx.msk [tilespmem:v0+s24+$0x1070 ss:$0x1], $0xffff  }
0x20a: {  	[tilespmem:s23+$0x1000] =	vst.add.f32.msk $0xffff, v1  }
0x20b: {  	[tilespmem:s23+$0x3000] =	vst.add.f32.msk $0xffff, v1  }
0x20c: {  	[tilespmem:s23+$0x5000] =	vst.add.f32.msk $0xffff, v1  }
0x20d: {  	[tilespmem:s23+$0x7000] =	vst.add.f32.msk $0xffff, v1  }
0x20e: {  	[tilespmem:s23+$0x1010] =	vst.add.f32.msk $0xffff, v2  }
0x20f: {  	[tilespmem:s23+$0x3010] =	vst.add.f32.msk $0xffff, v2  }
0x210: {  	[tilespmem:s23+$0x5010] =	vst.add.f32.msk $0xffff, v2  }
0x211: {  	[tilespmem:s23+$0x7010] =	vst.add.f32.msk $0xffff, v2  }
0x212: {  	[tilespmem:s23+$0x1020] =	vst.add.f32.msk $0xffff, v3  }
0x213: {  	[tilespmem:s23+$0x3020] =	vst.add.f32.msk $0xffff, v3  }
0x214: {  	[tilespmem:s23+$0x5020] =	vst.add.f32.msk $0xffff, v3  }
0x215: {  	[tilespmem:s23+$0x7020] =	vst.add.f32.msk $0xffff, v3  }
0x216: {  	[tilespmem:s23+$0x1030] =	vst.add.f32.msk $0xffff, v4  }
0x217: {  	[tilespmem:s23+$0x3030] =	vst.add.f32.msk $0xffff, v4  }
0x218: {  	[tilespmem:s23+$0x5030] =	vst.add.f32.msk $0xffff, v4  }
0x219: {  	[tilespmem:s23+$0x7030] =	vst.add.f32.msk $0xffff, v4  }
0x21a: {  	[tilespmem:s23+$0x1040] =	vst.add.f32.msk $0xffff, v5  }
0x21b: {  	[tilespmem:s23+$0x3040] =	vst.add.f32.msk $0xffff, v5  }
0x21c: {  	[tilespmem:s23+$0x5040] =	vst.add.f32.msk $0xffff, v5  }
0x21d: {  	[tilespmem:s23+$0x7040] =	vst.add.f32.msk $0xffff, v5  }
0x21e: {  	[tilespmem:s23+$0x1050] =	vst.add.f32.msk $0xffff, v6  }
0x21f: {  	[tilespmem:s23+$0x3050] =	vst.add.f32.msk $0xffff, v6  }
0x220: {  	[tilespmem:s23+$0x5050] =	vst.add.f32.msk $0xffff, v6  }
0x221: {  	[tilespmem:s23+$0x7050] =	vst.add.f32.msk $0xffff, v6  }
0x222: {  	[tilespmem:s23+$0x1060] =	vst.add.f32.msk $0xffff, v7  }
0x223: {  	[tilespmem:s23+$0x3060] =	vst.add.f32.msk $0xffff, v7  }
0x224: {  	[tilespmem:s23+$0x5060] =	vst.add.f32.msk $0xffff, v7  }
0x225: {  	[tilespmem:s23+$0x7060] =	vst.add.f32.msk $0xffff, v7  }
0x226: {  	[tilespmem:s23+$0x1070] =	vst.add.f32.msk $0xffff, v8  }
0x227: {  	[tilespmem:s23+$0x3070] =	vst.add.f32.msk $0xffff, v8  }
0x228: {  	[tilespmem:s23+$0x5070] =	vst.add.f32.msk $0xffff, v8  }
0x229: {  	[tilespmem:s23+$0x7070] =	vst.add.f32.msk $0xffff, v8  }
0x22a: {  	v3 =	vld.idx.msk [tilespmem:v0+s24+$0x1400 ss:$0x1], $0xffff  }
0x22b: {  	v4 =	vld.idx.msk [tilespmem:v0+s24+$0x1410 ss:$0x1], $0xffff  }
0x22c: {  	v5 =	vld.idx.msk [tilespmem:v0+s24+$0x1420 ss:$0x1], $0xffff  }
0x22d: {  	v6 =	vld.idx.msk [tilespmem:v0+s24+$0x1430 ss:$0x1], $0xffff  }
0x22e: {  	v7 =	vld.idx.msk [tilespmem:v0+s24+$0x1440 ss:$0x1], $0xffff  }
0x22f: {  	v8 =	vld.idx.msk [tilespmem:v0+s24+$0x1450 ss:$0x1], $0xffff  }
0x230: {  	v2 =	vld.idx.msk [tilespmem:v0+s24+$0x1460 ss:$0x1], $0xffff  }
0x231: {  	v1 =	vld.idx.msk [tilespmem:v0+s24+$0x1470 ss:$0x1], $0xffff  }
0x232: {  	[tilespmem:s23+$0x1400] =	vst.add.f32.msk $0xffff, v3  }
0x233: {  	[tilespmem:s23+$0x3400] =	vst.add.f32.msk $0xffff, v3  }
0x234: {  	[tilespmem:s23+$0x5400] =	vst.add.f32.msk $0xffff, v3  }
0x235: {  	[tilespmem:s23+$0x7400] =	vst.add.f32.msk $0xffff, v3  }
0x236: {  	[tilespmem:s23+$0x1410] =	vst.add.f32.msk $0xffff, v4  }
0x237: {  	[tilespmem:s23+$0x3410] =	vst.add.f32.msk $0xffff, v4  }
0x238: {  	[tilespmem:s23+$0x5410] =	vst.add.f32.msk $0xffff, v4  }
0x239: {  	[tilespmem:s23+$0x7410] =	vst.add.f32.msk $0xffff, v4  }
0x23a: {  	[tilespmem:s23+$0x1420] =	vst.add.f32.msk $0xffff, v5  }
0x23b: {  	[tilespmem:s23+$0x3420] =	vst.add.f32.msk $0xffff, v5  }
0x23c: {  	[tilespmem:s23+$0x5420] =	vst.add.f32.msk $0xffff, v5  }
0x23d: {  	[tilespmem:s23+$0x7420] =	vst.add.f32.msk $0xffff, v5  }
0x23e: {  	[tilespmem:s23+$0x1430] =	vst.add.f32.msk $0xffff, v6  }
0x23f: {  	[tilespmem:s23+$0x3430] =	vst.add.f32.msk $0xffff, v6  }
0x240: {  	[tilespmem:s23+$0x5430] =	vst.add.f32.msk $0xffff, v6  }
0x241: {  	[tilespmem:s23+$0x7430] =	vst.add.f32.msk $0xffff, v6  }
0x242: {  	[tilespmem:s23+$0x1440] =	vst.add.f32.msk $0xffff, v7  }
0x243: {  	[tilespmem:s23+$0x3440] =	vst.add.f32.msk $0xffff, v7  }
0x244: {  	[tilespmem:s23+$0x5440] =	vst.add.f32.msk $0xffff, v7  }
0x245: {  	[tilespmem:s23+$0x7440] =	vst.add.f32.msk $0xffff, v7  }
.Ltmp0:
0x246: {  	[tilespmem:s23+$0x1450] =	vst.add.f32.msk $0xffff, v8;
	(pc) =	sbr.rel @p0 .LBB2_3-.Ltmp0, $4  }
0x247: {  	[tilespmem:s23+$0x3450] =	vst.add.f32.msk $0xffff, v8  }
0x248: {  	[tilespmem:s23+$0x5450] =	vst.add.f32.msk $0xffff, v8  }
0x249: {  	[tilespmem:s23+$0x7450] =	vst.add.f32.msk $0xffff, v8  }
0x24a: {  	s25 =	sadd.s32 $0x1, s25;
	[tilespmem:s23+$0x1460] =	vst.add.f32.msk $0xffff, v2  }
0x24b: {  	[tilespmem:s23+$0x3460] =	vst.add.f32.msk $0xffff, v2  }
0x24c: {  	[tilespmem:s23+$0x5460] =	vst.add.f32.msk $0xffff, v2  }
0x24d: {  	[tilespmem:s23+$0x7460] =	vst.add.f32.msk $0xffff, v2  }
0x24e: {  	[tilespmem:s23+$0x1470] =	vst.add.f32.msk $0xffff, v1  }
0x24f: {  	[tilespmem:s23+$0x3470] =	vst.add.f32.msk $0xffff, v1  }
0x250: {  	[tilespmem:s23+$0x5470] =	vst.add.f32.msk $0xffff, v1  }
0x251: {  	[tilespmem:s23+$0x7470] =	vst.add.f32.msk $0xffff, v1  }
0x252: {  	v1 =	vld.idx.msk [tilespmem:v0+s24+$0x1800 ss:$0x1], $0xffff  }
0x253: {  	v2 =	vld.idx.msk [tilespmem:v0+s24+$0x1810 ss:$0x1], $0xffff  }
0x254: {  	v3 =	vld.idx.msk [tilespmem:v0+s24+$0x1820 ss:$0x1], $0xffff  }
0x255: {  	v4 =	vld.idx.msk [tilespmem:v0+s24+$0x1830 ss:$0x1], $0xffff  }
0x256: {  	v5 =	vld.idx.msk [tilespmem:v0+s24+$0x1840 ss:$0x1], $0xffff  }
0x257: {  	v6 =	vld.idx.msk [tilespmem:v0+s24+$0x1850 ss:$0x1], $0xffff  }
0x258: {  	v7 =	vld.idx.msk [tilespmem:v0+s24+$0x1860 ss:$0x1], $0xffff  }
0x259: {  	v8 =	vld.idx.msk [tilespmem:v0+s24+$0x1870 ss:$0x1], $0xffff  }
0x25a: {  	[tilespmem:s23+$0x1800] =	vst.add.f32.msk $0xffff, v1  }
0x25b: {  	[tilespmem:s23+$0x3800] =	vst.add.f32.msk $0xffff, v1  }
0x25c: {  	[tilespmem:s23+$0x5800] =	vst.add.f32.msk $0xffff, v1  }
0x25d: {  	[tilespmem:s23+$0x7800] =	vst.add.f32.msk $0xffff, v1  }
0x25e: {  	[tilespmem:s23+$0x1810] =	vst.add.f32.msk $0xffff, v2  }
0x25f: {  	[tilespmem:s23+$0x3810] =	vst.add.f32.msk $0xffff, v2  }
0x260: {  	[tilespmem:s23+$0x5810] =	vst.add.f32.msk $0xffff, v2  }
0x261: {  	[tilespmem:s23+$0x7810] =	vst.add.f32.msk $0xffff, v2  }
0x262: {  	[tilespmem:s23+$0x1820] =	vst.add.f32.msk $0xffff, v3  }
0x263: {  	[tilespmem:s23+$0x3820] =	vst.add.f32.msk $0xffff, v3  }
0x264: {  	[tilespmem:s23+$0x5820] =	vst.add.f32.msk $0xffff, v3  }
0x265: {  	[tilespmem:s23+$0x7820] =	vst.add.f32.msk $0xffff, v3  }
0x266: {  	[tilespmem:s23+$0x1830] =	vst.add.f32.msk $0xffff, v4  }
0x267: {  	[tilespmem:s23+$0x3830] =	vst.add.f32.msk $0xffff, v4  }
0x268: {  	[tilespmem:s23+$0x5830] =	vst.add.f32.msk $0xffff, v4  }
0x269: {  	[tilespmem:s23+$0x7830] =	vst.add.f32.msk $0xffff, v4  }
0x26a: {  	[tilespmem:s23+$0x1840] =	vst.add.f32.msk $0xffff, v5  }
0x26b: {  	[tilespmem:s23+$0x3840] =	vst.add.f32.msk $0xffff, v5  }
0x26c: {  	[tilespmem:s23+$0x5840] =	vst.add.f32.msk $0xffff, v5  }
0x26d: {  	[tilespmem:s23+$0x7840] =	vst.add.f32.msk $0xffff, v5  }
0x26e: {  	[tilespmem:s23+$0x1850] =	vst.add.f32.msk $0xffff, v6  }
0x26f: {  	[tilespmem:s23+$0x3850] =	vst.add.f32.msk $0xffff, v6  }
0x270: {  	[tilespmem:s23+$0x5850] =	vst.add.f32.msk $0xffff, v6  }
0x271: {  	[tilespmem:s23+$0x7850] =	vst.add.f32.msk $0xffff, v6  }
0x272: {  	[tilespmem:s23+$0x1860] =	vst.add.f32.msk $0xffff, v7  }
0x273: {  	[tilespmem:s23+$0x3860] =	vst.add.f32.msk $0xffff, v7  }
0x274: {  	[tilespmem:s23+$0x5860] =	vst.add.f32.msk $0xffff, v7  }
0x275: {  	[tilespmem:s23+$0x7860] =	vst.add.f32.msk $0xffff, v7  }
0x276: {  	[tilespmem:s23+$0x1870] =	vst.add.f32.msk $0xffff, v8  }
0x277: {  	[tilespmem:s23+$0x3870] =	vst.add.f32.msk $0xffff, v8  }
0x278: {  	[tilespmem:s23+$0x5870] =	vst.add.f32.msk $0xffff, v8  }
0x279: {  	[tilespmem:s23+$0x7870] =	vst.add.f32.msk $0xffff, v8  }
0x27a: {  	v1 =	vld.idx.msk [tilespmem:v0+s24+$0x1C00 ss:$0x1], $0xffff  }
0x27b: {  	v2 =	vld.idx.msk [tilespmem:v0+s24+$0x1C10 ss:$0x1], $0xffff  }
0x27c: {  	v3 =	vld.idx.msk [tilespmem:v0+s24+$0x1C70 ss:$0x1], $0xffff  }
0x27d: {  	v4 =	vld.idx.msk [tilespmem:v0+s24+$0x1C20 ss:$0x1], $0xffff  }
0x27e: {  	v5 =	vld.idx.msk [tilespmem:v0+s24+$0x1C30 ss:$0x1], $0xffff  }
0x27f: {  	v6 =	vld.idx.msk [tilespmem:v0+s24+$0x1C40 ss:$0x1], $0xffff  }
0x280: {  	v7 =	vld.idx.msk [tilespmem:v0+s24+$0x1C50 ss:$0x1], $0xffff  }
0x281: {  	v63 =	vld.idx.msk [tilespmem:v0+s24+$0x1C60 ss:$0x1], $0xffff  }
0x282: {  	[tilespmem:s23+$0x7C70] =	vst.add.f32.msk $0xffff, v3  }
0x283: {  	[tilespmem:s23+$0x1C00] =	vst.add.f32.msk $0xffff, v1  }
0x284: {  	[tilespmem:s23+$0x3C00] =	vst.add.f32.msk $0xffff, v1  }
0x285: {  	[tilespmem:s23+$0x5C00] =	vst.add.f32.msk $0xffff, v1  }
0x286: {  	[tilespmem:s23+$0x7C00] =	vst.add.f32.msk $0xffff, v1  }
0x287: {  	[tilespmem:s23+$0x1C10] =	vst.add.f32.msk $0xffff, v2  }
0x288: {  	[tilespmem:s23+$0x3C10] =	vst.add.f32.msk $0xffff, v2  }
0x289: {  	[tilespmem:s23+$0x5C10] =	vst.add.f32.msk $0xffff, v2  }
0x28a: {  	[tilespmem:s23+$0x7C10] =	vst.add.f32.msk $0xffff, v2  }
0x28b: {  	[tilespmem:s23+$0x1C20] =	vst.add.f32.msk $0xffff, v4  }
0x28c: {  	[tilespmem:s23+$0x3C20] =	vst.add.f32.msk $0xffff, v4  }
0x28d: {  	[tilespmem:s23+$0x5C20] =	vst.add.f32.msk $0xffff, v4  }
0x28e: {  	[tilespmem:s23+$0x7C20] =	vst.add.f32.msk $0xffff, v4  }
0x28f: {  	[tilespmem:s23+$0x1C30] =	vst.add.f32.msk $0xffff, v5  }
0x290: {  	[tilespmem:s23+$0x3C30] =	vst.add.f32.msk $0xffff, v5  }
0x291: {  	[tilespmem:s23+$0x5C30] =	vst.add.f32.msk $0xffff, v5  }
0x292: {  	[tilespmem:s23+$0x7C30] =	vst.add.f32.msk $0xffff, v5  }
0x293: {  	[tilespmem:s23+$0x1C40] =	vst.add.f32.msk $0xffff, v6  }
0x294: {  	[tilespmem:s23+$0x3C40] =	vst.add.f32.msk $0xffff, v6  }
0x295: {  	[tilespmem:s23+$0x5C40] =	vst.add.f32.msk $0xffff, v6  }
0x296: {  	[tilespmem:s23+$0x7C40] =	vst.add.f32.msk $0xffff, v6  }
0x297: {  	[tilespmem:s23+$0x1C50] =	vst.add.f32.msk $0xffff, v7  }
0x298: {  	[tilespmem:s23+$0x3C50] =	vst.add.f32.msk $0xffff, v7  }
0x299: {  	[tilespmem:s23+$0x5C50] =	vst.add.f32.msk $0xffff, v7  }
0x29a: {  	[tilespmem:s23+$0x7C50] =	vst.add.f32.msk $0xffff, v7  }
0x29b: {  	[tilespmem:s23+$0x1C60] =	vst.add.f32.msk $0xffff, v63  }
0x29c: {  	[tilespmem:s23+$0x3C60] =	vst.add.f32.msk $0xffff, v63  }
0x29d: {  	[tilespmem:s23+$0x5C60] =	vst.add.f32.msk $0xffff, v63  }
0x29e: {  	[tilespmem:s23+$0x7C60] =	vst.add.f32.msk $0xffff, v63  }
0x29f: {  	s30 =	sadd.s32 s10, s21;
	[tilespmem:s23+$0x1C70] =	vst.add.f32.msk $0xffff, v3  }
0x2a0: {  	s25 =	sadd.s32 $0x2, s21;
	p0 =	sgt.u32 s21, $0x1D;
	s24 =	sshll.u32 s30, $0xA;
	[tilespmem:s23+$0x3C70] =	vst.add.f32.msk $0xffff, v3  }
0x2a1: {  	s31 =	sadd.s32 s4, s24;
	s24 =	smul.u32 @!p0 $0xAB, s25;
	[tilespmem:s23+$0x5C70] =	vst.add.f32.msk $0xffff, v3  }
0x2a2: {  	[hbm4b:s31+s13] =	stream.strided.scatter [tilespmem:s22], [sflag:$0x3], $0x8000, s14, s13, $0x38;
	[tilespmem:$0x1E000] =	vst v63  }
0x2a3: {  	s22 =	sshrl.u32 @!p0 s24, $0x9  }
0x2a4: {  	s22 =	sand.u32 @!p0 $0x7F, s22  }
0x2a5: {  	p1 =	seq.s32 @!p0 s21, $0x0;
	s22 =	smul.u32 @!p0 $0x3, s22  }
0x2a6: {  	p1 =	por p1, p0  }
0x2a7: {  	s23 =	simm.s32 @!p1 $0x3;
	s22 =	ssub.s32 @!p0 s25, s22  }
0x2a8: {  	s26 =	simm.s32 @!p0 $0x0;
	_ =	swait.ge @!p1 [sflag:s23], $0x8000;
	s22 =	sand.u32 @!p0 $0xFF, s22  }
0x2a9: {  	s24 =	sadd.s32 @!p0 s10, s25;
	[sflag:s23] =	ssyncset.done @!p1 $0x0;
	s22 =	sshll.u32 @!p0 s22, $0xF  }
0x2aa: {  	s24 =	sshll.u32 @!p0 s24, $0xA;
	[sflag:s23] =	ssyncadd.s32 @!p1 $0xFFFF8000;
	s23 =	sshrl.u32 @!p0 s22, $0x2  }
0x2ab: {  	s21 =	sadd.s32 $0x1, s21;
	s25 =	sadd.s32 @!p0 s3, s24;
	s23 =	sor.u32 @!p0 $0x18000, s23  }
0x2ac: {  	[tilespmem:s23], [sflag:$0x2] =	stream.linear.gather @!p0 [hbm4b:s25+s26], $0x2000, $0x38;
	[tilespmem:$0x1E000] =	vst v63  }
0x2ad: {  	s23 =	sadd.s32 @!p0 s2, s24;
	s24 =	simm.s32 @!p0 $0x2000;
	s25 =	simm.s32 @!p0 $0x800000  }
0x2ae: {  	[tilespmem:s22], [sflag:$0x1] =	stream.strided.gather @!p0 [hbm4b:s23+s24], $0x8000, s25, s24, $0x38;
	[tilespmem:$0x1E000] =	vst v63  }
0x2af: {  	p0 =	sne.s32 s21, $0x20  }
.Ltmp1:
0x2b0: {  	_ = 	snop;
	(pc) =	sbr.rel @p0 .LBB2_2-.Ltmp1, $1  }
0x2b1: {  	_ =	sdelay $0x3  }
0x2b2: {  	_ =	swait.ge [sflag:s19], $0x8000  }
0x2b3: {  	[sflag:s19] =	ssyncset.done $0x0  }
0x2b4: {  	s20 =	sadd.s32 $0x1, s20;
	[sflag:s19] =	ssyncadd.s32 $0xFFFF8000  }
0x2b5: {  	p0 =	sne.s32 s20, s11;
	_ =	swait.ge [sflag:s19], $0x8000  }
.Ltmp2:
0x2b6: {  	[sflag:s19] =	ssyncset.done $0x0;
	(pc) =	sbr.rel @p0 .LBB2_1-.Ltmp2, $4  }
0x2b7: {  	[sflag:s19] =	ssyncadd.s32 $0xFFFF8000  }
0x2b8: {  	_ =	swait.ge [sflag:s19], $0x8000  }
0x2b9: {  	[sflag:s19] =	ssyncset.done $0x0  }
0x2ba: {  	[sflag:s19] =	ssyncadd.s32 $0xFFFF8000  }
0x2bb: {  	_ =	sfence.sel $0x180000  }
0x2bc: {  	[bflag:$0x0] =	sbarrier.arrive $0xFFFF  }
0x2bd: {  	p0 =	sne.s32 s1, $0x0;
	_ =	strace $0x90000047  }
0x2be: {  	s0 =	sadd.s32 @!p0 $0x100000, s0;
	[bflag:$0x2] =	sbarrier.arrive $0xFFFF  }
0x2bf: {  	[sflag:s0] =	ssyncadd.tile.s32 @!p0 $0x1;
	_ =	shalt  }
.Lfunc_end2:
_tile_overlayer_lowered:
.L_overlay_start_2:
0x2c0: {  	(tag) =	ssettag $0x2  }
0x2c1: {  	s0 =	rddreg [dreg:$0x0];
	s2 =	stileid.u32  }
0x2c2: {  	s1 =	rddreg [dreg:$0x1];
	p0 =	sne.s32 s2, $0x0  }
0x2c3: {  	s3 =	rddreg [dreg:$0x2];
	[bflag:$0x3] =	sbarrier.arrive $0xFFFF;
	s2 =	simm.s32 @!p0 $0x1C04  }
0x2c4: {  	[timem:s3], [sflag:s2] =	dma.local @!p0 [hbm:s0], s1  }
0x2c5: {  	s0 =	simm.s32 @!p0 $0x4  }
0x2c6: {  	_ =	swait.ge @!p0 [sflag:s0], s1  }
0x2c7: {  	s1 =	ssub.s32 @!p0 $0x0, s1;
	[sflag:s0] =	ssyncset.done @!p0 $0x0  }
0x2c8: {  	[sflag:s0] =	ssyncadd.s32 @!p0 s1  }
0x2c9: {  	[bflag:$0x3] =	sbarrier.arrive $0xFFFF  }
0x2ca: {  	_ =	shalt  }

</sc_bundles>
